<compile_context>
chip_gen: v7x
topology: tpu7x:2x2x1
jax: 0.10.2.dev20260603
libtpu: 0.0.44.dev20260713+nightly
codegen_flags: <defaults>
</compile_context>

<pallas_src>
import functools

import jax
import jax.numpy as jnp
from jax import lax
from jax.experimental import pallas as pl
from jax.experimental.pallas import tpu as pltpu
from jax.experimental.pallas import tpu_sc as plsc

B, N, E, D = 4, 2500, 80000, 128
HALF = 2 * N
PAD = 5120
NP = 2 * PAD
NSC = 2
NTILE = 16
NW = NSC * NTILE
EPT = B * E // NW
RPT = PAD // NTILE
CH = 80
NCH = EPT // CH


def _make_sc_agg(ntab, table_rows):
  ch = CH
  nch = NCH
  padded = table_rows == NP
  outs = [jax.ShapeDtypeStruct((NP, D), jnp.float32) for _ in range(ntab)]
  scratch = [
      pltpu.VMEM((nch, ch), jnp.int32),
      pltpu.VMEM((nch, ch), jnp.int32),
      pltpu.VMEM((ch, D), jnp.float32),
      pltpu.VMEM((ch, D), jnp.float32),
      pltpu.VMEM((ch, D), jnp.float32),
      pltpu.VMEM_SHARED((PAD, D), jnp.float32),
  ]
  scratch += [pltpu.SemaphoreType.DMA] * 6
  mesh = plsc.VectorSubcoreMesh(core_axis_name="c", subcore_axis_name="s")

  def body(*refs):
    it = iter(refs)
    tabs = [next(it) for _ in range(ntab)]
    srcv_h = next(it)
    dstv_h = next(it)
    zero_h = next(it)
    outs_m = [next(it) for _ in range(ntab)]
    src_v = next(it)
    dst_v = next(it)
    bufs = [next(it), next(it), next(it)]
    acc = next(it)
    gsems = [next(it), next(it), next(it)]
    ssems = [next(it), next(it), next(it)]

    c = lax.axis_index("c")
    s = lax.axis_index("s")
    wid = c * NTILE + s
    base = s * RPT
    pltpu.sync_copy(srcv_h.at[wid], src_v)
    pltpu.sync_copy(dstv_h.at[wid], dst_v)
    g = wid // (NW // B)
    if padded:
      soff = (g // 2) * PAD + (g % 2) * N
    else:
      soff = g * N
    doff = (g % 2) * N
    soff16 = jnp.full((16,), soff, jnp.int32)
    doff16 = jnp.full((16,), doff, jnp.int32)

    def rebase(r, carry):
      for k in range(ch // 16):
        sl = pl.ds(k * 16, 16)
        src_v[r, sl] = src_v[r, sl] + soff16
        dst_v[r, sl] = dst_v[r, sl] + doff16
      return carry

    lax.fori_loop(0, nch, rebase, 0)
    orow = c * PAD + base
    nu = nch
    assert nu % 3 == 2, nu

    for t in range(ntab):
      tab = tabs[t]

      def gather(j, p):
        pltpu.async_copy(tab.at[src_v.at[j]], bufs[p], gsems[p])

      def wait_g(p):
        pltpu.make_async_copy(tab.at[src_v.at[0]], bufs[p], gsems[p]).wait()

      def scat(j, p):
        pltpu.async_copy(bufs[p], acc.at[dst_v.at[j]], ssems[p], add=True)

      def wait_s(p):
        pltpu.make_async_copy(bufs[p], acc.at[dst_v.at[0]],
                              ssems[p]).wait()

      pltpu.sync_copy(zero_h, acc.at[pl.ds(base, RPT)])
      plsc.subcore_barrier()

      gather(0, 0)
      gather(1, 1)
      wait_g(0)
      scat(0, 0)
      gather(2, 2)
      wait_g(1)
      scat(1, 1)
      wait_s(0)
      gather(3, 0)
      wait_g(2)
      scat(2, 2)
      wait_s(1)
      gather(4, 1)

      def step(k, carry):
        u0 = k * 3 + 3
        for d in range(3):
          u = u0 + d
          p = d
          wait_g(p)
          scat(u, p)
          q = (d + 2) % 3
          wait_s(q)
          gather(u + 2, q)
        return carry

      lax.fori_loop(0, (nu - 5) // 3, step, 0)
      wait_g((nu - 2) % 3)
      scat(nu - 2, (nu - 2) % 3)
      wait_g((nu - 1) % 3)
      scat(nu - 1, (nu - 1) % 3)
      for p in range(3):
        wait_s(p)

      plsc.subcore_barrier()
      pltpu.sync_copy(acc.at[pl.ds(base, RPT)],
                      outs_m[t].at[pl.ds(orow, RPT)])

  return pl.kernel(body, out_type=tuple(outs), mesh=mesh,
                   scratch_types=scratch,
                   compiler_params=pltpu.CompilerParams(
                       needs_layout_passes=False))


_sc_agg_x = _make_sc_agg(1, B * N)
_sc_agg_p = _make_sc_agg(1, NP)
_sc_agg_pp = _make_sc_agg(2, NP)

DEG_ROWS = PAD // D


def _sc_deg_body(dst_h, iota_h, zero_h, degout_h,
                 dst_v, idx_v, hist_v, deg_sh):
  c = lax.axis_index("c")
  s = lax.axis_index("s")
  wid = c * NTILE + s
  pltpu.sync_copy(dst_h.at[wid], dst_v)
  pltpu.sync_copy(iota_h, idx_v)
  g = wid // (NW // B)
  doff16 = jnp.full((16,), (g % 2) * N, jnp.int32)

  @pl.when(s == 0)
  def _():
    pltpu.sync_copy(zero_h, deg_sh)

  zero16 = jnp.zeros((16,), jnp.float32)

  def zrow(r, carry):
    for k in range(D // 16):
      hist_v[r, pl.ds(k * 16, 16)] = zero16
    return carry

  lax.fori_loop(0, DEG_ROWS, zrow, 0)
  ones16 = jnp.ones((16,), jnp.float32)

  def ebody(e, carry):
    for k in range(CH // 16):
      iv = dst_v[e, pl.ds(k * 16, 16)] + doff16
      r = lax.shift_right_logical(iv, 7)
      col = lax.bitwise_and(iv, 127)
      plsc.addupdate_scatter(hist_v, [r, col], ones16)
    return carry

  lax.fori_loop(0, NCH, ebody, 0)
  plsc.subcore_barrier()
  pltpu.sync_copy(hist_v, deg_sh.at[idx_v.at[0]], add=True)
  plsc.subcore_barrier()

  @pl.when(s == 0)
  def _():
    pltpu.sync_copy(deg_sh, degout_h.at[c])


_sc_deg = pl.kernel(
    _sc_deg_body,
    out_type=(jax.ShapeDtypeStruct((NSC, DEG_ROWS, D), jnp.float32),),
    mesh=plsc.VectorSubcoreMesh(core_axis_name="c", subcore_axis_name="s"),
    scratch_types=[
        pltpu.VMEM((NCH, CH), jnp.int32),
        pltpu.VMEM((1, DEG_ROWS), jnp.int32),
        pltpu.VMEM((DEG_ROWS, D), jnp.float32),
        pltpu.VMEM_SHARED((DEG_ROWS, D), jnp.float32),
    ],
    compiler_params=pltpu.CompilerParams(needs_layout_passes=False))

_TC_BLK = 1024


def _row_spec():
  return pl.BlockSpec((_TC_BLK, D), lambda i: (i, 0))


def _full_spec(shape):
  return pl.BlockSpec(shape, lambda i: (0, 0))


def _deg_spec():
  return pl.BlockSpec((_TC_BLK, 8), lambda i: (i, 0))


def _tc1_body(m_ref, d_ref, w_ref, b_ref, o_ref):
  x = m_ref[...] / jnp.maximum(d_ref[...][:, 0:1], 1.0)
  y = jnp.dot(x, w_ref[...], preferred_element_type=jnp.float32) + b_ref[...]
  o_ref[...] = jnp.maximum(y, 0.0)


def _tc1(m, deg, w, b):
  return pl.pallas_call(
      _tc1_body,
      grid=(NP // _TC_BLK,),
      in_specs=[_row_spec(), _deg_spec(), _full_spec((D, D)),
                _full_spec((1, D))],
      out_specs=_row_spec(),
      out_shape=jax.ShapeDtypeStruct((NP, D), jnp.float32),
  )(m, deg, w, b)


def _tcB_body(m1_ref, m0_ref, d_ref, wh_ref, wa_ref, wb_ref, bh_ref, bc_ref,
              h_ref, c_ref):
  dinv = 1.0 / jnp.maximum(d_ref[...][:, 0:1], 1.0)
  x1 = m1_ref[...] * dinv
  x0 = m0_ref[...] * dinv
  h = jnp.dot(x1, wh_ref[...], preferred_element_type=jnp.float32) + bh_ref[...]
  h_ref[...] = jnp.maximum(h, 0.0)
  cc = (jnp.dot(x1, wa_ref[...], preferred_element_type=jnp.float32)
        + jnp.dot(x0, wb_ref[...], preferred_element_type=jnp.float32)
        + bc_ref[...])
  c_ref[...] = jnp.maximum(cc, 0.0)


def _tcB(m1, m0, deg, wh, wa, wb, bh, bc):
  return pl.pallas_call(
      _tcB_body,
      grid=(NP // _TC_BLK,),
      in_specs=[_row_spec(), _row_spec(), _deg_spec(),
                _full_spec((D, D)), _full_spec((D, D)), _full_spec((D, D)),
                _full_spec((1, D)), _full_spec((1, D))],
      out_specs=[_row_spec(), _row_spec()],
      out_shape=[jax.ShapeDtypeStruct((NP, D), jnp.float32),
                 jax.ShapeDtypeStruct((NP, D), jnp.float32)],
  )(m1, m0, deg, wh, wa, wb, bh, bc)


def _tc2_body(ma_ref, mb_ref, d_ref, wa_ref, wb_ref, bc_ref, o_ref):
  dinv = 1.0 / jnp.maximum(d_ref[...][:, 0:1], 1.0)
  y = (jnp.dot(ma_ref[...] * dinv, wa_ref[...],
               preferred_element_type=jnp.float32)
       + jnp.dot(mb_ref[...] * dinv, wb_ref[...],
                 preferred_element_type=jnp.float32)
       + bc_ref[...])
  o_ref[...] = jnp.maximum(y, 0.0)


def _tc2(ma, mb, deg, wa, wb, bc):
  return pl.pallas_call(
      _tc2_body,
      grid=(NP // _TC_BLK,),
      in_specs=[_row_spec(), _row_spec(), _deg_spec(),
                _full_spec((D, D)), _full_spec((D, D)), _full_spec((1, D))],
      out_specs=_row_spec(),
      out_shape=jax.ShapeDtypeStruct((NP, D), jnp.float32),
  )(ma, mb, deg, wa, wb, bc)


def kernel(batch_node_tsr, edge_tsr_list, batch_last_node_idx_list,
           W_base0, b_base0, W_base1, b_base1,
           W_ad0, b_ad0, W_ad1, b_ad1):
  f32 = jnp.float32
  x = batch_node_tsr.reshape(B * N, D)

  src_raw = edge_tsr_list[:, 0, :].reshape(NW, NCH, CH)
  dst_raw = edge_tsr_list[:, 1, :].reshape(NW, NCH, CH)

  zero_h = jnp.zeros((RPT, D), f32)
  zero_deg_h = jnp.zeros((DEG_ROWS, D), f32)
  iota_h = jnp.arange(DEG_ROWS, dtype=jnp.int32).reshape(1, DEG_ROWS)

  bb0 = b_base0.reshape(1, D)
  bb1 = b_base1.reshape(1, D)
  ba0 = b_ad0.reshape(1, D)
  ba1 = b_ad1.reshape(1, D)

  (deg_pck,) = _sc_deg(dst_raw, iota_h, zero_deg_h)
  deg8 = jnp.broadcast_to(deg_pck.reshape(NP, 1), (NP, 8))
  (m0,) = _sc_agg_x(x, src_raw, dst_raw, zero_h)
  h1 = _tc1(m0, deg8, W_base0, bb0)
  (m1,) = _sc_agg_p(h1, src_raw, dst_raw, zero_h)
  h2, c1 = _tcB(m1, m0, deg8, W_base1, W_ad0[:D], W_ad0[D:], bb1, ba0)
  m2, m3 = _sc_agg_pp(h2, c1, src_raw, dst_raw, zero_h)
  c2 = _tc2(m2, m3, deg8, W_ad1[:D], W_ad1[D:], ba1)

  def unpad(y):
    return jnp.concatenate([y[0:HALF], y[PAD:PAD + HALF]],
                           axis=0).reshape(B, N, D)

  return unpad(h2), unpad(c2)

# --- scband reference (transcript-rebuilt; emitter-appended) ---
"""Pipeline reference for scband-pre-embed-graph-encoder-adapter-69320772158306 (READ-ONLY COPY).

The authoritative reference and input builder live on the scoring server;
editing this copy changes nothing except your own understanding.
"""

import jax, jax.numpy as jnp
import numpy as np

B, N, E, D = 4, 2500, 80000, 128
NUM_NODES = B * N


def _gnn_layer(x, src, dst, W, b, num_nodes):
    # message passing: gather source node features, mean-aggregate at dst, then linear
    msg = x[src]
    agg = jax.ops.segment_sum(msg, dst, num_segments=num_nodes)
    deg = jax.ops.segment_sum(jnp.ones_like(dst, dtype=x.dtype), dst, num_segments=num_nodes)
    agg = agg / jnp.clip(deg, 1.0)[:, None]
    return agg @ W + b


def setup_inputs(seed: int = 0) -> dict:
    key = jax.random.key(seed)
    ks = jax.random.split(key, 12)
    inp = {}
    inp['batch_node_tsr'] = jax.random.normal(ks[0], (B, N, D), dtype=jnp.float32)
    inp['edge_tsr_list'] = jax.random.randint(ks[1], (B, 2, E), 0, N, dtype=jnp.int32)
    inp['batch_last_node_idx_list'] = jnp.arange(B, dtype=jnp.int32)
    # base encoder gnn layers (in=hidden=out=128, 2 layers)
    inp['W_base0'] = jax.random.normal(ks[2], (D, D), dtype=jnp.float32) * 0.05
    inp['b_base0'] = jnp.zeros((D,), dtype=jnp.float32)
    inp['W_base1'] = jax.random.normal(ks[3], (D, D), dtype=jnp.float32) * 0.05
    inp['b_base1'] = jnp.zeros((D,), dtype=jnp.float32)
    # adapter gnn layers take concatenated input (input_size * 2)
    inp['W_ad0'] = jax.random.normal(ks[4], (2 * D, D), dtype=jnp.float32) * 0.05
    inp['b_ad0'] = jnp.zeros((D,), dtype=jnp.float32)
    inp['W_ad1'] = jax.random.normal(ks[5], (2 * D, D), dtype=jnp.float32) * 0.05
    inp['b_ad1'] = jnp.zeros((D,), dtype=jnp.float32)
    return inp


def reference(batch_node_tsr, edge_tsr_list, batch_last_node_idx_list,
              W_base0, b_base0, W_base1, b_base1,
              W_ad0, b_ad0, W_ad1, b_ad1):
    relu = jax.nn.relu
    # Batch.from_data_list: flatten node features, offset per-graph edge indices
    x = batch_node_tsr.reshape(NUM_NODES, D)
    offsets = (jnp.arange(B, dtype=edge_tsr_list.dtype) * N)[:, None, None]
    edges = edge_tsr_list + offsets                      # [B, 2, E]
    edges = jnp.transpose(edges, (1, 0, 2)).reshape(2, B * E)
    src, dst = edges[0], edges[1]
    # ---- base encoder latent embeds ----
    latents = [x]
    h = relu(_gnn_layer(latents[-1], src, dst, W_base0, b_base0, NUM_NODES))
    latents.append(h)
    h = relu(_gnn_layer(latents[-1], src, dst, W_base1, b_base1, NUM_NODES))
    latents.append(h)
    base_batch_embed = latents[-1].reshape(B, N, D)
    # ---- adapter embeds: concat base latent with running adapter output ----
    curr = latents[0]
    curr = jnp.concatenate([latents[1], curr], axis=-1)
    curr = relu(_gnn_layer(curr, src, dst, W_ad0, b_ad0, NUM_NODES))
    curr = jnp.concatenate([latents[2], curr], axis=-1)
    curr = relu(_gnn_layer(curr, src, dst, W_ad1, b_ad1, NUM_NODES))
    adapter_batch_embed = curr.reshape(B, N, D)
    return (base_batch_embed, adapter_batch_embed)

if __name__ == "__main__":
    import jax
    _d = setup_inputs()
    print(jax.jit(kernel)(*tuple(_d.values())))

</pallas_src>

<mosaic_0001>
#map = affine_map<(d0, d1) -> (0, 0)>
#map1 = affine_map<(d0, d1) -> (0, 0, 0)>
module attributes {stable_mosaic.version = 14 : i64} {
  func.func @body(%arg0: i32, %arg1: i32, %arg2: memref<10240x128xf32, #tpu.memory_space<hbm>>, %arg3: memref<32x125x80xi32, #tpu.memory_space<hbm>>, %arg4: memref<32x125x80xi32, #tpu.memory_space<hbm>>, %arg5: memref<320x128xf32, #tpu.memory_space<hbm>>, %arg6: memref<10240x128xf32, #tpu.memory_space<hbm>>, %arg7: memref<125x80xi32, #tpu.memory_space<vmem>>, %arg8: memref<125x80xi32, #tpu.memory_space<vmem>>, %arg9: memref<80x128xf32, #tpu.memory_space<vmem>>, %arg10: memref<80x128xf32, #tpu.memory_space<vmem>>, %arg11: memref<80x128xf32, #tpu.memory_space<vmem>>, %arg12: memref<5120x128xf32, #tpu.memory_space<vmem_shared>>, %arg13: memref<!tpu.dma_semaphore, #tpu.memory_space<semaphore_mem>>, %arg14: memref<!tpu.dma_semaphore, #tpu.memory_space<semaphore_mem>>, %arg15: memref<!tpu.dma_semaphore, #tpu.memory_space<semaphore_mem>>, %arg16: memref<!tpu.dma_semaphore, #tpu.memory_space<semaphore_mem>>, %arg17: memref<!tpu.dma_semaphore, #tpu.memory_space<semaphore_mem>>, %arg18: memref<!tpu.dma_semaphore, #tpu.memory_space<semaphore_mem>>) attributes {dimension_semantics = [#tpu.dimension_semantics<core_parallel>, #tpu.dimension_semantics<subcore_parallel>], iteration_bounds = array<i64: 2, 16>, scalar_prefetch = 0 : i64, scratch_operands = 12 : i64, tpu.core_type = #tpu.core_type<sc_vector_subcore>, window_params = [{transform_indices = #map}, {transform_indices = #map1}, {transform_indices = #map1}, {transform_indices = #map}, {transform_indices = #map}]} {
    %mul3A = arith.constant 16 : i32
    %mul3A_0 = arith.muli %arg0, %mul3A : i32
    %add3A = arith.addi %mul3A_0, %arg1 : i32
    %mul3A_1 = arith.constant 320 : i32
    %mul3A_2 = arith.muli %arg1, %mul3A_1 : i32
    "tpu.region"() ({
      %run_scoped3A = tpu.sem_alloc : memref<!tpu.dma_semaphore, #tpu.memory_space<semaphore_mem>>
      %dma_start3A_234 = arith.constant 0 : i32
      %dma_start3A_235 = arith.constant 0 : i32
      %dma_start3A_236 = tpu.memref_slice %arg3[%add3A, %dma_start3A_234, %dma_start3A_235] : memref<32x125x80xi32, #tpu.memory_space<hbm>> -> memref<1x125x80xi32, #tpu.memory_space<hbm>>
      %dma_start3A_237 = tpu.memref_squeeze %dma_start3A_236 : memref<1x125x80xi32, #tpu.memory_space<hbm>> -> memref<125x80xi32, #tpu.memory_space<hbm>>
      %dma_start3A_238 = arith.constant 0 : i32
      %dma_start3A_239 = arith.constant 0 : i32
      %dma_start3A_240 = tpu.memref_slice %arg3[%add3A, %dma_start3A_238, %dma_start3A_239] : memref<32x125x80xi32, #tpu.memory_space<hbm>> -> memref<1x125x80xi32, #tpu.memory_space<hbm>>
      %dma_start3A_241 = tpu.memref_squeeze %dma_start3A_240 : memref<1x125x80xi32, #tpu.memory_space<hbm>> -> memref<125x80xi32, #tpu.memory_space<hbm>>
      tpu.enqueue_dma source(%dma_start3A_241 : memref<125x80xi32, #tpu.memory_space<hbm>>) target(%arg7 : memref<125x80xi32, #tpu.memory_space<vmem>>) target_semaphore(%run_scoped3A : memref<!tpu.dma_semaphore, #tpu.memory_space<semaphore_mem>>)
      %dma_wait3A_242 = arith.constant 0 : i32
      %dma_wait3A_243 = arith.constant 0 : i32
      %dma_wait3A_244 = tpu.memref_slice %arg3[%add3A, %dma_wait3A_242, %dma_wait3A_243] : memref<32x125x80xi32, #tpu.memory_space<hbm>> -> memref<1x125x80xi32, #tpu.memory_space<hbm>>
      %dma_wait3A_245 = tpu.memref_squeeze %dma_wait3A_244 : memref<1x125x80xi32, #tpu.memory_space<hbm>> -> memref<125x80xi32, #tpu.memory_space<hbm>>
      %dma_wait3A_246 = arith.constant 0 : i32
      %dma_wait3A_247 = arith.constant 0 : i32
      %dma_wait3A_248 = tpu.memref_slice %arg3[%add3A, %dma_wait3A_246, %dma_wait3A_247] : memref<32x125x80xi32, #tpu.memory_space<hbm>> -> memref<1x125x80xi32, #tpu.memory_space<hbm>>
      %dma_wait3A_249 = tpu.memref_squeeze %dma_wait3A_248 : memref<1x125x80xi32, #tpu.memory_space<hbm>> -> memref<125x80xi32, #tpu.memory_space<hbm>>
      tpu.wait_dma2 semaphore(%run_scoped3A : memref<!tpu.dma_semaphore, #tpu.memory_space<semaphore_mem>>) src(%dma_wait3A_249 : memref<125x80xi32, #tpu.memory_space<hbm>>) dst(%arg7 : memref<125x80xi32, #tpu.memory_space<vmem>>)
      tpu.yield
    }) : () -> ()
    "tpu.region"() ({
      %run_scoped3A = tpu.sem_alloc : memref<!tpu.dma_semaphore, #tpu.memory_space<semaphore_mem>>
      %dma_start3A_234 = arith.constant 0 : i32
      %dma_start3A_235 = arith.constant 0 : i32
      %dma_start3A_236 = tpu.memref_slice %arg4[%add3A, %dma_start3A_234, %dma_start3A_235] : memref<32x125x80xi32, #tpu.memory_space<hbm>> -> memref<1x125x80xi32, #tpu.memory_space<hbm>>
      %dma_start3A_237 = tpu.memref_squeeze %dma_start3A_236 : memref<1x125x80xi32, #tpu.memory_space<hbm>> -> memref<125x80xi32, #tpu.memory_space<hbm>>
      %dma_start3A_238 = arith.constant 0 : i32
      %dma_start3A_239 = arith.constant 0 : i32
      %dma_start3A_240 = tpu.memref_slice %arg4[%add3A, %dma_start3A_238, %dma_start3A_239] : memref<32x125x80xi32, #tpu.memory_space<hbm>> -> memref<1x125x80xi32, #tpu.memory_space<hbm>>
      %dma_start3A_241 = tpu.memref_squeeze %dma_start3A_240 : memref<1x125x80xi32, #tpu.memory_space<hbm>> -> memref<125x80xi32, #tpu.memory_space<hbm>>
      tpu.enqueue_dma source(%dma_start3A_241 : memref<125x80xi32, #tpu.memory_space<hbm>>) target(%arg8 : memref<125x80xi32, #tpu.memory_space<vmem>>) target_semaphore(%run_scoped3A : memref<!tpu.dma_semaphore, #tpu.memory_space<semaphore_mem>>)
      %dma_wait3A_242 = arith.constant 0 : i32
      %dma_wait3A_243 = arith.constant 0 : i32
      %dma_wait3A_244 = tpu.memref_slice %arg4[%add3A, %dma_wait3A_242, %dma_wait3A_243] : memref<32x125x80xi32, #tpu.memory_space<hbm>> -> memref<1x125x80xi32, #tpu.memory_space<hbm>>
      %dma_wait3A_245 = tpu.memref_squeeze %dma_wait3A_244 : memref<1x125x80xi32, #tpu.memory_space<hbm>> -> memref<125x80xi32, #tpu.memory_space<hbm>>
      %dma_wait3A_246 = arith.constant 0 : i32
      %dma_wait3A_247 = arith.constant 0 : i32
      %dma_wait3A_248 = tpu.memref_slice %arg4[%add3A, %dma_wait3A_246, %dma_wait3A_247] : memref<32x125x80xi32, #tpu.memory_space<hbm>> -> memref<1x125x80xi32, #tpu.memory_space<hbm>>
      %dma_wait3A_249 = tpu.memref_squeeze %dma_wait3A_248 : memref<1x125x80xi32, #tpu.memory_space<hbm>> -> memref<125x80xi32, #tpu.memory_space<hbm>>
      tpu.wait_dma2 semaphore(%run_scoped3A : memref<!tpu.dma_semaphore, #tpu.memory_space<semaphore_mem>>) src(%dma_wait3A_249 : memref<125x80xi32, #tpu.memory_space<hbm>>) dst(%arg8 : memref<125x80xi32, #tpu.memory_space<vmem>>)
      tpu.yield
    }) : () -> ()
    %jit3A = arith.constant 8 : i32
    %div3A = arith.divsi %add3A, %jit3A : i32
    %sign3A = arith.constant 0 : i32
    %sign3A_3 = arith.cmpi sgt, %add3A, %sign3A : i32
    %sign3A_4 = arith.extui %sign3A_3 : i1 to i32
    %sign3A_5 = arith.constant 0 : i32
    %sign3A_6 = arith.cmpi slt, %add3A, %sign3A_5 : i32
    %sign3A_7 = arith.extui %sign3A_6 : i1 to i32
    %sign3A_8 = arith.subi %sign3A_4, %sign3A_7 : i32
    %sign3A_9 = arith.constant 0 : i32
    %sign3A_10 = arith.cmpi sgt, %jit3A, %sign3A_9 : i32
    %sign3A_11 = arith.extui %sign3A_10 : i1 to i32
    %sign3A_12 = arith.constant 0 : i32
    %sign3A_13 = arith.cmpi slt, %jit3A, %sign3A_12 : i32
    %sign3A_14 = arith.extui %sign3A_13 : i1 to i32
    %sign3A_15 = arith.subi %sign3A_11, %sign3A_14 : i32
    %ne3A = arith.cmpi ne, %sign3A_8, %sign3A_15 : i32
    %rem3A = arith.remsi %add3A, %jit3A : i32
    %ne3A_16 = arith.constant 0 : i32
    %ne3A_17 = arith.cmpi ne, %rem3A, %ne3A_16 : i32
    %and3A = arith.andi %ne3A, %ne3A_17 : i1
    %sub3A = arith.constant 1 : i32
    %sub3A_18 = arith.subi %div3A, %sub3A : i32
    %select_n3A = arith.select %and3A, %sub3A_18, %div3A : i32
    %jit3A_19 = arith.constant 2 : i32
    %div3A_20 = arith.divsi %select_n3A, %jit3A_19 : i32
    %sign3A_21 = arith.constant 0 : i32
    %sign3A_22 = arith.cmpi sgt, %select_n3A, %sign3A_21 : i32
    %sign3A_23 = arith.extui %sign3A_22 : i1 to i32
    %sign3A_24 = arith.constant 0 : i32
    %sign3A_25 = arith.cmpi slt, %select_n3A, %sign3A_24 : i32
    %sign3A_26 = arith.extui %sign3A_25 : i1 to i32
    %sign3A_27 = arith.subi %sign3A_23, %sign3A_26 : i32
    %sign3A_28 = arith.constant 0 : i32
    %sign3A_29 = arith.cmpi sgt, %jit3A_19, %sign3A_28 : i32
    %sign3A_30 = arith.extui %sign3A_29 : i1 to i32
    %sign3A_31 = arith.constant 0 : i32
    %sign3A_32 = arith.cmpi slt, %jit3A_19, %sign3A_31 : i32
    %sign3A_33 = arith.extui %sign3A_32 : i1 to i32
    %sign3A_34 = arith.subi %sign3A_30, %sign3A_33 : i32
    %ne3A_35 = arith.cmpi ne, %sign3A_27, %sign3A_34 : i32
    %rem3A_36 = arith.remsi %select_n3A, %jit3A_19 : i32
    %ne3A_37 = arith.constant 0 : i32
    %ne3A_38 = arith.cmpi ne, %rem3A_36, %ne3A_37 : i32
    %and3A_39 = arith.andi %ne3A_35, %ne3A_38 : i1
    %sub3A_40 = arith.constant 1 : i32
    %sub3A_41 = arith.subi %div3A_20, %sub3A_40 : i32
    %select_n3A_42 = arith.select %and3A_39, %sub3A_41, %div3A_20 : i32
    %mul3A_43 = arith.constant 5120 : i32
    %mul3A_44 = arith.muli %select_n3A_42, %mul3A_43 : i32
    %jit3A_45 = arith.constant 2 : i32
    %eq3A = arith.constant 0 : i32
    %eq3A_46 = arith.cmpi eq, %jit3A_45, %eq3A : i32
    %jit3A_47 = arith.constant 1 : i32
    %select_n3A_48 = arith.select %eq3A_46, %jit3A_47, %jit3A_45 : i32
    %rem3A_49 = arith.remsi %select_n3A, %select_n3A_48 : i32
    %ne3A_50 = arith.constant 0 : i32
    %ne3A_51 = arith.cmpi ne, %rem3A_49, %ne3A_50 : i32
    %lt3A = arith.constant 0 : i32
    %lt3A_52 = arith.cmpi slt, %rem3A_49, %lt3A : i32
    %lt3A_53 = arith.constant 0 : i32
    %lt3A_54 = arith.cmpi slt, %select_n3A_48, %lt3A_53 : i32
    %ne3A_55 = arith.xori %lt3A_52, %lt3A_54 : i1
    %and3A_56 = arith.andi %ne3A_55, %ne3A_51 : i1
    %add3A_57 = arith.addi %rem3A_49, %select_n3A_48 : i32
    %select_n3A_58 = arith.select %and3A_56, %add3A_57, %rem3A_49 : i32
    %mul3A_59 = arith.constant 2500 : i32
    %mul3A_60 = arith.muli %select_n3A_58, %mul3A_59 : i32
    %add3A_61 = arith.addi %mul3A_44, %mul3A_60 : i32
    %jit3A_62 = arith.constant 2 : i32
    %eq3A_63 = arith.constant 0 : i32
    %eq3A_64 = arith.cmpi eq, %jit3A_62, %eq3A_63 : i32
    %jit3A_65 = arith.constant 1 : i32
    %select_n3A_66 = arith.select %eq3A_64, %jit3A_65, %jit3A_62 : i32
    %rem3A_67 = arith.remsi %select_n3A, %select_n3A_66 : i32
    %ne3A_68 = arith.constant 0 : i32
    %ne3A_69 = arith.cmpi ne, %rem3A_67, %ne3A_68 : i32
    %lt3A_70 = arith.constant 0 : i32
    %lt3A_71 = arith.cmpi slt, %rem3A_67, %lt3A_70 : i32
    %lt3A_72 = arith.constant 0 : i32
    %lt3A_73 = arith.cmpi slt, %select_n3A_66, %lt3A_72 : i32
    %ne3A_74 = arith.xori %lt3A_71, %lt3A_73 : i1
    %and3A_75 = arith.andi %ne3A_74, %ne3A_69 : i1
    %add3A_76 = arith.addi %rem3A_67, %select_n3A_66 : i32
    %select_n3A_77 = arith.select %and3A_75, %add3A_76, %rem3A_67 : i32
    %mul3A_78 = arith.constant 2500 : i32
    %mul3A_79 = arith.muli %select_n3A_77, %mul3A_78 : i32
    %broadcast_in_dim3A = vector.broadcast %add3A_61 : i32 to vector<16xi32>
    %broadcast_in_dim3A_80 = vector.broadcast %mul3A_79 : i32 to vector<16xi32>
    %scan3A = arith.constant 0 : i32
    %scan3A_81 = arith.constant 0 : i32
    %scan3A_82 = arith.constant 125 : i32
    %scan3A_83 = arith.addi %scan3A_81, %scan3A_82 : i32
    %scan3A_84 = arith.constant 1 : i32
    scf.for %scan3A_234 = %scan3A_81 to %scan3A_83 step %scan3A_84  : i32 {
      %get3A = arith.index_cast %scan3A_234 : i32 to index
      %get3A_235 = arith.constant 0 : index
      %get3A_236 = tpu.vector_load %arg7[%get3A, %get3A_235] {strides = array<i32>} : memref<125x80xi32, #tpu.memory_space<vmem>>, vector<16xi32>,
      %add3A_237 = arith.addi %get3A_236, %broadcast_in_dim3A : vector<16xi32>
      %swap3A = arith.index_cast %scan3A_234 : i32 to index
      %swap3A_238 = arith.constant 0 : index
      %swap3A_239 = tpu.vector_load %arg7[%swap3A, %swap3A_238] {strides = array<i32>} : memref<125x80xi32, #tpu.memory_space<vmem>>, vector<16xi32>,
      tpu.vector_store %arg7[%swap3A, %swap3A_238], %add3A_237 {strides = array<i32>} : memref<125x80xi32, #tpu.memory_space<vmem>>, vector<16xi32>,
      %get3A_240 = arith.index_cast %scan3A_234 : i32 to index
      %get3A_241 = arith.constant 0 : index
      %get3A_242 = tpu.vector_load %arg8[%get3A_240, %get3A_241] {strides = array<i32>} : memref<125x80xi32, #tpu.memory_space<vmem>>, vector<16xi32>,
      %add3A_243 = arith.addi %get3A_242, %broadcast_in_dim3A_80 : vector<16xi32>
      %swap3A_244 = arith.index_cast %scan3A_234 : i32 to index
      %swap3A_245 = arith.constant 0 : index
      %swap3A_246 = tpu.vector_load %arg8[%swap3A_244, %swap3A_245] {strides = array<i32>} : memref<125x80xi32, #tpu.memory_space<vmem>>, vector<16xi32>,
      tpu.vector_store %arg8[%swap3A_244, %swap3A_245], %add3A_243 {strides = array<i32>} : memref<125x80xi32, #tpu.memory_space<vmem>>, vector<16xi32>,
      %get3A_247 = arith.index_cast %scan3A_234 : i32 to index
      %get3A_248 = arith.constant 16 : index
      %get3A_249 = tpu.vector_load %arg7[%get3A_247, %get3A_248] {strides = array<i32>} : memref<125x80xi32, #tpu.memory_space<vmem>>, vector<16xi32>,
      %add3A_250 = arith.addi %get3A_249, %broadcast_in_dim3A : vector<16xi32>
      %swap3A_251 = arith.index_cast %scan3A_234 : i32 to index
      %swap3A_252 = arith.constant 16 : index
      %swap3A_253 = tpu.vector_load %arg7[%swap3A_251, %swap3A_252] {strides = array<i32>} : memref<125x80xi32, #tpu.memory_space<vmem>>, vector<16xi32>,
      tpu.vector_store %arg7[%swap3A_251, %swap3A_252], %add3A_250 {strides = array<i32>} : memref<125x80xi32, #tpu.memory_space<vmem>>, vector<16xi32>,
      %get3A_254 = arith.index_cast %scan3A_234 : i32 to index
      %get3A_255 = arith.constant 16 : index
      %get3A_256 = tpu.vector_load %arg8[%get3A_254, %get3A_255] {strides = array<i32>} : memref<125x80xi32, #tpu.memory_space<vmem>>, vector<16xi32>,
      %add3A_257 = arith.addi %get3A_256, %broadcast_in_dim3A_80 : vector<16xi32>
      %swap3A_258 = arith.index_cast %scan3A_234 : i32 to index
      %swap3A_259 = arith.constant 16 : index
      %swap3A_260 = tpu.vector_load %arg8[%swap3A_258, %swap3A_259] {strides = array<i32>} : memref<125x80xi32, #tpu.memory_space<vmem>>, vector<16xi32>,
      tpu.vector_store %arg8[%swap3A_258, %swap3A_259], %add3A_257 {strides = array<i32>} : memref<125x80xi32, #tpu.memory_space<vmem>>, vector<16xi32>,
      %get3A_261 = arith.index_cast %scan3A_234 : i32 to index
      %get3A_262 = arith.constant 32 : index
      %get3A_263 = tpu.vector_load %arg7[%get3A_261, %get3A_262] {strides = array<i32>} : memref<125x80xi32, #tpu.memory_space<vmem>>, vector<16xi32>,
      %add3A_264 = arith.addi %get3A_263, %broadcast_in_dim3A : vector<16xi32>
      %swap3A_265 = arith.index_cast %scan3A_234 : i32 to index
      %swap3A_266 = arith.constant 32 : index
      %swap3A_267 = tpu.vector_load %arg7[%swap3A_265, %swap3A_266] {strides = array<i32>} : memref<125x80xi32, #tpu.memory_space<vmem>>, vector<16xi32>,
      tpu.vector_store %arg7[%swap3A_265, %swap3A_266], %add3A_264 {strides = array<i32>} : memref<125x80xi32, #tpu.memory_space<vmem>>, vector<16xi32>,
      %get3A_268 = arith.index_cast %scan3A_234 : i32 to index
      %get3A_269 = arith.constant 32 : index
      %get3A_270 = tpu.vector_load %arg8[%get3A_268, %get3A_269] {strides = array<i32>} : memref<125x80xi32, #tpu.memory_space<vmem>>, vector<16xi32>,
      %add3A_271 = arith.addi %get3A_270, %broadcast_in_dim3A_80 : vector<16xi32>
      %swap3A_272 = arith.index_cast %scan3A_234 : i32 to index
      %swap3A_273 = arith.constant 32 : index
      %swap3A_274 = tpu.vector_load %arg8[%swap3A_272, %swap3A_273] {strides = array<i32>} : memref<125x80xi32, #tpu.memory_space<vmem>>, vector<16xi32>,
      tpu.vector_store %arg8[%swap3A_272, %swap3A_273], %add3A_271 {strides = array<i32>} : memref<125x80xi32, #tpu.memory_space<vmem>>, vector<16xi32>,
      %get3A_275 = arith.index_cast %scan3A_234 : i32 to index
      %get3A_276 = arith.constant 48 : index
      %get3A_277 = tpu.vector_load %arg7[%get3A_275, %get3A_276] {strides = array<i32>} : memref<125x80xi32, #tpu.memory_space<vmem>>, vector<16xi32>,
      %add3A_278 = arith.addi %get3A_277, %broadcast_in_dim3A : vector<16xi32>
      %swap3A_279 = arith.index_cast %scan3A_234 : i32 to index
      %swap3A_280 = arith.constant 48 : index
      %swap3A_281 = tpu.vector_load %arg7[%swap3A_279, %swap3A_280] {strides = array<i32>} : memref<125x80xi32, #tpu.memory_space<vmem>>, vector<16xi32>,
      tpu.vector_store %arg7[%swap3A_279, %swap3A_280], %add3A_278 {strides = array<i32>} : memref<125x80xi32, #tpu.memory_space<vmem>>, vector<16xi32>,
      %get3A_282 = arith.index_cast %scan3A_234 : i32 to index
      %get3A_283 = arith.constant 48 : index
      %get3A_284 = tpu.vector_load %arg8[%get3A_282, %get3A_283] {strides = array<i32>} : memref<125x80xi32, #tpu.memory_space<vmem>>, vector<16xi32>,
      %add3A_285 = arith.addi %get3A_284, %broadcast_in_dim3A_80 : vector<16xi32>
      %swap3A_286 = arith.index_cast %scan3A_234 : i32 to index
      %swap3A_287 = arith.constant 48 : index
      %swap3A_288 = tpu.vector_load %arg8[%swap3A_286, %swap3A_287] {strides = array<i32>} : memref<125x80xi32, #tpu.memory_space<vmem>>, vector<16xi32>,
      tpu.vector_store %arg8[%swap3A_286, %swap3A_287], %add3A_285 {strides = array<i32>} : memref<125x80xi32, #tpu.memory_space<vmem>>, vector<16xi32>,
      %get3A_289 = arith.index_cast %scan3A_234 : i32 to index
      %get3A_290 = arith.constant 64 : index
      %get3A_291 = tpu.vector_load %arg7[%get3A_289, %get3A_290] {strides = array<i32>} : memref<125x80xi32, #tpu.memory_space<vmem>>, vector<16xi32>,
      %add3A_292 = arith.addi %get3A_291, %broadcast_in_dim3A : vector<16xi32>
      %swap3A_293 = arith.index_cast %scan3A_234 : i32 to index
      %swap3A_294 = arith.constant 64 : index
      %swap3A_295 = tpu.vector_load %arg7[%swap3A_293, %swap3A_294] {strides = array<i32>} : memref<125x80xi32, #tpu.memory_space<vmem>>, vector<16xi32>,
      tpu.vector_store %arg7[%swap3A_293, %swap3A_294], %add3A_292 {strides = array<i32>} : memref<125x80xi32, #tpu.memory_space<vmem>>, vector<16xi32>,
      %get3A_296 = arith.index_cast %scan3A_234 : i32 to index
      %get3A_297 = arith.constant 64 : index
      %get3A_298 = tpu.vector_load %arg8[%get3A_296, %get3A_297] {strides = array<i32>} : memref<125x80xi32, #tpu.memory_space<vmem>>, vector<16xi32>,
      %add3A_299 = arith.addi %get3A_298, %broadcast_in_dim3A_80 : vector<16xi32>
      %swap3A_300 = arith.index_cast %scan3A_234 : i32 to index
      %swap3A_301 = arith.constant 64 : index
      %swap3A_302 = tpu.vector_load %arg8[%swap3A_300, %swap3A_301] {strides = array<i32>} : memref<125x80xi32, #tpu.memory_space<vmem>>, vector<16xi32>,
      tpu.vector_store %arg8[%swap3A_300, %swap3A_301], %add3A_299 {strides = array<i32>} : memref<125x80xi32, #tpu.memory_space<vmem>>, vector<16xi32>,
    }
    %scan3A_85 = arith.constant 125 : i32
    %mul3A_86 = arith.constant 5120 : i32
    %mul3A_87 = arith.muli %arg0, %mul3A_86 : i32
    %add3A_88 = arith.addi %mul3A_87, %mul3A_2 : i32
    "tpu.region"() ({
      %run_scoped3A = tpu.sem_alloc : memref<!tpu.dma_semaphore, #tpu.memory_space<semaphore_mem>>
      %dma_start3A_234 = arith.constant 0 : i32
      %dma_start3A_235 = tpu.memref_slice %arg12[%mul3A_2, %dma_start3A_234] : memref<5120x128xf32, #tpu.memory_space<vmem_shared>> -> memref<320x128xf32, #tpu.memory_space<vmem_shared>>
      tpu.enqueue_dma source(%arg5 : memref<320x128xf32, #tpu.memory_space<hbm>>) target(%dma_start3A_235 : memref<320x128xf32, #tpu.memory_space<vmem_shared>>) target_semaphore(%run_scoped3A : memref<!tpu.dma_semaphore, #tpu.memory_space<semaphore_mem>>)
      %dma_wait3A_236 = arith.constant 0 : i32
      %dma_wait3A_237 = tpu.memref_slice %arg12[%mul3A_2, %dma_wait3A_236] : memref<5120x128xf32, #tpu.memory_space<vmem_shared>> -> memref<320x128xf32, #tpu.memory_space<vmem_shared>>
      tpu.wait_dma2 semaphore(%run_scoped3A : memref<!tpu.dma_semaphore, #tpu.memory_space<semaphore_mem>>) src(%arg5 : memref<320x128xf32, #tpu.memory_space<hbm>>) dst(%dma_wait3A_237 : memref<320x128xf32, #tpu.memory_space<vmem_shared>>)
      tpu.yield
    }) : () -> ()
    %barrier3A = arith.constant 0 : index
    tpu.barrier barrier_id(%barrier3A)
    %dma_start3A = arith.constant 0 : i32
    %dma_start3A_89 = arith.constant 0 : i32
    %dma_start3A_90 = tpu.memref_slice %arg7[%dma_start3A, %dma_start3A_89] : memref<125x80xi32, #tpu.memory_space<vmem>> -> memref<1x80xi32, #tpu.memory_space<vmem>>
    %dma_start3A_91 = tpu.memref_squeeze %dma_start3A_90 : memref<1x80xi32, #tpu.memory_space<vmem>> -> memref<80xi32, #tpu.memory_space<vmem>>
    %dma_start3A_92 = arith.constant 0 : i32
    %dma_start3A_93 = arith.constant 0 : i32
    %dma_start3A_94 = tpu.memref_slice %arg2[%dma_start3A_92, %dma_start3A_93] : memref<10240x128xf32, #tpu.memory_space<hbm>> -> memref<10240x128xf32, #tpu.memory_space<hbm>>
    tpu.enqueue_indirect_dma source(%dma_start3A_94 : memref<10240x128xf32, #tpu.memory_space<hbm>>) target(%arg9 : memref<80x128xf32, #tpu.memory_space<vmem>>) offsets(%dma_start3A_91 : memref<80xi32, #tpu.memory_space<vmem>>) semaphore(%arg13 : memref<!tpu.dma_semaphore, #tpu.memory_space<semaphore_mem>>)
    %dma_start3A_95 = arith.constant 1 : i32
    %dma_start3A_96 = arith.constant 0 : i32
    %dma_start3A_97 = tpu.memref_slice %arg7[%dma_start3A_95, %dma_start3A_96] : memref<125x80xi32, #tpu.memory_space<vmem>> -> memref<1x80xi32, #tpu.memory_space<vmem>>
    %dma_start3A_98 = tpu.memref_squeeze %dma_start3A_97 : memref<1x80xi32, #tpu.memory_space<vmem>> -> memref<80xi32, #tpu.memory_space<vmem>>
    %dma_start3A_99 = arith.constant 0 : i32
    %dma_start3A_100 = arith.constant 0 : i32
    %dma_start3A_101 = tpu.memref_slice %arg2[%dma_start3A_99, %dma_start3A_100] : memref<10240x128xf32, #tpu.memory_space<hbm>> -> memref<10240x128xf32, #tpu.memory_space<hbm>>
    tpu.enqueue_indirect_dma source(%dma_start3A_101 : memref<10240x128xf32, #tpu.memory_space<hbm>>) target(%arg10 : memref<80x128xf32, #tpu.memory_space<vmem>>) offsets(%dma_start3A_98 : memref<80xi32, #tpu.memory_space<vmem>>) semaphore(%arg14 : memref<!tpu.dma_semaphore, #tpu.memory_space<semaphore_mem>>)
    %dma_wait3A = arith.constant 0 : i32
    %dma_wait3A_102 = arith.constant 0 : i32
    %dma_wait3A_103 = tpu.memref_slice %arg7[%dma_wait3A, %dma_wait3A_102] : memref<125x80xi32, #tpu.memory_space<vmem>> -> memref<1x80xi32, #tpu.memory_space<vmem>>
    %dma_wait3A_104 = tpu.memref_squeeze %dma_wait3A_103 : memref<1x80xi32, #tpu.memory_space<vmem>> -> memref<80xi32, #tpu.memory_space<vmem>>
    %dma_wait3A_105 = arith.constant 0 : i32
    %dma_wait3A_106 = arith.constant 0 : i32
    %dma_wait3A_107 = tpu.memref_slice %arg2[%dma_wait3A_105, %dma_wait3A_106] : memref<10240x128xf32, #tpu.memory_space<hbm>> -> memref<10240x128xf32, #tpu.memory_space<hbm>>
    tpu.wait_indirect_dma semaphore(%arg13 : memref<!tpu.dma_semaphore, #tpu.memory_space<semaphore_mem>>) src(%dma_wait3A_107 : memref<10240x128xf32, #tpu.memory_space<hbm>>) dst(%arg9 : memref<80x128xf32, #tpu.memory_space<vmem>>)
    %dma_start3A_108 = arith.constant 0 : i32
    %dma_start3A_109 = arith.constant 0 : i32
    %dma_start3A_110 = tpu.memref_slice %arg8[%dma_start3A_108, %dma_start3A_109] : memref<125x80xi32, #tpu.memory_space<vmem>> -> memref<1x80xi32, #tpu.memory_space<vmem>>
    %dma_start3A_111 = tpu.memref_squeeze %dma_start3A_110 : memref<1x80xi32, #tpu.memory_space<vmem>> -> memref<80xi32, #tpu.memory_space<vmem>>
    %dma_start3A_112 = arith.constant 0 : i32
    %dma_start3A_113 = arith.constant 0 : i32
    %dma_start3A_114 = tpu.memref_slice %arg12[%dma_start3A_112, %dma_start3A_113] : memref<5120x128xf32, #tpu.memory_space<vmem_shared>> -> memref<5120x128xf32, #tpu.memory_space<vmem_shared>>
    tpu.enqueue_indirect_dma source(%arg9 : memref<80x128xf32, #tpu.memory_space<vmem>>) target(%dma_start3A_114 : memref<5120x128xf32, #tpu.memory_space<vmem_shared>>) offsets(%dma_start3A_111 : memref<80xi32, #tpu.memory_space<vmem>>) semaphore(%arg16 : memref<!tpu.dma_semaphore, #tpu.memory_space<semaphore_mem>>) {add = true}
    %dma_start3A_115 = arith.constant 2 : i32
    %dma_start3A_116 = arith.constant 0 : i32
    %dma_start3A_117 = tpu.memref_slice %arg7[%dma_start3A_115, %dma_start3A_116] : memref<125x80xi32, #tpu.memory_space<vmem>> -> memref<1x80xi32, #tpu.memory_space<vmem>>
    %dma_start3A_118 = tpu.memref_squeeze %dma_start3A_117 : memref<1x80xi32, #tpu.memory_space<vmem>> -> memref<80xi32, #tpu.memory_space<vmem>>
    %dma_start3A_119 = arith.constant 0 : i32
    %dma_start3A_120 = arith.constant 0 : i32
    %dma_start3A_121 = tpu.memref_slice %arg2[%dma_start3A_119, %dma_start3A_120] : memref<10240x128xf32, #tpu.memory_space<hbm>> -> memref<10240x128xf32, #tpu.memory_space<hbm>>
    tpu.enqueue_indirect_dma source(%dma_start3A_121 : memref<10240x128xf32, #tpu.memory_space<hbm>>) target(%arg11 : memref<80x128xf32, #tpu.memory_space<vmem>>) offsets(%dma_start3A_118 : memref<80xi32, #tpu.memory_space<vmem>>) semaphore(%arg15 : memref<!tpu.dma_semaphore, #tpu.memory_space<semaphore_mem>>)
    %dma_wait3A_122 = arith.constant 0 : i32
    %dma_wait3A_123 = arith.constant 0 : i32
    %dma_wait3A_124 = tpu.memref_slice %arg7[%dma_wait3A_122, %dma_wait3A_123] : memref<125x80xi32, #tpu.memory_space<vmem>> -> memref<1x80xi32, #tpu.memory_space<vmem>>
    %dma_wait3A_125 = tpu.memref_squeeze %dma_wait3A_124 : memref<1x80xi32, #tpu.memory_space<vmem>> -> memref<80xi32, #tpu.memory_space<vmem>>
    %dma_wait3A_126 = arith.constant 0 : i32
    %dma_wait3A_127 = arith.constant 0 : i32
    %dma_wait3A_128 = tpu.memref_slice %arg2[%dma_wait3A_126, %dma_wait3A_127] : memref<10240x128xf32, #tpu.memory_space<hbm>> -> memref<10240x128xf32, #tpu.memory_space<hbm>>
    tpu.wait_indirect_dma semaphore(%arg14 : memref<!tpu.dma_semaphore, #tpu.memory_space<semaphore_mem>>) src(%dma_wait3A_128 : memref<10240x128xf32, #tpu.memory_space<hbm>>) dst(%arg10 : memref<80x128xf32, #tpu.memory_space<vmem>>)
    %dma_start3A_129 = arith.constant 1 : i32
    %dma_start3A_130 = arith.constant 0 : i32
    %dma_start3A_131 = tpu.memref_slice %arg8[%dma_start3A_129, %dma_start3A_130] : memref<125x80xi32, #tpu.memory_space<vmem>> -> memref<1x80xi32, #tpu.memory_space<vmem>>
    %dma_start3A_132 = tpu.memref_squeeze %dma_start3A_131 : memref<1x80xi32, #tpu.memory_space<vmem>> -> memref<80xi32, #tpu.memory_space<vmem>>
    %dma_start3A_133 = arith.constant 0 : i32
    %dma_start3A_134 = arith.constant 0 : i32
    %dma_start3A_135 = tpu.memref_slice %arg12[%dma_start3A_133, %dma_start3A_134] : memref<5120x128xf32, #tpu.memory_space<vmem_shared>> -> memref<5120x128xf32, #tpu.memory_space<vmem_shared>>
    tpu.enqueue_indirect_dma source(%arg10 : memref<80x128xf32, #tpu.memory_space<vmem>>) target(%dma_start3A_135 : memref<5120x128xf32, #tpu.memory_space<vmem_shared>>) offsets(%dma_start3A_132 : memref<80xi32, #tpu.memory_space<vmem>>) semaphore(%arg17 : memref<!tpu.dma_semaphore, #tpu.memory_space<semaphore_mem>>) {add = true}
    %dma_wait3A_136 = arith.constant 0 : i32
    %dma_wait3A_137 = arith.constant 0 : i32
    %dma_wait3A_138 = tpu.memref_slice %arg8[%dma_wait3A_136, %dma_wait3A_137] : memref<125x80xi32, #tpu.memory_space<vmem>> -> memref<1x80xi32, #tpu.memory_space<vmem>>
    %dma_wait3A_139 = tpu.memref_squeeze %dma_wait3A_138 : memref<1x80xi32, #tpu.memory_space<vmem>> -> memref<80xi32, #tpu.memory_space<vmem>>
    %dma_wait3A_140 = arith.constant 0 : i32
    %dma_wait3A_141 = arith.constant 0 : i32
    %dma_wait3A_142 = tpu.memref_slice %arg12[%dma_wait3A_140, %dma_wait3A_141] : memref<5120x128xf32, #tpu.memory_space<vmem_shared>> -> memref<5120x128xf32, #tpu.memory_space<vmem_shared>>
    tpu.wait_indirect_dma semaphore(%arg16 : memref<!tpu.dma_semaphore, #tpu.memory_space<semaphore_mem>>) src(%arg9 : memref<80x128xf32, #tpu.memory_space<vmem>>) dst(%dma_wait3A_142 : memref<5120x128xf32, #tpu.memory_space<vmem_shared>>)
    %dma_start3A_143 = arith.constant 3 : i32
    %dma_start3A_144 = arith.constant 0 : i32
    %dma_start3A_145 = tpu.memref_slice %arg7[%dma_start3A_143, %dma_start3A_144] : memref<125x80xi32, #tpu.memory_space<vmem>> -> memref<1x80xi32, #tpu.memory_space<vmem>>
    %dma_start3A_146 = tpu.memref_squeeze %dma_start3A_145 : memref<1x80xi32, #tpu.memory_space<vmem>> -> memref<80xi32, #tpu.memory_space<vmem>>
    %dma_start3A_147 = arith.constant 0 : i32
    %dma_start3A_148 = arith.constant 0 : i32
    %dma_start3A_149 = tpu.memref_slice %arg2[%dma_start3A_147, %dma_start3A_148] : memref<10240x128xf32, #tpu.memory_space<hbm>> -> memref<10240x128xf32, #tpu.memory_space<hbm>>
    tpu.enqueue_indirect_dma source(%dma_start3A_149 : memref<10240x128xf32, #tpu.memory_space<hbm>>) target(%arg9 : memref<80x128xf32, #tpu.memory_space<vmem>>) offsets(%dma_start3A_146 : memref<80xi32, #tpu.memory_space<vmem>>) semaphore(%arg13 : memref<!tpu.dma_semaphore, #tpu.memory_space<semaphore_mem>>)
    %dma_wait3A_150 = arith.constant 0 : i32
    %dma_wait3A_151 = arith.constant 0 : i32
    %dma_wait3A_152 = tpu.memref_slice %arg7[%dma_wait3A_150, %dma_wait3A_151] : memref<125x80xi32, #tpu.memory_space<vmem>> -> memref<1x80xi32, #tpu.memory_space<vmem>>
    %dma_wait3A_153 = tpu.memref_squeeze %dma_wait3A_152 : memref<1x80xi32, #tpu.memory_space<vmem>> -> memref<80xi32, #tpu.memory_space<vmem>>
    %dma_wait3A_154 = arith.constant 0 : i32
    %dma_wait3A_155 = arith.constant 0 : i32
    %dma_wait3A_156 = tpu.memref_slice %arg2[%dma_wait3A_154, %dma_wait3A_155] : memref<10240x128xf32, #tpu.memory_space<hbm>> -> memref<10240x128xf32, #tpu.memory_space<hbm>>
    tpu.wait_indirect_dma semaphore(%arg15 : memref<!tpu.dma_semaphore, #tpu.memory_space<semaphore_mem>>) src(%dma_wait3A_156 : memref<10240x128xf32, #tpu.memory_space<hbm>>) dst(%arg11 : memref<80x128xf32, #tpu.memory_space<vmem>>)
    %dma_start3A_157 = arith.constant 2 : i32
    %dma_start3A_158 = arith.constant 0 : i32
    %dma_start3A_159 = tpu.memref_slice %arg8[%dma_start3A_157, %dma_start3A_158] : memref<125x80xi32, #tpu.memory_space<vmem>> -> memref<1x80xi32, #tpu.memory_space<vmem>>
    %dma_start3A_160 = tpu.memref_squeeze %dma_start3A_159 : memref<1x80xi32, #tpu.memory_space<vmem>> -> memref<80xi32, #tpu.memory_space<vmem>>
    %dma_start3A_161 = arith.constant 0 : i32
    %dma_start3A_162 = arith.constant 0 : i32
    %dma_start3A_163 = tpu.memref_slice %arg12[%dma_start3A_161, %dma_start3A_162] : memref<5120x128xf32, #tpu.memory_space<vmem_shared>> -> memref<5120x128xf32, #tpu.memory_space<vmem_shared>>
    tpu.enqueue_indirect_dma source(%arg11 : memref<80x128xf32, #tpu.memory_space<vmem>>) target(%dma_start3A_163 : memref<5120x128xf32, #tpu.memory_space<vmem_shared>>) offsets(%dma_start3A_160 : memref<80xi32, #tpu.memory_space<vmem>>) semaphore(%arg18 : memref<!tpu.dma_semaphore, #tpu.memory_space<semaphore_mem>>) {add = true}
    %dma_wait3A_164 = arith.constant 0 : i32
    %dma_wait3A_165 = arith.constant 0 : i32
    %dma_wait3A_166 = tpu.memref_slice %arg8[%dma_wait3A_164, %dma_wait3A_165] : memref<125x80xi32, #tpu.memory_space<vmem>> -> memref<1x80xi32, #tpu.memory_space<vmem>>
    %dma_wait3A_167 = tpu.memref_squeeze %dma_wait3A_166 : memref<1x80xi32, #tpu.memory_space<vmem>> -> memref<80xi32, #tpu.memory_space<vmem>>
    %dma_wait3A_168 = arith.constant 0 : i32
    %dma_wait3A_169 = arith.constant 0 : i32
    %dma_wait3A_170 = tpu.memref_slice %arg12[%dma_wait3A_168, %dma_wait3A_169] : memref<5120x128xf32, #tpu.memory_space<vmem_shared>> -> memref<5120x128xf32, #tpu.memory_space<vmem_shared>>
    tpu.wait_indirect_dma semaphore(%arg17 : memref<!tpu.dma_semaphore, #tpu.memory_space<semaphore_mem>>) src(%arg10 : memref<80x128xf32, #tpu.memory_space<vmem>>) dst(%dma_wait3A_170 : memref<5120x128xf32, #tpu.memory_space<vmem_shared>>)
    %dma_start3A_171 = arith.constant 4 : i32
    %dma_start3A_172 = arith.constant 0 : i32
    %dma_start3A_173 = tpu.memref_slice %arg7[%dma_start3A_171, %dma_start3A_172] : memref<125x80xi32, #tpu.memory_space<vmem>> -> memref<1x80xi32, #tpu.memory_space<vmem>>
    %dma_start3A_174 = tpu.memref_squeeze %dma_start3A_173 : memref<1x80xi32, #tpu.memory_space<vmem>> -> memref<80xi32, #tpu.memory_space<vmem>>
    %dma_start3A_175 = arith.constant 0 : i32
    %dma_start3A_176 = arith.constant 0 : i32
    %dma_start3A_177 = tpu.memref_slice %arg2[%dma_start3A_175, %dma_start3A_176] : memref<10240x128xf32, #tpu.memory_space<hbm>> -> memref<10240x128xf32, #tpu.memory_space<hbm>>
    tpu.enqueue_indirect_dma source(%dma_start3A_177 : memref<10240x128xf32, #tpu.memory_space<hbm>>) target(%arg10 : memref<80x128xf32, #tpu.memory_space<vmem>>) offsets(%dma_start3A_174 : memref<80xi32, #tpu.memory_space<vmem>>) semaphore(%arg14 : memref<!tpu.dma_semaphore, #tpu.memory_space<semaphore_mem>>)
    %scan3A_178 = arith.constant 0 : i32
    %scan3A_179 = arith.constant 0 : i32
    %scan3A_180 = arith.constant 40 : i32
    %scan3A_181 = arith.addi %scan3A_179, %scan3A_180 : i32
    %scan3A_182 = arith.constant 1 : i32
    scf.for %scan3A_234 = %scan3A_179 to %scan3A_181 step %scan3A_182  : i32 {
      %mul3A_235 = arith.constant 3 : i32
      %mul3A_236 = arith.muli %scan3A_234, %mul3A_235 : i32
      %add3A_237 = arith.constant 3 : i32
      %add3A_238 = arith.addi %mul3A_236, %add3A_237 : i32
      %add3A_239 = arith.constant 0 : i32
      %add3A_240 = arith.addi %add3A_238, %add3A_239 : i32
      %dma_wait3A_241 = arith.constant 0 : i32
      %dma_wait3A_242 = arith.constant 0 : i32
      %dma_wait3A_243 = tpu.memref_slice %arg7[%dma_wait3A_241, %dma_wait3A_242] : memref<125x80xi32, #tpu.memory_space<vmem>> -> memref<1x80xi32, #tpu.memory_space<vmem>>
      %dma_wait3A_244 = tpu.memref_squeeze %dma_wait3A_243 : memref<1x80xi32, #tpu.memory_space<vmem>> -> memref<80xi32, #tpu.memory_space<vmem>>
      %dma_wait3A_245 = arith.constant 0 : i32
      %dma_wait3A_246 = arith.constant 0 : i32
      %dma_wait3A_247 = tpu.memref_slice %arg2[%dma_wait3A_245, %dma_wait3A_246] : memref<10240x128xf32, #tpu.memory_space<hbm>> -> memref<10240x128xf32, #tpu.memory_space<hbm>>
      tpu.wait_indirect_dma semaphore(%arg13 : memref<!tpu.dma_semaphore, #tpu.memory_space<semaphore_mem>>) src(%dma_wait3A_247 : memref<10240x128xf32, #tpu.memory_space<hbm>>) dst(%arg9 : memref<80x128xf32, #tpu.memory_space<vmem>>)
      %dma_start3A_248 = arith.constant 0 : i32
      %dma_start3A_249 = tpu.memref_slice %arg8[%add3A_240, %dma_start3A_248] : memref<125x80xi32, #tpu.memory_space<vmem>> -> memref<1x80xi32, #tpu.memory_space<vmem>>
      %dma_start3A_250 = tpu.memref_squeeze %dma_start3A_249 : memref<1x80xi32, #tpu.memory_space<vmem>> -> memref<80xi32, #tpu.memory_space<vmem>>
      %dma_start3A_251 = arith.constant 0 : i32
      %dma_start3A_252 = arith.constant 0 : i32
      %dma_start3A_253 = tpu.memref_slice %arg12[%dma_start3A_251, %dma_start3A_252] : memref<5120x128xf32, #tpu.memory_space<vmem_shared>> -> memref<5120x128xf32, #tpu.memory_space<vmem_shared>>
      tpu.enqueue_indirect_dma source(%arg9 : memref<80x128xf32, #tpu.memory_space<vmem>>) target(%dma_start3A_253 : memref<5120x128xf32, #tpu.memory_space<vmem_shared>>) offsets(%dma_start3A_250 : memref<80xi32, #tpu.memory_space<vmem>>) semaphore(%arg16 : memref<!tpu.dma_semaphore, #tpu.memory_space<semaphore_mem>>) {add = true}
      %dma_wait3A_254 = arith.constant 0 : i32
      %dma_wait3A_255 = arith.constant 0 : i32
      %dma_wait3A_256 = tpu.memref_slice %arg8[%dma_wait3A_254, %dma_wait3A_255] : memref<125x80xi32, #tpu.memory_space<vmem>> -> memref<1x80xi32, #tpu.memory_space<vmem>>
      %dma_wait3A_257 = tpu.memref_squeeze %dma_wait3A_256 : memref<1x80xi32, #tpu.memory_space<vmem>> -> memref<80xi32, #tpu.memory_space<vmem>>
      %dma_wait3A_258 = arith.constant 0 : i32
      %dma_wait3A_259 = arith.constant 0 : i32
      %dma_wait3A_260 = tpu.memref_slice %arg12[%dma_wait3A_258, %dma_wait3A_259] : memref<5120x128xf32, #tpu.memory_space<vmem_shared>> -> memref<5120x128xf32, #tpu.memory_space<vmem_shared>>
      tpu.wait_indirect_dma semaphore(%arg18 : memref<!tpu.dma_semaphore, #tpu.memory_space<semaphore_mem>>) src(%arg11 : memref<80x128xf32, #tpu.memory_space<vmem>>) dst(%dma_wait3A_260 : memref<5120x128xf32, #tpu.memory_space<vmem_shared>>)
      %add3A_261 = arith.constant 2 : i32
      %add3A_262 = arith.addi %add3A_240, %add3A_261 : i32
      %dma_start3A_263 = arith.constant 0 : i32
      %dma_start3A_264 = tpu.memref_slice %arg7[%add3A_262, %dma_start3A_263] : memref<125x80xi32, #tpu.memory_space<vmem>> -> memref<1x80xi32, #tpu.memory_space<vmem>>
      %dma_start3A_265 = tpu.memref_squeeze %dma_start3A_264 : memref<1x80xi32, #tpu.memory_space<vmem>> -> memref<80xi32, #tpu.memory_space<vmem>>
      %dma_start3A_266 = arith.constant 0 : i32
      %dma_start3A_267 = arith.constant 0 : i32
      %dma_start3A_268 = tpu.memref_slice %arg2[%dma_start3A_266, %dma_start3A_267] : memref<10240x128xf32, #tpu.memory_space<hbm>> -> memref<10240x128xf32, #tpu.memory_space<hbm>>
      tpu.enqueue_indirect_dma source(%dma_start3A_268 : memref<10240x128xf32, #tpu.memory_space<hbm>>) target(%arg11 : memref<80x128xf32, #tpu.memory_space<vmem>>) offsets(%dma_start3A_265 : memref<80xi32, #tpu.memory_space<vmem>>) semaphore(%arg15 : memref<!tpu.dma_semaphore, #tpu.memory_space<semaphore_mem>>)
      %add3A_269 = arith.constant 1 : i32
      %add3A_270 = arith.addi %add3A_238, %add3A_269 : i32
      %dma_wait3A_271 = arith.constant 0 : i32
      %dma_wait3A_272 = arith.constant 0 : i32
      %dma_wait3A_273 = tpu.memref_slice %arg7[%dma_wait3A_271, %dma_wait3A_272] : memref<125x80xi32, #tpu.memory_space<vmem>> -> memref<1x80xi32, #tpu.memory_space<vmem>>
      %dma_wait3A_274 = tpu.memref_squeeze %dma_wait3A_273 : memref<1x80xi32, #tpu.memory_space<vmem>> -> memref<80xi32, #tpu.memory_space<vmem>>
      %dma_wait3A_275 = arith.constant 0 : i32
      %dma_wait3A_276 = arith.constant 0 : i32
      %dma_wait3A_277 = tpu.memref_slice %arg2[%dma_wait3A_275, %dma_wait3A_276] : memref<10240x128xf32, #tpu.memory_space<hbm>> -> memref<10240x128xf32, #tpu.memory_space<hbm>>
      tpu.wait_indirect_dma semaphore(%arg14 : memref<!tpu.dma_semaphore, #tpu.memory_space<semaphore_mem>>) src(%dma_wait3A_277 : memref<10240x128xf32, #tpu.memory_space<hbm>>) dst(%arg10 : memref<80x128xf32, #tpu.memory_space<vmem>>)
      %dma_start3A_278 = arith.constant 0 : i32
      %dma_start3A_279 = tpu.memref_slice %arg8[%add3A_270, %dma_start3A_278] : memref<125x80xi32, #tpu.memory_space<vmem>> -> memref<1x80xi32, #tpu.memory_space<vmem>>
      %dma_start3A_280 = tpu.memref_squeeze %dma_start3A_279 : memref<1x80xi32, #tpu.memory_space<vmem>> -> memref<80xi32, #tpu.memory_space<vmem>>
      %dma_start3A_281 = arith.constant 0 : i32
      %dma_start3A_282 = arith.constant 0 : i32
      %dma_start3A_283 = tpu.memref_slice %arg12[%dma_start3A_281, %dma_start3A_282] : memref<5120x128xf32, #tpu.memory_space<vmem_shared>> -> memref<5120x128xf32, #tpu.memory_space<vmem_shared>>
      tpu.enqueue_indirect_dma source(%arg10 : memref<80x128xf32, #tpu.memory_space<vmem>>) target(%dma_start3A_283 : memref<5120x128xf32, #tpu.memory_space<vmem_shared>>) offsets(%dma_start3A_280 : memref<80xi32, #tpu.memory_space<vmem>>) semaphore(%arg17 : memref<!tpu.dma_semaphore, #tpu.memory_space<semaphore_mem>>) {add = true}
      %dma_wait3A_284 = arith.constant 0 : i32
      %dma_wait3A_285 = arith.constant 0 : i32
      %dma_wait3A_286 = tpu.memref_slice %arg8[%dma_wait3A_284, %dma_wait3A_285] : memref<125x80xi32, #tpu.memory_space<vmem>> -> memref<1x80xi32, #tpu.memory_space<vmem>>
      %dma_wait3A_287 = tpu.memref_squeeze %dma_wait3A_286 : memref<1x80xi32, #tpu.memory_space<vmem>> -> memref<80xi32, #tpu.memory_space<vmem>>
      %dma_wait3A_288 = arith.constant 0 : i32
      %dma_wait3A_289 = arith.constant 0 : i32
      %dma_wait3A_290 = tpu.memref_slice %arg12[%dma_wait3A_288, %dma_wait3A_289] : memref<5120x128xf32, #tpu.memory_space<vmem_shared>> -> memref<5120x128xf32, #tpu.memory_space<vmem_shared>>
      tpu.wait_indirect_dma semaphore(%arg16 : memref<!tpu.dma_semaphore, #tpu.memory_space<semaphore_mem>>) src(%arg9 : memref<80x128xf32, #tpu.memory_space<vmem>>) dst(%dma_wait3A_290 : memref<5120x128xf32, #tpu.memory_space<vmem_shared>>)
      %add3A_291 = arith.constant 2 : i32
      %add3A_292 = arith.addi %add3A_270, %add3A_291 : i32
      %dma_start3A_293 = arith.constant 0 : i32
      %dma_start3A_294 = tpu.memref_slice %arg7[%add3A_292, %dma_start3A_293] : memref<125x80xi32, #tpu.memory_space<vmem>> -> memref<1x80xi32, #tpu.memory_space<vmem>>
      %dma_start3A_295 = tpu.memref_squeeze %dma_start3A_294 : memref<1x80xi32, #tpu.memory_space<vmem>> -> memref<80xi32, #tpu.memory_space<vmem>>
      %dma_start3A_296 = arith.constant 0 : i32
      %dma_start3A_297 = arith.constant 0 : i32
      %dma_start3A_298 = tpu.memref_slice %arg2[%dma_start3A_296, %dma_start3A_297] : memref<10240x128xf32, #tpu.memory_space<hbm>> -> memref<10240x128xf32, #tpu.memory_space<hbm>>
      tpu.enqueue_indirect_dma source(%dma_start3A_298 : memref<10240x128xf32, #tpu.memory_space<hbm>>) target(%arg9 : memref<80x128xf32, #tpu.memory_space<vmem>>) offsets(%dma_start3A_295 : memref<80xi32, #tpu.memory_space<vmem>>) semaphore(%arg13 : memref<!tpu.dma_semaphore, #tpu.memory_space<semaphore_mem>>)
      %add3A_299 = arith.constant 2 : i32
      %add3A_300 = arith.addi %add3A_238, %add3A_299 : i32
      %dma_wait3A_301 = arith.constant 0 : i32
      %dma_wait3A_302 = arith.constant 0 : i32
      %dma_wait3A_303 = tpu.memref_slice %arg7[%dma_wait3A_301, %dma_wait3A_302] : memref<125x80xi32, #tpu.memory_space<vmem>> -> memref<1x80xi32, #tpu.memory_space<vmem>>
      %dma_wait3A_304 = tpu.memref_squeeze %dma_wait3A_303 : memref<1x80xi32, #tpu.memory_space<vmem>> -> memref<80xi32, #tpu.memory_space<vmem>>
      %dma_wait3A_305 = arith.constant 0 : i32
      %dma_wait3A_306 = arith.constant 0 : i32
      %dma_wait3A_307 = tpu.memref_slice %arg2[%dma_wait3A_305, %dma_wait3A_306] : memref<10240x128xf32, #tpu.memory_space<hbm>> -> memref<10240x128xf32, #tpu.memory_space<hbm>>
      tpu.wait_indirect_dma semaphore(%arg15 : memref<!tpu.dma_semaphore, #tpu.memory_space<semaphore_mem>>) src(%dma_wait3A_307 : memref<10240x128xf32, #tpu.memory_space<hbm>>) dst(%arg11 : memref<80x128xf32, #tpu.memory_space<vmem>>)
      %dma_start3A_308 = arith.constant 0 : i32
      %dma_start3A_309 = tpu.memref_slice %arg8[%add3A_300, %dma_start3A_308] : memref<125x80xi32, #tpu.memory_space<vmem>> -> memref<1x80xi32, #tpu.memory_space<vmem>>
      %dma_start3A_310 = tpu.memref_squeeze %dma_start3A_309 : memref<1x80xi32, #tpu.memory_space<vmem>> -> memref<80xi32, #tpu.memory_space<vmem>>
      %dma_start3A_311 = arith.constant 0 : i32
      %dma_start3A_312 = arith.constant 0 : i32
      %dma_start3A_313 = tpu.memref_slice %arg12[%dma_start3A_311, %dma_start3A_312] : memref<5120x128xf32, #tpu.memory_space<vmem_shared>> -> memref<5120x128xf32, #tpu.memory_space<vmem_shared>>
      tpu.enqueue_indirect_dma source(%arg11 : memref<80x128xf32, #tpu.memory_space<vmem>>) target(%dma_start3A_313 : memref<5120x128xf32, #tpu.memory_space<vmem_shared>>) offsets(%dma_start3A_310 : memref<80xi32, #tpu.memory_space<vmem>>) semaphore(%arg18 : memref<!tpu.dma_semaphore, #tpu.memory_space<semaphore_mem>>) {add = true}
      %dma_wait3A_314 = arith.constant 0 : i32
      %dma_wait3A_315 = arith.constant 0 : i32
      %dma_wait3A_316 = tpu.memref_slice %arg8[%dma_wait3A_314, %dma_wait3A_315] : memref<125x80xi32, #tpu.memory_space<vmem>> -> memref<1x80xi32, #tpu.memory_space<vmem>>
      %dma_wait3A_317 = tpu.memref_squeeze %dma_wait3A_316 : memref<1x80xi32, #tpu.memory_space<vmem>> -> memref<80xi32, #tpu.memory_space<vmem>>
      %dma_wait3A_318 = arith.constant 0 : i32
      %dma_wait3A_319 = arith.constant 0 : i32
      %dma_wait3A_320 = tpu.memref_slice %arg12[%dma_wait3A_318, %dma_wait3A_319] : memref<5120x128xf32, #tpu.memory_space<vmem_shared>> -> memref<5120x128xf32, #tpu.memory_space<vmem_shared>>
      tpu.wait_indirect_dma semaphore(%arg17 : memref<!tpu.dma_semaphore, #tpu.memory_space<semaphore_mem>>) src(%arg10 : memref<80x128xf32, #tpu.memory_space<vmem>>) dst(%dma_wait3A_320 : memref<5120x128xf32, #tpu.memory_space<vmem_shared>>)
      %add3A_321 = arith.constant 2 : i32
      %add3A_322 = arith.addi %add3A_300, %add3A_321 : i32
      %dma_start3A_323 = arith.constant 0 : i32
      %dma_start3A_324 = tpu.memref_slice %arg7[%add3A_322, %dma_start3A_323] : memref<125x80xi32, #tpu.memory_space<vmem>> -> memref<1x80xi32, #tpu.memory_space<vmem>>
      %dma_start3A_325 = tpu.memref_squeeze %dma_start3A_324 : memref<1x80xi32, #tpu.memory_space<vmem>> -> memref<80xi32, #tpu.memory_space<vmem>>
      %dma_start3A_326 = arith.constant 0 : i32
      %dma_start3A_327 = arith.constant 0 : i32
      %dma_start3A_328 = tpu.memref_slice %arg2[%dma_start3A_326, %dma_start3A_327] : memref<10240x128xf32, #tpu.memory_space<hbm>> -> memref<10240x128xf32, #tpu.memory_space<hbm>>
      tpu.enqueue_indirect_dma source(%dma_start3A_328 : memref<10240x128xf32, #tpu.memory_space<hbm>>) target(%arg10 : memref<80x128xf32, #tpu.memory_space<vmem>>) offsets(%dma_start3A_325 : memref<80xi32, #tpu.memory_space<vmem>>) semaphore(%arg14 : memref<!tpu.dma_semaphore, #tpu.memory_space<semaphore_mem>>)
    }
    %scan3A_183 = arith.constant 40 : i32
    %dma_wait3A_184 = arith.constant 0 : i32
    %dma_wait3A_185 = arith.constant 0 : i32
    %dma_wait3A_186 = tpu.memref_slice %arg7[%dma_wait3A_184, %dma_wait3A_185] : memref<125x80xi32, #tpu.memory_space<vmem>> -> memref<1x80xi32, #tpu.memory_space<vmem>>
    %dma_wait3A_187 = tpu.memref_squeeze %dma_wait3A_186 : memref<1x80xi32, #tpu.memory_space<vmem>> -> memref<80xi32, #tpu.memory_space<vmem>>
    %dma_wait3A_188 = arith.constant 0 : i32
    %dma_wait3A_189 = arith.constant 0 : i32
    %dma_wait3A_190 = tpu.memref_slice %arg2[%dma_wait3A_188, %dma_wait3A_189] : memref<10240x128xf32, #tpu.memory_space<hbm>> -> memref<10240x128xf32, #tpu.memory_space<hbm>>
    tpu.wait_indirect_dma semaphore(%arg13 : memref<!tpu.dma_semaphore, #tpu.memory_space<semaphore_mem>>) src(%dma_wait3A_190 : memref<10240x128xf32, #tpu.memory_space<hbm>>) dst(%arg9 : memref<80x128xf32, #tpu.memory_space<vmem>>)
    %dma_start3A_191 = arith.constant 123 : i32
    %dma_start3A_192 = arith.constant 0 : i32
    %dma_start3A_193 = tpu.memref_slice %arg8[%dma_start3A_191, %dma_start3A_192] : memref<125x80xi32, #tpu.memory_space<vmem>> -> memref<1x80xi32, #tpu.memory_space<vmem>>
    %dma_start3A_194 = tpu.memref_squeeze %dma_start3A_193 : memref<1x80xi32, #tpu.memory_space<vmem>> -> memref<80xi32, #tpu.memory_space<vmem>>
    %dma_start3A_195 = arith.constant 0 : i32
    %dma_start3A_196 = arith.constant 0 : i32
    %dma_start3A_197 = tpu.memref_slice %arg12[%dma_start3A_195, %dma_start3A_196] : memref<5120x128xf32, #tpu.memory_space<vmem_shared>> -> memref<5120x128xf32, #tpu.memory_space<vmem_shared>>
    tpu.enqueue_indirect_dma source(%arg9 : memref<80x128xf32, #tpu.memory_space<vmem>>) target(%dma_start3A_197 : memref<5120x128xf32, #tpu.memory_space<vmem_shared>>) offsets(%dma_start3A_194 : memref<80xi32, #tpu.memory_space<vmem>>) semaphore(%arg16 : memref<!tpu.dma_semaphore, #tpu.memory_space<semaphore_mem>>) {add = true}
    %dma_wait3A_198 = arith.constant 0 : i32
    %dma_wait3A_199 = arith.constant 0 : i32
    %dma_wait3A_200 = tpu.memref_slice %arg7[%dma_wait3A_198, %dma_wait3A_199] : memref<125x80xi32, #tpu.memory_space<vmem>> -> memref<1x80xi32, #tpu.memory_space<vmem>>
    %dma_wait3A_201 = tpu.memref_squeeze %dma_wait3A_200 : memref<1x80xi32, #tpu.memory_space<vmem>> -> memref<80xi32, #tpu.memory_space<vmem>>
    %dma_wait3A_202 = arith.constant 0 : i32
    %dma_wait3A_203 = arith.constant 0 : i32
    %dma_wait3A_204 = tpu.memref_slice %arg2[%dma_wait3A_202, %dma_wait3A_203] : memref<10240x128xf32, #tpu.memory_space<hbm>> -> memref<10240x128xf32, #tpu.memory_space<hbm>>
    tpu.wait_indirect_dma semaphore(%arg14 : memref<!tpu.dma_semaphore, #tpu.memory_space<semaphore_mem>>) src(%dma_wait3A_204 : memref<10240x128xf32, #tpu.memory_space<hbm>>) dst(%arg10 : memref<80x128xf32, #tpu.memory_space<vmem>>)
    %dma_start3A_205 = arith.constant 124 : i32
    %dma_start3A_206 = arith.constant 0 : i32
    %dma_start3A_207 = tpu.memref_slice %arg8[%dma_start3A_205, %dma_start3A_206] : memref<125x80xi32, #tpu.memory_space<vmem>> -> memref<1x80xi32, #tpu.memory_space<vmem>>
    %dma_start3A_208 = tpu.memref_squeeze %dma_start3A_207 : memref<1x80xi32, #tpu.memory_space<vmem>> -> memref<80xi32, #tpu.memory_space<vmem>>
    %dma_start3A_209 = arith.constant 0 : i32
    %dma_start3A_210 = arith.constant 0 : i32
    %dma_start3A_211 = tpu.memref_slice %arg12[%dma_start3A_209, %dma_start3A_210] : memref<5120x128xf32, #tpu.memory_space<vmem_shared>> -> memref<5120x128xf32, #tpu.memory_space<vmem_shared>>
    tpu.enqueue_indirect_dma source(%arg10 : memref<80x128xf32, #tpu.memory_space<vmem>>) target(%dma_start3A_211 : memref<5120x128xf32, #tpu.memory_space<vmem_shared>>) offsets(%dma_start3A_208 : memref<80xi32, #tpu.memory_space<vmem>>) semaphore(%arg17 : memref<!tpu.dma_semaphore, #tpu.memory_space<semaphore_mem>>) {add = true}
    %dma_wait3A_212 = arith.constant 0 : i32
    %dma_wait3A_213 = arith.constant 0 : i32
    %dma_wait3A_214 = tpu.memref_slice %arg8[%dma_wait3A_212, %dma_wait3A_213] : memref<125x80xi32, #tpu.memory_space<vmem>> -> memref<1x80xi32, #tpu.memory_space<vmem>>
    %dma_wait3A_215 = tpu.memref_squeeze %dma_wait3A_214 : memref<1x80xi32, #tpu.memory_space<vmem>> -> memref<80xi32, #tpu.memory_space<vmem>>
    %dma_wait3A_216 = arith.constant 0 : i32
    %dma_wait3A_217 = arith.constant 0 : i32
    %dma_wait3A_218 = tpu.memref_slice %arg12[%dma_wait3A_216, %dma_wait3A_217] : memref<5120x128xf32, #tpu.memory_space<vmem_shared>> -> memref<5120x128xf32, #tpu.memory_space<vmem_shared>>
    tpu.wait_indirect_dma semaphore(%arg16 : memref<!tpu.dma_semaphore, #tpu.memory_space<semaphore_mem>>) src(%arg9 : memref<80x128xf32, #tpu.memory_space<vmem>>) dst(%dma_wait3A_218 : memref<5120x128xf32, #tpu.memory_space<vmem_shared>>)
    %dma_wait3A_219 = arith.constant 0 : i32
    %dma_wait3A_220 = arith.constant 0 : i32
    %dma_wait3A_221 = tpu.memref_slice %arg8[%dma_wait3A_219, %dma_wait3A_220] : memref<125x80xi32, #tpu.memory_space<vmem>> -> memref<1x80xi32, #tpu.memory_space<vmem>>
    %dma_wait3A_222 = tpu.memref_squeeze %dma_wait3A_221 : memref<1x80xi32, #tpu.memory_space<vmem>> -> memref<80xi32, #tpu.memory_space<vmem>>
    %dma_wait3A_223 = arith.constant 0 : i32
    %dma_wait3A_224 = arith.constant 0 : i32
    %dma_wait3A_225 = tpu.memref_slice %arg12[%dma_wait3A_223, %dma_wait3A_224] : memref<5120x128xf32, #tpu.memory_space<vmem_shared>> -> memref<5120x128xf32, #tpu.memory_space<vmem_shared>>
    tpu.wait_indirect_dma semaphore(%arg17 : memref<!tpu.dma_semaphore, #tpu.memory_space<semaphore_mem>>) src(%arg10 : memref<80x128xf32, #tpu.memory_space<vmem>>) dst(%dma_wait3A_225 : memref<5120x128xf32, #tpu.memory_space<vmem_shared>>)
    %dma_wait3A_226 = arith.constant 0 : i32
    %dma_wait3A_227 = arith.constant 0 : i32
    %dma_wait3A_228 = tpu.memref_slice %arg8[%dma_wait3A_226, %dma_wait3A_227] : memref<125x80xi32, #tpu.memory_space<vmem>> -> memref<1x80xi32, #tpu.memory_space<vmem>>
    %dma_wait3A_229 = tpu.memref_squeeze %dma_wait3A_228 : memref<1x80xi32, #tpu.memory_space<vmem>> -> memref<80xi32, #tpu.memory_space<vmem>>
    %dma_wait3A_230 = arith.constant 0 : i32
    %dma_wait3A_231 = arith.constant 0 : i32
    %dma_wait3A_232 = tpu.memref_slice %arg12[%dma_wait3A_230, %dma_wait3A_231] : memref<5120x128xf32, #tpu.memory_space<vmem_shared>> -> memref<5120x128xf32, #tpu.memory_space<vmem_shared>>
    tpu.wait_indirect_dma semaphore(%arg18 : memref<!tpu.dma_semaphore, #tpu.memory_space<semaphore_mem>>) src(%arg11 : memref<80x128xf32, #tpu.memory_space<vmem>>) dst(%dma_wait3A_232 : memref<5120x128xf32, #tpu.memory_space<vmem_shared>>)
    %barrier3A_233 = arith.constant 0 : index
    tpu.barrier barrier_id(%barrier3A_233)
    "tpu.region"() ({
      %run_scoped3A = tpu.sem_alloc : memref<!tpu.dma_semaphore, #tpu.memory_space<semaphore_mem>>
      %dma_start3A_234 = arith.constant 0 : i32
      %dma_start3A_235 = tpu.memref_slice %arg6[%add3A_88, %dma_start3A_234] : memref<10240x128xf32, #tpu.memory_space<hbm>> -> memref<320x128xf32, #tpu.memory_space<hbm>>
      %dma_start3A_236 = arith.constant 0 : i32
      %dma_start3A_237 = tpu.memref_slice %arg12[%mul3A_2, %dma_start3A_236] : memref<5120x128xf32, #tpu.memory_space<vmem_shared>> -> memref<320x128xf32, #tpu.memory_space<vmem_shared>>
      tpu.enqueue_dma source(%dma_start3A_237 : memref<320x128xf32, #tpu.memory_space<vmem_shared>>) target(%dma_start3A_235 : memref<320x128xf32, #tpu.memory_space<hbm>>) target_semaphore(%run_scoped3A : memref<!tpu.dma_semaphore, #tpu.memory_space<semaphore_mem>>)
      %dma_wait3A_238 = arith.constant 0 : i32
      %dma_wait3A_239 = tpu.memref_slice %arg6[%add3A_88, %dma_wait3A_238] : memref<10240x128xf32, #tpu.memory_space<hbm>> -> memref<320x128xf32, #tpu.memory_space<hbm>>
      %dma_wait3A_240 = arith.constant 0 : i32
      %dma_wait3A_241 = tpu.memref_slice %arg12[%mul3A_2, %dma_wait3A_240] : memref<5120x128xf32, #tpu.memory_space<vmem_shared>> -> memref<320x128xf32, #tpu.memory_space<vmem_shared>>
      tpu.wait_dma2 semaphore(%run_scoped3A : memref<!tpu.dma_semaphore, #tpu.memory_space<semaphore_mem>>) src(%dma_wait3A_241 : memref<320x128xf32, #tpu.memory_space<vmem_shared>>) dst(%dma_wait3A_239 : memref<320x128xf32, #tpu.memory_space<hbm>>)
      tpu.yield
    }) : () -> ()
    return
  }
}

#map = affine_map<(d0, d1) -> (0, 0)>
#map1 = affine_map<(d0, d1) -> (0, 0, 0)>
module attributes {stable_mosaic.version = 14 : i64} {
  func.func @body(%arg0: i32, %arg1: i32, %arg2: memref<10000x128xf32, #tpu.memory_space<hbm>>, %arg3: memref<32x125x80xi32, #tpu.memory_space<hbm>>, %arg4: memref<32x125x80xi32, #tpu.memory_space<hbm>>, %arg5: memref<320x128xf32, #tpu.memory_space<hbm>>, %arg6: memref<10240x128xf32, #tpu.memory_space<hbm>>, %arg7: memref<125x80xi32, #tpu.memory_space<vmem>>, %arg8: memref<125x80xi32, #tpu.memory_space<vmem>>, %arg9: memref<80x128xf32, #tpu.memory_space<vmem>>, %arg10: memref<80x128xf32, #tpu.memory_space<vmem>>, %arg11: memref<80x128xf32, #tpu.memory_space<vmem>>, %arg12: memref<5120x128xf32, #tpu.memory_space<vmem_shared>>, %arg13: memref<!tpu.dma_semaphore, #tpu.memory_space<semaphore_mem>>, %arg14: memref<!tpu.dma_semaphore, #tpu.memory_space<semaphore_mem>>, %arg15: memref<!tpu.dma_semaphore, #tpu.memory_space<semaphore_mem>>, %arg16: memref<!tpu.dma_semaphore, #tpu.memory_space<semaphore_mem>>, %arg17: memref<!tpu.dma_semaphore, #tpu.memory_space<semaphore_mem>>, %arg18: memref<!tpu.dma_semaphore, #tpu.memory_space<semaphore_mem>>) attributes {dimension_semantics = [#tpu.dimension_semantics<core_parallel>, #tpu.dimension_semantics<subcore_parallel>], iteration_bounds = array<i64: 2, 16>, scalar_prefetch = 0 : i64, scratch_operands = 12 : i64, tpu.core_type = #tpu.core_type<sc_vector_subcore>, window_params = [{transform_indices = #map}, {transform_indices = #map1}, {transform_indices = #map1}, {transform_indices = #map}, {transform_indices = #map}]} {
    %mul3A = arith.constant 16 : i32
    %mul3A_0 = arith.muli %arg0, %mul3A : i32
    %add3A = arith.addi %mul3A_0, %arg1 : i32
    %mul3A_1 = arith.constant 320 : i32
    %mul3A_2 = arith.muli %arg1, %mul3A_1 : i32
    "tpu.region"() ({
      %run_scoped3A = tpu.sem_alloc : memref<!tpu.dma_semaphore, #tpu.memory_space<semaphore_mem>>
      %dma_start3A_191 = arith.constant 0 : i32
      %dma_start3A_192 = arith.constant 0 : i32
      %dma_start3A_193 = tpu.memref_slice %arg3[%add3A, %dma_start3A_191, %dma_start3A_192] : memref<32x125x80xi32, #tpu.memory_space<hbm>> -> memref<1x125x80xi32, #tpu.memory_space<hbm>>
      %dma_start3A_194 = tpu.memref_squeeze %dma_start3A_193 : memref<1x125x80xi32, #tpu.memory_space<hbm>> -> memref<125x80xi32, #tpu.memory_space<hbm>>
      %dma_start3A_195 = arith.constant 0 : i32
      %dma_start3A_196 = arith.constant 0 : i32
      %dma_start3A_197 = tpu.memref_slice %arg3[%add3A, %dma_start3A_195, %dma_start3A_196] : memref<32x125x80xi32, #tpu.memory_space<hbm>> -> memref<1x125x80xi32, #tpu.memory_space<hbm>>
      %dma_start3A_198 = tpu.memref_squeeze %dma_start3A_197 : memref<1x125x80xi32, #tpu.memory_space<hbm>> -> memref<125x80xi32, #tpu.memory_space<hbm>>
      tpu.enqueue_dma source(%dma_start3A_198 : memref<125x80xi32, #tpu.memory_space<hbm>>) target(%arg7 : memref<125x80xi32, #tpu.memory_space<vmem>>) target_semaphore(%run_scoped3A : memref<!tpu.dma_semaphore, #tpu.memory_space<semaphore_mem>>)
      %dma_wait3A_199 = arith.constant 0 : i32
      %dma_wait3A_200 = arith.constant 0 : i32
      %dma_wait3A_201 = tpu.memref_slice %arg3[%add3A, %dma_wait3A_199, %dma_wait3A_200] : memref<32x125x80xi32, #tpu.memory_space<hbm>> -> memref<1x125x80xi32, #tpu.memory_space<hbm>>
      %dma_wait3A_202 = tpu.memref_squeeze %dma_wait3A_201 : memref<1x125x80xi32, #tpu.memory_space<hbm>> -> memref<125x80xi32, #tpu.memory_space<hbm>>
      %dma_wait3A_203 = arith.constant 0 : i32
      %dma_wait3A_204 = arith.constant 0 : i32
      %dma_wait3A_205 = tpu.memref_slice %arg3[%add3A, %dma_wait3A_203, %dma_wait3A_204] : memref<32x125x80xi32, #tpu.memory_space<hbm>> -> memref<1x125x80xi32, #tpu.memory_space<hbm>>
      %dma_wait3A_206 = tpu.memref_squeeze %dma_wait3A_205 : memref<1x125x80xi32, #tpu.memory_space<hbm>> -> memref<125x80xi32, #tpu.memory_space<hbm>>
      tpu.wait_dma2 semaphore(%run_scoped3A : memref<!tpu.dma_semaphore, #tpu.memory_space<semaphore_mem>>) src(%dma_wait3A_206 : memref<125x80xi32, #tpu.memory_space<hbm>>) dst(%arg7 : memref<125x80xi32, #tpu.memory_space<vmem>>)
      tpu.yield
    }) : () -> ()
    "tpu.region"() ({
      %run_scoped3A = tpu.sem_alloc : memref<!tpu.dma_semaphore, #tpu.memory_space<semaphore_mem>>
      %dma_start3A_191 = arith.constant 0 : i32
      %dma_start3A_192 = arith.constant 0 : i32
      %dma_start3A_193 = tpu.memref_slice %arg4[%add3A, %dma_start3A_191, %dma_start3A_192] : memref<32x125x80xi32, #tpu.memory_space<hbm>> -> memref<1x125x80xi32, #tpu.memory_space<hbm>>
      %dma_start3A_194 = tpu.memref_squeeze %dma_start3A_193 : memref<1x125x80xi32, #tpu.memory_space<hbm>> -> memref<125x80xi32, #tpu.memory_space<hbm>>
      %dma_start3A_195 = arith.constant 0 : i32
      %dma_start3A_196 = arith.constant 0 : i32
      %dma_start3A_197 = tpu.memref_slice %arg4[%add3A, %dma_start3A_195, %dma_start3A_196] : memref<32x125x80xi32, #tpu.memory_space<hbm>> -> memref<1x125x80xi32, #tpu.memory_space<hbm>>
      %dma_start3A_198 = tpu.memref_squeeze %dma_start3A_197 : memref<1x125x80xi32, #tpu.memory_space<hbm>> -> memref<125x80xi32, #tpu.memory_space<hbm>>
      tpu.enqueue_dma source(%dma_start3A_198 : memref<125x80xi32, #tpu.memory_space<hbm>>) target(%arg8 : memref<125x80xi32, #tpu.memory_space<vmem>>) target_semaphore(%run_scoped3A : memref<!tpu.dma_semaphore, #tpu.memory_space<semaphore_mem>>)
      %dma_wait3A_199 = arith.constant 0 : i32
      %dma_wait3A_200 = arith.constant 0 : i32
      %dma_wait3A_201 = tpu.memref_slice %arg4[%add3A, %dma_wait3A_199, %dma_wait3A_200] : memref<32x125x80xi32, #tpu.memory_space<hbm>> -> memref<1x125x80xi32, #tpu.memory_space<hbm>>
      %dma_wait3A_202 = tpu.memref_squeeze %dma_wait3A_201 : memref<1x125x80xi32, #tpu.memory_space<hbm>> -> memref<125x80xi32, #tpu.memory_space<hbm>>
      %dma_wait3A_203 = arith.constant 0 : i32
      %dma_wait3A_204 = arith.constant 0 : i32
      %dma_wait3A_205 = tpu.memref_slice %arg4[%add3A, %dma_wait3A_203, %dma_wait3A_204] : memref<32x125x80xi32, #tpu.memory_space<hbm>> -> memref<1x125x80xi32, #tpu.memory_space<hbm>>
      %dma_wait3A_206 = tpu.memref_squeeze %dma_wait3A_205 : memref<1x125x80xi32, #tpu.memory_space<hbm>> -> memref<125x80xi32, #tpu.memory_space<hbm>>
      tpu.wait_dma2 semaphore(%run_scoped3A : memref<!tpu.dma_semaphore, #tpu.memory_space<semaphore_mem>>) src(%dma_wait3A_206 : memref<125x80xi32, #tpu.memory_space<hbm>>) dst(%arg8 : memref<125x80xi32, #tpu.memory_space<vmem>>)
      tpu.yield
    }) : () -> ()
    %jit3A = arith.constant 8 : i32
    %div3A = arith.divsi %add3A, %jit3A : i32
    %sign3A = arith.constant 0 : i32
    %sign3A_3 = arith.cmpi sgt, %add3A, %sign3A : i32
    %sign3A_4 = arith.extui %sign3A_3 : i1 to i32
    %sign3A_5 = arith.constant 0 : i32
    %sign3A_6 = arith.cmpi slt, %add3A, %sign3A_5 : i32
    %sign3A_7 = arith.extui %sign3A_6 : i1 to i32
    %sign3A_8 = arith.subi %sign3A_4, %sign3A_7 : i32
    %sign3A_9 = arith.constant 0 : i32
    %sign3A_10 = arith.cmpi sgt, %jit3A, %sign3A_9 : i32
    %sign3A_11 = arith.extui %sign3A_10 : i1 to i32
    %sign3A_12 = arith.constant 0 : i32
    %sign3A_13 = arith.cmpi slt, %jit3A, %sign3A_12 : i32
    %sign3A_14 = arith.extui %sign3A_13 : i1 to i32
    %sign3A_15 = arith.subi %sign3A_11, %sign3A_14 : i32
    %ne3A = arith.cmpi ne, %sign3A_8, %sign3A_15 : i32
    %rem3A = arith.remsi %add3A, %jit3A : i32
    %ne3A_16 = arith.constant 0 : i32
    %ne3A_17 = arith.cmpi ne, %rem3A, %ne3A_16 : i32
    %and3A = arith.andi %ne3A, %ne3A_17 : i1
    %sub3A = arith.constant 1 : i32
    %sub3A_18 = arith.subi %div3A, %sub3A : i32
    %select_n3A = arith.select %and3A, %sub3A_18, %div3A : i32
    %mul3A_19 = arith.constant 2500 : i32
    %mul3A_20 = arith.muli %select_n3A, %mul3A_19 : i32
    %jit3A_21 = arith.constant 2 : i32
    %eq3A = arith.constant 0 : i32
    %eq3A_22 = arith.cmpi eq, %jit3A_21, %eq3A : i32
    %jit3A_23 = arith.constant 1 : i32
    %select_n3A_24 = arith.select %eq3A_22, %jit3A_23, %jit3A_21 : i32
    %rem3A_25 = arith.remsi %select_n3A, %select_n3A_24 : i32
    %ne3A_26 = arith.constant 0 : i32
    %ne3A_27 = arith.cmpi ne, %rem3A_25, %ne3A_26 : i32
    %lt3A = arith.constant 0 : i32
    %lt3A_28 = arith.cmpi slt, %rem3A_25, %lt3A : i32
    %lt3A_29 = arith.constant 0 : i32
    %lt3A_30 = arith.cmpi slt, %select_n3A_24, %lt3A_29 : i32
    %ne3A_31 = arith.xori %lt3A_28, %lt3A_30 : i1
    %and3A_32 = arith.andi %ne3A_31, %ne3A_27 : i1
    %add3A_33 = arith.addi %rem3A_25, %select_n3A_24 : i32
    %select_n3A_34 = arith.select %and3A_32, %add3A_33, %rem3A_25 : i32
    %mul3A_35 = arith.constant 2500 : i32
    %mul3A_36 = arith.muli %select_n3A_34, %mul3A_35 : i32
    %broadcast_in_dim3A = vector.broadcast %mul3A_20 : i32 to vector<16xi32>
    %broadcast_in_dim3A_37 = vector.broadcast %mul3A_36 : i32 to vector<16xi32>
    %scan3A = arith.constant 0 : i32
    %scan3A_38 = arith.constant 0 : i32
    %scan3A_39 = arith.constant 125 : i32
    %scan3A_40 = arith.addi %scan3A_38, %scan3A_39 : i32
    %scan3A_41 = arith.constant 1 : i32
    scf.for %scan3A_191 = %scan3A_38 to %scan3A_40 step %scan3A_41  : i32 {
      %get3A = arith.index_cast %scan3A_191 : i32 to index
      %get3A_192 = arith.constant 0 : index
      %get3A_193 = tpu.vector_load %arg7[%get3A, %get3A_192] {strides = array<i32>} : memref<125x80xi32, #tpu.memory_space<vmem>>, vector<16xi32>,
      %add3A_194 = arith.addi %get3A_193, %broadcast_in_dim3A : vector<16xi32>
      %swap3A = arith.index_cast %scan3A_191 : i32 to index
      %swap3A_195 = arith.constant 0 : index
      %swap3A_196 = tpu.vector_load %arg7[%swap3A, %swap3A_195] {strides = array<i32>} : memref<125x80xi32, #tpu.memory_space<vmem>>, vector<16xi32>,
      tpu.vector_store %arg7[%swap3A, %swap3A_195], %add3A_194 {strides = array<i32>} : memref<125x80xi32, #tpu.memory_space<vmem>>, vector<16xi32>,
      %get3A_197 = arith.index_cast %scan3A_191 : i32 to index
      %get3A_198 = arith.constant 0 : index
      %get3A_199 = tpu.vector_load %arg8[%get3A_197, %get3A_198] {strides = array<i32>} : memref<125x80xi32, #tpu.memory_space<vmem>>, vector<16xi32>,
      %add3A_200 = arith.addi %get3A_199, %broadcast_in_dim3A_37 : vector<16xi32>
      %swap3A_201 = arith.index_cast %scan3A_191 : i32 to index
      %swap3A_202 = arith.constant 0 : index
      %swap3A_203 = tpu.vector_load %arg8[%swap3A_201, %swap3A_202] {strides = array<i32>} : memref<125x80xi32, #tpu.memory_space<vmem>>, vector<16xi32>,
      tpu.vector_store %arg8[%swap3A_201, %swap3A_202], %add3A_200 {strides = array<i32>} : memref<125x80xi32, #tpu.memory_space<vmem>>, vector<16xi32>,
      %get3A_204 = arith.index_cast %scan3A_191 : i32 to index
      %get3A_205 = arith.constant 16 : index
      %get3A_206 = tpu.vector_load %arg7[%get3A_204, %get3A_205] {strides = array<i32>} : memref<125x80xi32, #tpu.memory_space<vmem>>, vector<16xi32>,
      %add3A_207 = arith.addi %get3A_206, %broadcast_in_dim3A : vector<16xi32>
      %swap3A_208 = arith.index_cast %scan3A_191 : i32 to index
      %swap3A_209 = arith.constant 16 : index
      %swap3A_210 = tpu.vector_load %arg7[%swap3A_208, %swap3A_209] {strides = array<i32>} : memref<125x80xi32, #tpu.memory_space<vmem>>, vector<16xi32>,
      tpu.vector_store %arg7[%swap3A_208, %swap3A_209], %add3A_207 {strides = array<i32>} : memref<125x80xi32, #tpu.memory_space<vmem>>, vector<16xi32>,
      %get3A_211 = arith.index_cast %scan3A_191 : i32 to index
      %get3A_212 = arith.constant 16 : index
      %get3A_213 = tpu.vector_load %arg8[%get3A_211, %get3A_212] {strides = array<i32>} : memref<125x80xi32, #tpu.memory_space<vmem>>, vector<16xi32>,
      %add3A_214 = arith.addi %get3A_213, %broadcast_in_dim3A_37 : vector<16xi32>
      %swap3A_215 = arith.index_cast %scan3A_191 : i32 to index
      %swap3A_216 = arith.constant 16 : index
      %swap3A_217 = tpu.vector_load %arg8[%swap3A_215, %swap3A_216] {strides = array<i32>} : memref<125x80xi32, #tpu.memory_space<vmem>>, vector<16xi32>,
      tpu.vector_store %arg8[%swap3A_215, %swap3A_216], %add3A_214 {strides = array<i32>} : memref<125x80xi32, #tpu.memory_space<vmem>>, vector<16xi32>,
      %get3A_218 = arith.index_cast %scan3A_191 : i32 to index
      %get3A_219 = arith.constant 32 : index
      %get3A_220 = tpu.vector_load %arg7[%get3A_218, %get3A_219] {strides = array<i32>} : memref<125x80xi32, #tpu.memory_space<vmem>>, vector<16xi32>,
      %add3A_221 = arith.addi %get3A_220, %broadcast_in_dim3A : vector<16xi32>
      %swap3A_222 = arith.index_cast %scan3A_191 : i32 to index
      %swap3A_223 = arith.constant 32 : index
      %swap3A_224 = tpu.vector_load %arg7[%swap3A_222, %swap3A_223] {strides = array<i32>} : memref<125x80xi32, #tpu.memory_space<vmem>>, vector<16xi32>,
      tpu.vector_store %arg7[%swap3A_222, %swap3A_223], %add3A_221 {strides = array<i32>} : memref<125x80xi32, #tpu.memory_space<vmem>>, vector<16xi32>,
      %get3A_225 = arith.index_cast %scan3A_191 : i32 to index
      %get3A_226 = arith.constant 32 : index
      %get3A_227 = tpu.vector_load %arg8[%get3A_225, %get3A_226] {strides = array<i32>} : memref<125x80xi32, #tpu.memory_space<vmem>>, vector<16xi32>,
      %add3A_228 = arith.addi %get3A_227, %broadcast_in_dim3A_37 : vector<16xi32>
      %swap3A_229 = arith.index_cast %scan3A_191 : i32 to index
      %swap3A_230 = arith.constant 32 : index
      %swap3A_231 = tpu.vector_load %arg8[%swap3A_229, %swap3A_230] {strides = array<i32>} : memref<125x80xi32, #tpu.memory_space<vmem>>, vector<16xi32>,
      tpu.vector_store %arg8[%swap3A_229, %swap3A_230], %add3A_228 {strides = array<i32>} : memref<125x80xi32, #tpu.memory_space<vmem>>, vector<16xi32>,
      %get3A_232 = arith.index_cast %scan3A_191 : i32 to index
      %get3A_233 = arith.constant 48 : index
      %get3A_234 = tpu.vector_load %arg7[%get3A_232, %get3A_233] {strides = array<i32>} : memref<125x80xi32, #tpu.memory_space<vmem>>, vector<16xi32>,
      %add3A_235 = arith.addi %get3A_234, %broadcast_in_dim3A : vector<16xi32>
      %swap3A_236 = arith.index_cast %scan3A_191 : i32 to index
      %swap3A_237 = arith.constant 48 : index
      %swap3A_238 = tpu.vector_load %arg7[%swap3A_236, %swap3A_237] {strides = array<i32>} : memref<125x80xi32, #tpu.memory_space<vmem>>, vector<16xi32>,
      tpu.vector_store %arg7[%swap3A_236, %swap3A_237], %add3A_235 {strides = array<i32>} : memref<125x80xi32, #tpu.memory_space<vmem>>, vector<16xi32>,
      %get3A_239 = arith.index_cast %scan3A_191 : i32 to index
      %get3A_240 = arith.constant 48 : index
      %get3A_241 = tpu.vector_load %arg8[%get3A_239, %get3A_240] {strides = array<i32>} : memref<125x80xi32, #tpu.memory_space<vmem>>, vector<16xi32>,
      %add3A_242 = arith.addi %get3A_241, %broadcast_in_dim3A_37 : vector<16xi32>
      %swap3A_243 = arith.index_cast %scan3A_191 : i32 to index
      %swap3A_244 = arith.constant 48 : index
      %swap3A_245 = tpu.vector_load %arg8[%swap3A_243, %swap3A_244] {strides = array<i32>} : memref<125x80xi32, #tpu.memory_space<vmem>>, vector<16xi32>,
      tpu.vector_store %arg8[%swap3A_243, %swap3A_244], %add3A_242 {strides = array<i32>} : memref<125x80xi32, #tpu.memory_space<vmem>>, vector<16xi32>,
      %get3A_246 = arith.index_cast %scan3A_191 : i32 to index
      %get3A_247 = arith.constant 64 : index
      %get3A_248 = tpu.vector_load %arg7[%get3A_246, %get3A_247] {strides = array<i32>} : memref<125x80xi32, #tpu.memory_space<vmem>>, vector<16xi32>,
      %add3A_249 = arith.addi %get3A_248, %broadcast_in_dim3A : vector<16xi32>
      %swap3A_250 = arith.index_cast %scan3A_191 : i32 to index
      %swap3A_251 = arith.constant 64 : index
      %swap3A_252 = tpu.vector_load %arg7[%swap3A_250, %swap3A_251] {strides = array<i32>} : memref<125x80xi32, #tpu.memory_space<vmem>>, vector<16xi32>,
      tpu.vector_store %arg7[%swap3A_250, %swap3A_251], %add3A_249 {strides = array<i32>} : memref<125x80xi32, #tpu.memory_space<vmem>>, vector<16xi32>,
      %get3A_253 = arith.index_cast %scan3A_191 : i32 to index
      %get3A_254 = arith.constant 64 : index
      %get3A_255 = tpu.vector_load %arg8[%get3A_253, %get3A_254] {strides = array<i32>} : memref<125x80xi32, #tpu.memory_space<vmem>>, vector<16xi32>,
      %add3A_256 = arith.addi %get3A_255, %broadcast_in_dim3A_37 : vector<16xi32>
      %swap3A_257 = arith.index_cast %scan3A_191 : i32 to index
      %swap3A_258 = arith.constant 64 : index
      %swap3A_259 = tpu.vector_load %arg8[%swap3A_257, %swap3A_258] {strides = array<i32>} : memref<125x80xi32, #tpu.memory_space<vmem>>, vector<16xi32>,
      tpu.vector_store %arg8[%swap3A_257, %swap3A_258], %add3A_256 {strides = array<i32>} : memref<125x80xi32, #tpu.memory_space<vmem>>, vector<16xi32>,
    }
    %scan3A_42 = arith.constant 125 : i32
    %mul3A_43 = arith.constant 5120 : i32
    %mul3A_44 = arith.muli %arg0, %mul3A_43 : i32
    %add3A_45 = arith.addi %mul3A_44, %mul3A_2 : i32
    "tpu.region"() ({
      %run_scoped3A = tpu.sem_alloc : memref<!tpu.dma_semaphore, #tpu.memory_space<semaphore_mem>>
      %dma_start3A_191 = arith.constant 0 : i32
      %dma_start3A_192 = tpu.memref_slice %arg12[%mul3A_2, %dma_start3A_191] : memref<5120x128xf32, #tpu.memory_space<vmem_shared>> -> memref<320x128xf32, #tpu.memory_space<vmem_shared>>
      tpu.enqueue_dma source(%arg5 : memref<320x128xf32, #tpu.memory_space<hbm>>) target(%dma_start3A_192 : memref<320x128xf32, #tpu.memory_space<vmem_shared>>) target_semaphore(%run_scoped3A : memref<!tpu.dma_semaphore, #tpu.memory_space<semaphore_mem>>)
      %dma_wait3A_193 = arith.constant 0 : i32
      %dma_wait3A_194 = tpu.memref_slice %arg12[%mul3A_2, %dma_wait3A_193] : memref<5120x128xf32, #tpu.memory_space<vmem_shared>> -> memref<320x128xf32, #tpu.memory_space<vmem_shared>>
      tpu.wait_dma2 semaphore(%run_scoped3A : memref<!tpu.dma_semaphore, #tpu.memory_space<semaphore_mem>>) src(%arg5 : memref<320x128xf32, #tpu.memory_space<hbm>>) dst(%dma_wait3A_194 : memref<320x128xf32, #tpu.memory_space<vmem_shared>>)
      tpu.yield
    }) : () -> ()
    %barrier3A = arith.constant 0 : index
    tpu.barrier barrier_id(%barrier3A)
    %dma_start3A = arith.constant 0 : i32
    %dma_start3A_46 = arith.constant 0 : i32
    %dma_start3A_47 = tpu.memref_slice %arg7[%dma_start3A, %dma_start3A_46] : memref<125x80xi32, #tpu.memory_space<vmem>> -> memref<1x80xi32, #tpu.memory_space<vmem>>
    %dma_start3A_48 = tpu.memref_squeeze %dma_start3A_47 : memref<1x80xi32, #tpu.memory_space<vmem>> -> memref<80xi32, #tpu.memory_space<vmem>>
    %dma_start3A_49 = arith.constant 0 : i32
    %dma_start3A_50 = arith.constant 0 : i32
    %dma_start3A_51 = tpu.memref_slice %arg2[%dma_start3A_49, %dma_start3A_50] : memref<10000x128xf32, #tpu.memory_space<hbm>> -> memref<10000x128xf32, #tpu.memory_space<hbm>>
    tpu.enqueue_indirect_dma source(%dma_start3A_51 : memref<10000x128xf32, #tpu.memory_space<hbm>>) target(%arg9 : memref<80x128xf32, #tpu.memory_space<vmem>>) offsets(%dma_start3A_48 : memref<80xi32, #tpu.memory_space<vmem>>) semaphore(%arg13 : memref<!tpu.dma_semaphore, #tpu.memory_space<semaphore_mem>>)
    %dma_start3A_52 = arith.constant 1 : i32
    %dma_start3A_53 = arith.constant 0 : i32
    %dma_start3A_54 = tpu.memref_slice %arg7[%dma_start3A_52, %dma_start3A_53] : memref<125x80xi32, #tpu.memory_space<vmem>> -> memref<1x80xi32, #tpu.memory_space<vmem>>
    %dma_start3A_55 = tpu.memref_squeeze %dma_start3A_54 : memref<1x80xi32, #tpu.memory_space<vmem>> -> memref<80xi32, #tpu.memory_space<vmem>>
    %dma_start3A_56 = arith.constant 0 : i32
    %dma_start3A_57 = arith.constant 0 : i32
    %dma_start3A_58 = tpu.memref_slice %arg2[%dma_start3A_56, %dma_start3A_57] : memref<10000x128xf32, #tpu.memory_space<hbm>> -> memref<10000x128xf32, #tpu.memory_space<hbm>>
    tpu.enqueue_indirect_dma source(%dma_start3A_58 : memref<10000x128xf32, #tpu.memory_space<hbm>>) target(%arg10 : memref<80x128xf32, #tpu.memory_space<vmem>>) offsets(%dma_start3A_55 : memref<80xi32, #tpu.memory_space<vmem>>) semaphore(%arg14 : memref<!tpu.dma_semaphore, #tpu.memory_space<semaphore_mem>>)
    %dma_wait3A = arith.constant 0 : i32
    %dma_wait3A_59 = arith.constant 0 : i32
    %dma_wait3A_60 = tpu.memref_slice %arg7[%dma_wait3A, %dma_wait3A_59] : memref<125x80xi32, #tpu.memory_space<vmem>> -> memref<1x80xi32, #tpu.memory_space<vmem>>
    %dma_wait3A_61 = tpu.memref_squeeze %dma_wait3A_60 : memref<1x80xi32, #tpu.memory_space<vmem>> -> memref<80xi32, #tpu.memory_space<vmem>>
    %dma_wait3A_62 = arith.constant 0 : i32
    %dma_wait3A_63 = arith.constant 0 : i32
    %dma_wait3A_64 = tpu.memref_slice %arg2[%dma_wait3A_62, %dma_wait3A_63] : memref<10000x128xf32, #tpu.memory_space<hbm>> -> memref<10000x128xf32, #tpu.memory_space<hbm>>
    tpu.wait_indirect_dma semaphore(%arg13 : memref<!tpu.dma_semaphore, #tpu.memory_space<semaphore_mem>>) src(%dma_wait3A_64 : memref<10000x128xf32, #tpu.memory_space<hbm>>) dst(%arg9 : memref<80x128xf32, #tpu.memory_space<vmem>>)
    %dma_start3A_65 = arith.constant 0 : i32
    %dma_start3A_66 = arith.constant 0 : i32
    %dma_start3A_67 = tpu.memref_slice %arg8[%dma_start3A_65, %dma_start3A_66] : memref<125x80xi32, #tpu.memory_space<vmem>> -> memref<1x80xi32, #tpu.memory_space<vmem>>
    %dma_start3A_68 = tpu.memref_squeeze %dma_start3A_67 : memref<1x80xi32, #tpu.memory_space<vmem>> -> memref<80xi32, #tpu.memory_space<vmem>>
    %dma_start3A_69 = arith.constant 0 : i32
    %dma_start3A_70 = arith.constant 0 : i32
    %dma_start3A_71 = tpu.memref_slice %arg12[%dma_start3A_69, %dma_start3A_70] : memref<5120x128xf32, #tpu.memory_space<vmem_shared>> -> memref<5120x128xf32, #tpu.memory_space<vmem_shared>>
    tpu.enqueue_indirect_dma source(%arg9 : memref<80x128xf32, #tpu.memory_space<vmem>>) target(%dma_start3A_71 : memref<5120x128xf32, #tpu.memory_space<vmem_shared>>) offsets(%dma_start3A_68 : memref<80xi32, #tpu.memory_space<vmem>>) semaphore(%arg16 : memref<!tpu.dma_semaphore, #tpu.memory_space<semaphore_mem>>) {add = true}
    %dma_start3A_72 = arith.constant 2 : i32
    %dma_start3A_73 = arith.constant 0 : i32
    %dma_start3A_74 = tpu.memref_slice %arg7[%dma_start3A_72, %dma_start3A_73] : memref<125x80xi32, #tpu.memory_space<vmem>> -> memref<1x80xi32, #tpu.memory_space<vmem>>
    %dma_start3A_75 = tpu.memref_squeeze %dma_start3A_74 : memref<1x80xi32, #tpu.memory_space<vmem>> -> memref<80xi32, #tpu.memory_space<vmem>>
    %dma_start3A_76 = arith.constant 0 : i32
    %dma_start3A_77 = arith.constant 0 : i32
    %dma_start3A_78 = tpu.memref_slice %arg2[%dma_start3A_76, %dma_start3A_77] : memref<10000x128xf32, #tpu.memory_space<hbm>> -> memref<10000x128xf32, #tpu.memory_space<hbm>>
    tpu.enqueue_indirect_dma source(%dma_start3A_78 : memref<10000x128xf32, #tpu.memory_space<hbm>>) target(%arg11 : memref<80x128xf32, #tpu.memory_space<vmem>>) offsets(%dma_start3A_75 : memref<80xi32, #tpu.memory_space<vmem>>) semaphore(%arg15 : memref<!tpu.dma_semaphore, #tpu.memory_space<semaphore_mem>>)
    %dma_wait3A_79 = arith.constant 0 : i32
    %dma_wait3A_80 = arith.constant 0 : i32
    %dma_wait3A_81 = tpu.memref_slice %arg7[%dma_wait3A_79, %dma_wait3A_80] : memref<125x80xi32, #tpu.memory_space<vmem>> -> memref<1x80xi32, #tpu.memory_space<vmem>>
    %dma_wait3A_82 = tpu.memref_squeeze %dma_wait3A_81 : memref<1x80xi32, #tpu.memory_space<vmem>> -> memref<80xi32, #tpu.memory_space<vmem>>
    %dma_wait3A_83 = arith.constant 0 : i32
    %dma_wait3A_84 = arith.constant 0 : i32
    %dma_wait3A_85 = tpu.memref_slice %arg2[%dma_wait3A_83, %dma_wait3A_84] : memref<10000x128xf32, #tpu.memory_space<hbm>> -> memref<10000x128xf32, #tpu.memory_space<hbm>>
    tpu.wait_indirect_dma semaphore(%arg14 : memref<!tpu.dma_semaphore, #tpu.memory_space<semaphore_mem>>) src(%dma_wait3A_85 : memref<10000x128xf32, #tpu.memory_space<hbm>>) dst(%arg10 : memref<80x128xf32, #tpu.memory_space<vmem>>)
    %dma_start3A_86 = arith.constant 1 : i32
    %dma_start3A_87 = arith.constant 0 : i32
    %dma_start3A_88 = tpu.memref_slice %arg8[%dma_start3A_86, %dma_start3A_87] : memref<125x80xi32, #tpu.memory_space<vmem>> -> memref<1x80xi32, #tpu.memory_space<vmem>>
    %dma_start3A_89 = tpu.memref_squeeze %dma_start3A_88 : memref<1x80xi32, #tpu.memory_space<vmem>> -> memref<80xi32, #tpu.memory_space<vmem>>
    %dma_start3A_90 = arith.constant 0 : i32
    %dma_start3A_91 = arith.constant 0 : i32
    %dma_start3A_92 = tpu.memref_slice %arg12[%dma_start3A_90, %dma_start3A_91] : memref<5120x128xf32, #tpu.memory_space<vmem_shared>> -> memref<5120x128xf32, #tpu.memory_space<vmem_shared>>
    tpu.enqueue_indirect_dma source(%arg10 : memref<80x128xf32, #tpu.memory_space<vmem>>) target(%dma_start3A_92 : memref<5120x128xf32, #tpu.memory_space<vmem_shared>>) offsets(%dma_start3A_89 : memref<80xi32, #tpu.memory_space<vmem>>) semaphore(%arg17 : memref<!tpu.dma_semaphore, #tpu.memory_space<semaphore_mem>>) {add = true}
    %dma_wait3A_93 = arith.constant 0 : i32
    %dma_wait3A_94 = arith.constant 0 : i32
    %dma_wait3A_95 = tpu.memref_slice %arg8[%dma_wait3A_93, %dma_wait3A_94] : memref<125x80xi32, #tpu.memory_space<vmem>> -> memref<1x80xi32, #tpu.memory_space<vmem>>
    %dma_wait3A_96 = tpu.memref_squeeze %dma_wait3A_95 : memref<1x80xi32, #tpu.memory_space<vmem>> -> memref<80xi32, #tpu.memory_space<vmem>>
    %dma_wait3A_97 = arith.constant 0 : i32
    %dma_wait3A_98 = arith.constant 0 : i32
    %dma_wait3A_99 = tpu.memref_slice %arg12[%dma_wait3A_97, %dma_wait3A_98] : memref<5120x128xf32, #tpu.memory_space<vmem_shared>> -> memref<5120x128xf32, #tpu.memory_space<vmem_shared>>
    tpu.wait_indirect_dma semaphore(%arg16 : memref<!tpu.dma_semaphore, #tpu.memory_space<semaphore_mem>>) src(%arg9 : memref<80x128xf32, #tpu.memory_space<vmem>>) dst(%dma_wait3A_99 : memref<5120x128xf32, #tpu.memory_space<vmem_shared>>)
    %dma_start3A_100 = arith.constant 3 : i32
    %dma_start3A_101 = arith.constant 0 : i32
    %dma_start3A_102 = tpu.memref_slice %arg7[%dma_start3A_100, %dma_start3A_101] : memref<125x80xi32, #tpu.memory_space<vmem>> -> memref<1x80xi32, #tpu.memory_space<vmem>>
    %dma_start3A_103 = tpu.memref_squeeze %dma_start3A_102 : memref<1x80xi32, #tpu.memory_space<vmem>> -> memref<80xi32, #tpu.memory_space<vmem>>
    %dma_start3A_104 = arith.constant 0 : i32
    %dma_start3A_105 = arith.constant 0 : i32
    %dma_start3A_106 = tpu.memref_slice %arg2[%dma_start3A_104, %dma_start3A_105] : memref<10000x128xf32, #tpu.memory_space<hbm>> -> memref<10000x128xf32, #tpu.memory_space<hbm>>
    tpu.enqueue_indirect_dma source(%dma_start3A_106 : memref<10000x128xf32, #tpu.memory_space<hbm>>) target(%arg9 : memref<80x128xf32, #tpu.memory_space<vmem>>) offsets(%dma_start3A_103 : memref<80xi32, #tpu.memory_space<vmem>>) semaphore(%arg13 : memref<!tpu.dma_semaphore, #tpu.memory_space<semaphore_mem>>)
    %dma_wait3A_107 = arith.constant 0 : i32
    %dma_wait3A_108 = arith.constant 0 : i32
    %dma_wait3A_109 = tpu.memref_slice %arg7[%dma_wait3A_107, %dma_wait3A_108] : memref<125x80xi32, #tpu.memory_space<vmem>> -> memref<1x80xi32, #tpu.memory_space<vmem>>
    %dma_wait3A_110 = tpu.memref_squeeze %dma_wait3A_109 : memref<1x80xi32, #tpu.memory_space<vmem>> -> memref<80xi32, #tpu.memory_space<vmem>>
    %dma_wait3A_111 = arith.constant 0 : i32
    %dma_wait3A_112 = arith.constant 0 : i32
    %dma_wait3A_113 = tpu.memref_slice %arg2[%dma_wait3A_111, %dma_wait3A_112] : memref<10000x128xf32, #tpu.memory_space<hbm>> -> memref<10000x128xf32, #tpu.memory_space<hbm>>
    tpu.wait_indirect_dma semaphore(%arg15 : memref<!tpu.dma_semaphore, #tpu.memory_space<semaphore_mem>>) src(%dma_wait3A_113 : memref<10000x128xf32, #tpu.memory_space<hbm>>) dst(%arg11 : memref<80x128xf32, #tpu.memory_space<vmem>>)
    %dma_start3A_114 = arith.constant 2 : i32
    %dma_start3A_115 = arith.constant 0 : i32
    %dma_start3A_116 = tpu.memref_slice %arg8[%dma_start3A_114, %dma_start3A_115] : memref<125x80xi32, #tpu.memory_space<vmem>> -> memref<1x80xi32, #tpu.memory_space<vmem>>
    %dma_start3A_117 = tpu.memref_squeeze %dma_start3A_116 : memref<1x80xi32, #tpu.memory_space<vmem>> -> memref<80xi32, #tpu.memory_space<vmem>>
    %dma_start3A_118 = arith.constant 0 : i32
    %dma_start3A_119 = arith.constant 0 : i32
    %dma_start3A_120 = tpu.memref_slice %arg12[%dma_start3A_118, %dma_start3A_119] : memref<5120x128xf32, #tpu.memory_space<vmem_shared>> -> memref<5120x128xf32, #tpu.memory_space<vmem_shared>>
    tpu.enqueue_indirect_dma source(%arg11 : memref<80x128xf32, #tpu.memory_space<vmem>>) target(%dma_start3A_120 : memref<5120x128xf32, #tpu.memory_space<vmem_shared>>) offsets(%dma_start3A_117 : memref<80xi32, #tpu.memory_space<vmem>>) semaphore(%arg18 : memref<!tpu.dma_semaphore, #tpu.memory_space<semaphore_mem>>) {add = true}
    %dma_wait3A_121 = arith.constant 0 : i32
    %dma_wait3A_122 = arith.constant 0 : i32
    %dma_wait3A_123 = tpu.memref_slice %arg8[%dma_wait3A_121, %dma_wait3A_122] : memref<125x80xi32, #tpu.memory_space<vmem>> -> memref<1x80xi32, #tpu.memory_space<vmem>>
    %dma_wait3A_124 = tpu.memref_squeeze %dma_wait3A_123 : memref<1x80xi32, #tpu.memory_space<vmem>> -> memref<80xi32, #tpu.memory_space<vmem>>
    %dma_wait3A_125 = arith.constant 0 : i32
    %dma_wait3A_126 = arith.constant 0 : i32
    %dma_wait3A_127 = tpu.memref_slice %arg12[%dma_wait3A_125, %dma_wait3A_126] : memref<5120x128xf32, #tpu.memory_space<vmem_shared>> -> memref<5120x128xf32, #tpu.memory_space<vmem_shared>>
    tpu.wait_indirect_dma semaphore(%arg17 : memref<!tpu.dma_semaphore, #tpu.memory_space<semaphore_mem>>) src(%arg10 : memref<80x128xf32, #tpu.memory_space<vmem>>) dst(%dma_wait3A_127 : memref<5120x128xf32, #tpu.memory_space<vmem_shared>>)
    %dma_start3A_128 = arith.constant 4 : i32
    %dma_start3A_129 = arith.constant 0 : i32
    %dma_start3A_130 = tpu.memref_slice %arg7[%dma_start3A_128, %dma_start3A_129] : memref<125x80xi32, #tpu.memory_space<vmem>> -> memref<1x80xi32, #tpu.memory_space<vmem>>
    %dma_start3A_131 = tpu.memref_squeeze %dma_start3A_130 : memref<1x80xi32, #tpu.memory_space<vmem>> -> memref<80xi32, #tpu.memory_space<vmem>>
    %dma_start3A_132 = arith.constant 0 : i32
    %dma_start3A_133 = arith.constant 0 : i32
    %dma_start3A_134 = tpu.memref_slice %arg2[%dma_start3A_132, %dma_start3A_133] : memref<10000x128xf32, #tpu.memory_space<hbm>> -> memref<10000x128xf32, #tpu.memory_space<hbm>>
    tpu.enqueue_indirect_dma source(%dma_start3A_134 : memref<10000x128xf32, #tpu.memory_space<hbm>>) target(%arg10 : memref<80x128xf32, #tpu.memory_space<vmem>>) offsets(%dma_start3A_131 : memref<80xi32, #tpu.memory_space<vmem>>) semaphore(%arg14 : memref<!tpu.dma_semaphore, #tpu.memory_space<semaphore_mem>>)
    %scan3A_135 = arith.constant 0 : i32
    %scan3A_136 = arith.constant 0 : i32
    %scan3A_137 = arith.constant 40 : i32
    %scan3A_138 = arith.addi %scan3A_136, %scan3A_137 : i32
    %scan3A_139 = arith.constant 1 : i32
    scf.for %scan3A_191 = %scan3A_136 to %scan3A_138 step %scan3A_139  : i32 {
      %mul3A_192 = arith.constant 3 : i32
      %mul3A_193 = arith.muli %scan3A_191, %mul3A_192 : i32
      %add3A_194 = arith.constant 3 : i32
      %add3A_195 = arith.addi %mul3A_193, %add3A_194 : i32
      %add3A_196 = arith.constant 0 : i32
      %add3A_197 = arith.addi %add3A_195, %add3A_196 : i32
      %dma_wait3A_198 = arith.constant 0 : i32
      %dma_wait3A_199 = arith.constant 0 : i32
      %dma_wait3A_200 = tpu.memref_slice %arg7[%dma_wait3A_198, %dma_wait3A_199] : memref<125x80xi32, #tpu.memory_space<vmem>> -> memref<1x80xi32, #tpu.memory_space<vmem>>
      %dma_wait3A_201 = tpu.memref_squeeze %dma_wait3A_200 : memref<1x80xi32, #tpu.memory_space<vmem>> -> memref<80xi32, #tpu.memory_space<vmem>>
      %dma_wait3A_202 = arith.constant 0 : i32
      %dma_wait3A_203 = arith.constant 0 : i32
      %dma_wait3A_204 = tpu.memref_slice %arg2[%dma_wait3A_202, %dma_wait3A_203] : memref<10000x128xf32, #tpu.memory_space<hbm>> -> memref<10000x128xf32, #tpu.memory_space<hbm>>
      tpu.wait_indirect_dma semaphore(%arg13 : memref<!tpu.dma_semaphore, #tpu.memory_space<semaphore_mem>>) src(%dma_wait3A_204 : memref<10000x128xf32, #tpu.memory_space<hbm>>) dst(%arg9 : memref<80x128xf32, #tpu.memory_space<vmem>>)
      %dma_start3A_205 = arith.constant 0 : i32
      %dma_start3A_206 = tpu.memref_slice %arg8[%add3A_197, %dma_start3A_205] : memref<125x80xi32, #tpu.memory_space<vmem>> -> memref<1x80xi32, #tpu.memory_space<vmem>>
      %dma_start3A_207 = tpu.memref_squeeze %dma_start3A_206 : memref<1x80xi32, #tpu.memory_space<vmem>> -> memref<80xi32, #tpu.memory_space<vmem>>
      %dma_start3A_208 = arith.constant 0 : i32
      %dma_start3A_209 = arith.constant 0 : i32
      %dma_start3A_210 = tpu.memref_slice %arg12[%dma_start3A_208, %dma_start3A_209] : memref<5120x128xf32, #tpu.memory_space<vmem_shared>> -> memref<5120x128xf32, #tpu.memory_space<vmem_shared>>
      tpu.enqueue_indirect_dma source(%arg9 : memref<80x128xf32, #tpu.memory_space<vmem>>) target(%dma_start3A_210 : memref<5120x128xf32, #tpu.memory_space<vmem_shared>>) offsets(%dma_start3A_207 : memref<80xi32, #tpu.memory_space<vmem>>) semaphore(%arg16 : memref<!tpu.dma_semaphore, #tpu.memory_space<semaphore_mem>>) {add = true}
      %dma_wait3A_211 = arith.constant 0 : i32
      %dma_wait3A_212 = arith.constant 0 : i32
      %dma_wait3A_213 = tpu.memref_slice %arg8[%dma_wait3A_211, %dma_wait3A_212] : memref<125x80xi32, #tpu.memory_space<vmem>> -> memref<1x80xi32, #tpu.memory_space<vmem>>
      %dma_wait3A_214 = tpu.memref_squeeze %dma_wait3A_213 : memref<1x80xi32, #tpu.memory_space<vmem>> -> memref<80xi32, #tpu.memory_space<vmem>>
      %dma_wait3A_215 = arith.constant 0 : i32
      %dma_wait3A_216 = arith.constant 0 : i32
      %dma_wait3A_217 = tpu.memref_slice %arg12[%dma_wait3A_215, %dma_wait3A_216] : memref<5120x128xf32, #tpu.memory_space<vmem_shared>> -> memref<5120x128xf32, #tpu.memory_space<vmem_shared>>
      tpu.wait_indirect_dma semaphore(%arg18 : memref<!tpu.dma_semaphore, #tpu.memory_space<semaphore_mem>>) src(%arg11 : memref<80x128xf32, #tpu.memory_space<vmem>>) dst(%dma_wait3A_217 : memref<5120x128xf32, #tpu.memory_space<vmem_shared>>)
      %add3A_218 = arith.constant 2 : i32
      %add3A_219 = arith.addi %add3A_197, %add3A_218 : i32
      %dma_start3A_220 = arith.constant 0 : i32
      %dma_start3A_221 = tpu.memref_slice %arg7[%add3A_219, %dma_start3A_220] : memref<125x80xi32, #tpu.memory_space<vmem>> -> memref<1x80xi32, #tpu.memory_space<vmem>>
      %dma_start3A_222 = tpu.memref_squeeze %dma_start3A_221 : memref<1x80xi32, #tpu.memory_space<vmem>> -> memref<80xi32, #tpu.memory_space<vmem>>
      %dma_start3A_223 = arith.constant 0 : i32
      %dma_start3A_224 = arith.constant 0 : i32
      %dma_start3A_225 = tpu.memref_slice %arg2[%dma_start3A_223, %dma_start3A_224] : memref<10000x128xf32, #tpu.memory_space<hbm>> -> memref<10000x128xf32, #tpu.memory_space<hbm>>
      tpu.enqueue_indirect_dma source(%dma_start3A_225 : memref<10000x128xf32, #tpu.memory_space<hbm>>) target(%arg11 : memref<80x128xf32, #tpu.memory_space<vmem>>) offsets(%dma_start3A_222 : memref<80xi32, #tpu.memory_space<vmem>>) semaphore(%arg15 : memref<!tpu.dma_semaphore, #tpu.memory_space<semaphore_mem>>)
      %add3A_226 = arith.constant 1 : i32
      %add3A_227 = arith.addi %add3A_195, %add3A_226 : i32
      %dma_wait3A_228 = arith.constant 0 : i32
      %dma_wait3A_229 = arith.constant 0 : i32
      %dma_wait3A_230 = tpu.memref_slice %arg7[%dma_wait3A_228, %dma_wait3A_229] : memref<125x80xi32, #tpu.memory_space<vmem>> -> memref<1x80xi32, #tpu.memory_space<vmem>>
      %dma_wait3A_231 = tpu.memref_squeeze %dma_wait3A_230 : memref<1x80xi32, #tpu.memory_space<vmem>> -> memref<80xi32, #tpu.memory_space<vmem>>
      %dma_wait3A_232 = arith.constant 0 : i32
      %dma_wait3A_233 = arith.constant 0 : i32
      %dma_wait3A_234 = tpu.memref_slice %arg2[%dma_wait3A_232, %dma_wait3A_233] : memref<10000x128xf32, #tpu.memory_space<hbm>> -> memref<10000x128xf32, #tpu.memory_space<hbm>>
      tpu.wait_indirect_dma semaphore(%arg14 : memref<!tpu.dma_semaphore, #tpu.memory_space<semaphore_mem>>) src(%dma_wait3A_234 : memref<10000x128xf32, #tpu.memory_space<hbm>>) dst(%arg10 : memref<80x128xf32, #tpu.memory_space<vmem>>)
      %dma_start3A_235 = arith.constant 0 : i32
      %dma_start3A_236 = tpu.memref_slice %arg8[%add3A_227, %dma_start3A_235] : memref<125x80xi32, #tpu.memory_space<vmem>> -> memref<1x80xi32, #tpu.memory_space<vmem>>
      %dma_start3A_237 = tpu.memref_squeeze %dma_start3A_236 : memref<1x80xi32, #tpu.memory_space<vmem>> -> memref<80xi32, #tpu.memory_space<vmem>>
      %dma_start3A_238 = arith.constant 0 : i32
      %dma_start3A_239 = arith.constant 0 : i32
      %dma_start3A_240 = tpu.memref_slice %arg12[%dma_start3A_238, %dma_start3A_239] : memref<5120x128xf32, #tpu.memory_space<vmem_shared>> -> memref<5120x128xf32, #tpu.memory_space<vmem_shared>>
      tpu.enqueue_indirect_dma source(%arg10 : memref<80x128xf32, #tpu.memory_space<vmem>>) target(%dma_start3A_240 : memref<5120x128xf32, #tpu.memory_space<vmem_shared>>) offsets(%dma_start3A_237 : memref<80xi32, #tpu.memory_space<vmem>>) semaphore(%arg17 : memref<!tpu.dma_semaphore, #tpu.memory_space<semaphore_mem>>) {add = true}
      %dma_wait3A_241 = arith.constant 0 : i32
      %dma_wait3A_242 = arith.constant 0 : i32
      %dma_wait3A_243 = tpu.memref_slice %arg8[%dma_wait3A_241, %dma_wait3A_242] : memref<125x80xi32, #tpu.memory_space<vmem>> -> memref<1x80xi32, #tpu.memory_space<vmem>>
      %dma_wait3A_244 = tpu.memref_squeeze %dma_wait3A_243 : memref<1x80xi32, #tpu.memory_space<vmem>> -> memref<80xi32, #tpu.memory_space<vmem>>
      %dma_wait3A_245 = arith.constant 0 : i32
      %dma_wait3A_246 = arith.constant 0 : i32
      %dma_wait3A_247 = tpu.memref_slice %arg12[%dma_wait3A_245, %dma_wait3A_246] : memref<5120x128xf32, #tpu.memory_space<vmem_shared>> -> memref<5120x128xf32, #tpu.memory_space<vmem_shared>>
      tpu.wait_indirect_dma semaphore(%arg16 : memref<!tpu.dma_semaphore, #tpu.memory_space<semaphore_mem>>) src(%arg9 : memref<80x128xf32, #tpu.memory_space<vmem>>) dst(%dma_wait3A_247 : memref<5120x128xf32, #tpu.memory_space<vmem_shared>>)
      %add3A_248 = arith.constant 2 : i32
      %add3A_249 = arith.addi %add3A_227, %add3A_248 : i32
      %dma_start3A_250 = arith.constant 0 : i32
      %dma_start3A_251 = tpu.memref_slice %arg7[%add3A_249, %dma_start3A_250] : memref<125x80xi32, #tpu.memory_space<vmem>> -> memref<1x80xi32, #tpu.memory_space<vmem>>
      %dma_start3A_252 = tpu.memref_squeeze %dma_start3A_251 : memref<1x80xi32, #tpu.memory_space<vmem>> -> memref<80xi32, #tpu.memory_space<vmem>>
      %dma_start3A_253 = arith.constant 0 : i32
      %dma_start3A_254 = arith.constant 0 : i32
      %dma_start3A_255 = tpu.memref_slice %arg2[%dma_start3A_253, %dma_start3A_254] : memref<10000x128xf32, #tpu.memory_space<hbm>> -> memref<10000x128xf32, #tpu.memory_space<hbm>>
      tpu.enqueue_indirect_dma source(%dma_start3A_255 : memref<10000x128xf32, #tpu.memory_space<hbm>>) target(%arg9 : memref<80x128xf32, #tpu.memory_space<vmem>>) offsets(%dma_start3A_252 : memref<80xi32, #tpu.memory_space<vmem>>) semaphore(%arg13 : memref<!tpu.dma_semaphore, #tpu.memory_space<semaphore_mem>>)
      %add3A_256 = arith.constant 2 : i32
      %add3A_257 = arith.addi %add3A_195, %add3A_256 : i32
      %dma_wait3A_258 = arith.constant 0 : i32
      %dma_wait3A_259 = arith.constant 0 : i32
      %dma_wait3A_260 = tpu.memref_slice %arg7[%dma_wait3A_258, %dma_wait3A_259] : memref<125x80xi32, #tpu.memory_space<vmem>> -> memref<1x80xi32, #tpu.memory_space<vmem>>
      %dma_wait3A_261 = tpu.memref_squeeze %dma_wait3A_260 : memref<1x80xi32, #tpu.memory_space<vmem>> -> memref<80xi32, #tpu.memory_space<vmem>>
      %dma_wait3A_262 = arith.constant 0 : i32
      %dma_wait3A_263 = arith.constant 0 : i32
      %dma_wait3A_264 = tpu.memref_slice %arg2[%dma_wait3A_262, %dma_wait3A_263] : memref<10000x128xf32, #tpu.memory_space<hbm>> -> memref<10000x128xf32, #tpu.memory_space<hbm>>
      tpu.wait_indirect_dma semaphore(%arg15 : memref<!tpu.dma_semaphore, #tpu.memory_space<semaphore_mem>>) src(%dma_wait3A_264 : memref<10000x128xf32, #tpu.memory_space<hbm>>) dst(%arg11 : memref<80x128xf32, #tpu.memory_space<vmem>>)
      %dma_start3A_265 = arith.constant 0 : i32
      %dma_start3A_266 = tpu.memref_slice %arg8[%add3A_257, %dma_start3A_265] : memref<125x80xi32, #tpu.memory_space<vmem>> -> memref<1x80xi32, #tpu.memory_space<vmem>>
      %dma_start3A_267 = tpu.memref_squeeze %dma_start3A_266 : memref<1x80xi32, #tpu.memory_space<vmem>> -> memref<80xi32, #tpu.memory_space<vmem>>
      %dma_start3A_268 = arith.constant 0 : i32
      %dma_start3A_269 = arith.constant 0 : i32
      %dma_start3A_270 = tpu.memref_slice %arg12[%dma_start3A_268, %dma_start3A_269] : memref<5120x128xf32, #tpu.memory_space<vmem_shared>> -> memref<5120x128xf32, #tpu.memory_space<vmem_shared>>
      tpu.enqueue_indirect_dma source(%arg11 : memref<80x128xf32, #tpu.memory_space<vmem>>) target(%dma_start3A_270 : memref<5120x128xf32, #tpu.memory_space<vmem_shared>>) offsets(%dma_start3A_267 : memref<80xi32, #tpu.memory_space<vmem>>) semaphore(%arg18 : memref<!tpu.dma_semaphore, #tpu.memory_space<semaphore_mem>>) {add = true}
      %dma_wait3A_271 = arith.constant 0 : i32
      %dma_wait3A_272 = arith.constant 0 : i32
      %dma_wait3A_273 = tpu.memref_slice %arg8[%dma_wait3A_271, %dma_wait3A_272] : memref<125x80xi32, #tpu.memory_space<vmem>> -> memref<1x80xi32, #tpu.memory_space<vmem>>
      %dma_wait3A_274 = tpu.memref_squeeze %dma_wait3A_273 : memref<1x80xi32, #tpu.memory_space<vmem>> -> memref<80xi32, #tpu.memory_space<vmem>>
      %dma_wait3A_275 = arith.constant 0 : i32
      %dma_wait3A_276 = arith.constant 0 : i32
      %dma_wait3A_277 = tpu.memref_slice %arg12[%dma_wait3A_275, %dma_wait3A_276] : memref<5120x128xf32, #tpu.memory_space<vmem_shared>> -> memref<5120x128xf32, #tpu.memory_space<vmem_shared>>
      tpu.wait_indirect_dma semaphore(%arg17 : memref<!tpu.dma_semaphore, #tpu.memory_space<semaphore_mem>>) src(%arg10 : memref<80x128xf32, #tpu.memory_space<vmem>>) dst(%dma_wait3A_277 : memref<5120x128xf32, #tpu.memory_space<vmem_shared>>)
      %add3A_278 = arith.constant 2 : i32
      %add3A_279 = arith.addi %add3A_257, %add3A_278 : i32
      %dma_start3A_280 = arith.constant 0 : i32
      %dma_start3A_281 = tpu.memref_slice %arg7[%add3A_279, %dma_start3A_280] : memref<125x80xi32, #tpu.memory_space<vmem>> -> memref<1x80xi32, #tpu.memory_space<vmem>>
      %dma_start3A_282 = tpu.memref_squeeze %dma_start3A_281 : memref<1x80xi32, #tpu.memory_space<vmem>> -> memref<80xi32, #tpu.memory_space<vmem>>
      %dma_start3A_283 = arith.constant 0 : i32
      %dma_start3A_284 = arith.constant 0 : i32
      %dma_start3A_285 = tpu.memref_slice %arg2[%dma_start3A_283, %dma_start3A_284] : memref<10000x128xf32, #tpu.memory_space<hbm>> -> memref<10000x128xf32, #tpu.memory_space<hbm>>
      tpu.enqueue_indirect_dma source(%dma_start3A_285 : memref<10000x128xf32, #tpu.memory_space<hbm>>) target(%arg10 : memref<80x128xf32, #tpu.memory_space<vmem>>) offsets(%dma_start3A_282 : memref<80xi32, #tpu.memory_space<vmem>>) semaphore(%arg14 : memref<!tpu.dma_semaphore, #tpu.memory_space<semaphore_mem>>)
    }
    %scan3A_140 = arith.constant 40 : i32
    %dma_wait3A_141 = arith.constant 0 : i32
    %dma_wait3A_142 = arith.constant 0 : i32
    %dma_wait3A_143 = tpu.memref_slice %arg7[%dma_wait3A_141, %dma_wait3A_142] : memref<125x80xi32, #tpu.memory_space<vmem>> -> memref<1x80xi32, #tpu.memory_space<vmem>>
    %dma_wait3A_144 = tpu.memref_squeeze %dma_wait3A_143 : memref<1x80xi32, #tpu.memory_space<vmem>> -> memref<80xi32, #tpu.memory_space<vmem>>
    %dma_wait3A_145 = arith.constant 0 : i32
    %dma_wait3A_146 = arith.constant 0 : i32
    %dma_wait3A_147 = tpu.memref_slice %arg2[%dma_wait3A_145, %dma_wait3A_146] : memref<10000x128xf32, #tpu.memory_space<hbm>> -> memref<10000x128xf32, #tpu.memory_space<hbm>>
    tpu.wait_indirect_dma semaphore(%arg13 : memref<!tpu.dma_semaphore, #tpu.memory_space<semaphore_mem>>) src(%dma_wait3A_147 : memref<10000x128xf32, #tpu.memory_space<hbm>>) dst(%arg9 : memref<80x128xf32, #tpu.memory_space<vmem>>)
    %dma_start3A_148 = arith.constant 123 : i32
    %dma_start3A_149 = arith.constant 0 : i32
    %dma_start3A_150 = tpu.memref_slice %arg8[%dma_start3A_148, %dma_start3A_149] : memref<125x80xi32, #tpu.memory_space<vmem>> -> memref<1x80xi32, #tpu.memory_space<vmem>>
    %dma_start3A_151 = tpu.memref_squeeze %dma_start3A_150 : memref<1x80xi32, #tpu.memory_space<vmem>> -> memref<80xi32, #tpu.memory_space<vmem>>
    %dma_start3A_152 = arith.constant 0 : i32
    %dma_start3A_153 = arith.constant 0 : i32
    %dma_start3A_154 = tpu.memref_slice %arg12[%dma_start3A_152, %dma_start3A_153] : memref<5120x128xf32, #tpu.memory_space<vmem_shared>> -> memref<5120x128xf32, #tpu.memory_space<vmem_shared>>
    tpu.enqueue_indirect_dma source(%arg9 : memref<80x128xf32, #tpu.memory_space<vmem>>) target(%dma_start3A_154 : memref<5120x128xf32, #tpu.memory_space<vmem_shared>>) offsets(%dma_start3A_151 : memref<80xi32, #tpu.memory_space<vmem>>) semaphore(%arg16 : memref<!tpu.dma_semaphore, #tpu.memory_space<semaphore_mem>>) {add = true}
    %dma_wait3A_155 = arith.constant 0 : i32
    %dma_wait3A_156 = arith.constant 0 : i32
    %dma_wait3A_157 = tpu.memref_slice %arg7[%dma_wait3A_155, %dma_wait3A_156] : memref<125x80xi32, #tpu.memory_space<vmem>> -> memref<1x80xi32, #tpu.memory_space<vmem>>
    %dma_wait3A_158 = tpu.memref_squeeze %dma_wait3A_157 : memref<1x80xi32, #tpu.memory_space<vmem>> -> memref<80xi32, #tpu.memory_space<vmem>>
    %dma_wait3A_159 = arith.constant 0 : i32
    %dma_wait3A_160 = arith.constant 0 : i32
    %dma_wait3A_161 = tpu.memref_slice %arg2[%dma_wait3A_159, %dma_wait3A_160] : memref<10000x128xf32, #tpu.memory_space<hbm>> -> memref<10000x128xf32, #tpu.memory_space<hbm>>
    tpu.wait_indirect_dma semaphore(%arg14 : memref<!tpu.dma_semaphore, #tpu.memory_space<semaphore_mem>>) src(%dma_wait3A_161 : memref<10000x128xf32, #tpu.memory_space<hbm>>) dst(%arg10 : memref<80x128xf32, #tpu.memory_space<vmem>>)
    %dma_start3A_162 = arith.constant 124 : i32
    %dma_start3A_163 = arith.constant 0 : i32
    %dma_start3A_164 = tpu.memref_slice %arg8[%dma_start3A_162, %dma_start3A_163] : memref<125x80xi32, #tpu.memory_space<vmem>> -> memref<1x80xi32, #tpu.memory_space<vmem>>
    %dma_start3A_165 = tpu.memref_squeeze %dma_start3A_164 : memref<1x80xi32, #tpu.memory_space<vmem>> -> memref<80xi32, #tpu.memory_space<vmem>>
    %dma_start3A_166 = arith.constant 0 : i32
    %dma_start3A_167 = arith.constant 0 : i32
    %dma_start3A_168 = tpu.memref_slice %arg12[%dma_start3A_166, %dma_start3A_167] : memref<5120x128xf32, #tpu.memory_space<vmem_shared>> -> memref<5120x128xf32, #tpu.memory_space<vmem_shared>>
    tpu.enqueue_indirect_dma source(%arg10 : memref<80x128xf32, #tpu.memory_space<vmem>>) target(%dma_start3A_168 : memref<5120x128xf32, #tpu.memory_space<vmem_shared>>) offsets(%dma_start3A_165 : memref<80xi32, #tpu.memory_space<vmem>>) semaphore(%arg17 : memref<!tpu.dma_semaphore, #tpu.memory_space<semaphore_mem>>) {add = true}
    %dma_wait3A_169 = arith.constant 0 : i32
    %dma_wait3A_170 = arith.constant 0 : i32
    %dma_wait3A_171 = tpu.memref_slice %arg8[%dma_wait3A_169, %dma_wait3A_170] : memref<125x80xi32, #tpu.memory_space<vmem>> -> memref<1x80xi32, #tpu.memory_space<vmem>>
    %dma_wait3A_172 = tpu.memref_squeeze %dma_wait3A_171 : memref<1x80xi32, #tpu.memory_space<vmem>> -> memref<80xi32, #tpu.memory_space<vmem>>
    %dma_wait3A_173 = arith.constant 0 : i32
    %dma_wait3A_174 = arith.constant 0 : i32
    %dma_wait3A_175 = tpu.memref_slice %arg12[%dma_wait3A_173, %dma_wait3A_174] : memref<5120x128xf32, #tpu.memory_space<vmem_shared>> -> memref<5120x128xf32, #tpu.memory_space<vmem_shared>>
    tpu.wait_indirect_dma semaphore(%arg16 : memref<!tpu.dma_semaphore, #tpu.memory_space<semaphore_mem>>) src(%arg9 : memref<80x128xf32, #tpu.memory_space<vmem>>) dst(%dma_wait3A_175 : memref<5120x128xf32, #tpu.memory_space<vmem_shared>>)
    %dma_wait3A_176 = arith.constant 0 : i32
    %dma_wait3A_177 = arith.constant 0 : i32
    %dma_wait3A_178 = tpu.memref_slice %arg8[%dma_wait3A_176, %dma_wait3A_177] : memref<125x80xi32, #tpu.memory_space<vmem>> -> memref<1x80xi32, #tpu.memory_space<vmem>>
    %dma_wait3A_179 = tpu.memref_squeeze %dma_wait3A_178 : memref<1x80xi32, #tpu.memory_space<vmem>> -> memref<80xi32, #tpu.memory_space<vmem>>
    %dma_wait3A_180 = arith.constant 0 : i32
    %dma_wait3A_181 = arith.constant 0 : i32
    %dma_wait3A_182 = tpu.memref_slice %arg12[%dma_wait3A_180, %dma_wait3A_181] : memref<5120x128xf32, #tpu.memory_space<vmem_shared>> -> memref<5120x128xf32, #tpu.memory_space<vmem_shared>>
    tpu.wait_indirect_dma semaphore(%arg17 : memref<!tpu.dma_semaphore, #tpu.memory_space<semaphore_mem>>) src(%arg10 : memref<80x128xf32, #tpu.memory_space<vmem>>) dst(%dma_wait3A_182 : memref<5120x128xf32, #tpu.memory_space<vmem_shared>>)
    %dma_wait3A_183 = arith.constant 0 : i32
    %dma_wait3A_184 = arith.constant 0 : i32
    %dma_wait3A_185 = tpu.memref_slice %arg8[%dma_wait3A_183, %dma_wait3A_184] : memref<125x80xi32, #tpu.memory_space<vmem>> -> memref<1x80xi32, #tpu.memory_space<vmem>>
    %dma_wait3A_186 = tpu.memref_squeeze %dma_wait3A_185 : memref<1x80xi32, #tpu.memory_space<vmem>> -> memref<80xi32, #tpu.memory_space<vmem>>
    %dma_wait3A_187 = arith.constant 0 : i32
    %dma_wait3A_188 = arith.constant 0 : i32
    %dma_wait3A_189 = tpu.memref_slice %arg12[%dma_wait3A_187, %dma_wait3A_188] : memref<5120x128xf32, #tpu.memory_space<vmem_shared>> -> memref<5120x128xf32, #tpu.memory_space<vmem_shared>>
    tpu.wait_indirect_dma semaphore(%arg18 : memref<!tpu.dma_semaphore, #tpu.memory_space<semaphore_mem>>) src(%arg11 : memref<80x128xf32, #tpu.memory_space<vmem>>) dst(%dma_wait3A_189 : memref<5120x128xf32, #tpu.memory_space<vmem_shared>>)
    %barrier3A_190 = arith.constant 0 : index
    tpu.barrier barrier_id(%barrier3A_190)
    "tpu.region"() ({
      %run_scoped3A = tpu.sem_alloc : memref<!tpu.dma_semaphore, #tpu.memory_space<semaphore_mem>>
      %dma_start3A_191 = arith.constant 0 : i32
      %dma_start3A_192 = tpu.memref_slice %arg6[%add3A_45, %dma_start3A_191] : memref<10240x128xf32, #tpu.memory_space<hbm>> -> memref<320x128xf32, #tpu.memory_space<hbm>>
      %dma_start3A_193 = arith.constant 0 : i32
      %dma_start3A_194 = tpu.memref_slice %arg12[%mul3A_2, %dma_start3A_193] : memref<5120x128xf32, #tpu.memory_space<vmem_shared>> -> memref<320x128xf32, #tpu.memory_space<vmem_shared>>
      tpu.enqueue_dma source(%dma_start3A_194 : memref<320x128xf32, #tpu.memory_space<vmem_shared>>) target(%dma_start3A_192 : memref<320x128xf32, #tpu.memory_space<hbm>>) target_semaphore(%run_scoped3A : memref<!tpu.dma_semaphore, #tpu.memory_space<semaphore_mem>>)
      %dma_wait3A_195 = arith.constant 0 : i32
      %dma_wait3A_196 = tpu.memref_slice %arg6[%add3A_45, %dma_wait3A_195] : memref<10240x128xf32, #tpu.memory_space<hbm>> -> memref<320x128xf32, #tpu.memory_space<hbm>>
      %dma_wait3A_197 = arith.constant 0 : i32
      %dma_wait3A_198 = tpu.memref_slice %arg12[%mul3A_2, %dma_wait3A_197] : memref<5120x128xf32, #tpu.memory_space<vmem_shared>> -> memref<320x128xf32, #tpu.memory_space<vmem_shared>>
      tpu.wait_dma2 semaphore(%run_scoped3A : memref<!tpu.dma_semaphore, #tpu.memory_space<semaphore_mem>>) src(%dma_wait3A_198 : memref<320x128xf32, #tpu.memory_space<vmem_shared>>) dst(%dma_wait3A_196 : memref<320x128xf32, #tpu.memory_space<hbm>>)
      tpu.yield
    }) : () -> ()
    return
  }
}

#map = affine_map<(d0, d1) -> (0, 0, 0)>
#map1 = affine_map<(d0, d1) -> (0, 0)>
module attributes {stable_mosaic.version = 14 : i64} {
  func.func @_sc_deg_body(%arg0: i32, %arg1: i32, %arg2: memref<32x125x80xi32, #tpu.memory_space<hbm>>, %arg3: memref<1x40xi32, #tpu.memory_space<hbm>>, %arg4: memref<40x128xf32, #tpu.memory_space<hbm>>, %arg5: memref<2x40x128xf32, #tpu.memory_space<hbm>>, %arg6: memref<125x80xi32, #tpu.memory_space<vmem>>, %arg7: memref<1x40xi32, #tpu.memory_space<vmem>>, %arg8: memref<40x128xf32, #tpu.memory_space<vmem>>, %arg9: memref<40x128xf32, #tpu.memory_space<vmem_shared>>) attributes {dimension_semantics = [#tpu.dimension_semantics<core_parallel>, #tpu.dimension_semantics<subcore_parallel>], iteration_bounds = array<i64: 2, 16>, scalar_prefetch = 0 : i64, scratch_operands = 4 : i64, tpu.core_type = #tpu.core_type<sc_vector_subcore>, window_params = [{transform_indices = #map}, {transform_indices = #map1}, {transform_indices = #map1}, {transform_indices = #map}]} {
    %mul3A = arith.constant 16 : i32
    %mul3A_0 = arith.muli %arg0, %mul3A : i32
    %add3A = arith.addi %mul3A_0, %arg1 : i32
    "tpu.region"() ({
      %run_scoped3A_57 = tpu.sem_alloc : memref<!tpu.dma_semaphore, #tpu.memory_space<semaphore_mem>>
      %dma_start3A = arith.constant 0 : i32
      %dma_start3A_58 = arith.constant 0 : i32
      %dma_start3A_59 = tpu.memref_slice %arg2[%add3A, %dma_start3A, %dma_start3A_58] : memref<32x125x80xi32, #tpu.memory_space<hbm>> -> memref<1x125x80xi32, #tpu.memory_space<hbm>>
      %dma_start3A_60 = tpu.memref_squeeze %dma_start3A_59 : memref<1x125x80xi32, #tpu.memory_space<hbm>> -> memref<125x80xi32, #tpu.memory_space<hbm>>
      %dma_start3A_61 = arith.constant 0 : i32
      %dma_start3A_62 = arith.constant 0 : i32
      %dma_start3A_63 = tpu.memref_slice %arg2[%add3A, %dma_start3A_61, %dma_start3A_62] : memref<32x125x80xi32, #tpu.memory_space<hbm>> -> memref<1x125x80xi32, #tpu.memory_space<hbm>>
      %dma_start3A_64 = tpu.memref_squeeze %dma_start3A_63 : memref<1x125x80xi32, #tpu.memory_space<hbm>> -> memref<125x80xi32, #tpu.memory_space<hbm>>
      tpu.enqueue_dma source(%dma_start3A_64 : memref<125x80xi32, #tpu.memory_space<hbm>>) target(%arg6 : memref<125x80xi32, #tpu.memory_space<vmem>>) target_semaphore(%run_scoped3A_57 : memref<!tpu.dma_semaphore, #tpu.memory_space<semaphore_mem>>)
      %dma_wait3A = arith.constant 0 : i32
      %dma_wait3A_65 = arith.constant 0 : i32
      %dma_wait3A_66 = tpu.memref_slice %arg2[%add3A, %dma_wait3A, %dma_wait3A_65] : memref<32x125x80xi32, #tpu.memory_space<hbm>> -> memref<1x125x80xi32, #tpu.memory_space<hbm>>
      %dma_wait3A_67 = tpu.memref_squeeze %dma_wait3A_66 : memref<1x125x80xi32, #tpu.memory_space<hbm>> -> memref<125x80xi32, #tpu.memory_space<hbm>>
      %dma_wait3A_68 = arith.constant 0 : i32
      %dma_wait3A_69 = arith.constant 0 : i32
      %dma_wait3A_70 = tpu.memref_slice %arg2[%add3A, %dma_wait3A_68, %dma_wait3A_69] : memref<32x125x80xi32, #tpu.memory_space<hbm>> -> memref<1x125x80xi32, #tpu.memory_space<hbm>>
      %dma_wait3A_71 = tpu.memref_squeeze %dma_wait3A_70 : memref<1x125x80xi32, #tpu.memory_space<hbm>> -> memref<125x80xi32, #tpu.memory_space<hbm>>
      tpu.wait_dma2 semaphore(%run_scoped3A_57 : memref<!tpu.dma_semaphore, #tpu.memory_space<semaphore_mem>>) src(%dma_wait3A_71 : memref<125x80xi32, #tpu.memory_space<hbm>>) dst(%arg6 : memref<125x80xi32, #tpu.memory_space<vmem>>)
      tpu.yield
    }) : () -> ()
    "tpu.region"() ({
      %run_scoped3A_57 = tpu.sem_alloc : memref<!tpu.dma_semaphore, #tpu.memory_space<semaphore_mem>>
      tpu.enqueue_dma source(%arg3 : memref<1x40xi32, #tpu.memory_space<hbm>>) target(%arg7 : memref<1x40xi32, #tpu.memory_space<vmem>>) target_semaphore(%run_scoped3A_57 : memref<!tpu.dma_semaphore, #tpu.memory_space<semaphore_mem>>)
      tpu.wait_dma2 semaphore(%run_scoped3A_57 : memref<!tpu.dma_semaphore, #tpu.memory_space<semaphore_mem>>) src(%arg3 : memref<1x40xi32, #tpu.memory_space<hbm>>) dst(%arg7 : memref<1x40xi32, #tpu.memory_space<vmem>>)
      tpu.yield
    }) : () -> ()
    %jit3A = arith.constant 8 : i32
    %div3A = arith.divsi %add3A, %jit3A : i32
    %sign3A = arith.constant 0 : i32
    %sign3A_1 = arith.cmpi sgt, %add3A, %sign3A : i32
    %sign3A_2 = arith.extui %sign3A_1 : i1 to i32
    %sign3A_3 = arith.constant 0 : i32
    %sign3A_4 = arith.cmpi slt, %add3A, %sign3A_3 : i32
    %sign3A_5 = arith.extui %sign3A_4 : i1 to i32
    %sign3A_6 = arith.subi %sign3A_2, %sign3A_5 : i32
    %sign3A_7 = arith.constant 0 : i32
    %sign3A_8 = arith.cmpi sgt, %jit3A, %sign3A_7 : i32
    %sign3A_9 = arith.extui %sign3A_8 : i1 to i32
    %sign3A_10 = arith.constant 0 : i32
    %sign3A_11 = arith.cmpi slt, %jit3A, %sign3A_10 : i32
    %sign3A_12 = arith.extui %sign3A_11 : i1 to i32
    %sign3A_13 = arith.subi %sign3A_9, %sign3A_12 : i32
    %ne3A = arith.cmpi ne, %sign3A_6, %sign3A_13 : i32
    %rem3A = arith.remsi %add3A, %jit3A : i32
    %ne3A_14 = arith.constant 0 : i32
    %ne3A_15 = arith.cmpi ne, %rem3A, %ne3A_14 : i32
    %and3A = arith.andi %ne3A, %ne3A_15 : i1
    %sub3A = arith.constant 1 : i32
    %sub3A_16 = arith.subi %div3A, %sub3A : i32
    %select_n3A = arith.select %and3A, %sub3A_16, %div3A : i32
    %jit3A_17 = arith.constant 2 : i32
    %eq3A = arith.constant 0 : i32
    %eq3A_18 = arith.cmpi eq, %jit3A_17, %eq3A : i32
    %jit3A_19 = arith.constant 1 : i32
    %select_n3A_20 = arith.select %eq3A_18, %jit3A_19, %jit3A_17 : i32
    %rem3A_21 = arith.remsi %select_n3A, %select_n3A_20 : i32
    %ne3A_22 = arith.constant 0 : i32
    %ne3A_23 = arith.cmpi ne, %rem3A_21, %ne3A_22 : i32
    %lt3A = arith.constant 0 : i32
    %lt3A_24 = arith.cmpi slt, %rem3A_21, %lt3A : i32
    %lt3A_25 = arith.constant 0 : i32
    %lt3A_26 = arith.cmpi slt, %select_n3A_20, %lt3A_25 : i32
    %ne3A_27 = arith.xori %lt3A_24, %lt3A_26 : i1
    %and3A_28 = arith.andi %ne3A_27, %ne3A_23 : i1
    %add3A_29 = arith.addi %rem3A_21, %select_n3A_20 : i32
    %select_n3A_30 = arith.select %and3A_28, %add3A_29, %rem3A_21 : i32
    %mul3A_31 = arith.constant 2500 : i32
    %mul3A_32 = arith.muli %select_n3A_30, %mul3A_31 : i32
    %broadcast_in_dim3A = vector.broadcast %mul3A_32 : i32 to vector<16xi32>
    %eq3A_33 = arith.constant 0 : i32
    %eq3A_34 = arith.cmpi eq, %arg1, %eq3A_33 : i32
    %convert_element_type3A = arith.extui %eq3A_34 : i1 to i32
    %cond3A = arith.constant 0 : i32
    %cond3A_35 = arith.cmpi ne, %convert_element_type3A, %cond3A : i32
    scf.if %cond3A_35 {
      "tpu.region"() ({
        %run_scoped3A_57 = tpu.sem_alloc : memref<!tpu.dma_semaphore, #tpu.memory_space<semaphore_mem>>
        tpu.enqueue_dma source(%arg4 : memref<40x128xf32, #tpu.memory_space<hbm>>) target(%arg9 : memref<40x128xf32, #tpu.memory_space<vmem_shared>>) target_semaphore(%run_scoped3A_57 : memref<!tpu.dma_semaphore, #tpu.memory_space<semaphore_mem>>)
        tpu.wait_dma2 semaphore(%run_scoped3A_57 : memref<!tpu.dma_semaphore, #tpu.memory_space<semaphore_mem>>) src(%arg4 : memref<40x128xf32, #tpu.memory_space<hbm>>) dst(%arg9 : memref<40x128xf32, #tpu.memory_space<vmem_shared>>)
        tpu.yield
      }) : () -> ()
    } else {
    }
    %broadcast_in_dim3A_36 = arith.constant 0.000000e+00 : f32
    %broadcast_in_dim3A_37 = vector.broadcast %broadcast_in_dim3A_36 : f32 to vector<16xf32>
    %scan3A = arith.constant 0 : i32
    %scan3A_38 = arith.constant 0 : i32
    %scan3A_39 = arith.constant 40 : i32
    %scan3A_40 = arith.addi %scan3A_38, %scan3A_39 : i32
    %scan3A_41 = arith.constant 1 : i32
    scf.for %scan3A_57 = %scan3A_38 to %scan3A_40 step %scan3A_41  : i32 {
      %swap3A = arith.index_cast %scan3A_57 : i32 to index
      %swap3A_58 = arith.constant 0 : index
      %swap3A_59 = tpu.vector_load %arg8[%swap3A, %swap3A_58] {strides = array<i32>} : memref<40x128xf32, #tpu.memory_space<vmem>>, vector<16xf32>,
      tpu.vector_store %arg8[%swap3A, %swap3A_58], %broadcast_in_dim3A_37 {strides = array<i32>} : memref<40x128xf32, #tpu.memory_space<vmem>>, vector<16xf32>,
      %swap3A_60 = arith.index_cast %scan3A_57 : i32 to index
      %swap3A_61 = arith.constant 16 : index
      %swap3A_62 = tpu.vector_load %arg8[%swap3A_60, %swap3A_61] {strides = array<i32>} : memref<40x128xf32, #tpu.memory_space<vmem>>, vector<16xf32>,
      tpu.vector_store %arg8[%swap3A_60, %swap3A_61], %broadcast_in_dim3A_37 {strides = array<i32>} : memref<40x128xf32, #tpu.memory_space<vmem>>, vector<16xf32>,
      %swap3A_63 = arith.index_cast %scan3A_57 : i32 to index
      %swap3A_64 = arith.constant 32 : index
      %swap3A_65 = tpu.vector_load %arg8[%swap3A_63, %swap3A_64] {strides = array<i32>} : memref<40x128xf32, #tpu.memory_space<vmem>>, vector<16xf32>,
      tpu.vector_store %arg8[%swap3A_63, %swap3A_64], %broadcast_in_dim3A_37 {strides = array<i32>} : memref<40x128xf32, #tpu.memory_space<vmem>>, vector<16xf32>,
      %swap3A_66 = arith.index_cast %scan3A_57 : i32 to index
      %swap3A_67 = arith.constant 48 : index
      %swap3A_68 = tpu.vector_load %arg8[%swap3A_66, %swap3A_67] {strides = array<i32>} : memref<40x128xf32, #tpu.memory_space<vmem>>, vector<16xf32>,
      tpu.vector_store %arg8[%swap3A_66, %swap3A_67], %broadcast_in_dim3A_37 {strides = array<i32>} : memref<40x128xf32, #tpu.memory_space<vmem>>, vector<16xf32>,
      %swap3A_69 = arith.index_cast %scan3A_57 : i32 to index
      %swap3A_70 = arith.constant 64 : index
      %swap3A_71 = tpu.vector_load %arg8[%swap3A_69, %swap3A_70] {strides = array<i32>} : memref<40x128xf32, #tpu.memory_space<vmem>>, vector<16xf32>,
      tpu.vector_store %arg8[%swap3A_69, %swap3A_70], %broadcast_in_dim3A_37 {strides = array<i32>} : memref<40x128xf32, #tpu.memory_space<vmem>>, vector<16xf32>,
      %swap3A_72 = arith.index_cast %scan3A_57 : i32 to index
      %swap3A_73 = arith.constant 80 : index
      %swap3A_74 = tpu.vector_load %arg8[%swap3A_72, %swap3A_73] {strides = array<i32>} : memref<40x128xf32, #tpu.memory_space<vmem>>, vector<16xf32>,
      tpu.vector_store %arg8[%swap3A_72, %swap3A_73], %broadcast_in_dim3A_37 {strides = array<i32>} : memref<40x128xf32, #tpu.memory_space<vmem>>, vector<16xf32>,
      %swap3A_75 = arith.index_cast %scan3A_57 : i32 to index
      %swap3A_76 = arith.constant 96 : index
      %swap3A_77 = tpu.vector_load %arg8[%swap3A_75, %swap3A_76] {strides = array<i32>} : memref<40x128xf32, #tpu.memory_space<vmem>>, vector<16xf32>,
      tpu.vector_store %arg8[%swap3A_75, %swap3A_76], %broadcast_in_dim3A_37 {strides = array<i32>} : memref<40x128xf32, #tpu.memory_space<vmem>>, vector<16xf32>,
      %swap3A_78 = arith.index_cast %scan3A_57 : i32 to index
      %swap3A_79 = arith.constant 112 : index
      %swap3A_80 = tpu.vector_load %arg8[%swap3A_78, %swap3A_79] {strides = array<i32>} : memref<40x128xf32, #tpu.memory_space<vmem>>, vector<16xf32>,
      tpu.vector_store %arg8[%swap3A_78, %swap3A_79], %broadcast_in_dim3A_37 {strides = array<i32>} : memref<40x128xf32, #tpu.memory_space<vmem>>, vector<16xf32>,
    }
    %scan3A_42 = arith.constant 40 : i32
    %broadcast_in_dim3A_43 = arith.constant 1.000000e+00 : f32
    %broadcast_in_dim3A_44 = vector.broadcast %broadcast_in_dim3A_43 : f32 to vector<16xf32>
    %scan3A_45 = arith.constant 0 : i32
    %scan3A_46 = arith.constant 0 : i32
    %scan3A_47 = arith.constant 125 : i32
    %scan3A_48 = arith.addi %scan3A_46, %scan3A_47 : i32
    %scan3A_49 = arith.constant 1 : i32
    scf.for %scan3A_57 = %scan3A_46 to %scan3A_48 step %scan3A_49  : i32 {
      %get3A = arith.index_cast %scan3A_57 : i32 to index
      %get3A_58 = arith.constant 0 : index
      %get3A_59 = tpu.vector_load %arg6[%get3A, %get3A_58] {strides = array<i32>} : memref<125x80xi32, #tpu.memory_space<vmem>>, vector<16xi32>,
      %add3A_60 = arith.addi %get3A_59, %broadcast_in_dim3A : vector<16xi32>
      %shift_right_logical3A = arith.constant 7 : i32
      %shift_right_logical3A_61 = vector.broadcast %shift_right_logical3A : i32 to vector<16xi32>
      %shift_right_logical3A_62 = arith.shrui %add3A_60, %shift_right_logical3A_61 : vector<16xi32>
      %and3A_63 = arith.constant 127 : i32
      %and3A_64 = vector.broadcast %and3A_63 : i32 to vector<16xi32>
      %and3A_65 = arith.andi %add3A_60, %and3A_64 : vector<16xi32>
      tpu.vector_store_idx %arg8[%shift_right_logical3A_62, %and3A_65], %broadcast_in_dim3A_44 {add = true} : memref<40x128xf32, #tpu.memory_space<vmem>>[vector<16xi32>, vector<16xi32>], vector<16xf32>,
      %get3A_66 = arith.index_cast %scan3A_57 : i32 to index
      %get3A_67 = arith.constant 16 : index
      %get3A_68 = tpu.vector_load %arg6[%get3A_66, %get3A_67] {strides = array<i32>} : memref<125x80xi32, #tpu.memory_space<vmem>>, vector<16xi32>,
      %add3A_69 = arith.addi %get3A_68, %broadcast_in_dim3A : vector<16xi32>
      %shift_right_logical3A_70 = arith.constant 7 : i32
      %shift_right_logical3A_71 = vector.broadcast %shift_right_logical3A_70 : i32 to vector<16xi32>
      %shift_right_logical3A_72 = arith.shrui %add3A_69, %shift_right_logical3A_71 : vector<16xi32>
      %and3A_73 = arith.constant 127 : i32
      %and3A_74 = vector.broadcast %and3A_73 : i32 to vector<16xi32>
      %and3A_75 = arith.andi %add3A_69, %and3A_74 : vector<16xi32>
      tpu.vector_store_idx %arg8[%shift_right_logical3A_72, %and3A_75], %broadcast_in_dim3A_44 {add = true} : memref<40x128xf32, #tpu.memory_space<vmem>>[vector<16xi32>, vector<16xi32>], vector<16xf32>,
      %get3A_76 = arith.index_cast %scan3A_57 : i32 to index
      %get3A_77 = arith.constant 32 : index
      %get3A_78 = tpu.vector_load %arg6[%get3A_76, %get3A_77] {strides = array<i32>} : memref<125x80xi32, #tpu.memory_space<vmem>>, vector<16xi32>,
      %add3A_79 = arith.addi %get3A_78, %broadcast_in_dim3A : vector<16xi32>
      %shift_right_logical3A_80 = arith.constant 7 : i32
      %shift_right_logical3A_81 = vector.broadcast %shift_right_logical3A_80 : i32 to vector<16xi32>
      %shift_right_logical3A_82 = arith.shrui %add3A_79, %shift_right_logical3A_81 : vector<16xi32>
      %and3A_83 = arith.constant 127 : i32
      %and3A_84 = vector.broadcast %and3A_83 : i32 to vector<16xi32>
      %and3A_85 = arith.andi %add3A_79, %and3A_84 : vector<16xi32>
      tpu.vector_store_idx %arg8[%shift_right_logical3A_82, %and3A_85], %broadcast_in_dim3A_44 {add = true} : memref<40x128xf32, #tpu.memory_space<vmem>>[vector<16xi32>, vector<16xi32>], vector<16xf32>,
      %get3A_86 = arith.index_cast %scan3A_57 : i32 to index
      %get3A_87 = arith.constant 48 : index
      %get3A_88 = tpu.vector_load %arg6[%get3A_86, %get3A_87] {strides = array<i32>} : memref<125x80xi32, #tpu.memory_space<vmem>>, vector<16xi32>,
      %add3A_89 = arith.addi %get3A_88, %broadcast_in_dim3A : vector<16xi32>
      %shift_right_logical3A_90 = arith.constant 7 : i32
      %shift_right_logical3A_91 = vector.broadcast %shift_right_logical3A_90 : i32 to vector<16xi32>
      %shift_right_logical3A_92 = arith.shrui %add3A_89, %shift_right_logical3A_91 : vector<16xi32>
      %and3A_93 = arith.constant 127 : i32
      %and3A_94 = vector.broadcast %and3A_93 : i32 to vector<16xi32>
      %and3A_95 = arith.andi %add3A_89, %and3A_94 : vector<16xi32>
      tpu.vector_store_idx %arg8[%shift_right_logical3A_92, %and3A_95], %broadcast_in_dim3A_44 {add = true} : memref<40x128xf32, #tpu.memory_space<vmem>>[vector<16xi32>, vector<16xi32>], vector<16xf32>,
      %get3A_96 = arith.index_cast %scan3A_57 : i32 to index
      %get3A_97 = arith.constant 64 : index
      %get3A_98 = tpu.vector_load %arg6[%get3A_96, %get3A_97] {strides = array<i32>} : memref<125x80xi32, #tpu.memory_space<vmem>>, vector<16xi32>,
      %add3A_99 = arith.addi %get3A_98, %broadcast_in_dim3A : vector<16xi32>
      %shift_right_logical3A_100 = arith.constant 7 : i32
      %shift_right_logical3A_101 = vector.broadcast %shift_right_logical3A_100 : i32 to vector<16xi32>
      %shift_right_logical3A_102 = arith.shrui %add3A_99, %shift_right_logical3A_101 : vector<16xi32>
      %and3A_103 = arith.constant 127 : i32
      %and3A_104 = vector.broadcast %and3A_103 : i32 to vector<16xi32>
      %and3A_105 = arith.andi %add3A_99, %and3A_104 : vector<16xi32>
      tpu.vector_store_idx %arg8[%shift_right_logical3A_102, %and3A_105], %broadcast_in_dim3A_44 {add = true} : memref<40x128xf32, #tpu.memory_space<vmem>>[vector<16xi32>, vector<16xi32>], vector<16xf32>,
    }
    %scan3A_50 = arith.constant 125 : i32
    %barrier3A = arith.constant 0 : index
    tpu.barrier barrier_id(%barrier3A)
    %run_scoped3A = arith.constant 0 : i32
    "tpu.region"() ({
      %run_scoped3A_57 = tpu.sem_alloc : memref<!tpu.dma_semaphore, #tpu.memory_space<semaphore_mem>>
      %dma_start3A = arith.constant 0 : i32
      %dma_start3A_58 = tpu.memref_slice %arg7[%run_scoped3A, %dma_start3A] : memref<1x40xi32, #tpu.memory_space<vmem>> -> memref<1x40xi32, #tpu.memory_space<vmem>>
      %dma_start3A_59 = tpu.memref_squeeze %dma_start3A_58 : memref<1x40xi32, #tpu.memory_space<vmem>> -> memref<40xi32, #tpu.memory_space<vmem>>
      %dma_start3A_60 = arith.constant 0 : i32
      %dma_start3A_61 = arith.constant 0 : i32
      %dma_start3A_62 = tpu.memref_slice %arg9[%dma_start3A_60, %dma_start3A_61] : memref<40x128xf32, #tpu.memory_space<vmem_shared>> -> memref<40x128xf32, #tpu.memory_space<vmem_shared>>
      tpu.enqueue_indirect_dma source(%arg8 : memref<40x128xf32, #tpu.memory_space<vmem>>) target(%dma_start3A_62 : memref<40x128xf32, #tpu.memory_space<vmem_shared>>) offsets(%dma_start3A_59 : memref<40xi32, #tpu.memory_space<vmem>>) semaphore(%run_scoped3A_57 : memref<!tpu.dma_semaphore, #tpu.memory_space<semaphore_mem>>) {add = true}
      %dma_wait3A = arith.constant 0 : i32
      %dma_wait3A_63 = tpu.memref_slice %arg7[%run_scoped3A, %dma_wait3A] : memref<1x40xi32, #tpu.memory_space<vmem>> -> memref<1x40xi32, #tpu.memory_space<vmem>>
      %dma_wait3A_64 = tpu.memref_squeeze %dma_wait3A_63 : memref<1x40xi32, #tpu.memory_space<vmem>> -> memref<40xi32, #tpu.memory_space<vmem>>
      %dma_wait3A_65 = arith.constant 0 : i32
      %dma_wait3A_66 = arith.constant 0 : i32
      %dma_wait3A_67 = tpu.memref_slice %arg9[%dma_wait3A_65, %dma_wait3A_66] : memref<40x128xf32, #tpu.memory_space<vmem_shared>> -> memref<40x128xf32, #tpu.memory_space<vmem_shared>>
      tpu.wait_indirect_dma semaphore(%run_scoped3A_57 : memref<!tpu.dma_semaphore, #tpu.memory_space<semaphore_mem>>) src(%arg8 : memref<40x128xf32, #tpu.memory_space<vmem>>) dst(%dma_wait3A_67 : memref<40x128xf32, #tpu.memory_space<vmem_shared>>)
      tpu.yield
    }) : () -> ()
    %barrier3A_51 = arith.constant 0 : index
    tpu.barrier barrier_id(%barrier3A_51)
    %eq3A_52 = arith.constant 0 : i32
    %eq3A_53 = arith.cmpi eq, %arg1, %eq3A_52 : i32
    %convert_element_type3A_54 = arith.extui %eq3A_53 : i1 to i32
    %cond3A_55 = arith.constant 0 : i32
    %cond3A_56 = arith.cmpi ne, %convert_element_type3A_54, %cond3A_55 : i32
    scf.if %cond3A_56 {
      "tpu.region"() ({
        %run_scoped3A_57 = tpu.sem_alloc : memref<!tpu.dma_semaphore, #tpu.memory_space<semaphore_mem>>
        %dma_start3A = arith.constant 0 : i32
        %dma_start3A_58 = arith.constant 0 : i32
        %dma_start3A_59 = tpu.memref_slice %arg5[%arg0, %dma_start3A, %dma_start3A_58] : memref<2x40x128xf32, #tpu.memory_space<hbm>> -> memref<1x40x128xf32, #tpu.memory_space<hbm>>
        %dma_start3A_60 = tpu.memref_squeeze %dma_start3A_59 : memref<1x40x128xf32, #tpu.memory_space<hbm>> -> memref<40x128xf32, #tpu.memory_space<hbm>>
        tpu.enqueue_dma source(%arg9 : memref<40x128xf32, #tpu.memory_space<vmem_shared>>) target(%dma_start3A_60 : memref<40x128xf32, #tpu.memory_space<hbm>>) target_semaphore(%run_scoped3A_57 : memref<!tpu.dma_semaphore, #tpu.memory_space<semaphore_mem>>)
        %dma_wait3A = arith.constant 0 : i32
        %dma_wait3A_61 = arith.constant 0 : i32
        %dma_wait3A_62 = tpu.memref_slice %arg5[%arg0, %dma_wait3A, %dma_wait3A_61] : memref<2x40x128xf32, #tpu.memory_space<hbm>> -> memref<1x40x128xf32, #tpu.memory_space<hbm>>
        %dma_wait3A_63 = tpu.memref_squeeze %dma_wait3A_62 : memref<1x40x128xf32, #tpu.memory_space<hbm>> -> memref<40x128xf32, #tpu.memory_space<hbm>>
        tpu.wait_dma2 semaphore(%run_scoped3A_57 : memref<!tpu.dma_semaphore, #tpu.memory_space<semaphore_mem>>) src(%arg9 : memref<40x128xf32, #tpu.memory_space<vmem_shared>>) dst(%dma_wait3A_63 : memref<40x128xf32, #tpu.memory_space<hbm>>)
        tpu.yield
      }) : () -> ()
    } else {
    }
    return
  }
}

#map = affine_map<(d0, d1) -> (0, 0)>
#map1 = affine_map<(d0, d1) -> (0, 0, 0)>
module attributes {stable_mosaic.version = 14 : i64} {
  func.func @body(%arg0: i32, %arg1: i32, %arg2: memref<10240x128xf32, #tpu.memory_space<hbm>>, %arg3: memref<10240x128xf32, #tpu.memory_space<hbm>>, %arg4: memref<32x125x80xi32, #tpu.memory_space<hbm>>, %arg5: memref<32x125x80xi32, #tpu.memory_space<hbm>>, %arg6: memref<320x128xf32, #tpu.memory_space<hbm>>, %arg7: memref<10240x128xf32, #tpu.memory_space<hbm>>, %arg8: memref<10240x128xf32, #tpu.memory_space<hbm>>, %arg9: memref<125x80xi32, #tpu.memory_space<vmem>>, %arg10: memref<125x80xi32, #tpu.memory_space<vmem>>, %arg11: memref<80x128xf32, #tpu.memory_space<vmem>>, %arg12: memref<80x128xf32, #tpu.memory_space<vmem>>, %arg13: memref<80x128xf32, #tpu.memory_space<vmem>>, %arg14: memref<5120x128xf32, #tpu.memory_space<vmem_shared>>, %arg15: memref<!tpu.dma_semaphore, #tpu.memory_space<semaphore_mem>>, %arg16: memref<!tpu.dma_semaphore, #tpu.memory_space<semaphore_mem>>, %arg17: memref<!tpu.dma_semaphore, #tpu.memory_space<semaphore_mem>>, %arg18: memref<!tpu.dma_semaphore, #tpu.memory_space<semaphore_mem>>, %arg19: memref<!tpu.dma_semaphore, #tpu.memory_space<semaphore_mem>>, %arg20: memref<!tpu.dma_semaphore, #tpu.memory_space<semaphore_mem>>) attributes {dimension_semantics = [#tpu.dimension_semantics<core_parallel>, #tpu.dimension_semantics<subcore_parallel>], iteration_bounds = array<i64: 2, 16>, scalar_prefetch = 0 : i64, scratch_operands = 12 : i64, tpu.core_type = #tpu.core_type<sc_vector_subcore>, window_params = [{transform_indices = #map}, {transform_indices = #map}, {transform_indices = #map1}, {transform_indices = #map1}, {transform_indices = #map}, {transform_indices = #map}, {transform_indices = #map}]} {
    %mul3A = arith.constant 16 : i32
    %mul3A_0 = arith.muli %arg0, %mul3A : i32
    %add3A = arith.addi %mul3A_0, %arg1 : i32
    %mul3A_1 = arith.constant 320 : i32
    %mul3A_2 = arith.muli %arg1, %mul3A_1 : i32
    "tpu.region"() ({
      %run_scoped3A = tpu.sem_alloc : memref<!tpu.dma_semaphore, #tpu.memory_space<semaphore_mem>>
      %dma_start3A_382 = arith.constant 0 : i32
      %dma_start3A_383 = arith.constant 0 : i32
      %dma_start3A_384 = tpu.memref_slice %arg4[%add3A, %dma_start3A_382, %dma_start3A_383] : memref<32x125x80xi32, #tpu.memory_space<hbm>> -> memref<1x125x80xi32, #tpu.memory_space<hbm>>
      %dma_start3A_385 = tpu.memref_squeeze %dma_start3A_384 : memref<1x125x80xi32, #tpu.memory_space<hbm>> -> memref<125x80xi32, #tpu.memory_space<hbm>>
      %dma_start3A_386 = arith.constant 0 : i32
      %dma_start3A_387 = arith.constant 0 : i32
      %dma_start3A_388 = tpu.memref_slice %arg4[%add3A, %dma_start3A_386, %dma_start3A_387] : memref<32x125x80xi32, #tpu.memory_space<hbm>> -> memref<1x125x80xi32, #tpu.memory_space<hbm>>
      %dma_start3A_389 = tpu.memref_squeeze %dma_start3A_388 : memref<1x125x80xi32, #tpu.memory_space<hbm>> -> memref<125x80xi32, #tpu.memory_space<hbm>>
      tpu.enqueue_dma source(%dma_start3A_389 : memref<125x80xi32, #tpu.memory_space<hbm>>) target(%arg9 : memref<125x80xi32, #tpu.memory_space<vmem>>) target_semaphore(%run_scoped3A : memref<!tpu.dma_semaphore, #tpu.memory_space<semaphore_mem>>)
      %dma_wait3A_390 = arith.constant 0 : i32
      %dma_wait3A_391 = arith.constant 0 : i32
      %dma_wait3A_392 = tpu.memref_slice %arg4[%add3A, %dma_wait3A_390, %dma_wait3A_391] : memref<32x125x80xi32, #tpu.memory_space<hbm>> -> memref<1x125x80xi32, #tpu.memory_space<hbm>>
      %dma_wait3A_393 = tpu.memref_squeeze %dma_wait3A_392 : memref<1x125x80xi32, #tpu.memory_space<hbm>> -> memref<125x80xi32, #tpu.memory_space<hbm>>
      %dma_wait3A_394 = arith.constant 0 : i32
      %dma_wait3A_395 = arith.constant 0 : i32
      %dma_wait3A_396 = tpu.memref_slice %arg4[%add3A, %dma_wait3A_394, %dma_wait3A_395] : memref<32x125x80xi32, #tpu.memory_space<hbm>> -> memref<1x125x80xi32, #tpu.memory_space<hbm>>
      %dma_wait3A_397 = tpu.memref_squeeze %dma_wait3A_396 : memref<1x125x80xi32, #tpu.memory_space<hbm>> -> memref<125x80xi32, #tpu.memory_space<hbm>>
      tpu.wait_dma2 semaphore(%run_scoped3A : memref<!tpu.dma_semaphore, #tpu.memory_space<semaphore_mem>>) src(%dma_wait3A_397 : memref<125x80xi32, #tpu.memory_space<hbm>>) dst(%arg9 : memref<125x80xi32, #tpu.memory_space<vmem>>)
      tpu.yield
    }) : () -> ()
    "tpu.region"() ({
      %run_scoped3A = tpu.sem_alloc : memref<!tpu.dma_semaphore, #tpu.memory_space<semaphore_mem>>
      %dma_start3A_382 = arith.constant 0 : i32
      %dma_start3A_383 = arith.constant 0 : i32
      %dma_start3A_384 = tpu.memref_slice %arg5[%add3A, %dma_start3A_382, %dma_start3A_383] : memref<32x125x80xi32, #tpu.memory_space<hbm>> -> memref<1x125x80xi32, #tpu.memory_space<hbm>>
      %dma_start3A_385 = tpu.memref_squeeze %dma_start3A_384 : memref<1x125x80xi32, #tpu.memory_space<hbm>> -> memref<125x80xi32, #tpu.memory_space<hbm>>
      %dma_start3A_386 = arith.constant 0 : i32
      %dma_start3A_387 = arith.constant 0 : i32
      %dma_start3A_388 = tpu.memref_slice %arg5[%add3A, %dma_start3A_386, %dma_start3A_387] : memref<32x125x80xi32, #tpu.memory_space<hbm>> -> memref<1x125x80xi32, #tpu.memory_space<hbm>>
      %dma_start3A_389 = tpu.memref_squeeze %dma_start3A_388 : memref<1x125x80xi32, #tpu.memory_space<hbm>> -> memref<125x80xi32, #tpu.memory_space<hbm>>
      tpu.enqueue_dma source(%dma_start3A_389 : memref<125x80xi32, #tpu.memory_space<hbm>>) target(%arg10 : memref<125x80xi32, #tpu.memory_space<vmem>>) target_semaphore(%run_scoped3A : memref<!tpu.dma_semaphore, #tpu.memory_space<semaphore_mem>>)
      %dma_wait3A_390 = arith.constant 0 : i32
      %dma_wait3A_391 = arith.constant 0 : i32
      %dma_wait3A_392 = tpu.memref_slice %arg5[%add3A, %dma_wait3A_390, %dma_wait3A_391] : memref<32x125x80xi32, #tpu.memory_space<hbm>> -> memref<1x125x80xi32, #tpu.memory_space<hbm>>
      %dma_wait3A_393 = tpu.memref_squeeze %dma_wait3A_392 : memref<1x125x80xi32, #tpu.memory_space<hbm>> -> memref<125x80xi32, #tpu.memory_space<hbm>>
      %dma_wait3A_394 = arith.constant 0 : i32
      %dma_wait3A_395 = arith.constant 0 : i32
      %dma_wait3A_396 = tpu.memref_slice %arg5[%add3A, %dma_wait3A_394, %dma_wait3A_395] : memref<32x125x80xi32, #tpu.memory_space<hbm>> -> memref<1x125x80xi32, #tpu.memory_space<hbm>>
      %dma_wait3A_397 = tpu.memref_squeeze %dma_wait3A_396 : memref<1x125x80xi32, #tpu.memory_space<hbm>> -> memref<125x80xi32, #tpu.memory_space<hbm>>
      tpu.wait_dma2 semaphore(%run_scoped3A : memref<!tpu.dma_semaphore, #tpu.memory_space<semaphore_mem>>) src(%dma_wait3A_397 : memref<125x80xi32, #tpu.memory_space<hbm>>) dst(%arg10 : memref<125x80xi32, #tpu.memory_space<vmem>>)
      tpu.yield
    }) : () -> ()
    %jit3A = arith.constant 8 : i32
    %div3A = arith.divsi %add3A, %jit3A : i32
    %sign3A = arith.constant 0 : i32
    %sign3A_3 = arith.cmpi sgt, %add3A, %sign3A : i32
    %sign3A_4 = arith.extui %sign3A_3 : i1 to i32
    %sign3A_5 = arith.constant 0 : i32
    %sign3A_6 = arith.cmpi slt, %add3A, %sign3A_5 : i32
    %sign3A_7 = arith.extui %sign3A_6 : i1 to i32
    %sign3A_8 = arith.subi %sign3A_4, %sign3A_7 : i32
    %sign3A_9 = arith.constant 0 : i32
    %sign3A_10 = arith.cmpi sgt, %jit3A, %sign3A_9 : i32
    %sign3A_11 = arith.extui %sign3A_10 : i1 to i32
    %sign3A_12 = arith.constant 0 : i32
    %sign3A_13 = arith.cmpi slt, %jit3A, %sign3A_12 : i32
    %sign3A_14 = arith.extui %sign3A_13 : i1 to i32
    %sign3A_15 = arith.subi %sign3A_11, %sign3A_14 : i32
    %ne3A = arith.cmpi ne, %sign3A_8, %sign3A_15 : i32
    %rem3A = arith.remsi %add3A, %jit3A : i32
    %ne3A_16 = arith.constant 0 : i32
    %ne3A_17 = arith.cmpi ne, %rem3A, %ne3A_16 : i32
    %and3A = arith.andi %ne3A, %ne3A_17 : i1
    %sub3A = arith.constant 1 : i32
    %sub3A_18 = arith.subi %div3A, %sub3A : i32
    %select_n3A = arith.select %and3A, %sub3A_18, %div3A : i32
    %jit3A_19 = arith.constant 2 : i32
    %div3A_20 = arith.divsi %select_n3A, %jit3A_19 : i32
    %sign3A_21 = arith.constant 0 : i32
    %sign3A_22 = arith.cmpi sgt, %select_n3A, %sign3A_21 : i32
    %sign3A_23 = arith.extui %sign3A_22 : i1 to i32
    %sign3A_24 = arith.constant 0 : i32
    %sign3A_25 = arith.cmpi slt, %select_n3A, %sign3A_24 : i32
    %sign3A_26 = arith.extui %sign3A_25 : i1 to i32
    %sign3A_27 = arith.subi %sign3A_23, %sign3A_26 : i32
    %sign3A_28 = arith.constant 0 : i32
    %sign3A_29 = arith.cmpi sgt, %jit3A_19, %sign3A_28 : i32
    %sign3A_30 = arith.extui %sign3A_29 : i1 to i32
    %sign3A_31 = arith.constant 0 : i32
    %sign3A_32 = arith.cmpi slt, %jit3A_19, %sign3A_31 : i32
    %sign3A_33 = arith.extui %sign3A_32 : i1 to i32
    %sign3A_34 = arith.subi %sign3A_30, %sign3A_33 : i32
    %ne3A_35 = arith.cmpi ne, %sign3A_27, %sign3A_34 : i32
    %rem3A_36 = arith.remsi %select_n3A, %jit3A_19 : i32
    %ne3A_37 = arith.constant 0 : i32
    %ne3A_38 = arith.cmpi ne, %rem3A_36, %ne3A_37 : i32
    %and3A_39 = arith.andi %ne3A_35, %ne3A_38 : i1
    %sub3A_40 = arith.constant 1 : i32
    %sub3A_41 = arith.subi %div3A_20, %sub3A_40 : i32
    %select_n3A_42 = arith.select %and3A_39, %sub3A_41, %div3A_20 : i32
    %mul3A_43 = arith.constant 5120 : i32
    %mul3A_44 = arith.muli %select_n3A_42, %mul3A_43 : i32
    %jit3A_45 = arith.constant 2 : i32
    %eq3A = arith.constant 0 : i32
    %eq3A_46 = arith.cmpi eq, %jit3A_45, %eq3A : i32
    %jit3A_47 = arith.constant 1 : i32
    %select_n3A_48 = arith.select %eq3A_46, %jit3A_47, %jit3A_45 : i32
    %rem3A_49 = arith.remsi %select_n3A, %select_n3A_48 : i32
    %ne3A_50 = arith.constant 0 : i32
    %ne3A_51 = arith.cmpi ne, %rem3A_49, %ne3A_50 : i32
    %lt3A = arith.constant 0 : i32
    %lt3A_52 = arith.cmpi slt, %rem3A_49, %lt3A : i32
    %lt3A_53 = arith.constant 0 : i32
    %lt3A_54 = arith.cmpi slt, %select_n3A_48, %lt3A_53 : i32
    %ne3A_55 = arith.xori %lt3A_52, %lt3A_54 : i1
    %and3A_56 = arith.andi %ne3A_55, %ne3A_51 : i1
    %add3A_57 = arith.addi %rem3A_49, %select_n3A_48 : i32
    %select_n3A_58 = arith.select %and3A_56, %add3A_57, %rem3A_49 : i32
    %mul3A_59 = arith.constant 2500 : i32
    %mul3A_60 = arith.muli %select_n3A_58, %mul3A_59 : i32
    %add3A_61 = arith.addi %mul3A_44, %mul3A_60 : i32
    %jit3A_62 = arith.constant 2 : i32
    %eq3A_63 = arith.constant 0 : i32
    %eq3A_64 = arith.cmpi eq, %jit3A_62, %eq3A_63 : i32
    %jit3A_65 = arith.constant 1 : i32
    %select_n3A_66 = arith.select %eq3A_64, %jit3A_65, %jit3A_62 : i32
    %rem3A_67 = arith.remsi %select_n3A, %select_n3A_66 : i32
    %ne3A_68 = arith.constant 0 : i32
    %ne3A_69 = arith.cmpi ne, %rem3A_67, %ne3A_68 : i32
    %lt3A_70 = arith.constant 0 : i32
    %lt3A_71 = arith.cmpi slt, %rem3A_67, %lt3A_70 : i32
    %lt3A_72 = arith.constant 0 : i32
    %lt3A_73 = arith.cmpi slt, %select_n3A_66, %lt3A_72 : i32
    %ne3A_74 = arith.xori %lt3A_71, %lt3A_73 : i1
    %and3A_75 = arith.andi %ne3A_74, %ne3A_69 : i1
    %add3A_76 = arith.addi %rem3A_67, %select_n3A_66 : i32
    %select_n3A_77 = arith.select %and3A_75, %add3A_76, %rem3A_67 : i32
    %mul3A_78 = arith.constant 2500 : i32
    %mul3A_79 = arith.muli %select_n3A_77, %mul3A_78 : i32
    %broadcast_in_dim3A = vector.broadcast %add3A_61 : i32 to vector<16xi32>
    %broadcast_in_dim3A_80 = vector.broadcast %mul3A_79 : i32 to vector<16xi32>
    %scan3A = arith.constant 0 : i32
    %scan3A_81 = arith.constant 0 : i32
    %scan3A_82 = arith.constant 125 : i32
    %scan3A_83 = arith.addi %scan3A_81, %scan3A_82 : i32
    %scan3A_84 = arith.constant 1 : i32
    scf.for %scan3A_382 = %scan3A_81 to %scan3A_83 step %scan3A_84  : i32 {
      %get3A = arith.index_cast %scan3A_382 : i32 to index
      %get3A_383 = arith.constant 0 : index
      %get3A_384 = tpu.vector_load %arg9[%get3A, %get3A_383] {strides = array<i32>} : memref<125x80xi32, #tpu.memory_space<vmem>>, vector<16xi32>,
      %add3A_385 = arith.addi %get3A_384, %broadcast_in_dim3A : vector<16xi32>
      %swap3A = arith.index_cast %scan3A_382 : i32 to index
      %swap3A_386 = arith.constant 0 : index
      %swap3A_387 = tpu.vector_load %arg9[%swap3A, %swap3A_386] {strides = array<i32>} : memref<125x80xi32, #tpu.memory_space<vmem>>, vector<16xi32>,
      tpu.vector_store %arg9[%swap3A, %swap3A_386], %add3A_385 {strides = array<i32>} : memref<125x80xi32, #tpu.memory_space<vmem>>, vector<16xi32>,
      %get3A_388 = arith.index_cast %scan3A_382 : i32 to index
      %get3A_389 = arith.constant 0 : index
      %get3A_390 = tpu.vector_load %arg10[%get3A_388, %get3A_389] {strides = array<i32>} : memref<125x80xi32, #tpu.memory_space<vmem>>, vector<16xi32>,
      %add3A_391 = arith.addi %get3A_390, %broadcast_in_dim3A_80 : vector<16xi32>
      %swap3A_392 = arith.index_cast %scan3A_382 : i32 to index
      %swap3A_393 = arith.constant 0 : index
      %swap3A_394 = tpu.vector_load %arg10[%swap3A_392, %swap3A_393] {strides = array<i32>} : memref<125x80xi32, #tpu.memory_space<vmem>>, vector<16xi32>,
      tpu.vector_store %arg10[%swap3A_392, %swap3A_393], %add3A_391 {strides = array<i32>} : memref<125x80xi32, #tpu.memory_space<vmem>>, vector<16xi32>,
      %get3A_395 = arith.index_cast %scan3A_382 : i32 to index
      %get3A_396 = arith.constant 16 : index
      %get3A_397 = tpu.vector_load %arg9[%get3A_395, %get3A_396] {strides = array<i32>} : memref<125x80xi32, #tpu.memory_space<vmem>>, vector<16xi32>,
      %add3A_398 = arith.addi %get3A_397, %broadcast_in_dim3A : vector<16xi32>
      %swap3A_399 = arith.index_cast %scan3A_382 : i32 to index
      %swap3A_400 = arith.constant 16 : index
      %swap3A_401 = tpu.vector_load %arg9[%swap3A_399, %swap3A_400] {strides = array<i32>} : memref<125x80xi32, #tpu.memory_space<vmem>>, vector<16xi32>,
      tpu.vector_store %arg9[%swap3A_399, %swap3A_400], %add3A_398 {strides = array<i32>} : memref<125x80xi32, #tpu.memory_space<vmem>>, vector<16xi32>,
      %get3A_402 = arith.index_cast %scan3A_382 : i32 to index
      %get3A_403 = arith.constant 16 : index
      %get3A_404 = tpu.vector_load %arg10[%get3A_402, %get3A_403] {strides = array<i32>} : memref<125x80xi32, #tpu.memory_space<vmem>>, vector<16xi32>,
      %add3A_405 = arith.addi %get3A_404, %broadcast_in_dim3A_80 : vector<16xi32>
      %swap3A_406 = arith.index_cast %scan3A_382 : i32 to index
      %swap3A_407 = arith.constant 16 : index
      %swap3A_408 = tpu.vector_load %arg10[%swap3A_406, %swap3A_407] {strides = array<i32>} : memref<125x80xi32, #tpu.memory_space<vmem>>, vector<16xi32>,
      tpu.vector_store %arg10[%swap3A_406, %swap3A_407], %add3A_405 {strides = array<i32>} : memref<125x80xi32, #tpu.memory_space<vmem>>, vector<16xi32>,
      %get3A_409 = arith.index_cast %scan3A_382 : i32 to index
      %get3A_410 = arith.constant 32 : index
      %get3A_411 = tpu.vector_load %arg9[%get3A_409, %get3A_410] {strides = array<i32>} : memref<125x80xi32, #tpu.memory_space<vmem>>, vector<16xi32>,
      %add3A_412 = arith.addi %get3A_411, %broadcast_in_dim3A : vector<16xi32>
      %swap3A_413 = arith.index_cast %scan3A_382 : i32 to index
      %swap3A_414 = arith.constant 32 : index
      %swap3A_415 = tpu.vector_load %arg9[%swap3A_413, %swap3A_414] {strides = array<i32>} : memref<125x80xi32, #tpu.memory_space<vmem>>, vector<16xi32>,
      tpu.vector_store %arg9[%swap3A_413, %swap3A_414], %add3A_412 {strides = array<i32>} : memref<125x80xi32, #tpu.memory_space<vmem>>, vector<16xi32>,
      %get3A_416 = arith.index_cast %scan3A_382 : i32 to index
      %get3A_417 = arith.constant 32 : index
      %get3A_418 = tpu.vector_load %arg10[%get3A_416, %get3A_417] {strides = array<i32>} : memref<125x80xi32, #tpu.memory_space<vmem>>, vector<16xi32>,
      %add3A_419 = arith.addi %get3A_418, %broadcast_in_dim3A_80 : vector<16xi32>
      %swap3A_420 = arith.index_cast %scan3A_382 : i32 to index
      %swap3A_421 = arith.constant 32 : index
      %swap3A_422 = tpu.vector_load %arg10[%swap3A_420, %swap3A_421] {strides = array<i32>} : memref<125x80xi32, #tpu.memory_space<vmem>>, vector<16xi32>,
      tpu.vector_store %arg10[%swap3A_420, %swap3A_421], %add3A_419 {strides = array<i32>} : memref<125x80xi32, #tpu.memory_space<vmem>>, vector<16xi32>,
      %get3A_423 = arith.index_cast %scan3A_382 : i32 to index
      %get3A_424 = arith.constant 48 : index
      %get3A_425 = tpu.vector_load %arg9[%get3A_423, %get3A_424] {strides = array<i32>} : memref<125x80xi32, #tpu.memory_space<vmem>>, vector<16xi32>,
      %add3A_426 = arith.addi %get3A_425, %broadcast_in_dim3A : vector<16xi32>
      %swap3A_427 = arith.index_cast %scan3A_382 : i32 to index
      %swap3A_428 = arith.constant 48 : index
      %swap3A_429 = tpu.vector_load %arg9[%swap3A_427, %swap3A_428] {strides = array<i32>} : memref<125x80xi32, #tpu.memory_space<vmem>>, vector<16xi32>,
      tpu.vector_store %arg9[%swap3A_427, %swap3A_428], %add3A_426 {strides = array<i32>} : memref<125x80xi32, #tpu.memory_space<vmem>>, vector<16xi32>,
      %get3A_430 = arith.index_cast %scan3A_382 : i32 to index
      %get3A_431 = arith.constant 48 : index
      %get3A_432 = tpu.vector_load %arg10[%get3A_430, %get3A_431] {strides = array<i32>} : memref<125x80xi32, #tpu.memory_space<vmem>>, vector<16xi32>,
      %add3A_433 = arith.addi %get3A_432, %broadcast_in_dim3A_80 : vector<16xi32>
      %swap3A_434 = arith.index_cast %scan3A_382 : i32 to index
      %swap3A_435 = arith.constant 48 : index
      %swap3A_436 = tpu.vector_load %arg10[%swap3A_434, %swap3A_435] {strides = array<i32>} : memref<125x80xi32, #tpu.memory_space<vmem>>, vector<16xi32>,
      tpu.vector_store %arg10[%swap3A_434, %swap3A_435], %add3A_433 {strides = array<i32>} : memref<125x80xi32, #tpu.memory_space<vmem>>, vector<16xi32>,
      %get3A_437 = arith.index_cast %scan3A_382 : i32 to index
      %get3A_438 = arith.constant 64 : index
      %get3A_439 = tpu.vector_load %arg9[%get3A_437, %get3A_438] {strides = array<i32>} : memref<125x80xi32, #tpu.memory_space<vmem>>, vector<16xi32>,
      %add3A_440 = arith.addi %get3A_439, %broadcast_in_dim3A : vector<16xi32>
      %swap3A_441 = arith.index_cast %scan3A_382 : i32 to index
      %swap3A_442 = arith.constant 64 : index
      %swap3A_443 = tpu.vector_load %arg9[%swap3A_441, %swap3A_442] {strides = array<i32>} : memref<125x80xi32, #tpu.memory_space<vmem>>, vector<16xi32>,
      tpu.vector_store %arg9[%swap3A_441, %swap3A_442], %add3A_440 {strides = array<i32>} : memref<125x80xi32, #tpu.memory_space<vmem>>, vector<16xi32>,
      %get3A_444 = arith.index_cast %scan3A_382 : i32 to index
      %get3A_445 = arith.constant 64 : index
      %get3A_446 = tpu.vector_load %arg10[%get3A_444, %get3A_445] {strides = array<i32>} : memref<125x80xi32, #tpu.memory_space<vmem>>, vector<16xi32>,
      %add3A_447 = arith.addi %get3A_446, %broadcast_in_dim3A_80 : vector<16xi32>
      %swap3A_448 = arith.index_cast %scan3A_382 : i32 to index
      %swap3A_449 = arith.constant 64 : index
      %swap3A_450 = tpu.vector_load %arg10[%swap3A_448, %swap3A_449] {strides = array<i32>} : memref<125x80xi32, #tpu.memory_space<vmem>>, vector<16xi32>,
      tpu.vector_store %arg10[%swap3A_448, %swap3A_449], %add3A_447 {strides = array<i32>} : memref<125x80xi32, #tpu.memory_space<vmem>>, vector<16xi32>,
    }
    %scan3A_85 = arith.constant 125 : i32
    %mul3A_86 = arith.constant 5120 : i32
    %mul3A_87 = arith.muli %arg0, %mul3A_86 : i32
    %add3A_88 = arith.addi %mul3A_87, %mul3A_2 : i32
    "tpu.region"() ({
      %run_scoped3A = tpu.sem_alloc : memref<!tpu.dma_semaphore, #tpu.memory_space<semaphore_mem>>
      %dma_start3A_382 = arith.constant 0 : i32
      %dma_start3A_383 = tpu.memref_slice %arg14[%mul3A_2, %dma_start3A_382] : memref<5120x128xf32, #tpu.memory_space<vmem_shared>> -> memref<320x128xf32, #tpu.memory_space<vmem_shared>>
      tpu.enqueue_dma source(%arg6 : memref<320x128xf32, #tpu.memory_space<hbm>>) target(%dma_start3A_383 : memref<320x128xf32, #tpu.memory_space<vmem_shared>>) target_semaphore(%run_scoped3A : memref<!tpu.dma_semaphore, #tpu.memory_space<semaphore_mem>>)
      %dma_wait3A_384 = arith.constant 0 : i32
      %dma_wait3A_385 = tpu.memref_slice %arg14[%mul3A_2, %dma_wait3A_384] : memref<5120x128xf32, #tpu.memory_space<vmem_shared>> -> memref<320x128xf32, #tpu.memory_space<vmem_shared>>
      tpu.wait_dma2 semaphore(%run_scoped3A : memref<!tpu.dma_semaphore, #tpu.memory_space<semaphore_mem>>) src(%arg6 : memref<320x128xf32, #tpu.memory_space<hbm>>) dst(%dma_wait3A_385 : memref<320x128xf32, #tpu.memory_space<vmem_shared>>)
      tpu.yield
    }) : () -> ()
    %barrier3A = arith.constant 0 : index
    tpu.barrier barrier_id(%barrier3A)
    %dma_start3A = arith.constant 0 : i32
    %dma_start3A_89 = arith.constant 0 : i32
    %dma_start3A_90 = tpu.memref_slice %arg9[%dma_start3A, %dma_start3A_89] : memref<125x80xi32, #tpu.memory_space<vmem>> -> memref<1x80xi32, #tpu.memory_space<vmem>>
    %dma_start3A_91 = tpu.memref_squeeze %dma_start3A_90 : memref<1x80xi32, #tpu.memory_space<vmem>> -> memref<80xi32, #tpu.memory_space<vmem>>
    %dma_start3A_92 = arith.constant 0 : i32
    %dma_start3A_93 = arith.constant 0 : i32
    %dma_start3A_94 = tpu.memref_slice %arg2[%dma_start3A_92, %dma_start3A_93] : memref<10240x128xf32, #tpu.memory_space<hbm>> -> memref<10240x128xf32, #tpu.memory_space<hbm>>
    tpu.enqueue_indirect_dma source(%dma_start3A_94 : memref<10240x128xf32, #tpu.memory_space<hbm>>) target(%arg11 : memref<80x128xf32, #tpu.memory_space<vmem>>) offsets(%dma_start3A_91 : memref<80xi32, #tpu.memory_space<vmem>>) semaphore(%arg15 : memref<!tpu.dma_semaphore, #tpu.memory_space<semaphore_mem>>)
    %dma_start3A_95 = arith.constant 1 : i32
    %dma_start3A_96 = arith.constant 0 : i32
    %dma_start3A_97 = tpu.memref_slice %arg9[%dma_start3A_95, %dma_start3A_96] : memref<125x80xi32, #tpu.memory_space<vmem>> -> memref<1x80xi32, #tpu.memory_space<vmem>>
    %dma_start3A_98 = tpu.memref_squeeze %dma_start3A_97 : memref<1x80xi32, #tpu.memory_space<vmem>> -> memref<80xi32, #tpu.memory_space<vmem>>
    %dma_start3A_99 = arith.constant 0 : i32
    %dma_start3A_100 = arith.constant 0 : i32
    %dma_start3A_101 = tpu.memref_slice %arg2[%dma_start3A_99, %dma_start3A_100] : memref<10240x128xf32, #tpu.memory_space<hbm>> -> memref<10240x128xf32, #tpu.memory_space<hbm>>
    tpu.enqueue_indirect_dma source(%dma_start3A_101 : memref<10240x128xf32, #tpu.memory_space<hbm>>) target(%arg12 : memref<80x128xf32, #tpu.memory_space<vmem>>) offsets(%dma_start3A_98 : memref<80xi32, #tpu.memory_space<vmem>>) semaphore(%arg16 : memref<!tpu.dma_semaphore, #tpu.memory_space<semaphore_mem>>)
    %dma_wait3A = arith.constant 0 : i32
    %dma_wait3A_102 = arith.constant 0 : i32
    %dma_wait3A_103 = tpu.memref_slice %arg9[%dma_wait3A, %dma_wait3A_102] : memref<125x80xi32, #tpu.memory_space<vmem>> -> memref<1x80xi32, #tpu.memory_space<vmem>>
    %dma_wait3A_104 = tpu.memref_squeeze %dma_wait3A_103 : memref<1x80xi32, #tpu.memory_space<vmem>> -> memref<80xi32, #tpu.memory_space<vmem>>
    %dma_wait3A_105 = arith.constant 0 : i32
    %dma_wait3A_106 = arith.constant 0 : i32
    %dma_wait3A_107 = tpu.memref_slice %arg2[%dma_wait3A_105, %dma_wait3A_106] : memref<10240x128xf32, #tpu.memory_space<hbm>> -> memref<10240x128xf32, #tpu.memory_space<hbm>>
    tpu.wait_indirect_dma semaphore(%arg15 : memref<!tpu.dma_semaphore, #tpu.memory_space<semaphore_mem>>) src(%dma_wait3A_107 : memref<10240x128xf32, #tpu.memory_space<hbm>>) dst(%arg11 : memref<80x128xf32, #tpu.memory_space<vmem>>)
    %dma_start3A_108 = arith.constant 0 : i32
    %dma_start3A_109 = arith.constant 0 : i32
    %dma_start3A_110 = tpu.memref_slice %arg10[%dma_start3A_108, %dma_start3A_109] : memref<125x80xi32, #tpu.memory_space<vmem>> -> memref<1x80xi32, #tpu.memory_space<vmem>>
    %dma_start3A_111 = tpu.memref_squeeze %dma_start3A_110 : memref<1x80xi32, #tpu.memory_space<vmem>> -> memref<80xi32, #tpu.memory_space<vmem>>
    %dma_start3A_112 = arith.constant 0 : i32
    %dma_start3A_113 = arith.constant 0 : i32
    %dma_start3A_114 = tpu.memref_slice %arg14[%dma_start3A_112, %dma_start3A_113] : memref<5120x128xf32, #tpu.memory_space<vmem_shared>> -> memref<5120x128xf32, #tpu.memory_space<vmem_shared>>
    tpu.enqueue_indirect_dma source(%arg11 : memref<80x128xf32, #tpu.memory_space<vmem>>) target(%dma_start3A_114 : memref<5120x128xf32, #tpu.memory_space<vmem_shared>>) offsets(%dma_start3A_111 : memref<80xi32, #tpu.memory_space<vmem>>) semaphore(%arg18 : memref<!tpu.dma_semaphore, #tpu.memory_space<semaphore_mem>>) {add = true}
    %dma_start3A_115 = arith.constant 2 : i32
    %dma_start3A_116 = arith.constant 0 : i32
    %dma_start3A_117 = tpu.memref_slice %arg9[%dma_start3A_115, %dma_start3A_116] : memref<125x80xi32, #tpu.memory_space<vmem>> -> memref<1x80xi32, #tpu.memory_space<vmem>>
    %dma_start3A_118 = tpu.memref_squeeze %dma_start3A_117 : memref<1x80xi32, #tpu.memory_space<vmem>> -> memref<80xi32, #tpu.memory_space<vmem>>
    %dma_start3A_119 = arith.constant 0 : i32
    %dma_start3A_120 = arith.constant 0 : i32
    %dma_start3A_121 = tpu.memref_slice %arg2[%dma_start3A_119, %dma_start3A_120] : memref<10240x128xf32, #tpu.memory_space<hbm>> -> memref<10240x128xf32, #tpu.memory_space<hbm>>
    tpu.enqueue_indirect_dma source(%dma_start3A_121 : memref<10240x128xf32, #tpu.memory_space<hbm>>) target(%arg13 : memref<80x128xf32, #tpu.memory_space<vmem>>) offsets(%dma_start3A_118 : memref<80xi32, #tpu.memory_space<vmem>>) semaphore(%arg17 : memref<!tpu.dma_semaphore, #tpu.memory_space<semaphore_mem>>)
    %dma_wait3A_122 = arith.constant 0 : i32
    %dma_wait3A_123 = arith.constant 0 : i32
    %dma_wait3A_124 = tpu.memref_slice %arg9[%dma_wait3A_122, %dma_wait3A_123] : memref<125x80xi32, #tpu.memory_space<vmem>> -> memref<1x80xi32, #tpu.memory_space<vmem>>
    %dma_wait3A_125 = tpu.memref_squeeze %dma_wait3A_124 : memref<1x80xi32, #tpu.memory_space<vmem>> -> memref<80xi32, #tpu.memory_space<vmem>>
    %dma_wait3A_126 = arith.constant 0 : i32
    %dma_wait3A_127 = arith.constant 0 : i32
    %dma_wait3A_128 = tpu.memref_slice %arg2[%dma_wait3A_126, %dma_wait3A_127] : memref<10240x128xf32, #tpu.memory_space<hbm>> -> memref<10240x128xf32, #tpu.memory_space<hbm>>
    tpu.wait_indirect_dma semaphore(%arg16 : memref<!tpu.dma_semaphore, #tpu.memory_space<semaphore_mem>>) src(%dma_wait3A_128 : memref<10240x128xf32, #tpu.memory_space<hbm>>) dst(%arg12 : memref<80x128xf32, #tpu.memory_space<vmem>>)
    %dma_start3A_129 = arith.constant 1 : i32
    %dma_start3A_130 = arith.constant 0 : i32
    %dma_start3A_131 = tpu.memref_slice %arg10[%dma_start3A_129, %dma_start3A_130] : memref<125x80xi32, #tpu.memory_space<vmem>> -> memref<1x80xi32, #tpu.memory_space<vmem>>
    %dma_start3A_132 = tpu.memref_squeeze %dma_start3A_131 : memref<1x80xi32, #tpu.memory_space<vmem>> -> memref<80xi32, #tpu.memory_space<vmem>>
    %dma_start3A_133 = arith.constant 0 : i32
    %dma_start3A_134 = arith.constant 0 : i32
    %dma_start3A_135 = tpu.memref_slice %arg14[%dma_start3A_133, %dma_start3A_134] : memref<5120x128xf32, #tpu.memory_space<vmem_shared>> -> memref<5120x128xf32, #tpu.memory_space<vmem_shared>>
    tpu.enqueue_indirect_dma source(%arg12 : memref<80x128xf32, #tpu.memory_space<vmem>>) target(%dma_start3A_135 : memref<5120x128xf32, #tpu.memory_space<vmem_shared>>) offsets(%dma_start3A_132 : memref<80xi32, #tpu.memory_space<vmem>>) semaphore(%arg19 : memref<!tpu.dma_semaphore, #tpu.memory_space<semaphore_mem>>) {add = true}
    %dma_wait3A_136 = arith.constant 0 : i32
    %dma_wait3A_137 = arith.constant 0 : i32
    %dma_wait3A_138 = tpu.memref_slice %arg10[%dma_wait3A_136, %dma_wait3A_137] : memref<125x80xi32, #tpu.memory_space<vmem>> -> memref<1x80xi32, #tpu.memory_space<vmem>>
    %dma_wait3A_139 = tpu.memref_squeeze %dma_wait3A_138 : memref<1x80xi32, #tpu.memory_space<vmem>> -> memref<80xi32, #tpu.memory_space<vmem>>
    %dma_wait3A_140 = arith.constant 0 : i32
    %dma_wait3A_141 = arith.constant 0 : i32
    %dma_wait3A_142 = tpu.memref_slice %arg14[%dma_wait3A_140, %dma_wait3A_141] : memref<5120x128xf32, #tpu.memory_space<vmem_shared>> -> memref<5120x128xf32, #tpu.memory_space<vmem_shared>>
    tpu.wait_indirect_dma semaphore(%arg18 : memref<!tpu.dma_semaphore, #tpu.memory_space<semaphore_mem>>) src(%arg11 : memref<80x128xf32, #tpu.memory_space<vmem>>) dst(%dma_wait3A_142 : memref<5120x128xf32, #tpu.memory_space<vmem_shared>>)
    %dma_start3A_143 = arith.constant 3 : i32
    %dma_start3A_144 = arith.constant 0 : i32
    %dma_start3A_145 = tpu.memref_slice %arg9[%dma_start3A_143, %dma_start3A_144] : memref<125x80xi32, #tpu.memory_space<vmem>> -> memref<1x80xi32, #tpu.memory_space<vmem>>
    %dma_start3A_146 = tpu.memref_squeeze %dma_start3A_145 : memref<1x80xi32, #tpu.memory_space<vmem>> -> memref<80xi32, #tpu.memory_space<vmem>>
    %dma_start3A_147 = arith.constant 0 : i32
    %dma_start3A_148 = arith.constant 0 : i32
    %dma_start3A_149 = tpu.memref_slice %arg2[%dma_start3A_147, %dma_start3A_148] : memref<10240x128xf32, #tpu.memory_space<hbm>> -> memref<10240x128xf32, #tpu.memory_space<hbm>>
    tpu.enqueue_indirect_dma source(%dma_start3A_149 : memref<10240x128xf32, #tpu.memory_space<hbm>>) target(%arg11 : memref<80x128xf32, #tpu.memory_space<vmem>>) offsets(%dma_start3A_146 : memref<80xi32, #tpu.memory_space<vmem>>) semaphore(%arg15 : memref<!tpu.dma_semaphore, #tpu.memory_space<semaphore_mem>>)
    %dma_wait3A_150 = arith.constant 0 : i32
    %dma_wait3A_151 = arith.constant 0 : i32
    %dma_wait3A_152 = tpu.memref_slice %arg9[%dma_wait3A_150, %dma_wait3A_151] : memref<125x80xi32, #tpu.memory_space<vmem>> -> memref<1x80xi32, #tpu.memory_space<vmem>>
    %dma_wait3A_153 = tpu.memref_squeeze %dma_wait3A_152 : memref<1x80xi32, #tpu.memory_space<vmem>> -> memref<80xi32, #tpu.memory_space<vmem>>
    %dma_wait3A_154 = arith.constant 0 : i32
    %dma_wait3A_155 = arith.constant 0 : i32
    %dma_wait3A_156 = tpu.memref_slice %arg2[%dma_wait3A_154, %dma_wait3A_155] : memref<10240x128xf32, #tpu.memory_space<hbm>> -> memref<10240x128xf32, #tpu.memory_space<hbm>>
    tpu.wait_indirect_dma semaphore(%arg17 : memref<!tpu.dma_semaphore, #tpu.memory_space<semaphore_mem>>) src(%dma_wait3A_156 : memref<10240x128xf32, #tpu.memory_space<hbm>>) dst(%arg13 : memref<80x128xf32, #tpu.memory_space<vmem>>)
    %dma_start3A_157 = arith.constant 2 : i32
    %dma_start3A_158 = arith.constant 0 : i32
    %dma_start3A_159 = tpu.memref_slice %arg10[%dma_start3A_157, %dma_start3A_158] : memref<125x80xi32, #tpu.memory_space<vmem>> -> memref<1x80xi32, #tpu.memory_space<vmem>>
    %dma_start3A_160 = tpu.memref_squeeze %dma_start3A_159 : memref<1x80xi32, #tpu.memory_space<vmem>> -> memref<80xi32, #tpu.memory_space<vmem>>
    %dma_start3A_161 = arith.constant 0 : i32
    %dma_start3A_162 = arith.constant 0 : i32
    %dma_start3A_163 = tpu.memref_slice %arg14[%dma_start3A_161, %dma_start3A_162] : memref<5120x128xf32, #tpu.memory_space<vmem_shared>> -> memref<5120x128xf32, #tpu.memory_space<vmem_shared>>
    tpu.enqueue_indirect_dma source(%arg13 : memref<80x128xf32, #tpu.memory_space<vmem>>) target(%dma_start3A_163 : memref<5120x128xf32, #tpu.memory_space<vmem_shared>>) offsets(%dma_start3A_160 : memref<80xi32, #tpu.memory_space<vmem>>) semaphore(%arg20 : memref<!tpu.dma_semaphore, #tpu.memory_space<semaphore_mem>>) {add = true}
    %dma_wait3A_164 = arith.constant 0 : i32
    %dma_wait3A_165 = arith.constant 0 : i32
    %dma_wait3A_166 = tpu.memref_slice %arg10[%dma_wait3A_164, %dma_wait3A_165] : memref<125x80xi32, #tpu.memory_space<vmem>> -> memref<1x80xi32, #tpu.memory_space<vmem>>
    %dma_wait3A_167 = tpu.memref_squeeze %dma_wait3A_166 : memref<1x80xi32, #tpu.memory_space<vmem>> -> memref<80xi32, #tpu.memory_space<vmem>>
    %dma_wait3A_168 = arith.constant 0 : i32
    %dma_wait3A_169 = arith.constant 0 : i32
    %dma_wait3A_170 = tpu.memref_slice %arg14[%dma_wait3A_168, %dma_wait3A_169] : memref<5120x128xf32, #tpu.memory_space<vmem_shared>> -> memref<5120x128xf32, #tpu.memory_space<vmem_shared>>
    tpu.wait_indirect_dma semaphore(%arg19 : memref<!tpu.dma_semaphore, #tpu.memory_space<semaphore_mem>>) src(%arg12 : memref<80x128xf32, #tpu.memory_space<vmem>>) dst(%dma_wait3A_170 : memref<5120x128xf32, #tpu.memory_space<vmem_shared>>)
    %dma_start3A_171 = arith.constant 4 : i32
    %dma_start3A_172 = arith.constant 0 : i32
    %dma_start3A_173 = tpu.memref_slice %arg9[%dma_start3A_171, %dma_start3A_172] : memref<125x80xi32, #tpu.memory_space<vmem>> -> memref<1x80xi32, #tpu.memory_space<vmem>>
    %dma_start3A_174 = tpu.memref_squeeze %dma_start3A_173 : memref<1x80xi32, #tpu.memory_space<vmem>> -> memref<80xi32, #tpu.memory_space<vmem>>
    %dma_start3A_175 = arith.constant 0 : i32
    %dma_start3A_176 = arith.constant 0 : i32
    %dma_start3A_177 = tpu.memref_slice %arg2[%dma_start3A_175, %dma_start3A_176] : memref<10240x128xf32, #tpu.memory_space<hbm>> -> memref<10240x128xf32, #tpu.memory_space<hbm>>
    tpu.enqueue_indirect_dma source(%dma_start3A_177 : memref<10240x128xf32, #tpu.memory_space<hbm>>) target(%arg12 : memref<80x128xf32, #tpu.memory_space<vmem>>) offsets(%dma_start3A_174 : memref<80xi32, #tpu.memory_space<vmem>>) semaphore(%arg16 : memref<!tpu.dma_semaphore, #tpu.memory_space<semaphore_mem>>)
    %scan3A_178 = arith.constant 0 : i32
    %scan3A_179 = arith.constant 0 : i32
    %scan3A_180 = arith.constant 40 : i32
    %scan3A_181 = arith.addi %scan3A_179, %scan3A_180 : i32
    %scan3A_182 = arith.constant 1 : i32
    scf.for %scan3A_382 = %scan3A_179 to %scan3A_181 step %scan3A_182  : i32 {
      %mul3A_383 = arith.constant 3 : i32
      %mul3A_384 = arith.muli %scan3A_382, %mul3A_383 : i32
      %add3A_385 = arith.constant 3 : i32
      %add3A_386 = arith.addi %mul3A_384, %add3A_385 : i32
      %add3A_387 = arith.constant 0 : i32
      %add3A_388 = arith.addi %add3A_386, %add3A_387 : i32
      %dma_wait3A_389 = arith.constant 0 : i32
      %dma_wait3A_390 = arith.constant 0 : i32
      %dma_wait3A_391 = tpu.memref_slice %arg9[%dma_wait3A_389, %dma_wait3A_390] : memref<125x80xi32, #tpu.memory_space<vmem>> -> memref<1x80xi32, #tpu.memory_space<vmem>>
      %dma_wait3A_392 = tpu.memref_squeeze %dma_wait3A_391 : memref<1x80xi32, #tpu.memory_space<vmem>> -> memref<80xi32, #tpu.memory_space<vmem>>
      %dma_wait3A_393 = arith.constant 0 : i32
      %dma_wait3A_394 = arith.constant 0 : i32
      %dma_wait3A_395 = tpu.memref_slice %arg2[%dma_wait3A_393, %dma_wait3A_394] : memref<10240x128xf32, #tpu.memory_space<hbm>> -> memref<10240x128xf32, #tpu.memory_space<hbm>>
      tpu.wait_indirect_dma semaphore(%arg15 : memref<!tpu.dma_semaphore, #tpu.memory_space<semaphore_mem>>) src(%dma_wait3A_395 : memref<10240x128xf32, #tpu.memory_space<hbm>>) dst(%arg11 : memref<80x128xf32, #tpu.memory_space<vmem>>)
      %dma_start3A_396 = arith.constant 0 : i32
      %dma_start3A_397 = tpu.memref_slice %arg10[%add3A_388, %dma_start3A_396] : memref<125x80xi32, #tpu.memory_space<vmem>> -> memref<1x80xi32, #tpu.memory_space<vmem>>
      %dma_start3A_398 = tpu.memref_squeeze %dma_start3A_397 : memref<1x80xi32, #tpu.memory_space<vmem>> -> memref<80xi32, #tpu.memory_space<vmem>>
      %dma_start3A_399 = arith.constant 0 : i32
      %dma_start3A_400 = arith.constant 0 : i32
      %dma_start3A_401 = tpu.memref_slice %arg14[%dma_start3A_399, %dma_start3A_400] : memref<5120x128xf32, #tpu.memory_space<vmem_shared>> -> memref<5120x128xf32, #tpu.memory_space<vmem_shared>>
      tpu.enqueue_indirect_dma source(%arg11 : memref<80x128xf32, #tpu.memory_space<vmem>>) target(%dma_start3A_401 : memref<5120x128xf32, #tpu.memory_space<vmem_shared>>) offsets(%dma_start3A_398 : memref<80xi32, #tpu.memory_space<vmem>>) semaphore(%arg18 : memref<!tpu.dma_semaphore, #tpu.memory_space<semaphore_mem>>) {add = true}
      %dma_wait3A_402 = arith.constant 0 : i32
      %dma_wait3A_403 = arith.constant 0 : i32
      %dma_wait3A_404 = tpu.memref_slice %arg10[%dma_wait3A_402, %dma_wait3A_403] : memref<125x80xi32, #tpu.memory_space<vmem>> -> memref<1x80xi32, #tpu.memory_space<vmem>>
      %dma_wait3A_405 = tpu.memref_squeeze %dma_wait3A_404 : memref<1x80xi32, #tpu.memory_space<vmem>> -> memref<80xi32, #tpu.memory_space<vmem>>
      %dma_wait3A_406 = arith.constant 0 : i32
      %dma_wait3A_407 = arith.constant 0 : i32
      %dma_wait3A_408 = tpu.memref_slice %arg14[%dma_wait3A_406, %dma_wait3A_407] : memref<5120x128xf32, #tpu.memory_space<vmem_shared>> -> memref<5120x128xf32, #tpu.memory_space<vmem_shared>>
      tpu.wait_indirect_dma semaphore(%arg20 : memref<!tpu.dma_semaphore, #tpu.memory_space<semaphore_mem>>) src(%arg13 : memref<80x128xf32, #tpu.memory_space<vmem>>) dst(%dma_wait3A_408 : memref<5120x128xf32, #tpu.memory_space<vmem_shared>>)
      %add3A_409 = arith.constant 2 : i32
      %add3A_410 = arith.addi %add3A_388, %add3A_409 : i32
      %dma_start3A_411 = arith.constant 0 : i32
      %dma_start3A_412 = tpu.memref_slice %arg9[%add3A_410, %dma_start3A_411] : memref<125x80xi32, #tpu.memory_space<vmem>> -> memref<1x80xi32, #tpu.memory_space<vmem>>
      %dma_start3A_413 = tpu.memref_squeeze %dma_start3A_412 : memref<1x80xi32, #tpu.memory_space<vmem>> -> memref<80xi32, #tpu.memory_space<vmem>>
      %dma_start3A_414 = arith.constant 0 : i32
      %dma_start3A_415 = arith.constant 0 : i32
      %dma_start3A_416 = tpu.memref_slice %arg2[%dma_start3A_414, %dma_start3A_415] : memref<10240x128xf32, #tpu.memory_space<hbm>> -> memref<10240x128xf32, #tpu.memory_space<hbm>>
      tpu.enqueue_indirect_dma source(%dma_start3A_416 : memref<10240x128xf32, #tpu.memory_space<hbm>>) target(%arg13 : memref<80x128xf32, #tpu.memory_space<vmem>>) offsets(%dma_start3A_413 : memref<80xi32, #tpu.memory_space<vmem>>) semaphore(%arg17 : memref<!tpu.dma_semaphore, #tpu.memory_space<semaphore_mem>>)
      %add3A_417 = arith.constant 1 : i32
      %add3A_418 = arith.addi %add3A_386, %add3A_417 : i32
      %dma_wait3A_419 = arith.constant 0 : i32
      %dma_wait3A_420 = arith.constant 0 : i32
      %dma_wait3A_421 = tpu.memref_slice %arg9[%dma_wait3A_419, %dma_wait3A_420] : memref<125x80xi32, #tpu.memory_space<vmem>> -> memref<1x80xi32, #tpu.memory_space<vmem>>
      %dma_wait3A_422 = tpu.memref_squeeze %dma_wait3A_421 : memref<1x80xi32, #tpu.memory_space<vmem>> -> memref<80xi32, #tpu.memory_space<vmem>>
      %dma_wait3A_423 = arith.constant 0 : i32
      %dma_wait3A_424 = arith.constant 0 : i32
      %dma_wait3A_425 = tpu.memref_slice %arg2[%dma_wait3A_423, %dma_wait3A_424] : memref<10240x128xf32, #tpu.memory_space<hbm>> -> memref<10240x128xf32, #tpu.memory_space<hbm>>
      tpu.wait_indirect_dma semaphore(%arg16 : memref<!tpu.dma_semaphore, #tpu.memory_space<semaphore_mem>>) src(%dma_wait3A_425 : memref<10240x128xf32, #tpu.memory_space<hbm>>) dst(%arg12 : memref<80x128xf32, #tpu.memory_space<vmem>>)
      %dma_start3A_426 = arith.constant 0 : i32
      %dma_start3A_427 = tpu.memref_slice %arg10[%add3A_418, %dma_start3A_426] : memref<125x80xi32, #tpu.memory_space<vmem>> -> memref<1x80xi32, #tpu.memory_space<vmem>>
      %dma_start3A_428 = tpu.memref_squeeze %dma_start3A_427 : memref<1x80xi32, #tpu.memory_space<vmem>> -> memref<80xi32, #tpu.memory_space<vmem>>
      %dma_start3A_429 = arith.constant 0 : i32
      %dma_start3A_430 = arith.constant 0 : i32
      %dma_start3A_431 = tpu.memref_slice %arg14[%dma_start3A_429, %dma_start3A_430] : memref<5120x128xf32, #tpu.memory_space<vmem_shared>> -> memref<5120x128xf32, #tpu.memory_space<vmem_shared>>
      tpu.enqueue_indirect_dma source(%arg12 : memref<80x128xf32, #tpu.memory_space<vmem>>) target(%dma_start3A_431 : memref<5120x128xf32, #tpu.memory_space<vmem_shared>>) offsets(%dma_start3A_428 : memref<80xi32, #tpu.memory_space<vmem>>) semaphore(%arg19 : memref<!tpu.dma_semaphore, #tpu.memory_space<semaphore_mem>>) {add = true}
      %dma_wait3A_432 = arith.constant 0 : i32
      %dma_wait3A_433 = arith.constant 0 : i32
      %dma_wait3A_434 = tpu.memref_slice %arg10[%dma_wait3A_432, %dma_wait3A_433] : memref<125x80xi32, #tpu.memory_space<vmem>> -> memref<1x80xi32, #tpu.memory_space<vmem>>
      %dma_wait3A_435 = tpu.memref_squeeze %dma_wait3A_434 : memref<1x80xi32, #tpu.memory_space<vmem>> -> memref<80xi32, #tpu.memory_space<vmem>>
      %dma_wait3A_436 = arith.constant 0 : i32
      %dma_wait3A_437 = arith.constant 0 : i32
      %dma_wait3A_438 = tpu.memref_slice %arg14[%dma_wait3A_436, %dma_wait3A_437] : memref<5120x128xf32, #tpu.memory_space<vmem_shared>> -> memref<5120x128xf32, #tpu.memory_space<vmem_shared>>
      tpu.wait_indirect_dma semaphore(%arg18 : memref<!tpu.dma_semaphore, #tpu.memory_space<semaphore_mem>>) src(%arg11 : memref<80x128xf32, #tpu.memory_space<vmem>>) dst(%dma_wait3A_438 : memref<5120x128xf32, #tpu.memory_space<vmem_shared>>)
      %add3A_439 = arith.constant 2 : i32
      %add3A_440 = arith.addi %add3A_418, %add3A_439 : i32
      %dma_start3A_441 = arith.constant 0 : i32
      %dma_start3A_442 = tpu.memref_slice %arg9[%add3A_440, %dma_start3A_441] : memref<125x80xi32, #tpu.memory_space<vmem>> -> memref<1x80xi32, #tpu.memory_space<vmem>>
      %dma_start3A_443 = tpu.memref_squeeze %dma_start3A_442 : memref<1x80xi32, #tpu.memory_space<vmem>> -> memref<80xi32, #tpu.memory_space<vmem>>
      %dma_start3A_444 = arith.constant 0 : i32
      %dma_start3A_445 = arith.constant 0 : i32
      %dma_start3A_446 = tpu.memref_slice %arg2[%dma_start3A_444, %dma_start3A_445] : memref<10240x128xf32, #tpu.memory_space<hbm>> -> memref<10240x128xf32, #tpu.memory_space<hbm>>
      tpu.enqueue_indirect_dma source(%dma_start3A_446 : memref<10240x128xf32, #tpu.memory_space<hbm>>) target(%arg11 : memref<80x128xf32, #tpu.memory_space<vmem>>) offsets(%dma_start3A_443 : memref<80xi32, #tpu.memory_space<vmem>>) semaphore(%arg15 : memref<!tpu.dma_semaphore, #tpu.memory_space<semaphore_mem>>)
      %add3A_447 = arith.constant 2 : i32
      %add3A_448 = arith.addi %add3A_386, %add3A_447 : i32
      %dma_wait3A_449 = arith.constant 0 : i32
      %dma_wait3A_450 = arith.constant 0 : i32
      %dma_wait3A_451 = tpu.memref_slice %arg9[%dma_wait3A_449, %dma_wait3A_450] : memref<125x80xi32, #tpu.memory_space<vmem>> -> memref<1x80xi32, #tpu.memory_space<vmem>>
      %dma_wait3A_452 = tpu.memref_squeeze %dma_wait3A_451 : memref<1x80xi32, #tpu.memory_space<vmem>> -> memref<80xi32, #tpu.memory_space<vmem>>
      %dma_wait3A_453 = arith.constant 0 : i32
      %dma_wait3A_454 = arith.constant 0 : i32
      %dma_wait3A_455 = tpu.memref_slice %arg2[%dma_wait3A_453, %dma_wait3A_454] : memref<10240x128xf32, #tpu.memory_space<hbm>> -> memref<10240x128xf32, #tpu.memory_space<hbm>>
      tpu.wait_indirect_dma semaphore(%arg17 : memref<!tpu.dma_semaphore, #tpu.memory_space<semaphore_mem>>) src(%dma_wait3A_455 : memref<10240x128xf32, #tpu.memory_space<hbm>>) dst(%arg13 : memref<80x128xf32, #tpu.memory_space<vmem>>)
      %dma_start3A_456 = arith.constant 0 : i32
      %dma_start3A_457 = tpu.memref_slice %arg10[%add3A_448, %dma_start3A_456] : memref<125x80xi32, #tpu.memory_space<vmem>> -> memref<1x80xi32, #tpu.memory_space<vmem>>
      %dma_start3A_458 = tpu.memref_squeeze %dma_start3A_457 : memref<1x80xi32, #tpu.memory_space<vmem>> -> memref<80xi32, #tpu.memory_space<vmem>>
      %dma_start3A_459 = arith.constant 0 : i32
      %dma_start3A_460 = arith.constant 0 : i32
      %dma_start3A_461 = tpu.memref_slice %arg14[%dma_start3A_459, %dma_start3A_460] : memref<5120x128xf32, #tpu.memory_space<vmem_shared>> -> memref<5120x128xf32, #tpu.memory_space<vmem_shared>>
      tpu.enqueue_indirect_dma source(%arg13 : memref<80x128xf32, #tpu.memory_space<vmem>>) target(%dma_start3A_461 : memref<5120x128xf32, #tpu.memory_space<vmem_shared>>) offsets(%dma_start3A_458 : memref<80xi32, #tpu.memory_space<vmem>>) semaphore(%arg20 : memref<!tpu.dma_semaphore, #tpu.memory_space<semaphore_mem>>) {add = true}
      %dma_wait3A_462 = arith.constant 0 : i32
      %dma_wait3A_463 = arith.constant 0 : i32
      %dma_wait3A_464 = tpu.memref_slice %arg10[%dma_wait3A_462, %dma_wait3A_463] : memref<125x80xi32, #tpu.memory_space<vmem>> -> memref<1x80xi32, #tpu.memory_space<vmem>>
      %dma_wait3A_465 = tpu.memref_squeeze %dma_wait3A_464 : memref<1x80xi32, #tpu.memory_space<vmem>> -> memref<80xi32, #tpu.memory_space<vmem>>
      %dma_wait3A_466 = arith.constant 0 : i32
      %dma_wait3A_467 = arith.constant 0 : i32
      %dma_wait3A_468 = tpu.memref_slice %arg14[%dma_wait3A_466, %dma_wait3A_467] : memref<5120x128xf32, #tpu.memory_space<vmem_shared>> -> memref<5120x128xf32, #tpu.memory_space<vmem_shared>>
      tpu.wait_indirect_dma semaphore(%arg19 : memref<!tpu.dma_semaphore, #tpu.memory_space<semaphore_mem>>) src(%arg12 : memref<80x128xf32, #tpu.memory_space<vmem>>) dst(%dma_wait3A_468 : memref<5120x128xf32, #tpu.memory_space<vmem_shared>>)
      %add3A_469 = arith.constant 2 : i32
      %add3A_470 = arith.addi %add3A_448, %add3A_469 : i32
      %dma_start3A_471 = arith.constant 0 : i32
      %dma_start3A_472 = tpu.memref_slice %arg9[%add3A_470, %dma_start3A_471] : memref<125x80xi32, #tpu.memory_space<vmem>> -> memref<1x80xi32, #tpu.memory_space<vmem>>
      %dma_start3A_473 = tpu.memref_squeeze %dma_start3A_472 : memref<1x80xi32, #tpu.memory_space<vmem>> -> memref<80xi32, #tpu.memory_space<vmem>>
      %dma_start3A_474 = arith.constant 0 : i32
      %dma_start3A_475 = arith.constant 0 : i32
      %dma_start3A_476 = tpu.memref_slice %arg2[%dma_start3A_474, %dma_start3A_475] : memref<10240x128xf32, #tpu.memory_space<hbm>> -> memref<10240x128xf32, #tpu.memory_space<hbm>>
      tpu.enqueue_indirect_dma source(%dma_start3A_476 : memref<10240x128xf32, #tpu.memory_space<hbm>>) target(%arg12 : memref<80x128xf32, #tpu.memory_space<vmem>>) offsets(%dma_start3A_473 : memref<80xi32, #tpu.memory_space<vmem>>) semaphore(%arg16 : memref<!tpu.dma_semaphore, #tpu.memory_space<semaphore_mem>>)
    }
    %scan3A_183 = arith.constant 40 : i32
    %dma_wait3A_184 = arith.constant 0 : i32
    %dma_wait3A_185 = arith.constant 0 : i32
    %dma_wait3A_186 = tpu.memref_slice %arg9[%dma_wait3A_184, %dma_wait3A_185] : memref<125x80xi32, #tpu.memory_space<vmem>> -> memref<1x80xi32, #tpu.memory_space<vmem>>
    %dma_wait3A_187 = tpu.memref_squeeze %dma_wait3A_186 : memref<1x80xi32, #tpu.memory_space<vmem>> -> memref<80xi32, #tpu.memory_space<vmem>>
    %dma_wait3A_188 = arith.constant 0 : i32
    %dma_wait3A_189 = arith.constant 0 : i32
    %dma_wait3A_190 = tpu.memref_slice %arg2[%dma_wait3A_188, %dma_wait3A_189] : memref<10240x128xf32, #tpu.memory_space<hbm>> -> memref<10240x128xf32, #tpu.memory_space<hbm>>
    tpu.wait_indirect_dma semaphore(%arg15 : memref<!tpu.dma_semaphore, #tpu.memory_space<semaphore_mem>>) src(%dma_wait3A_190 : memref<10240x128xf32, #tpu.memory_space<hbm>>) dst(%arg11 : memref<80x128xf32, #tpu.memory_space<vmem>>)
    %dma_start3A_191 = arith.constant 123 : i32
    %dma_start3A_192 = arith.constant 0 : i32
    %dma_start3A_193 = tpu.memref_slice %arg10[%dma_start3A_191, %dma_start3A_192] : memref<125x80xi32, #tpu.memory_space<vmem>> -> memref<1x80xi32, #tpu.memory_space<vmem>>
    %dma_start3A_194 = tpu.memref_squeeze %dma_start3A_193 : memref<1x80xi32, #tpu.memory_space<vmem>> -> memref<80xi32, #tpu.memory_space<vmem>>
    %dma_start3A_195 = arith.constant 0 : i32
    %dma_start3A_196 = arith.constant 0 : i32
    %dma_start3A_197 = tpu.memref_slice %arg14[%dma_start3A_195, %dma_start3A_196] : memref<5120x128xf32, #tpu.memory_space<vmem_shared>> -> memref<5120x128xf32, #tpu.memory_space<vmem_shared>>
    tpu.enqueue_indirect_dma source(%arg11 : memref<80x128xf32, #tpu.memory_space<vmem>>) target(%dma_start3A_197 : memref<5120x128xf32, #tpu.memory_space<vmem_shared>>) offsets(%dma_start3A_194 : memref<80xi32, #tpu.memory_space<vmem>>) semaphore(%arg18 : memref<!tpu.dma_semaphore, #tpu.memory_space<semaphore_mem>>) {add = true}
    %dma_wait3A_198 = arith.constant 0 : i32
    %dma_wait3A_199 = arith.constant 0 : i32
    %dma_wait3A_200 = tpu.memref_slice %arg9[%dma_wait3A_198, %dma_wait3A_199] : memref<125x80xi32, #tpu.memory_space<vmem>> -> memref<1x80xi32, #tpu.memory_space<vmem>>
    %dma_wait3A_201 = tpu.memref_squeeze %dma_wait3A_200 : memref<1x80xi32, #tpu.memory_space<vmem>> -> memref<80xi32, #tpu.memory_space<vmem>>
    %dma_wait3A_202 = arith.constant 0 : i32
    %dma_wait3A_203 = arith.constant 0 : i32
    %dma_wait3A_204 = tpu.memref_slice %arg2[%dma_wait3A_202, %dma_wait3A_203] : memref<10240x128xf32, #tpu.memory_space<hbm>> -> memref<10240x128xf32, #tpu.memory_space<hbm>>
    tpu.wait_indirect_dma semaphore(%arg16 : memref<!tpu.dma_semaphore, #tpu.memory_space<semaphore_mem>>) src(%dma_wait3A_204 : memref<10240x128xf32, #tpu.memory_space<hbm>>) dst(%arg12 : memref<80x128xf32, #tpu.memory_space<vmem>>)
    %dma_start3A_205 = arith.constant 124 : i32
    %dma_start3A_206 = arith.constant 0 : i32
    %dma_start3A_207 = tpu.memref_slice %arg10[%dma_start3A_205, %dma_start3A_206] : memref<125x80xi32, #tpu.memory_space<vmem>> -> memref<1x80xi32, #tpu.memory_space<vmem>>
    %dma_start3A_208 = tpu.memref_squeeze %dma_start3A_207 : memref<1x80xi32, #tpu.memory_space<vmem>> -> memref<80xi32, #tpu.memory_space<vmem>>
    %dma_start3A_209 = arith.constant 0 : i32
    %dma_start3A_210 = arith.constant 0 : i32
    %dma_start3A_211 = tpu.memref_slice %arg14[%dma_start3A_209, %dma_start3A_210] : memref<5120x128xf32, #tpu.memory_space<vmem_shared>> -> memref<5120x128xf32, #tpu.memory_space<vmem_shared>>
    tpu.enqueue_indirect_dma source(%arg12 : memref<80x128xf32, #tpu.memory_space<vmem>>) target(%dma_start3A_211 : memref<5120x128xf32, #tpu.memory_space<vmem_shared>>) offsets(%dma_start3A_208 : memref<80xi32, #tpu.memory_space<vmem>>) semaphore(%arg19 : memref<!tpu.dma_semaphore, #tpu.memory_space<semaphore_mem>>) {add = true}
    %dma_wait3A_212 = arith.constant 0 : i32
    %dma_wait3A_213 = arith.constant 0 : i32
    %dma_wait3A_214 = tpu.memref_slice %arg10[%dma_wait3A_212, %dma_wait3A_213] : memref<125x80xi32, #tpu.memory_space<vmem>> -> memref<1x80xi32, #tpu.memory_space<vmem>>
    %dma_wait3A_215 = tpu.memref_squeeze %dma_wait3A_214 : memref<1x80xi32, #tpu.memory_space<vmem>> -> memref<80xi32, #tpu.memory_space<vmem>>
    %dma_wait3A_216 = arith.constant 0 : i32
    %dma_wait3A_217 = arith.constant 0 : i32
    %dma_wait3A_218 = tpu.memref_slice %arg14[%dma_wait3A_216, %dma_wait3A_217] : memref<5120x128xf32, #tpu.memory_space<vmem_shared>> -> memref<5120x128xf32, #tpu.memory_space<vmem_shared>>
    tpu.wait_indirect_dma semaphore(%arg18 : memref<!tpu.dma_semaphore, #tpu.memory_space<semaphore_mem>>) src(%arg11 : memref<80x128xf32, #tpu.memory_space<vmem>>) dst(%dma_wait3A_218 : memref<5120x128xf32, #tpu.memory_space<vmem_shared>>)
    %dma_wait3A_219 = arith.constant 0 : i32
    %dma_wait3A_220 = arith.constant 0 : i32
    %dma_wait3A_221 = tpu.memref_slice %arg10[%dma_wait3A_219, %dma_wait3A_220] : memref<125x80xi32, #tpu.memory_space<vmem>> -> memref<1x80xi32, #tpu.memory_space<vmem>>
    %dma_wait3A_222 = tpu.memref_squeeze %dma_wait3A_221 : memref<1x80xi32, #tpu.memory_space<vmem>> -> memref<80xi32, #tpu.memory_space<vmem>>
    %dma_wait3A_223 = arith.constant 0 : i32
    %dma_wait3A_224 = arith.constant 0 : i32
    %dma_wait3A_225 = tpu.memref_slice %arg14[%dma_wait3A_223, %dma_wait3A_224] : memref<5120x128xf32, #tpu.memory_space<vmem_shared>> -> memref<5120x128xf32, #tpu.memory_space<vmem_shared>>
    tpu.wait_indirect_dma semaphore(%arg19 : memref<!tpu.dma_semaphore, #tpu.memory_space<semaphore_mem>>) src(%arg12 : memref<80x128xf32, #tpu.memory_space<vmem>>) dst(%dma_wait3A_225 : memref<5120x128xf32, #tpu.memory_space<vmem_shared>>)
    %dma_wait3A_226 = arith.constant 0 : i32
    %dma_wait3A_227 = arith.constant 0 : i32
    %dma_wait3A_228 = tpu.memref_slice %arg10[%dma_wait3A_226, %dma_wait3A_227] : memref<125x80xi32, #tpu.memory_space<vmem>> -> memref<1x80xi32, #tpu.memory_space<vmem>>
    %dma_wait3A_229 = tpu.memref_squeeze %dma_wait3A_228 : memref<1x80xi32, #tpu.memory_space<vmem>> -> memref<80xi32, #tpu.memory_space<vmem>>
    %dma_wait3A_230 = arith.constant 0 : i32
    %dma_wait3A_231 = arith.constant 0 : i32
    %dma_wait3A_232 = tpu.memref_slice %arg14[%dma_wait3A_230, %dma_wait3A_231] : memref<5120x128xf32, #tpu.memory_space<vmem_shared>> -> memref<5120x128xf32, #tpu.memory_space<vmem_shared>>
    tpu.wait_indirect_dma semaphore(%arg20 : memref<!tpu.dma_semaphore, #tpu.memory_space<semaphore_mem>>) src(%arg13 : memref<80x128xf32, #tpu.memory_space<vmem>>) dst(%dma_wait3A_232 : memref<5120x128xf32, #tpu.memory_space<vmem_shared>>)
    %barrier3A_233 = arith.constant 0 : index
    tpu.barrier barrier_id(%barrier3A_233)
    "tpu.region"() ({
      %run_scoped3A = tpu.sem_alloc : memref<!tpu.dma_semaphore, #tpu.memory_space<semaphore_mem>>
      %dma_start3A_382 = arith.constant 0 : i32
      %dma_start3A_383 = tpu.memref_slice %arg7[%add3A_88, %dma_start3A_382] : memref<10240x128xf32, #tpu.memory_space<hbm>> -> memref<320x128xf32, #tpu.memory_space<hbm>>
      %dma_start3A_384 = arith.constant 0 : i32
      %dma_start3A_385 = tpu.memref_slice %arg14[%mul3A_2, %dma_start3A_384] : memref<5120x128xf32, #tpu.memory_space<vmem_shared>> -> memref<320x128xf32, #tpu.memory_space<vmem_shared>>
      tpu.enqueue_dma source(%dma_start3A_385 : memref<320x128xf32, #tpu.memory_space<vmem_shared>>) target(%dma_start3A_383 : memref<320x128xf32, #tpu.memory_space<hbm>>) target_semaphore(%run_scoped3A : memref<!tpu.dma_semaphore, #tpu.memory_space<semaphore_mem>>)
      %dma_wait3A_386 = arith.constant 0 : i32
      %dma_wait3A_387 = tpu.memref_slice %arg7[%add3A_88, %dma_wait3A_386] : memref<10240x128xf32, #tpu.memory_space<hbm>> -> memref<320x128xf32, #tpu.memory_space<hbm>>
      %dma_wait3A_388 = arith.constant 0 : i32
      %dma_wait3A_389 = tpu.memref_slice %arg14[%mul3A_2, %dma_wait3A_388] : memref<5120x128xf32, #tpu.memory_space<vmem_shared>> -> memref<320x128xf32, #tpu.memory_space<vmem_shared>>
      tpu.wait_dma2 semaphore(%run_scoped3A : memref<!tpu.dma_semaphore, #tpu.memory_space<semaphore_mem>>) src(%dma_wait3A_389 : memref<320x128xf32, #tpu.memory_space<vmem_shared>>) dst(%dma_wait3A_387 : memref<320x128xf32, #tpu.memory_space<hbm>>)
      tpu.yield
    }) : () -> ()
    "tpu.region"() ({
      %run_scoped3A = tpu.sem_alloc : memref<!tpu.dma_semaphore, #tpu.memory_space<semaphore_mem>>
      %dma_start3A_382 = arith.constant 0 : i32
      %dma_start3A_383 = tpu.memref_slice %arg14[%mul3A_2, %dma_start3A_382] : memref<5120x128xf32, #tpu.memory_space<vmem_shared>> -> memref<320x128xf32, #tpu.memory_space<vmem_shared>>
      tpu.enqueue_dma source(%arg6 : memref<320x128xf32, #tpu.memory_space<hbm>>) target(%dma_start3A_383 : memref<320x128xf32, #tpu.memory_space<vmem_shared>>) target_semaphore(%run_scoped3A : memref<!tpu.dma_semaphore, #tpu.memory_space<semaphore_mem>>)
      %dma_wait3A_384 = arith.constant 0 : i32
      %dma_wait3A_385 = tpu.memref_slice %arg14[%mul3A_2, %dma_wait3A_384] : memref<5120x128xf32, #tpu.memory_space<vmem_shared>> -> memref<320x128xf32, #tpu.memory_space<vmem_shared>>
      tpu.wait_dma2 semaphore(%run_scoped3A : memref<!tpu.dma_semaphore, #tpu.memory_space<semaphore_mem>>) src(%arg6 : memref<320x128xf32, #tpu.memory_space<hbm>>) dst(%dma_wait3A_385 : memref<320x128xf32, #tpu.memory_space<vmem_shared>>)
      tpu.yield
    }) : () -> ()
    %barrier3A_234 = arith.constant 0 : index
    tpu.barrier barrier_id(%barrier3A_234)
    %dma_start3A_235 = arith.constant 0 : i32
    %dma_start3A_236 = arith.constant 0 : i32
    %dma_start3A_237 = tpu.memref_slice %arg9[%dma_start3A_235, %dma_start3A_236] : memref<125x80xi32, #tpu.memory_space<vmem>> -> memref<1x80xi32, #tpu.memory_space<vmem>>
    %dma_start3A_238 = tpu.memref_squeeze %dma_start3A_237 : memref<1x80xi32, #tpu.memory_space<vmem>> -> memref<80xi32, #tpu.memory_space<vmem>>
    %dma_start3A_239 = arith.constant 0 : i32
    %dma_start3A_240 = arith.constant 0 : i32
    %dma_start3A_241 = tpu.memref_slice %arg3[%dma_start3A_239, %dma_start3A_240] : memref<10240x128xf32, #tpu.memory_space<hbm>> -> memref<10240x128xf32, #tpu.memory_space<hbm>>
    tpu.enqueue_indirect_dma source(%dma_start3A_241 : memref<10240x128xf32, #tpu.memory_space<hbm>>) target(%arg11 : memref<80x128xf32, #tpu.memory_space<vmem>>) offsets(%dma_start3A_238 : memref<80xi32, #tpu.memory_space<vmem>>) semaphore(%arg15 : memref<!tpu.dma_semaphore, #tpu.memory_space<semaphore_mem>>)
    %dma_start3A_242 = arith.constant 1 : i32
    %dma_start3A_243 = arith.constant 0 : i32
    %dma_start3A_244 = tpu.memref_slice %arg9[%dma_start3A_242, %dma_start3A_243] : memref<125x80xi32, #tpu.memory_space<vmem>> -> memref<1x80xi32, #tpu.memory_space<vmem>>
    %dma_start3A_245 = tpu.memref_squeeze %dma_start3A_244 : memref<1x80xi32, #tpu.memory_space<vmem>> -> memref<80xi32, #tpu.memory_space<vmem>>
    %dma_start3A_246 = arith.constant 0 : i32
    %dma_start3A_247 = arith.constant 0 : i32
    %dma_start3A_248 = tpu.memref_slice %arg3[%dma_start3A_246, %dma_start3A_247] : memref<10240x128xf32, #tpu.memory_space<hbm>> -> memref<10240x128xf32, #tpu.memory_space<hbm>>
    tpu.enqueue_indirect_dma source(%dma_start3A_248 : memref<10240x128xf32, #tpu.memory_space<hbm>>) target(%arg12 : memref<80x128xf32, #tpu.memory_space<vmem>>) offsets(%dma_start3A_245 : memref<80xi32, #tpu.memory_space<vmem>>) semaphore(%arg16 : memref<!tpu.dma_semaphore, #tpu.memory_space<semaphore_mem>>)
    %dma_wait3A_249 = arith.constant 0 : i32
    %dma_wait3A_250 = arith.constant 0 : i32
    %dma_wait3A_251 = tpu.memref_slice %arg9[%dma_wait3A_249, %dma_wait3A_250] : memref<125x80xi32, #tpu.memory_space<vmem>> -> memref<1x80xi32, #tpu.memory_space<vmem>>
    %dma_wait3A_252 = tpu.memref_squeeze %dma_wait3A_251 : memref<1x80xi32, #tpu.memory_space<vmem>> -> memref<80xi32, #tpu.memory_space<vmem>>
    %dma_wait3A_253 = arith.constant 0 : i32
    %dma_wait3A_254 = arith.constant 0 : i32
    %dma_wait3A_255 = tpu.memref_slice %arg3[%dma_wait3A_253, %dma_wait3A_254] : memref<10240x128xf32, #tpu.memory_space<hbm>> -> memref<10240x128xf32, #tpu.memory_space<hbm>>
    tpu.wait_indirect_dma semaphore(%arg15 : memref<!tpu.dma_semaphore, #tpu.memory_space<semaphore_mem>>) src(%dma_wait3A_255 : memref<10240x128xf32, #tpu.memory_space<hbm>>) dst(%arg11 : memref<80x128xf32, #tpu.memory_space<vmem>>)
    %dma_start3A_256 = arith.constant 0 : i32
    %dma_start3A_257 = arith.constant 0 : i32
    %dma_start3A_258 = tpu.memref_slice %arg10[%dma_start3A_256, %dma_start3A_257] : memref<125x80xi32, #tpu.memory_space<vmem>> -> memref<1x80xi32, #tpu.memory_space<vmem>>
    %dma_start3A_259 = tpu.memref_squeeze %dma_start3A_258 : memref<1x80xi32, #tpu.memory_space<vmem>> -> memref<80xi32, #tpu.memory_space<vmem>>
    %dma_start3A_260 = arith.constant 0 : i32
    %dma_start3A_261 = arith.constant 0 : i32
    %dma_start3A_262 = tpu.memref_slice %arg14[%dma_start3A_260, %dma_start3A_261] : memref<5120x128xf32, #tpu.memory_space<vmem_shared>> -> memref<5120x128xf32, #tpu.memory_space<vmem_shared>>
    tpu.enqueue_indirect_dma source(%arg11 : memref<80x128xf32, #tpu.memory_space<vmem>>) target(%dma_start3A_262 : memref<5120x128xf32, #tpu.memory_space<vmem_shared>>) offsets(%dma_start3A_259 : memref<80xi32, #tpu.memory_space<vmem>>) semaphore(%arg18 : memref<!tpu.dma_semaphore, #tpu.memory_space<semaphore_mem>>) {add = true}
    %dma_start3A_263 = arith.constant 2 : i32
    %dma_start3A_264 = arith.constant 0 : i32
    %dma_start3A_265 = tpu.memref_slice %arg9[%dma_start3A_263, %dma_start3A_264] : memref<125x80xi32, #tpu.memory_space<vmem>> -> memref<1x80xi32, #tpu.memory_space<vmem>>
    %dma_start3A_266 = tpu.memref_squeeze %dma_start3A_265 : memref<1x80xi32, #tpu.memory_space<vmem>> -> memref<80xi32, #tpu.memory_space<vmem>>
    %dma_start3A_267 = arith.constant 0 : i32
    %dma_start3A_268 = arith.constant 0 : i32
    %dma_start3A_269 = tpu.memref_slice %arg3[%dma_start3A_267, %dma_start3A_268] : memref<10240x128xf32, #tpu.memory_space<hbm>> -> memref<10240x128xf32, #tpu.memory_space<hbm>>
    tpu.enqueue_indirect_dma source(%dma_start3A_269 : memref<10240x128xf32, #tpu.memory_space<hbm>>) target(%arg13 : memref<80x128xf32, #tpu.memory_space<vmem>>) offsets(%dma_start3A_266 : memref<80xi32, #tpu.memory_space<vmem>>) semaphore(%arg17 : memref<!tpu.dma_semaphore, #tpu.memory_space<semaphore_mem>>)
    %dma_wait3A_270 = arith.constant 0 : i32
    %dma_wait3A_271 = arith.constant 0 : i32
    %dma_wait3A_272 = tpu.memref_slice %arg9[%dma_wait3A_270, %dma_wait3A_271] : memref<125x80xi32, #tpu.memory_space<vmem>> -> memref<1x80xi32, #tpu.memory_space<vmem>>
    %dma_wait3A_273 = tpu.memref_squeeze %dma_wait3A_272 : memref<1x80xi32, #tpu.memory_space<vmem>> -> memref<80xi32, #tpu.memory_space<vmem>>
    %dma_wait3A_274 = arith.constant 0 : i32
    %dma_wait3A_275 = arith.constant 0 : i32
    %dma_wait3A_276 = tpu.memref_slice %arg3[%dma_wait3A_274, %dma_wait3A_275] : memref<10240x128xf32, #tpu.memory_space<hbm>> -> memref<10240x128xf32, #tpu.memory_space<hbm>>
    tpu.wait_indirect_dma semaphore(%arg16 : memref<!tpu.dma_semaphore, #tpu.memory_space<semaphore_mem>>) src(%dma_wait3A_276 : memref<10240x128xf32, #tpu.memory_space<hbm>>) dst(%arg12 : memref<80x128xf32, #tpu.memory_space<vmem>>)
    %dma_start3A_277 = arith.constant 1 : i32
    %dma_start3A_278 = arith.constant 0 : i32
    %dma_start3A_279 = tpu.memref_slice %arg10[%dma_start3A_277, %dma_start3A_278] : memref<125x80xi32, #tpu.memory_space<vmem>> -> memref<1x80xi32, #tpu.memory_space<vmem>>
    %dma_start3A_280 = tpu.memref_squeeze %dma_start3A_279 : memref<1x80xi32, #tpu.memory_space<vmem>> -> memref<80xi32, #tpu.memory_space<vmem>>
    %dma_start3A_281 = arith.constant 0 : i32
    %dma_start3A_282 = arith.constant 0 : i32
    %dma_start3A_283 = tpu.memref_slice %arg14[%dma_start3A_281, %dma_start3A_282] : memref<5120x128xf32, #tpu.memory_space<vmem_shared>> -> memref<5120x128xf32, #tpu.memory_space<vmem_shared>>
    tpu.enqueue_indirect_dma source(%arg12 : memref<80x128xf32, #tpu.memory_space<vmem>>) target(%dma_start3A_283 : memref<5120x128xf32, #tpu.memory_space<vmem_shared>>) offsets(%dma_start3A_280 : memref<80xi32, #tpu.memory_space<vmem>>) semaphore(%arg19 : memref<!tpu.dma_semaphore, #tpu.memory_space<semaphore_mem>>) {add = true}
    %dma_wait3A_284 = arith.constant 0 : i32
    %dma_wait3A_285 = arith.constant 0 : i32
    %dma_wait3A_286 = tpu.memref_slice %arg10[%dma_wait3A_284, %dma_wait3A_285] : memref<125x80xi32, #tpu.memory_space<vmem>> -> memref<1x80xi32, #tpu.memory_space<vmem>>
    %dma_wait3A_287 = tpu.memref_squeeze %dma_wait3A_286 : memref<1x80xi32, #tpu.memory_space<vmem>> -> memref<80xi32, #tpu.memory_space<vmem>>
    %dma_wait3A_288 = arith.constant 0 : i32
    %dma_wait3A_289 = arith.constant 0 : i32
    %dma_wait3A_290 = tpu.memref_slice %arg14[%dma_wait3A_288, %dma_wait3A_289] : memref<5120x128xf32, #tpu.memory_space<vmem_shared>> -> memref<5120x128xf32, #tpu.memory_space<vmem_shared>>
    tpu.wait_indirect_dma semaphore(%arg18 : memref<!tpu.dma_semaphore, #tpu.memory_space<semaphore_mem>>) src(%arg11 : memref<80x128xf32, #tpu.memory_space<vmem>>) dst(%dma_wait3A_290 : memref<5120x128xf32, #tpu.memory_space<vmem_shared>>)
    %dma_start3A_291 = arith.constant 3 : i32
    %dma_start3A_292 = arith.constant 0 : i32
    %dma_start3A_293 = tpu.memref_slice %arg9[%dma_start3A_291, %dma_start3A_292] : memref<125x80xi32, #tpu.memory_space<vmem>> -> memref<1x80xi32, #tpu.memory_space<vmem>>
    %dma_start3A_294 = tpu.memref_squeeze %dma_start3A_293 : memref<1x80xi32, #tpu.memory_space<vmem>> -> memref<80xi32, #tpu.memory_space<vmem>>
    %dma_start3A_295 = arith.constant 0 : i32
    %dma_start3A_296 = arith.constant 0 : i32
    %dma_start3A_297 = tpu.memref_slice %arg3[%dma_start3A_295, %dma_start3A_296] : memref<10240x128xf32, #tpu.memory_space<hbm>> -> memref<10240x128xf32, #tpu.memory_space<hbm>>
    tpu.enqueue_indirect_dma source(%dma_start3A_297 : memref<10240x128xf32, #tpu.memory_space<hbm>>) target(%arg11 : memref<80x128xf32, #tpu.memory_space<vmem>>) offsets(%dma_start3A_294 : memref<80xi32, #tpu.memory_space<vmem>>) semaphore(%arg15 : memref<!tpu.dma_semaphore, #tpu.memory_space<semaphore_mem>>)
    %dma_wait3A_298 = arith.constant 0 : i32
    %dma_wait3A_299 = arith.constant 0 : i32
    %dma_wait3A_300 = tpu.memref_slice %arg9[%dma_wait3A_298, %dma_wait3A_299] : memref<125x80xi32, #tpu.memory_space<vmem>> -> memref<1x80xi32, #tpu.memory_space<vmem>>
    %dma_wait3A_301 = tpu.memref_squeeze %dma_wait3A_300 : memref<1x80xi32, #tpu.memory_space<vmem>> -> memref<80xi32, #tpu.memory_space<vmem>>
    %dma_wait3A_302 = arith.constant 0 : i32
    %dma_wait3A_303 = arith.constant 0 : i32
    %dma_wait3A_304 = tpu.memref_slice %arg3[%dma_wait3A_302, %dma_wait3A_303] : memref<10240x128xf32, #tpu.memory_space<hbm>> -> memref<10240x128xf32, #tpu.memory_space<hbm>>
    tpu.wait_indirect_dma semaphore(%arg17 : memref<!tpu.dma_semaphore, #tpu.memory_space<semaphore_mem>>) src(%dma_wait3A_304 : memref<10240x128xf32, #tpu.memory_space<hbm>>) dst(%arg13 : memref<80x128xf32, #tpu.memory_space<vmem>>)
    %dma_start3A_305 = arith.constant 2 : i32
    %dma_start3A_306 = arith.constant 0 : i32
    %dma_start3A_307 = tpu.memref_slice %arg10[%dma_start3A_305, %dma_start3A_306] : memref<125x80xi32, #tpu.memory_space<vmem>> -> memref<1x80xi32, #tpu.memory_space<vmem>>
    %dma_start3A_308 = tpu.memref_squeeze %dma_start3A_307 : memref<1x80xi32, #tpu.memory_space<vmem>> -> memref<80xi32, #tpu.memory_space<vmem>>
    %dma_start3A_309 = arith.constant 0 : i32
    %dma_start3A_310 = arith.constant 0 : i32
    %dma_start3A_311 = tpu.memref_slice %arg14[%dma_start3A_309, %dma_start3A_310] : memref<5120x128xf32, #tpu.memory_space<vmem_shared>> -> memref<5120x128xf32, #tpu.memory_space<vmem_shared>>
    tpu.enqueue_indirect_dma source(%arg13 : memref<80x128xf32, #tpu.memory_space<vmem>>) target(%dma_start3A_311 : memref<5120x128xf32, #tpu.memory_space<vmem_shared>>) offsets(%dma_start3A_308 : memref<80xi32, #tpu.memory_space<vmem>>) semaphore(%arg20 : memref<!tpu.dma_semaphore, #tpu.memory_space<semaphore_mem>>) {add = true}
    %dma_wait3A_312 = arith.constant 0 : i32
    %dma_wait3A_313 = arith.constant 0 : i32
    %dma_wait3A_314 = tpu.memref_slice %arg10[%dma_wait3A_312, %dma_wait3A_313] : memref<125x80xi32, #tpu.memory_space<vmem>> -> memref<1x80xi32, #tpu.memory_space<vmem>>
    %dma_wait3A_315 = tpu.memref_squeeze %dma_wait3A_314 : memref<1x80xi32, #tpu.memory_space<vmem>> -> memref<80xi32, #tpu.memory_space<vmem>>
    %dma_wait3A_316 = arith.constant 0 : i32
    %dma_wait3A_317 = arith.constant 0 : i32
    %dma_wait3A_318 = tpu.memref_slice %arg14[%dma_wait3A_316, %dma_wait3A_317] : memref<5120x128xf32, #tpu.memory_space<vmem_shared>> -> memref<5120x128xf32, #tpu.memory_space<vmem_shared>>
    tpu.wait_indirect_dma semaphore(%arg19 : memref<!tpu.dma_semaphore, #tpu.memory_space<semaphore_mem>>) src(%arg12 : memref<80x128xf32, #tpu.memory_space<vmem>>) dst(%dma_wait3A_318 : memref<5120x128xf32, #tpu.memory_space<vmem_shared>>)
    %dma_start3A_319 = arith.constant 4 : i32
    %dma_start3A_320 = arith.constant 0 : i32
    %dma_start3A_321 = tpu.memref_slice %arg9[%dma_start3A_319, %dma_start3A_320] : memref<125x80xi32, #tpu.memory_space<vmem>> -> memref<1x80xi32, #tpu.memory_space<vmem>>
    %dma_start3A_322 = tpu.memref_squeeze %dma_start3A_321 : memref<1x80xi32, #tpu.memory_space<vmem>> -> memref<80xi32, #tpu.memory_space<vmem>>
    %dma_start3A_323 = arith.constant 0 : i32
    %dma_start3A_324 = arith.constant 0 : i32
    %dma_start3A_325 = tpu.memref_slice %arg3[%dma_start3A_323, %dma_start3A_324] : memref<10240x128xf32, #tpu.memory_space<hbm>> -> memref<10240x128xf32, #tpu.memory_space<hbm>>
    tpu.enqueue_indirect_dma source(%dma_start3A_325 : memref<10240x128xf32, #tpu.memory_space<hbm>>) target(%arg12 : memref<80x128xf32, #tpu.memory_space<vmem>>) offsets(%dma_start3A_322 : memref<80xi32, #tpu.memory_space<vmem>>) semaphore(%arg16 : memref<!tpu.dma_semaphore, #tpu.memory_space<semaphore_mem>>)
    %scan3A_326 = arith.constant 0 : i32
    %scan3A_327 = arith.constant 0 : i32
    %scan3A_328 = arith.constant 40 : i32
    %scan3A_329 = arith.addi %scan3A_327, %scan3A_328 : i32
    %scan3A_330 = arith.constant 1 : i32
    scf.for %scan3A_382 = %scan3A_327 to %scan3A_329 step %scan3A_330  : i32 {
      %mul3A_383 = arith.constant 3 : i32
      %mul3A_384 = arith.muli %scan3A_382, %mul3A_383 : i32
      %add3A_385 = arith.constant 3 : i32
      %add3A_386 = arith.addi %mul3A_384, %add3A_385 : i32
      %add3A_387 = arith.constant 0 : i32
      %add3A_388 = arith.addi %add3A_386, %add3A_387 : i32
      %dma_wait3A_389 = arith.constant 0 : i32
      %dma_wait3A_390 = arith.constant 0 : i32
      %dma_wait3A_391 = tpu.memref_slice %arg9[%dma_wait3A_389, %dma_wait3A_390] : memref<125x80xi32, #tpu.memory_space<vmem>> -> memref<1x80xi32, #tpu.memory_space<vmem>>
      %dma_wait3A_392 = tpu.memref_squeeze %dma_wait3A_391 : memref<1x80xi32, #tpu.memory_space<vmem>> -> memref<80xi32, #tpu.memory_space<vmem>>
      %dma_wait3A_393 = arith.constant 0 : i32
      %dma_wait3A_394 = arith.constant 0 : i32
      %dma_wait3A_395 = tpu.memref_slice %arg3[%dma_wait3A_393, %dma_wait3A_394] : memref<10240x128xf32, #tpu.memory_space<hbm>> -> memref<10240x128xf32, #tpu.memory_space<hbm>>
      tpu.wait_indirect_dma semaphore(%arg15 : memref<!tpu.dma_semaphore, #tpu.memory_space<semaphore_mem>>) src(%dma_wait3A_395 : memref<10240x128xf32, #tpu.memory_space<hbm>>) dst(%arg11 : memref<80x128xf32, #tpu.memory_space<vmem>>)
      %dma_start3A_396 = arith.constant 0 : i32
      %dma_start3A_397 = tpu.memref_slice %arg10[%add3A_388, %dma_start3A_396] : memref<125x80xi32, #tpu.memory_space<vmem>> -> memref<1x80xi32, #tpu.memory_space<vmem>>
      %dma_start3A_398 = tpu.memref_squeeze %dma_start3A_397 : memref<1x80xi32, #tpu.memory_space<vmem>> -> memref<80xi32, #tpu.memory_space<vmem>>
      %dma_start3A_399 = arith.constant 0 : i32
      %dma_start3A_400 = arith.constant 0 : i32
      %dma_start3A_401 = tpu.memref_slice %arg14[%dma_start3A_399, %dma_start3A_400] : memref<5120x128xf32, #tpu.memory_space<vmem_shared>> -> memref<5120x128xf32, #tpu.memory_space<vmem_shared>>
      tpu.enqueue_indirect_dma source(%arg11 : memref<80x128xf32, #tpu.memory_space<vmem>>) target(%dma_start3A_401 : memref<5120x128xf32, #tpu.memory_space<vmem_shared>>) offsets(%dma_start3A_398 : memref<80xi32, #tpu.memory_space<vmem>>) semaphore(%arg18 : memref<!tpu.dma_semaphore, #tpu.memory_space<semaphore_mem>>) {add = true}
      %dma_wait3A_402 = arith.constant 0 : i32
      %dma_wait3A_403 = arith.constant 0 : i32
      %dma_wait3A_404 = tpu.memref_slice %arg10[%dma_wait3A_402, %dma_wait3A_403] : memref<125x80xi32, #tpu.memory_space<vmem>> -> memref<1x80xi32, #tpu.memory_space<vmem>>
      %dma_wait3A_405 = tpu.memref_squeeze %dma_wait3A_404 : memref<1x80xi32, #tpu.memory_space<vmem>> -> memref<80xi32, #tpu.memory_space<vmem>>
      %dma_wait3A_406 = arith.constant 0 : i32
      %dma_wait3A_407 = arith.constant 0 : i32
      %dma_wait3A_408 = tpu.memref_slice %arg14[%dma_wait3A_406, %dma_wait3A_407] : memref<5120x128xf32, #tpu.memory_space<vmem_shared>> -> memref<5120x128xf32, #tpu.memory_space<vmem_shared>>
      tpu.wait_indirect_dma semaphore(%arg20 : memref<!tpu.dma_semaphore, #tpu.memory_space<semaphore_mem>>) src(%arg13 : memref<80x128xf32, #tpu.memory_space<vmem>>) dst(%dma_wait3A_408 : memref<5120x128xf32, #tpu.memory_space<vmem_shared>>)
      %add3A_409 = arith.constant 2 : i32
      %add3A_410 = arith.addi %add3A_388, %add3A_409 : i32
      %dma_start3A_411 = arith.constant 0 : i32
      %dma_start3A_412 = tpu.memref_slice %arg9[%add3A_410, %dma_start3A_411] : memref<125x80xi32, #tpu.memory_space<vmem>> -> memref<1x80xi32, #tpu.memory_space<vmem>>
      %dma_start3A_413 = tpu.memref_squeeze %dma_start3A_412 : memref<1x80xi32, #tpu.memory_space<vmem>> -> memref<80xi32, #tpu.memory_space<vmem>>
      %dma_start3A_414 = arith.constant 0 : i32
      %dma_start3A_415 = arith.constant 0 : i32
      %dma_start3A_416 = tpu.memref_slice %arg3[%dma_start3A_414, %dma_start3A_415] : memref<10240x128xf32, #tpu.memory_space<hbm>> -> memref<10240x128xf32, #tpu.memory_space<hbm>>
      tpu.enqueue_indirect_dma source(%dma_start3A_416 : memref<10240x128xf32, #tpu.memory_space<hbm>>) target(%arg13 : memref<80x128xf32, #tpu.memory_space<vmem>>) offsets(%dma_start3A_413 : memref<80xi32, #tpu.memory_space<vmem>>) semaphore(%arg17 : memref<!tpu.dma_semaphore, #tpu.memory_space<semaphore_mem>>)
      %add3A_417 = arith.constant 1 : i32
      %add3A_418 = arith.addi %add3A_386, %add3A_417 : i32
      %dma_wait3A_419 = arith.constant 0 : i32
      %dma_wait3A_420 = arith.constant 0 : i32
      %dma_wait3A_421 = tpu.memref_slice %arg9[%dma_wait3A_419, %dma_wait3A_420] : memref<125x80xi32, #tpu.memory_space<vmem>> -> memref<1x80xi32, #tpu.memory_space<vmem>>
      %dma_wait3A_422 = tpu.memref_squeeze %dma_wait3A_421 : memref<1x80xi32, #tpu.memory_space<vmem>> -> memref<80xi32, #tpu.memory_space<vmem>>
      %dma_wait3A_423 = arith.constant 0 : i32
      %dma_wait3A_424 = arith.constant 0 : i32
      %dma_wait3A_425 = tpu.memref_slice %arg3[%dma_wait3A_423, %dma_wait3A_424] : memref<10240x128xf32, #tpu.memory_space<hbm>> -> memref<10240x128xf32, #tpu.memory_space<hbm>>
      tpu.wait_indirect_dma semaphore(%arg16 : memref<!tpu.dma_semaphore, #tpu.memory_space<semaphore_mem>>) src(%dma_wait3A_425 : memref<10240x128xf32, #tpu.memory_space<hbm>>) dst(%arg12 : memref<80x128xf32, #tpu.memory_space<vmem>>)
      %dma_start3A_426 = arith.constant 0 : i32
      %dma_start3A_427 = tpu.memref_slice %arg10[%add3A_418, %dma_start3A_426] : memref<125x80xi32, #tpu.memory_space<vmem>> -> memref<1x80xi32, #tpu.memory_space<vmem>>
      %dma_start3A_428 = tpu.memref_squeeze %dma_start3A_427 : memref<1x80xi32, #tpu.memory_space<vmem>> -> memref<80xi32, #tpu.memory_space<vmem>>
      %dma_start3A_429 = arith.constant 0 : i32
      %dma_start3A_430 = arith.constant 0 : i32
      %dma_start3A_431 = tpu.memref_slice %arg14[%dma_start3A_429, %dma_start3A_430] : memref<5120x128xf32, #tpu.memory_space<vmem_shared>> -> memref<5120x128xf32, #tpu.memory_space<vmem_shared>>
      tpu.enqueue_indirect_dma source(%arg12 : memref<80x128xf32, #tpu.memory_space<vmem>>) target(%dma_start3A_431 : memref<5120x128xf32, #tpu.memory_space<vmem_shared>>) offsets(%dma_start3A_428 : memref<80xi32, #tpu.memory_space<vmem>>) semaphore(%arg19 : memref<!tpu.dma_semaphore, #tpu.memory_space<semaphore_mem>>) {add = true}
      %dma_wait3A_432 = arith.constant 0 : i32
      %dma_wait3A_433 = arith.constant 0 : i32
      %dma_wait3A_434 = tpu.memref_slice %arg10[%dma_wait3A_432, %dma_wait3A_433] : memref<125x80xi32, #tpu.memory_space<vmem>> -> memref<1x80xi32, #tpu.memory_space<vmem>>
      %dma_wait3A_435 = tpu.memref_squeeze %dma_wait3A_434 : memref<1x80xi32, #tpu.memory_space<vmem>> -> memref<80xi32, #tpu.memory_space<vmem>>
      %dma_wait3A_436 = arith.constant 0 : i32
      %dma_wait3A_437 = arith.constant 0 : i32
      %dma_wait3A_438 = tpu.memref_slice %arg14[%dma_wait3A_436, %dma_wait3A_437] : memref<5120x128xf32, #tpu.memory_space<vmem_shared>> -> memref<5120x128xf32, #tpu.memory_space<vmem_shared>>
      tpu.wait_indirect_dma semaphore(%arg18 : memref<!tpu.dma_semaphore, #tpu.memory_space<semaphore_mem>>) src(%arg11 : memref<80x128xf32, #tpu.memory_space<vmem>>) dst(%dma_wait3A_438 : memref<5120x128xf32, #tpu.memory_space<vmem_shared>>)
      %add3A_439 = arith.constant 2 : i32
      %add3A_440 = arith.addi %add3A_418, %add3A_439 : i32
      %dma_start3A_441 = arith.constant 0 : i32
      %dma_start3A_442 = tpu.memref_slice %arg9[%add3A_440, %dma_start3A_441] : memref<125x80xi32, #tpu.memory_space<vmem>> -> memref<1x80xi32, #tpu.memory_space<vmem>>
      %dma_start3A_443 = tpu.memref_squeeze %dma_start3A_442 : memref<1x80xi32, #tpu.memory_space<vmem>> -> memref<80xi32, #tpu.memory_space<vmem>>
      %dma_start3A_444 = arith.constant 0 : i32
      %dma_start3A_445 = arith.constant 0 : i32
      %dma_start3A_446 = tpu.memref_slice %arg3[%dma_start3A_444, %dma_start3A_445] : memref<10240x128xf32, #tpu.memory_space<hbm>> -> memref<10240x128xf32, #tpu.memory_space<hbm>>
      tpu.enqueue_indirect_dma source(%dma_start3A_446 : memref<10240x128xf32, #tpu.memory_space<hbm>>) target(%arg11 : memref<80x128xf32, #tpu.memory_space<vmem>>) offsets(%dma_start3A_443 : memref<80xi32, #tpu.memory_space<vmem>>) semaphore(%arg15 : memref<!tpu.dma_semaphore, #tpu.memory_space<semaphore_mem>>)
      %add3A_447 = arith.constant 2 : i32
      %add3A_448 = arith.addi %add3A_386, %add3A_447 : i32
      %dma_wait3A_449 = arith.constant 0 : i32
      %dma_wait3A_450 = arith.constant 0 : i32
      %dma_wait3A_451 = tpu.memref_slice %arg9[%dma_wait3A_449, %dma_wait3A_450] : memref<125x80xi32, #tpu.memory_space<vmem>> -> memref<1x80xi32, #tpu.memory_space<vmem>>
      %dma_wait3A_452 = tpu.memref_squeeze %dma_wait3A_451 : memref<1x80xi32, #tpu.memory_space<vmem>> -> memref<80xi32, #tpu.memory_space<vmem>>
      %dma_wait3A_453 = arith.constant 0 : i32
      %dma_wait3A_454 = arith.constant 0 : i32
      %dma_wait3A_455 = tpu.memref_slice %arg3[%dma_wait3A_453, %dma_wait3A_454] : memref<10240x128xf32, #tpu.memory_space<hbm>> -> memref<10240x128xf32, #tpu.memory_space<hbm>>
      tpu.wait_indirect_dma semaphore(%arg17 : memref<!tpu.dma_semaphore, #tpu.memory_space<semaphore_mem>>) src(%dma_wait3A_455 : memref<10240x128xf32, #tpu.memory_space<hbm>>) dst(%arg13 : memref<80x128xf32, #tpu.memory_space<vmem>>)
      %dma_start3A_456 = arith.constant 0 : i32
      %dma_start3A_457 = tpu.memref_slice %arg10[%add3A_448, %dma_start3A_456] : memref<125x80xi32, #tpu.memory_space<vmem>> -> memref<1x80xi32, #tpu.memory_space<vmem>>
      %dma_start3A_458 = tpu.memref_squeeze %dma_start3A_457 : memref<1x80xi32, #tpu.memory_space<vmem>> -> memref<80xi32, #tpu.memory_space<vmem>>
      %dma_start3A_459 = arith.constant 0 : i32
      %dma_start3A_460 = arith.constant 0 : i32
      %dma_start3A_461 = tpu.memref_slice %arg14[%dma_start3A_459, %dma_start3A_460] : memref<5120x128xf32, #tpu.memory_space<vmem_shared>> -> memref<5120x128xf32, #tpu.memory_space<vmem_shared>>
      tpu.enqueue_indirect_dma source(%arg13 : memref<80x128xf32, #tpu.memory_space<vmem>>) target(%dma_start3A_461 : memref<5120x128xf32, #tpu.memory_space<vmem_shared>>) offsets(%dma_start3A_458 : memref<80xi32, #tpu.memory_space<vmem>>) semaphore(%arg20 : memref<!tpu.dma_semaphore, #tpu.memory_space<semaphore_mem>>) {add = true}
      %dma_wait3A_462 = arith.constant 0 : i32
      %dma_wait3A_463 = arith.constant 0 : i32
      %dma_wait3A_464 = tpu.memref_slice %arg10[%dma_wait3A_462, %dma_wait3A_463] : memref<125x80xi32, #tpu.memory_space<vmem>> -> memref<1x80xi32, #tpu.memory_space<vmem>>
      %dma_wait3A_465 = tpu.memref_squeeze %dma_wait3A_464 : memref<1x80xi32, #tpu.memory_space<vmem>> -> memref<80xi32, #tpu.memory_space<vmem>>
      %dma_wait3A_466 = arith.constant 0 : i32
      %dma_wait3A_467 = arith.constant 0 : i32
      %dma_wait3A_468 = tpu.memref_slice %arg14[%dma_wait3A_466, %dma_wait3A_467] : memref<5120x128xf32, #tpu.memory_space<vmem_shared>> -> memref<5120x128xf32, #tpu.memory_space<vmem_shared>>
      tpu.wait_indirect_dma semaphore(%arg19 : memref<!tpu.dma_semaphore, #tpu.memory_space<semaphore_mem>>) src(%arg12 : memref<80x128xf32, #tpu.memory_space<vmem>>) dst(%dma_wait3A_468 : memref<5120x128xf32, #tpu.memory_space<vmem_shared>>)
      %add3A_469 = arith.constant 2 : i32
      %add3A_470 = arith.addi %add3A_448, %add3A_469 : i32
      %dma_start3A_471 = arith.constant 0 : i32
      %dma_start3A_472 = tpu.memref_slice %arg9[%add3A_470, %dma_start3A_471] : memref<125x80xi32, #tpu.memory_space<vmem>> -> memref<1x80xi32, #tpu.memory_space<vmem>>
      %dma_start3A_473 = tpu.memref_squeeze %dma_start3A_472 : memref<1x80xi32, #tpu.memory_space<vmem>> -> memref<80xi32, #tpu.memory_space<vmem>>
      %dma_start3A_474 = arith.constant 0 : i32
      %dma_start3A_475 = arith.constant 0 : i32
      %dma_start3A_476 = tpu.memref_slice %arg3[%dma_start3A_474, %dma_start3A_475] : memref<10240x128xf32, #tpu.memory_space<hbm>> -> memref<10240x128xf32, #tpu.memory_space<hbm>>
      tpu.enqueue_indirect_dma source(%dma_start3A_476 : memref<10240x128xf32, #tpu.memory_space<hbm>>) target(%arg12 : memref<80x128xf32, #tpu.memory_space<vmem>>) offsets(%dma_start3A_473 : memref<80xi32, #tpu.memory_space<vmem>>) semaphore(%arg16 : memref<!tpu.dma_semaphore, #tpu.memory_space<semaphore_mem>>)
    }
    %scan3A_331 = arith.constant 40 : i32
    %dma_wait3A_332 = arith.constant 0 : i32
    %dma_wait3A_333 = arith.constant 0 : i32
    %dma_wait3A_334 = tpu.memref_slice %arg9[%dma_wait3A_332, %dma_wait3A_333] : memref<125x80xi32, #tpu.memory_space<vmem>> -> memref<1x80xi32, #tpu.memory_space<vmem>>
    %dma_wait3A_335 = tpu.memref_squeeze %dma_wait3A_334 : memref<1x80xi32, #tpu.memory_space<vmem>> -> memref<80xi32, #tpu.memory_space<vmem>>
    %dma_wait3A_336 = arith.constant 0 : i32
    %dma_wait3A_337 = arith.constant 0 : i32
    %dma_wait3A_338 = tpu.memref_slice %arg3[%dma_wait3A_336, %dma_wait3A_337] : memref<10240x128xf32, #tpu.memory_space<hbm>> -> memref<10240x128xf32, #tpu.memory_space<hbm>>
    tpu.wait_indirect_dma semaphore(%arg15 : memref<!tpu.dma_semaphore, #tpu.memory_space<semaphore_mem>>) src(%dma_wait3A_338 : memref<10240x128xf32, #tpu.memory_space<hbm>>) dst(%arg11 : memref<80x128xf32, #tpu.memory_space<vmem>>)
    %dma_start3A_339 = arith.constant 123 : i32
    %dma_start3A_340 = arith.constant 0 : i32
    %dma_start3A_341 = tpu.memref_slice %arg10[%dma_start3A_339, %dma_start3A_340] : memref<125x80xi32, #tpu.memory_space<vmem>> -> memref<1x80xi32, #tpu.memory_space<vmem>>
    %dma_start3A_342 = tpu.memref_squeeze %dma_start3A_341 : memref<1x80xi32, #tpu.memory_space<vmem>> -> memref<80xi32, #tpu.memory_space<vmem>>
    %dma_start3A_343 = arith.constant 0 : i32
    %dma_start3A_344 = arith.constant 0 : i32
    %dma_start3A_345 = tpu.memref_slice %arg14[%dma_start3A_343, %dma_start3A_344] : memref<5120x128xf32, #tpu.memory_space<vmem_shared>> -> memref<5120x128xf32, #tpu.memory_space<vmem_shared>>
    tpu.enqueue_indirect_dma source(%arg11 : memref<80x128xf32, #tpu.memory_space<vmem>>) target(%dma_start3A_345 : memref<5120x128xf32, #tpu.memory_space<vmem_shared>>) offsets(%dma_start3A_342 : memref<80xi32, #tpu.memory_space<vmem>>) semaphore(%arg18 : memref<!tpu.dma_semaphore, #tpu.memory_space<semaphore_mem>>) {add = true}
    %dma_wait3A_346 = arith.constant 0 : i32
    %dma_wait3A_347 = arith.constant 0 : i32
    %dma_wait3A_348 = tpu.memref_slice %arg9[%dma_wait3A_346, %dma_wait3A_347] : memref<125x80xi32, #tpu.memory_space<vmem>> -> memref<1x80xi32, #tpu.memory_space<vmem>>
    %dma_wait3A_349 = tpu.memref_squeeze %dma_wait3A_348 : memref<1x80xi32, #tpu.memory_space<vmem>> -> memref<80xi32, #tpu.memory_space<vmem>>
    %dma_wait3A_350 = arith.constant 0 : i32
    %dma_wait3A_351 = arith.constant 0 : i32
    %dma_wait3A_352 = tpu.memref_slice %arg3[%dma_wait3A_350, %dma_wait3A_351] : memref<10240x128xf32, #tpu.memory_space<hbm>> -> memref<10240x128xf32, #tpu.memory_space<hbm>>
    tpu.wait_indirect_dma semaphore(%arg16 : memref<!tpu.dma_semaphore, #tpu.memory_space<semaphore_mem>>) src(%dma_wait3A_352 : memref<10240x128xf32, #tpu.memory_space<hbm>>) dst(%arg12 : memref<80x128xf32, #tpu.memory_space<vmem>>)
    %dma_start3A_353 = arith.constant 124 : i32
    %dma_start3A_354 = arith.constant 0 : i32
    %dma_start3A_355 = tpu.memref_slice %arg10[%dma_start3A_353, %dma_start3A_354] : memref<125x80xi32, #tpu.memory_space<vmem>> -> memref<1x80xi32, #tpu.memory_space<vmem>>
    %dma_start3A_356 = tpu.memref_squeeze %dma_start3A_355 : memref<1x80xi32, #tpu.memory_space<vmem>> -> memref<80xi32, #tpu.memory_space<vmem>>
    %dma_start3A_357 = arith.constant 0 : i32
    %dma_start3A_358 = arith.constant 0 : i32
    %dma_start3A_359 = tpu.memref_slice %arg14[%dma_start3A_357, %dma_start3A_358] : memref<5120x128xf32, #tpu.memory_space<vmem_shared>> -> memref<5120x128xf32, #tpu.memory_space<vmem_shared>>
    tpu.enqueue_indirect_dma source(%arg12 : memref<80x128xf32, #tpu.memory_space<vmem>>) target(%dma_start3A_359 : memref<5120x128xf32, #tpu.memory_space<vmem_shared>>) offsets(%dma_start3A_356 : memref<80xi32, #tpu.memory_space<vmem>>) semaphore(%arg19 : memref<!tpu.dma_semaphore, #tpu.memory_space<semaphore_mem>>) {add = true}
    %dma_wait3A_360 = arith.constant 0 : i32
    %dma_wait3A_361 = arith.constant 0 : i32
    %dma_wait3A_362 = tpu.memref_slice %arg10[%dma_wait3A_360, %dma_wait3A_361] : memref<125x80xi32, #tpu.memory_space<vmem>> -> memref<1x80xi32, #tpu.memory_space<vmem>>
    %dma_wait3A_363 = tpu.memref_squeeze %dma_wait3A_362 : memref<1x80xi32, #tpu.memory_space<vmem>> -> memref<80xi32, #tpu.memory_space<vmem>>
    %dma_wait3A_364 = arith.constant 0 : i32
    %dma_wait3A_365 = arith.constant 0 : i32
    %dma_wait3A_366 = tpu.memref_slice %arg14[%dma_wait3A_364, %dma_wait3A_365] : memref<5120x128xf32, #tpu.memory_space<vmem_shared>> -> memref<5120x128xf32, #tpu.memory_space<vmem_shared>>
    tpu.wait_indirect_dma semaphore(%arg18 : memref<!tpu.dma_semaphore, #tpu.memory_space<semaphore_mem>>) src(%arg11 : memref<80x128xf32, #tpu.memory_space<vmem>>) dst(%dma_wait3A_366 : memref<5120x128xf32, #tpu.memory_space<vmem_shared>>)
    %dma_wait3A_367 = arith.constant 0 : i32
    %dma_wait3A_368 = arith.constant 0 : i32
    %dma_wait3A_369 = tpu.memref_slice %arg10[%dma_wait3A_367, %dma_wait3A_368] : memref<125x80xi32, #tpu.memory_space<vmem>> -> memref<1x80xi32, #tpu.memory_space<vmem>>
    %dma_wait3A_370 = tpu.memref_squeeze %dma_wait3A_369 : memref<1x80xi32, #tpu.memory_space<vmem>> -> memref<80xi32, #tpu.memory_space<vmem>>
    %dma_wait3A_371 = arith.constant 0 : i32
    %dma_wait3A_372 = arith.constant 0 : i32
    %dma_wait3A_373 = tpu.memref_slice %arg14[%dma_wait3A_371, %dma_wait3A_372] : memref<5120x128xf32, #tpu.memory_space<vmem_shared>> -> memref<5120x128xf32, #tpu.memory_space<vmem_shared>>
    tpu.wait_indirect_dma semaphore(%arg19 : memref<!tpu.dma_semaphore, #tpu.memory_space<semaphore_mem>>) src(%arg12 : memref<80x128xf32, #tpu.memory_space<vmem>>) dst(%dma_wait3A_373 : memref<5120x128xf32, #tpu.memory_space<vmem_shared>>)
    %dma_wait3A_374 = arith.constant 0 : i32
    %dma_wait3A_375 = arith.constant 0 : i32
    %dma_wait3A_376 = tpu.memref_slice %arg10[%dma_wait3A_374, %dma_wait3A_375] : memref<125x80xi32, #tpu.memory_space<vmem>> -> memref<1x80xi32, #tpu.memory_space<vmem>>
    %dma_wait3A_377 = tpu.memref_squeeze %dma_wait3A_376 : memref<1x80xi32, #tpu.memory_space<vmem>> -> memref<80xi32, #tpu.memory_space<vmem>>
    %dma_wait3A_378 = arith.constant 0 : i32
    %dma_wait3A_379 = arith.constant 0 : i32
    %dma_wait3A_380 = tpu.memref_slice %arg14[%dma_wait3A_378, %dma_wait3A_379] : memref<5120x128xf32, #tpu.memory_space<vmem_shared>> -> memref<5120x128xf32, #tpu.memory_space<vmem_shared>>
    tpu.wait_indirect_dma semaphore(%arg20 : memref<!tpu.dma_semaphore, #tpu.memory_space<semaphore_mem>>) src(%arg13 : memref<80x128xf32, #tpu.memory_space<vmem>>) dst(%dma_wait3A_380 : memref<5120x128xf32, #tpu.memory_space<vmem_shared>>)
    %barrier3A_381 = arith.constant 0 : index
    tpu.barrier barrier_id(%barrier3A_381)
    "tpu.region"() ({
      %run_scoped3A = tpu.sem_alloc : memref<!tpu.dma_semaphore, #tpu.memory_space<semaphore_mem>>
      %dma_start3A_382 = arith.constant 0 : i32
      %dma_start3A_383 = tpu.memref_slice %arg8[%add3A_88, %dma_start3A_382] : memref<10240x128xf32, #tpu.memory_space<hbm>> -> memref<320x128xf32, #tpu.memory_space<hbm>>
      %dma_start3A_384 = arith.constant 0 : i32
      %dma_start3A_385 = tpu.memref_slice %arg14[%mul3A_2, %dma_start3A_384] : memref<5120x128xf32, #tpu.memory_space<vmem_shared>> -> memref<320x128xf32, #tpu.memory_space<vmem_shared>>
      tpu.enqueue_dma source(%dma_start3A_385 : memref<320x128xf32, #tpu.memory_space<vmem_shared>>) target(%dma_start3A_383 : memref<320x128xf32, #tpu.memory_space<hbm>>) target_semaphore(%run_scoped3A : memref<!tpu.dma_semaphore, #tpu.memory_space<semaphore_mem>>)
      %dma_wait3A_386 = arith.constant 0 : i32
      %dma_wait3A_387 = tpu.memref_slice %arg8[%add3A_88, %dma_wait3A_386] : memref<10240x128xf32, #tpu.memory_space<hbm>> -> memref<320x128xf32, #tpu.memory_space<hbm>>
      %dma_wait3A_388 = arith.constant 0 : i32
      %dma_wait3A_389 = tpu.memref_slice %arg14[%mul3A_2, %dma_wait3A_388] : memref<5120x128xf32, #tpu.memory_space<vmem_shared>> -> memref<320x128xf32, #tpu.memory_space<vmem_shared>>
      tpu.wait_dma2 semaphore(%run_scoped3A : memref<!tpu.dma_semaphore, #tpu.memory_space<semaphore_mem>>) src(%dma_wait3A_389 : memref<320x128xf32, #tpu.memory_space<vmem_shared>>) dst(%dma_wait3A_387 : memref<320x128xf32, #tpu.memory_space<hbm>>)
      tpu.yield
    }) : () -> ()
    return
  }
}

module attributes {stable_mosaic.version = 14 : i64} {
  func.func @_tc1_body(%arg0: i32, %arg1: memref<1024x128xf32, #tpu.memory_space<vmem>>, %arg2: memref<1024x8xf32, #tpu.memory_space<vmem>>, %arg3: memref<128x128xf32, #tpu.memory_space<vmem>>, %arg4: memref<1x128xf32, #tpu.memory_space<vmem>>, %arg5: memref<1024x128xf32, #tpu.memory_space<vmem>>) attributes {dimension_semantics = [#tpu.dimension_semantics<arbitrary>], iteration_bounds = array<i64: 10>, scalar_prefetch = 0 : i64, scratch_operands = 0 : i64, tpu.core_type = #tpu.core_type<tc>, window_params = [{transform_indices = @transform_0, window_bounds = array<i64: 1024, 128>}, {transform_indices = @transform_1, window_bounds = array<i64: 1024, 8>}, {pipeline_mode = #tpu.pipeline_mode<synchronous>, transform_indices = @transform_2, window_bounds = array<i64: 128, 128>}, {pipeline_mode = #tpu.pipeline_mode<synchronous>, transform_indices = @transform_3, window_bounds = array<i64: 1, 128>}, {transform_indices = @transform_4, window_bounds = array<i64: 1024, 128>}]} {
    %get3A = arith.constant 0 : index
    %get3A_0 = arith.constant 0 : index
    %get3A_1 = vector.load %arg1[%get3A, %get3A_0] : memref<1024x128xf32, #tpu.memory_space<vmem>>, vector<1024x128xf32>
    %get3A_2 = arith.constant 0 : index
    %get3A_3 = arith.constant 0 : index
    %get3A_4 = vector.load %arg2[%get3A_2, %get3A_3] : memref<1024x8xf32, #tpu.memory_space<vmem>>, vector<1024x8xf32>
    %slice3A = vector.extract_strided_slice %get3A_4 {offsets = [0, 0], sizes = [1024, 1], strides = [1, 1]} : vector<1024x8xf32> to vector<1024x1xf32>
    %max3A = arith.constant 1.000000e+00 : f32
    %max3A_5 = vector.broadcast %max3A : f32 to vector<1024x1xf32>
    %max3A_6 = arith.maximumf %slice3A, %max3A_5 : vector<1024x1xf32>
    %div3A = vector.broadcast %max3A_6 : vector<1024x1xf32> to vector<1024x128xf32>
    %div3A_7 = arith.divf %get3A_1, %div3A : vector<1024x128xf32>
    %get3A_8 = arith.constant 0 : index
    %get3A_9 = arith.constant 0 : index
    %get3A_10 = vector.load %arg3[%get3A_8, %get3A_9] : memref<128x128xf32, #tpu.memory_space<vmem>>, vector<128x128xf32>
    %dot_general3A = arith.constant dense<0.000000e+00> : vector<1024x128xf32>
    %dot_general3A_11 = tpu.matmul %div3A_7, %get3A_10, %dot_general3A {dimension_numbers = #tpu.dot_dimension_numbers<[1], [0], [0], [1], [0, 0, 1, 1], [], []>, transpose_lhs_hint = false} : vector<1024x128xf32>, vector<128x128xf32>, vector<1024x128xf32> -> vector<1024x128xf32>
    %get3A_12 = arith.constant 0 : index
    %get3A_13 = arith.constant 0 : index
    %get3A_14 = vector.load %arg4[%get3A_12, %get3A_13] : memref<1x128xf32, #tpu.memory_space<vmem>>, vector<1x128xf32>
    %add3A = vector.broadcast %get3A_14 : vector<1x128xf32> to vector<1024x128xf32>
    %add3A_15 = arith.addf %dot_general3A_11, %add3A : vector<1024x128xf32>
    %max3A_16 = arith.constant 0.000000e+00 : f32
    %max3A_17 = vector.broadcast %max3A_16 : f32 to vector<1024x128xf32>
    %max3A_18 = arith.maximumf %add3A_15, %max3A_17 : vector<1024x128xf32>
    %swap3A = arith.constant 0 : index
    %swap3A_19 = arith.constant 0 : index
    %swap3A_20 = vector.load %arg5[%swap3A, %swap3A_19] : memref<1024x128xf32, #tpu.memory_space<vmem>>, vector<1024x128xf32>
    tpu.vector_store %arg5[%swap3A, %swap3A_19], %max3A_18 {strides = array<i32>} : memref<1024x128xf32, #tpu.memory_space<vmem>>, vector<1024x128xf32>,
    return
  }
  func.func @transform_0(%arg0: i32) -> (i32, i32) {
    %c0_i32 = arith.constant 0 : i32
    %c0_i32_0 = arith.constant 0 : i32
    return %arg0, %c0_i32 : i32, i32
  }
  func.func @transform_1(%arg0: i32) -> (i32, i32) {
    %c0_i32 = arith.constant 0 : i32
    %c0_i32_0 = arith.constant 0 : i32
    return %arg0, %c0_i32 : i32, i32
  }
  func.func @transform_2(%arg0: i32) -> (i32, i32) {
    %c0_i32 = arith.constant 0 : i32
    %c0_i32_0 = arith.constant 0 : i32
    %c0_i32_1 = arith.constant 0 : i32
    return %c0_i32, %c0_i32_0 : i32, i32
  }
  func.func @transform_3(%arg0: i32) -> (i32, i32) {
    %c0_i32 = arith.constant 0 : i32
    %c0_i32_0 = arith.constant 0 : i32
    %c0_i32_1 = arith.constant 0 : i32
    return %c0_i32, %c0_i32_0 : i32, i32
  }
  func.func @transform_4(%arg0: i32) -> (i32, i32) {
    %c0_i32 = arith.constant 0 : i32
    %c0_i32_0 = arith.constant 0 : i32
    return %arg0, %c0_i32 : i32, i32
  }
}

module attributes {stable_mosaic.version = 14 : i64} {
  func.func @_tcB_body(%arg0: i32, %arg1: memref<1024x128xf32, #tpu.memory_space<vmem>>, %arg2: memref<1024x128xf32, #tpu.memory_space<vmem>>, %arg3: memref<1024x8xf32, #tpu.memory_space<vmem>>, %arg4: memref<128x128xf32, #tpu.memory_space<vmem>>, %arg5: memref<128x128xf32, #tpu.memory_space<vmem>>, %arg6: memref<128x128xf32, #tpu.memory_space<vmem>>, %arg7: memref<1x128xf32, #tpu.memory_space<vmem>>, %arg8: memref<1x128xf32, #tpu.memory_space<vmem>>, %arg9: memref<1024x128xf32, #tpu.memory_space<vmem>>, %arg10: memref<1024x128xf32, #tpu.memory_space<vmem>>) attributes {dimension_semantics = [#tpu.dimension_semantics<arbitrary>], iteration_bounds = array<i64: 10>, scalar_prefetch = 0 : i64, scratch_operands = 0 : i64, tpu.core_type = #tpu.core_type<tc>, window_params = [{transform_indices = @transform_0, window_bounds = array<i64: 1024, 128>}, {transform_indices = @transform_1, window_bounds = array<i64: 1024, 128>}, {transform_indices = @transform_2, window_bounds = array<i64: 1024, 8>}, {pipeline_mode = #tpu.pipeline_mode<synchronous>, transform_indices = @transform_3, window_bounds = array<i64: 128, 128>}, {pipeline_mode = #tpu.pipeline_mode<synchronous>, transform_indices = @transform_4, window_bounds = array<i64: 128, 128>}, {pipeline_mode = #tpu.pipeline_mode<synchronous>, transform_indices = @transform_5, window_bounds = array<i64: 128, 128>}, {pipeline_mode = #tpu.pipeline_mode<synchronous>, transform_indices = @transform_6, window_bounds = array<i64: 1, 128>}, {pipeline_mode = #tpu.pipeline_mode<synchronous>, transform_indices = @transform_7, window_bounds = array<i64: 1, 128>}, {transform_indices = @transform_8, window_bounds = array<i64: 1024, 128>}, {transform_indices = @transform_9, window_bounds = array<i64: 1024, 128>}]} {
    %get3A = arith.constant 0 : index
    %get3A_0 = arith.constant 0 : index
    %get3A_1 = vector.load %arg3[%get3A, %get3A_0] : memref<1024x8xf32, #tpu.memory_space<vmem>>, vector<1024x8xf32>
    %slice3A = vector.extract_strided_slice %get3A_1 {offsets = [0, 0], sizes = [1024, 1], strides = [1, 1]} : vector<1024x8xf32> to vector<1024x1xf32>
    %max3A = arith.constant 1.000000e+00 : f32
    %max3A_2 = vector.broadcast %max3A : f32 to vector<1024x1xf32>
    %max3A_3 = arith.maximumf %slice3A, %max3A_2 : vector<1024x1xf32>
    %div3A = arith.constant 1.000000e+00 : f32
    %div3A_4 = vector.broadcast %div3A : f32 to vector<1024x1xf32>
    %div3A_5 = arith.divf %div3A_4, %max3A_3 : vector<1024x1xf32>
    %get3A_6 = arith.constant 0 : index
    %get3A_7 = arith.constant 0 : index
    %get3A_8 = vector.load %arg1[%get3A_6, %get3A_7] : memref<1024x128xf32, #tpu.memory_space<vmem>>, vector<1024x128xf32>
    %mul3A = vector.broadcast %div3A_5 : vector<1024x1xf32> to vector<1024x128xf32>
    %mul3A_9 = arith.mulf %get3A_8, %mul3A : vector<1024x128xf32>
    %get3A_10 = arith.constant 0 : index
    %get3A_11 = arith.constant 0 : index
    %get3A_12 = vector.load %arg2[%get3A_10, %get3A_11] : memref<1024x128xf32, #tpu.memory_space<vmem>>, vector<1024x128xf32>
    %mul3A_13 = vector.broadcast %div3A_5 : vector<1024x1xf32> to vector<1024x128xf32>
    %mul3A_14 = arith.mulf %get3A_12, %mul3A_13 : vector<1024x128xf32>
    %get3A_15 = arith.constant 0 : index
    %get3A_16 = arith.constant 0 : index
    %get3A_17 = vector.load %arg4[%get3A_15, %get3A_16] : memref<128x128xf32, #tpu.memory_space<vmem>>, vector<128x128xf32>
    %dot_general3A = arith.constant dense<0.000000e+00> : vector<1024x128xf32>
    %dot_general3A_18 = tpu.matmul %mul3A_9, %get3A_17, %dot_general3A {dimension_numbers = #tpu.dot_dimension_numbers<[1], [0], [0], [1], [0, 0, 1, 1], [], []>, transpose_lhs_hint = false} : vector<1024x128xf32>, vector<128x128xf32>, vector<1024x128xf32> -> vector<1024x128xf32>
    %get3A_19 = arith.constant 0 : index
    %get3A_20 = arith.constant 0 : index
    %get3A_21 = vector.load %arg7[%get3A_19, %get3A_20] : memref<1x128xf32, #tpu.memory_space<vmem>>, vector<1x128xf32>
    %add3A = vector.broadcast %get3A_21 : vector<1x128xf32> to vector<1024x128xf32>
    %add3A_22 = arith.addf %dot_general3A_18, %add3A : vector<1024x128xf32>
    %max3A_23 = arith.constant 0.000000e+00 : f32
    %max3A_24 = vector.broadcast %max3A_23 : f32 to vector<1024x128xf32>
    %max3A_25 = arith.maximumf %add3A_22, %max3A_24 : vector<1024x128xf32>
    %swap3A = arith.constant 0 : index
    %swap3A_26 = arith.constant 0 : index
    %swap3A_27 = vector.load %arg9[%swap3A, %swap3A_26] : memref<1024x128xf32, #tpu.memory_space<vmem>>, vector<1024x128xf32>
    tpu.vector_store %arg9[%swap3A, %swap3A_26], %max3A_25 {strides = array<i32>} : memref<1024x128xf32, #tpu.memory_space<vmem>>, vector<1024x128xf32>,
    %get3A_28 = arith.constant 0 : index
    %get3A_29 = arith.constant 0 : index
    %get3A_30 = vector.load %arg5[%get3A_28, %get3A_29] : memref<128x128xf32, #tpu.memory_space<vmem>>, vector<128x128xf32>
    %dot_general3A_31 = arith.constant dense<0.000000e+00> : vector<1024x128xf32>
    %dot_general3A_32 = tpu.matmul %mul3A_9, %get3A_30, %dot_general3A_31 {dimension_numbers = #tpu.dot_dimension_numbers<[1], [0], [0], [1], [0, 0, 1, 1], [], []>, transpose_lhs_hint = false} : vector<1024x128xf32>, vector<128x128xf32>, vector<1024x128xf32> -> vector<1024x128xf32>
    %get3A_33 = arith.constant 0 : index
    %get3A_34 = arith.constant 0 : index
    %get3A_35 = vector.load %arg6[%get3A_33, %get3A_34] : memref<128x128xf32, #tpu.memory_space<vmem>>, vector<128x128xf32>
    %dot_general3A_36 = arith.constant dense<0.000000e+00> : vector<1024x128xf32>
    %dot_general3A_37 = tpu.matmul %mul3A_14, %get3A_35, %dot_general3A_36 {dimension_numbers = #tpu.dot_dimension_numbers<[1], [0], [0], [1], [0, 0, 1, 1], [], []>, transpose_lhs_hint = false} : vector<1024x128xf32>, vector<128x128xf32>, vector<1024x128xf32> -> vector<1024x128xf32>
    %add3A_38 = arith.addf %dot_general3A_32, %dot_general3A_37 : vector<1024x128xf32>
    %get3A_39 = arith.constant 0 : index
    %get3A_40 = arith.constant 0 : index
    %get3A_41 = vector.load %arg8[%get3A_39, %get3A_40] : memref<1x128xf32, #tpu.memory_space<vmem>>, vector<1x128xf32>
    %add3A_42 = vector.broadcast %get3A_41 : vector<1x128xf32> to vector<1024x128xf32>
    %add3A_43 = arith.addf %add3A_38, %add3A_42 : vector<1024x128xf32>
    %max3A_44 = arith.constant 0.000000e+00 : f32
    %max3A_45 = vector.broadcast %max3A_44 : f32 to vector<1024x128xf32>
    %max3A_46 = arith.maximumf %add3A_43, %max3A_45 : vector<1024x128xf32>
    %swap3A_47 = arith.constant 0 : index
    %swap3A_48 = arith.constant 0 : index
    %swap3A_49 = vector.load %arg10[%swap3A_47, %swap3A_48] : memref<1024x128xf32, #tpu.memory_space<vmem>>, vector<1024x128xf32>
    tpu.vector_store %arg10[%swap3A_47, %swap3A_48], %max3A_46 {strides = array<i32>} : memref<1024x128xf32, #tpu.memory_space<vmem>>, vector<1024x128xf32>,
    return
  }
  func.func @transform_0(%arg0: i32) -> (i32, i32) {
    %c0_i32 = arith.constant 0 : i32
    %c0_i32_0 = arith.constant 0 : i32
    return %arg0, %c0_i32 : i32, i32
  }
  func.func @transform_1(%arg0: i32) -> (i32, i32) {
    %c0_i32 = arith.constant 0 : i32
    %c0_i32_0 = arith.constant 0 : i32
    return %arg0, %c0_i32 : i32, i32
  }
  func.func @transform_2(%arg0: i32) -> (i32, i32) {
    %c0_i32 = arith.constant 0 : i32
    %c0_i32_0 = arith.constant 0 : i32
    return %arg0, %c0_i32 : i32, i32
  }
  func.func @transform_3(%arg0: i32) -> (i32, i32) {
    %c0_i32 = arith.constant 0 : i32
    %c0_i32_0 = arith.constant 0 : i32
    %c0_i32_1 = arith.constant 0 : i32
    return %c0_i32, %c0_i32_0 : i32, i32
  }
  func.func @transform_4(%arg0: i32) -> (i32, i32) {
    %c0_i32 = arith.constant 0 : i32
    %c0_i32_0 = arith.constant 0 : i32
    %c0_i32_1 = arith.constant 0 : i32
    return %c0_i32, %c0_i32_0 : i32, i32
  }
  func.func @transform_5(%arg0: i32) -> (i32, i32) {
    %c0_i32 = arith.constant 0 : i32
    %c0_i32_0 = arith.constant 0 : i32
    %c0_i32_1 = arith.constant 0 : i32
    return %c0_i32, %c0_i32_0 : i32, i32
  }
  func.func @transform_6(%arg0: i32) -> (i32, i32) {
    %c0_i32 = arith.constant 0 : i32
    %c0_i32_0 = arith.constant 0 : i32
    %c0_i32_1 = arith.constant 0 : i32
    return %c0_i32, %c0_i32_0 : i32, i32
  }
  func.func @transform_7(%arg0: i32) -> (i32, i32) {
    %c0_i32 = arith.constant 0 : i32
    %c0_i32_0 = arith.constant 0 : i32
    %c0_i32_1 = arith.constant 0 : i32
    return %c0_i32, %c0_i32_0 : i32, i32
  }
  func.func @transform_8(%arg0: i32) -> (i32, i32) {
    %c0_i32 = arith.constant 0 : i32
    %c0_i32_0 = arith.constant 0 : i32
    return %arg0, %c0_i32 : i32, i32
  }
  func.func @transform_9(%arg0: i32) -> (i32, i32) {
    %c0_i32 = arith.constant 0 : i32
    %c0_i32_0 = arith.constant 0 : i32
    return %arg0, %c0_i32 : i32, i32
  }
}

module attributes {stable_mosaic.version = 14 : i64} {
  func.func @_tc2_body(%arg0: i32, %arg1: memref<1024x128xf32, #tpu.memory_space<vmem>>, %arg2: memref<1024x128xf32, #tpu.memory_space<vmem>>, %arg3: memref<1024x8xf32, #tpu.memory_space<vmem>>, %arg4: memref<128x128xf32, #tpu.memory_space<vmem>>, %arg5: memref<128x128xf32, #tpu.memory_space<vmem>>, %arg6: memref<1x128xf32, #tpu.memory_space<vmem>>, %arg7: memref<1024x128xf32, #tpu.memory_space<vmem>>) attributes {dimension_semantics = [#tpu.dimension_semantics<arbitrary>], iteration_bounds = array<i64: 10>, scalar_prefetch = 0 : i64, scratch_operands = 0 : i64, tpu.core_type = #tpu.core_type<tc>, window_params = [{transform_indices = @transform_0, window_bounds = array<i64: 1024, 128>}, {transform_indices = @transform_1, window_bounds = array<i64: 1024, 128>}, {transform_indices = @transform_2, window_bounds = array<i64: 1024, 8>}, {pipeline_mode = #tpu.pipeline_mode<synchronous>, transform_indices = @transform_3, window_bounds = array<i64: 128, 128>}, {pipeline_mode = #tpu.pipeline_mode<synchronous>, transform_indices = @transform_4, window_bounds = array<i64: 128, 128>}, {pipeline_mode = #tpu.pipeline_mode<synchronous>, transform_indices = @transform_5, window_bounds = array<i64: 1, 128>}, {transform_indices = @transform_6, window_bounds = array<i64: 1024, 128>}]} {
    %get3A = arith.constant 0 : index
    %get3A_0 = arith.constant 0 : index
    %get3A_1 = vector.load %arg3[%get3A, %get3A_0] : memref<1024x8xf32, #tpu.memory_space<vmem>>, vector<1024x8xf32>
    %slice3A = vector.extract_strided_slice %get3A_1 {offsets = [0, 0], sizes = [1024, 1], strides = [1, 1]} : vector<1024x8xf32> to vector<1024x1xf32>
    %max3A = arith.constant 1.000000e+00 : f32
    %max3A_2 = vector.broadcast %max3A : f32 to vector<1024x1xf32>
    %max3A_3 = arith.maximumf %slice3A, %max3A_2 : vector<1024x1xf32>
    %div3A = arith.constant 1.000000e+00 : f32
    %div3A_4 = vector.broadcast %div3A : f32 to vector<1024x1xf32>
    %div3A_5 = arith.divf %div3A_4, %max3A_3 : vector<1024x1xf32>
    %get3A_6 = arith.constant 0 : index
    %get3A_7 = arith.constant 0 : index
    %get3A_8 = vector.load %arg1[%get3A_6, %get3A_7] : memref<1024x128xf32, #tpu.memory_space<vmem>>, vector<1024x128xf32>
    %mul3A = vector.broadcast %div3A_5 : vector<1024x1xf32> to vector<1024x128xf32>
    %mul3A_9 = arith.mulf %get3A_8, %mul3A : vector<1024x128xf32>
    %get3A_10 = arith.constant 0 : index
    %get3A_11 = arith.constant 0 : index
    %get3A_12 = vector.load %arg4[%get3A_10, %get3A_11] : memref<128x128xf32, #tpu.memory_space<vmem>>, vector<128x128xf32>
    %dot_general3A = arith.constant dense<0.000000e+00> : vector<1024x128xf32>
    %dot_general3A_13 = tpu.matmul %mul3A_9, %get3A_12, %dot_general3A {dimension_numbers = #tpu.dot_dimension_numbers<[1], [0], [0], [1], [0, 0, 1, 1], [], []>, transpose_lhs_hint = false} : vector<1024x128xf32>, vector<128x128xf32>, vector<1024x128xf32> -> vector<1024x128xf32>
    %get3A_14 = arith.constant 0 : index
    %get3A_15 = arith.constant 0 : index
    %get3A_16 = vector.load %arg2[%get3A_14, %get3A_15] : memref<1024x128xf32, #tpu.memory_space<vmem>>, vector<1024x128xf32>
    %mul3A_17 = vector.broadcast %div3A_5 : vector<1024x1xf32> to vector<1024x128xf32>
    %mul3A_18 = arith.mulf %get3A_16, %mul3A_17 : vector<1024x128xf32>
    %get3A_19 = arith.constant 0 : index
    %get3A_20 = arith.constant 0 : index
    %get3A_21 = vector.load %arg5[%get3A_19, %get3A_20] : memref<128x128xf32, #tpu.memory_space<vmem>>, vector<128x128xf32>
    %dot_general3A_22 = arith.constant dense<0.000000e+00> : vector<1024x128xf32>
    %dot_general3A_23 = tpu.matmul %mul3A_18, %get3A_21, %dot_general3A_22 {dimension_numbers = #tpu.dot_dimension_numbers<[1], [0], [0], [1], [0, 0, 1, 1], [], []>, transpose_lhs_hint = false} : vector<1024x128xf32>, vector<128x128xf32>, vector<1024x128xf32> -> vector<1024x128xf32>
    %add3A = arith.addf %dot_general3A_13, %dot_general3A_23 : vector<1024x128xf32>
    %get3A_24 = arith.constant 0 : index
    %get3A_25 = arith.constant 0 : index
    %get3A_26 = vector.load %arg6[%get3A_24, %get3A_25] : memref<1x128xf32, #tpu.memory_space<vmem>>, vector<1x128xf32>
    %add3A_27 = vector.broadcast %get3A_26 : vector<1x128xf32> to vector<1024x128xf32>
    %add3A_28 = arith.addf %add3A, %add3A_27 : vector<1024x128xf32>
    %max3A_29 = arith.constant 0.000000e+00 : f32
    %max3A_30 = vector.broadcast %max3A_29 : f32 to vector<1024x128xf32>
    %max3A_31 = arith.maximumf %add3A_28, %max3A_30 : vector<1024x128xf32>
    %swap3A = arith.constant 0 : index
    %swap3A_32 = arith.constant 0 : index
    %swap3A_33 = vector.load %arg7[%swap3A, %swap3A_32] : memref<1024x128xf32, #tpu.memory_space<vmem>>, vector<1024x128xf32>
    tpu.vector_store %arg7[%swap3A, %swap3A_32], %max3A_31 {strides = array<i32>} : memref<1024x128xf32, #tpu.memory_space<vmem>>, vector<1024x128xf32>,
    return
  }
  func.func @transform_0(%arg0: i32) -> (i32, i32) {
    %c0_i32 = arith.constant 0 : i32
    %c0_i32_0 = arith.constant 0 : i32
    return %arg0, %c0_i32 : i32, i32
  }
  func.func @transform_1(%arg0: i32) -> (i32, i32) {
    %c0_i32 = arith.constant 0 : i32
    %c0_i32_0 = arith.constant 0 : i32
    return %arg0, %c0_i32 : i32, i32
  }
  func.func @transform_2(%arg0: i32) -> (i32, i32) {
    %c0_i32 = arith.constant 0 : i32
    %c0_i32_0 = arith.constant 0 : i32
    return %arg0, %c0_i32 : i32, i32
  }
  func.func @transform_3(%arg0: i32) -> (i32, i32) {
    %c0_i32 = arith.constant 0 : i32
    %c0_i32_0 = arith.constant 0 : i32
    %c0_i32_1 = arith.constant 0 : i32
    return %c0_i32, %c0_i32_0 : i32, i32
  }
  func.func @transform_4(%arg0: i32) -> (i32, i32) {
    %c0_i32 = arith.constant 0 : i32
    %c0_i32_0 = arith.constant 0 : i32
    %c0_i32_1 = arith.constant 0 : i32
    return %c0_i32, %c0_i32_0 : i32, i32
  }
  func.func @transform_5(%arg0: i32) -> (i32, i32) {
    %c0_i32 = arith.constant 0 : i32
    %c0_i32_0 = arith.constant 0 : i32
    %c0_i32_1 = arith.constant 0 : i32
    return %c0_i32, %c0_i32_0 : i32, i32
  }
  func.func @transform_6(%arg0: i32) -> (i32, i32) {
    %c0_i32 = arith.constant 0 : i32
    %c0_i32_0 = arith.constant 0 : i32
    return %arg0, %c0_i32 : i32, i32
  }
}

</mosaic_0001>

<sc_bundles>
// kernel: kernel.12.cloned.1.call-start
scs
__scs_entry_jumppad:
0x0: {  	(pc) =	sbr.rel $0x88, $3  }
0x1: {  	(tag) =	ssettag $0x0;
	lr =	simm.s32 $0x1  }
0x2: {  	[smem:$0x3F97] =	sst lr;
	_ =	strace $0xD0000000  }
0x3: {  	_ = 	snop  }
0x4: {  	_ = 	snop  }
0x5: {  	_ = 	snop  }
0x6: {  	_ = 	snop  }
0x7: {  	_ = 	snop  }
__scs_overlays_trampoline_lowered:
0x8: {  	[smem:$0x3FA6] =	sst s0  }
0x9: {  	[smem:$0x3FA7] =	sst s1  }
0xa: {  	[smem:$0x3FA8] =	sst s2  }
0xb: {  	[smem:$0x3FA9] =	sst s3  }
0xc: {  	[smem:$0x3FAA] =	sst s4  }
0xd: {  	[smem:$0x3FAB] =	sst s5  }
0xe: {  	[smem:$0x3FAC] =	sst s6  }
0xf: {  	[smem:$0x3FAD] =	sst s7  }
0x10: {  	[smem:$0x3FAE] =	sst s8  }
0x11: {  	[smem:$0x3FAF] =	sst s9;
	s0 =	simm.s32 @!p0 $0x0  }
0x12: {  	s1 =	sld [smem:$0x3F95];
	s0 =	simm.s32 @p0 $0x1  }
0x13: {  	[smem:$0x3FB0] =	sst s0;
	s0 =	simm.s32 @!p1 $0x0  }
0x14: {  	s2 =	sld [smem:$0x3F94];
	s0 =	simm.s32 @p1 $0x1  }
0x15: {  	[smem:$0x3FB1] =	sst s0;
	s0 =	simm.s32 @!p2 $0x0  }
0x16: {  	s3 =	sld [smem:$0x3FDB];
	s0 =	simm.s32 @p2 $0x1  }
0x17: {  	s4 =	simm.s32 $0x1BF5;
	[smem:$0x3FB3] =	sst s0  }
0x18: {  	s0 =	sld [smem:$0x3F96];
	_ =	swait.ge [sflag:s4], $0x0  }
0x19: {  	s7 =	sld [smem:$0x3F97]  }
0x1a: {  	s8 =	sadd.s32 $0xFFFFE003, lr  }
0x1b: {  	s9 =	sadd.s32 $0xFFFFFEF7, lr;
	s5 =	simm.s32 $0xFFFFFFFF;
	p2 =	slt.u32 s8, $0xFFFFF086  }
0x1c: {  	p1 =	slt.u32 s9, $0xF7A;
	s5 =	simm.s32 @!p2 $0x0  }
0x1d: {  	s5 =	simm.s32 @p1 $0x1;
	p0 =	seq.s32 s7, s2  }
0x1e: {  	s7 =	smul.u32 @!p0 $0xF7A, s2;
	p2 =	seq.s32 @!p0 s5, $0x0  }
0x1f: {  	s9 =	smul.u32 $0xF7A, s1;
	s8 =	simm.s32 @!p0 $0x1BF5;
	p2 =	por !p2, p0  }
0x20: {  	[sflag:s8] =	ssyncset.s32 @!p0 $0xFFFFF086;
	s6 =	sadd.s32 @!p0 s3, s7;
	s7 =	simm.s32 @!p0 $0x108  }
0x21: {  	s3 =	sadd.s32 s3, s9;
	s6 =	sadd.s32 @!p0 $0x88, s6;
	s7 =	simm.s32 @p2 $0x1082  }
0x22: {  	[simem:s7], [sflag:s8] =	dma.local @!p0 [hbm:s6], $0xF7A  }
0x23: {  	s9 =	sor.u32 $0xD0000000, s2;
	s6 =	simm.s32 $0x108;
	_ =	swait.ge @!p0 [sflag:s8], $0x0  }
0x24: {  	s3 =	sadd.s32 $0x88, s3;
	s6 =	simm.s32 @!p1 $0x1082;
	[sflag:s4] =	ssyncset.s32 $0xFFFFF086  }
0x25: {  	[simem:s6], [sflag:s4] =	dma.local [hbm:s3], $0xF7A  }
0x26: {  	[smem:$0x3F97] =	sst s1;
	(tag) =	ssettag s2;
	_ =	strace s9  }
0x27: {  	s1 =	sld [smem:$0x3FA7]  }
0x28: {  	s2 =	sld [smem:$0x3FA8]  }
0x29: {  	s4 =	sld [smem:$0x3FAA]  }
0x2a: {  	p0 =	seq.s32 s5, $0x0;
	s5 =	sld [smem:$0x3FAB]  }
0x2b: {  	s6 =	sld [smem:$0x3FAC]  }
0x2c: {  	s7 =	sld [smem:$0x3FAD]  }
0x2d: {  	s3 =	simm.s32 $0x108;
	s8 =	sld [smem:$0x3FAE]  }
0x2e: {  	s3 =	simm.s32 @!p0 $0x1082;
	s9 =	sld [smem:$0x3FAF]  }
0x2f: {  	lr =	sadd.s32 s0, s3;
	s0 =	sld [smem:$0x3FA6]  }
0x30: {  	s3 =	sld [smem:$0x3FA9]  }
0x31: {  	[smem:$0x3FB2] =	sst s10  }
0x32: {  	s10 =	sld [smem:$0x3FB0];
	_ =	sdelay $0x3  }
0x33: {  	p0 =	seq.s32 s10, $0x1;
	s10 =	sld [smem:$0x3FB2];
	_ =	sdelay $0x3  }
0x34: {  	[smem:$0x3FB2] =	sst s10  }
0x35: {  	s10 =	sld [smem:$0x3FB1];
	_ =	sdelay $0x3  }
0x36: {  	p1 =	seq.s32 s10, $0x1;
	s10 =	sld [smem:$0x3FB2];
	_ =	sdelay $0x3  }
0x37: {  	[smem:$0x3FB2] =	sst s10  }
0x38: {  	s10 =	sld [smem:$0x3FB3]  }
0x39: {  	_ = 	snop;
	(pc) =	sbr.ind lr, $3  }
0x3a: {  	_ = 	snop  }
0x3b: {  	_ = 	snop  }
0x3c: {  	p2 =	seq.s32 s10, $0x1;
	s10 =	sld [smem:$0x3FB2]  }
0x3d: {  	_ =	shalt  }
0x3e: {  	_ =	shalt  }
0x3f: {  	_ =	shalt  }
0x40: {  	_ =	shalt  }
0x41: {  	_ =	shalt  }
0x42: {  	_ =	shalt  }
0x43: {  	_ =	shalt  }
0x44: {  	_ =	shalt  }
0x45: {  	_ =	shalt  }
0x46: {  	_ =	shalt  }
0x47: {  	_ =	shalt  }
0x48: {  	_ =	shalt  }
0x49: {  	_ =	shalt  }
0x4a: {  	_ =	shalt  }
0x4b: {  	_ =	shalt  }
0x4c: {  	_ =	shalt  }
0x4d: {  	_ =	shalt  }
0x4e: {  	_ =	shalt  }
0x4f: {  	_ =	shalt  }
0x50: {  	_ =	shalt  }
0x51: {  	_ =	shalt  }
0x52: {  	_ =	shalt  }
0x53: {  	_ =	shalt  }
0x54: {  	_ =	shalt  }
0x55: {  	_ =	shalt  }
0x56: {  	_ =	shalt  }
0x57: {  	_ =	shalt  }
0x58: {  	_ =	shalt  }
0x59: {  	_ =	shalt  }
0x5a: {  	_ =	shalt  }
0x5b: {  	_ =	shalt  }
0x5c: {  	_ =	shalt  }
0x5d: {  	_ =	shalt  }
0x5e: {  	_ =	shalt  }
0x5f: {  	_ =	shalt  }
0x60: {  	_ =	shalt  }
0x61: {  	_ =	shalt  }
0x62: {  	_ =	shalt  }
0x63: {  	_ =	shalt  }
0x64: {  	_ =	shalt  }
0x65: {  	_ =	shalt  }
0x66: {  	_ =	shalt  }
0x67: {  	_ =	shalt  }
0x68: {  	_ =	shalt  }
0x69: {  	_ =	shalt  }
0x6a: {  	_ =	shalt  }
0x6b: {  	_ =	shalt  }
0x6c: {  	_ =	shalt  }
0x6d: {  	_ =	shalt  }
0x6e: {  	_ =	shalt  }
0x6f: {  	_ =	shalt  }
0x70: {  	_ =	shalt  }
0x71: {  	_ =	shalt  }
0x72: {  	_ =	shalt  }
0x73: {  	_ =	shalt  }
0x74: {  	_ =	shalt  }
0x75: {  	_ =	shalt  }
0x76: {  	_ =	shalt  }
0x77: {  	_ =	shalt  }
0x78: {  	_ =	shalt  }
0x79: {  	_ =	shalt  }
0x7a: {  	_ =	shalt  }
0x7b: {  	_ =	shalt  }
0x7c: {  	_ =	shalt  }
0x7d: {  	_ =	shalt  }
0x7e: {  	_ =	shalt  }
0x7f: {  	_ =	shalt  }
0x80: {  	_ =	shalt  }
0x81: {  	_ =	shalt  }
0x82: {  	_ =	shalt  }
0x83: {  	_ =	shalt  }
0x84: {  	_ =	shalt  }
0x85: {  	_ =	shalt  }
0x86: {  	_ =	shalt  }
0x87: {  	_ =	shalt  }
.Lfunc_end0:
.L_simem_size_0:
called_computation.1_lowered:
.L_overlay_start_0:
0x88: {  	s2 =	sld [smem:$0x3FD9]  }
0x89: {  	s3 =	sld [smem:$0x3FFE];
	_ =	sdelay $0x1  }
0x8a: {  	s1 =	srdreg.scid  }
0x8b: {  	s0 =	sand.u32 $0x1, s1  }
0x8c: {  	s14 =	sshll.u32 s0, $0xA;
	s2 =	sadd.s32 s3, s2  }
0x8d: {  	s2 =	sadd.s32 s2, s14  }
0x8e: {  	[smem:$0x3FBE] =	sst s2  }
0x8f: {  	_ = 	snop  }
0x90: {  	s2 =	sld [smem:$0x3FD0];
	_ =	sdelay $0x2  }
0x91: {  	s15 =	simm.s32 $0xB;
	s4 =	simm.s32 $0x10  }
0x92: {  	[smem:s4], [sflag:s15] =	dma.local [hbm:s2], $0x1  }
0x93: {  	_ =	swait.eq [sflag:s15], $0x1  }
0x94: {  	[sflag:s15] =	ssyncset.done $0x0  }
0x95: {  	[sflag:s15] =	ssyncadd.s32 $0xFFFFFFFF  }
0x96: {  	s16 =	sld [smem:$0x11];
	(tm) =	ssettm $0x1  }
0x97: {  	s17 =	sld [smem:$0x3FFB];
	_ =	sdelay $0x3  }
0x98: {  	_ =	strace s17  }
0x99: {  	s3 =	sld [smem:$0x3FFC];
	_ =	sdelay $0x3  }
0x9a: {  	_ =	strace s3  }
0x9b: {  	s3 =	sld [smem:$0x3FFD];
	_ =	sdelay $0x3  }
0x9c: {  	_ =	strace s3  }
0x9d: {  	_ =	strace $0x8FFFFFFF  }
0x9e: {  	s18 =	sld [smem:$0x3FDB];
	_ =	sdelay $0x1  }
0x9f: {  	s19 =	simm.s32 $_scs_section_size  }
0xa0: {  	s5 =	simm.s32 $_size__tile_overlayer_lowered;
	s6 =	simm.s32 $_tile_overlayer_lowered  }
0xa1: {  	s22 =	simm.s32 $0x1BFF;
	s21 =	sshll.u32 s6, $0x1;
	s3 =	sadd.s32 s19, s18  }
0xa2: {  	s7 =	simm.s32 $0x0;
	s20 =	sshll.u32 s5, $0x1;
	s5 =	sadd.s32 s21, s3  }
0xa3: {  	[timem:s7], [sflag:s22] =	dma.local [hbm:s5], s20  }
0xa4: {  	_ =	swait.ge [sflag:s22], s20  }
0xa5: {  	s4 =	ssub.s32 $0x0, s20;
	[sflag:s22] =	ssyncset.done $0x0  }
0xa6: {  	[sflag:s22] =	ssyncadd.s32 s4;
	_ =	sdelay $0x1  }
0xa7: {  	s23 =	simm.s32 $0x1B8B  }
0xa8: {  	_ =	swait.ge [sflag:s23], $0x1  }
0xa9: {  	[sflag:s23] =	ssyncset.done $0x0  }
0xaa: {  	s25 =	simm.s32 $0x1B8E;
	s24 =	sld [smem:$0x3FFE];
	[sflag:s23] =	ssyncadd.s32 $0xFFFFFFFF  }
0xab: {  	s26 =	simm.s32 $execute0_lowered;
	[smem:$0x3FD2] =	sst s25  }
0xac: {  	s5 =	sshll.u32 s26, $0x1;
	_ =	strace $0x80000046;
	[dreg:$0x1] =	wrdreg $0xFFFFFFFF  }
0xad: {  	s28 =	simm.s32 $_size_execute0_lowered;
	s3 =	sadd.s32 s3, s5;
	[dreg:$0x0] =	wrdreg $0x0  }
0xae: {  	s5 =	sshll.u32 s28, $0x1;
	[dreg:$0x2] =	wrdreg s3  }
0xaf: {  	[dreg:$0x3] =	wrdreg s5  }
0xb0: {  	[dreg:$0x4] =	wrdreg $0xC0  }
0xb1: {  	_ =	task [dreg:s7], $0x5FFFF  }
0xb2: {  	[dreg:$0x1] =	wrdreg $0xFFFFFFFF  }
0xb3: {  	[dreg:$0x0] =	wrdreg $0x60  }
0xb4: {  	[dreg:$0x2] =	wrdreg s16  }
0xb5: {  	[dreg:$0x3] =	wrdreg s24  }
0xb6: {  	[dreg:$0x4] =	wrdreg $0xF8000  }
0xb7: {  	[dreg:$0x5] =	wrdreg $0xA  }
0xb8: {  	_ =	task.clear_ibuf [dreg:s7], $0x6FFFF;
	_ =	strace $0x90000046  }
0xb9: {  	s29 =	simm.s32 $0xA;
	_ =	strace $0x80000048  }
0xba: {  	_ =	swait.ge [sflag:s29], $0x1  }
0xbb: {  	[sflag:s29] =	ssyncadd.s32 $0xFFFFFFFF  }
0xbc: {  	_ =	strace $0x90000048  }
0xbd: {  	_ =	sfence  }
0xbe: {  	s30 =	sld [smem:$0x0];
	_ =	sdelay $0x2  }
0xbf: {  	s31 =	sshll.u32 s1, $0xD;
	s1 =	sshrl.u32 s1, $0x2  }
0xc0: {  	s3 =	sand.u32 $0x4000, s31;
	s1 =	sadd.s32 s1, s30  }
0xc1: {  	s0 =	sor.u32 s3, s0;
	s1 =	sshll.u32 s1, $0x11  }
0xc2: {  	s0 =	sor.u32 s1, s0  }
0xc3: {  	s0 =	sadd.s32 $0x8F2B, s0  }
0xc4: {  	[sflag:s0] =	ssyncadd.remote.s32 $0x1  }
0xc5: {  	_ =	sfence.sel $0xFFFF  }
0xc6: {  	[dreg:$0x0] =	wrdreg $0xFFFFFFFF;
	(pc) =	sbr.abs _section_cstart, $3  }
0xc7: {  	[dreg:$0x1] =	wrdreg $0xFFFFFFFF  }
0xc8: {  	_ =	task.clear_ibuf [dreg:s7], $0x2FFFF;
	_ =	strace $0x9FFFFFFF  }
0xc9: {  	(tm) =	ssettm $0x7FFFFFFF  }
tec
execute0_lowered:
.L_overlay_start_1:
0x0: {  	(tag) =	ssettag $0x1  }
0x1: {  	s1 =	rddreg [dreg:$0x0]  }
0x2: {  	s0 =	rddreg [dreg:$0x1];
	s2 =	srdreg.scid  }
0x3: {  	s3 =	rddreg [dreg:$0x2];
	s12 =	stileid.u32;
	s4 =	simm.s32 $0x0  }
0x4: {  	s19 =	simm.s32 $0x9C4;
	s11 =	simm.s32 $0x7;
	s15 =	simm.s32 $0x50  }
0x5: {  	s16 =	simm.s32 $0x8000;
	s18 =	simm.s32 $0xA800;
	s20 =	simm.s32 $0xD000  }
0x6: {  	s28 =	simm.s32 $0x5;
	s29 =	simm.s32 $0x200;
	s30 =	simm.s32 $0x6  }
0x7: {  	s31 =	simm.s32 $0x7D80;
	s2 =	sand.u32 $0x1, s2;
	s6 =	smul.u32 $0x1400, s12  }
0x8: {  	[smem:$0x7FF] =	sst s4;
	s21 =	sand.u32 $0x7, s12;
	s24 =	smul.u32 $0x28000, s12  }
0x9: {  	s26 =	sshll.u32 s12, $0x6;
	s5 =	sshll.u32 s2, $0x4;
	s8 =	smul.u32 $0x14000, s2  }
0xa: {  	_ =	strace $0x80000047;
	s2 =	ssub.s32 $0x2, s2;
	p1 =	sne.s32 s21, $0x0  }
0xb: {  	s13 =	sor.u32 $0x1C07, s26;
	s21 =	simm.s32 $0x2;
	s26 =	simm.s32 $0x4100  }
0xc: {  	s7 =	sor.u32 s12, s5;
	s22 =	sshrl.u32 s2, $0x1;
	s25 =	sshrl.u32 s24, $0x2  }
0xd: {  	s12 =	simm.s32 $0x4000;
	s24 =	simm.s32 $0x180;
	s5 =	sshll.u32 s7, $0xB  }
0xe: {  	s6 =	sadd.s32 s6, s8;
	p0 =	seq.s32 s7, $0x0;
	s2 =	ssub.s32 s2, s22  }
0xf: {  	s8 =	simm.s32 $0x1;
	s10 =	sshrl.u32 s7, $0x3;
	p0 =	por !p1, !p0  }
0x10: {  	s14 =	sadd.s32 s25, s3;
	s25 =	simm.s32 $0x3;
	p0 =	por !p0, !p0  }
0x11: {  	s9 =	sadd.s32 s5, s0;
	s5 =	sadd.s32 $0x24200, s0;
	s8 =	simm.s32 @!p0 $0x0  }
0x12: {  	s0 =	sadd.s32 s6, s0;
	s14 =	sshrl.u32 s14, $0x3;
	s23 =	ssub.s32 s10, s8  }
0x13: {  	s6 =	sadd.s32 $0x14200, s9;
	s7 =	sadd.s32 $0x4200, s9;
	s9 =	sand.u32 $0x1, s23  }
0x14: {  	s8 =	simm.s32 $0x1;
	s17 =	smul.u32 $0x9C4, s23;
	p0 =	seq.s32 s9, $0x1  }
0x15: {  	s10 =	smax.u32 s2, $0x1;
	s2 =	simm.s32 $0x0;
	s19 =	simm.s32 @!p0 $0x0  }
0x16: {  	s23 =	simm.s32 $0x4;
	s9 =	sadd.s32 $0x25600, s0;
	s0 =	simm.s32 $0x7E00;
	v0 =	vmov s17;
	v1 =	vmov s19  }
.LBB2_1:
0x17: {  	[tilespmem:s4], [sflag:$0x7] =	stream.linear.gather [hbm4b:s6+s4], $0x3E80, $0x38;
	[tilespmem:$0x19800] =	vst v63  }
0x18: {  	_ =	swait.ge [sflag:s11], $0x3E80  }
0x19: {  	[sflag:s11] =	ssyncset.done $0x0  }
0x1a: {  	[sflag:s11] =	ssyncadd.s32 $0xFFFFC180  }
0x1b: {  	[tilespmem:s12], [sflag:$0x7] =	stream.linear.gather [hbm4b:s7+s4], $0x3E80, $0x38;
	[tilespmem:$0x19800] =	vst v63  }
0x1c: {  	_ =	swait.ge [sflag:s11], $0x3E80  }
0x1d: {  	[sflag:s11] =	ssyncset.done $0x0  }
0x1e: {  	s17 =	simm.s32 $0x0;
	[sflag:s11] =	ssyncadd.s32 $0xFFFFC180  }
0x1f: {  	v2 =	vld [tilespmem:s17+$0x0]  }
0x20: {  	v4 =	vld [tilespmem:s17+$0x4000]  }
0x21: {  	v5 =	vld [tilespmem:s17+$0x10]  }
0x22: {  	v6 =	vld [tilespmem:s17+$0x4010]  }
0x23: {  	v3 =	vld [tilespmem:s17+$0x20]  }
0x24: {  	v7 =	vadd.s32 v0, v2;
	v2 =	vld [tilespmem:s17+$0x4020]  }
0x25: {  	[tilespmem:s17+$0x0] =	vst v7;
	v7 =	vadd.s32 v1, v4;
	v4 =	vld [tilespmem:s17+$0x30]  }
0x26: {  	[tilespmem:s17+$0x4000] =	vst v7;
	v7 =	vadd.s32 v0, v5;
	v5 =	vld [tilespmem:s17+$0x4030]  }
0x27: {  	s19 =	simm.s32 $0x200;
	[tilespmem:s17+$0x10] =	vst v7;
	v7 =	vadd.s32 v1, v6;
	v6 =	vld [tilespmem:s17+$0x40]  }
.LBB2_2:
0x28: {  	s22 =	sshra.s32 s19, $0x2;
	p0 =	sne.s32 s19, $0xF800;
	[tilespmem:s17+$0x4010] =	vst v7;
	v3 =	vadd.s32 v0, v3;
	v7 =	vld [tilespmem:s17+$0x4040]  }
0x29: {  	v8 =	vld [tilespmem:s22+$0x0];
	[tilespmem:s17+$0x20] =	vst v3;
	v2 =	vadd.s32 v1, v2  }
0x2a: {  	v9 =	vld [tilespmem:s22+$0x4000];
	[tilespmem:s17+$0x4020] =	vst v2;
	v2 =	vadd.s32 v0, v4  }
0x2b: {  	v10 =	vld [tilespmem:s22+$0x10];
	[tilespmem:s17+$0x30] =	vst v2;
	v2 =	vadd.s32 v1, v5  }
0x2c: {  	v11 =	vld [tilespmem:s22+$0x4010];
	[tilespmem:s17+$0x4030] =	vst v2;
	v2 =	vadd.s32 v0, v6  }
.Ltmp0:
0x2d: {  	v3 =	vld [tilespmem:s22+$0x20];
	[tilespmem:s17+$0x40] =	vst v2;
	v4 =	vadd.s32 v1, v7;
	(pc) =	sbr.rel @p0 .LBB2_2-.Ltmp0, $4  }
0x2e: {  	v5 =	vadd.s32 v0, v8;
	v2 =	vld [tilespmem:s22+$0x4020];
	[tilespmem:s17+$0x4040] =	vst v4;
	s17 =	smov.u32 s22  }
0x2f: {  	[tilespmem:s17+$0x0] =	vst v5;
	v5 =	vadd.s32 v1, v9;
	v4 =	vld [tilespmem:s17+$0x30]  }
0x30: {  	[tilespmem:s17+$0x4000] =	vst v5;
	v6 =	vadd.s32 v0, v10;
	v5 =	vld [tilespmem:s17+$0x4030]  }
0x31: {  	s19 =	sadd.s32 $0x200, s19;
	[tilespmem:s17+$0x10] =	vst v6;
	v7 =	vadd.s32 v1, v11;
	v6 =	vld [tilespmem:s17+$0x40]  }
0x32: {  	[tilespmem:s17+$0x4010] =	vst v7;
	v3 =	vadd.s32 v0, v3;
	v63 =	vld [tilespmem:s17+$0x4040]  }
0x33: {  	[tilespmem:s17+$0x20] =	vst v3;
	v2 =	vadd.s32 v1, v2  }
0x34: {  	[tilespmem:s17+$0x4020] =	vst v2;
	v2 =	vadd.s32 v0, v4  }
0x35: {  	[tilespmem:s17+$0x30] =	vst v2;
	v2 =	vadd.s32 v1, v5  }
0x36: {  	[tilespmem:s17+$0x4030] =	vst v2;
	v2 =	vadd.s32 v0, v6  }
0x37: {  	[tilespmem:s17+$0x40] =	vst v2;
	v2 =	vadd.s32 v1, v63  }
0x38: {  	[tilespmem:s17+$0x4040] =	vst v2  }
0x39: {  	[spmem:s14], [sflag:s13] =	dma.local [hbm:s5], $0x1400  }
0x3a: {  	_ =	swait.ge [sflag:s11], $0x1400  }
0x3b: {  	[sflag:s11] =	ssyncset.done $0x0  }
0x3c: {  	[sflag:s11] =	ssyncadd.s32 $0xFFFFEC00  }
0x3d: {  	s22 =	simm.s32 $0x0;
	[bflag:$0x0] =	sbarrier.arrive $0xFFFF  }
0x3e: {  	[tilespmem:s16], [sflag:$0x1] =	stream.indirect.gather [hbm4b:s1+s15], $0x80, s22, s15, $0xb8;
	[tilespmem:$0x19800] =	vst v63  }
0x3f: {  	s19 =	simm.s32 $0x80  }
0x40: {  	[tilespmem:s18], [sflag:$0x2] =	stream.indirect.gather [hbm4b:s1+s15], $0x80, s19, s15, $0xb8;
	[tilespmem:$0x19800] =	vst v63  }
0x41: {  	_ =	swait.ge [sflag:s8], $0x2800  }
0x42: {  	[sflag:s8] =	ssyncset.done $0x0  }
0x43: {  	[sflag:s8] =	ssyncadd.s32 $0xFFFFD800  }
0x44: {  	[spmem:s3] =	stream.indirect.scatter.add.f32 [tilespmem:s16], [sflag:$0x4], $0x80, s12, s15, $0xb8;
	[tilespmem:$0x19800] =	vst v63  }
0x45: {  	s22 =	simm.s32 $0x100  }
0x46: {  	[tilespmem:s20], [sflag:$0x3] =	stream.indirect.gather [hbm4b:s1+s15], $0x80, s22, s15, $0xb8;
	[tilespmem:$0x19800] =	vst v63  }
0x47: {  	_ =	swait.ge [sflag:s21], $0x2800  }
0x48: {  	[sflag:s21] =	ssyncset.done $0x0  }
0x49: {  	s19 =	simm.s32 $0x4080;
	[sflag:s21] =	ssyncadd.s32 $0xFFFFD800  }
0x4a: {  	[spmem:s3] =	stream.indirect.scatter.add.f32 [tilespmem:s18], [sflag:$0x5], $0x80, s19, s15, $0xb8;
	[tilespmem:$0x19800] =	vst v63  }
0x4b: {  	_ =	swait.ge [sflag:s23], $0x2800  }
0x4c: {  	[sflag:s23] =	ssyncset.done $0x0  }
0x4d: {  	[sflag:s23] =	ssyncadd.s32 $0xFFFFD800  }
0x4e: {  	[tilespmem:s16], [sflag:$0x1] =	stream.indirect.gather [hbm4b:s1+s15], $0x80, s24, s15, $0xb8;
	[tilespmem:$0x19800] =	vst v63  }
0x4f: {  	_ =	swait.ge [sflag:s25], $0x2800  }
0x50: {  	[sflag:s25] =	ssyncset.done $0x0  }
0x51: {  	[sflag:s25] =	ssyncadd.s32 $0xFFFFD800  }
0x52: {  	[spmem:s3] =	stream.indirect.scatter.add.f32 [tilespmem:s20], [sflag:$0x6], $0x80, s26, s15, $0xb8;
	[tilespmem:$0x19800] =	vst v63  }
0x53: {  	_ =	swait.ge [sflag:s28], $0x2800  }
0x54: {  	[sflag:s28] =	ssyncset.done $0x0  }
0x55: {  	[sflag:s28] =	ssyncadd.s32 $0xFFFFD800  }
0x56: {  	[tilespmem:s18], [sflag:$0x2] =	stream.indirect.gather [hbm4b:s1+s15], $0x80, s29, s15, $0xb8;
	[tilespmem:$0x19800] =	vst v63  }
0x57: {  	_ =	swait.ge [sflag:s8], $0x2800  }
0x58: {  	[sflag:s8] =	ssyncset.done $0x0  }
0x59: {  	s22 =	simm.s32 $0x4180;
	[sflag:s8] =	ssyncadd.s32 $0xFFFFD800  }
0x5a: {  	[spmem:s3] =	stream.indirect.scatter.add.f32 [tilespmem:s16], [sflag:$0x4], $0x80, s22, s15, $0xb8;
	[tilespmem:$0x19800] =	vst v63  }
0x5b: {  	_ =	swait.ge [sflag:s30], $0x2800  }
0x5c: {  	[sflag:s30] =	ssyncset.done $0x0  }
0x5d: {  	s19 =	simm.s32 $0x280;
	[sflag:s30] =	ssyncadd.s32 $0xFFFFD800  }
0x5e: {  	[tilespmem:s20], [sflag:$0x3] =	stream.indirect.gather [hbm4b:s1+s15], $0x80, s19, s15, $0xb8;
	[tilespmem:$0x19800] =	vst v63  }
0x5f: {  	_ =	swait.ge [sflag:s21], $0x2800  }
0x60: {  	[sflag:s21] =	ssyncset.done $0x0  }
0x61: {  	s22 =	simm.s32 $0x4200;
	[sflag:s21] =	ssyncadd.s32 $0xFFFFD800  }
0x62: {  	[spmem:s3] =	stream.indirect.scatter.add.f32 [tilespmem:s18], [sflag:$0x5], $0x80, s22, s15, $0xb8;
	[tilespmem:$0x19800] =	vst v63  }
0x63: {  	_ =	swait.ge [sflag:s23], $0x2800  }
0x64: {  	[sflag:s23] =	ssyncset.done $0x0  }
0x65: {  	s19 =	simm.s32 $0x300;
	[sflag:s23] =	ssyncadd.s32 $0xFFFFD800  }
0x66: {  	[tilespmem:s16], [sflag:$0x1] =	stream.indirect.gather [hbm4b:s1+s15], $0x80, s19, s15, $0xb8;
	[tilespmem:$0x19800] =	vst v63  }
0x67: {  	_ =	swait.ge [sflag:s25], $0x2800  }
0x68: {  	[sflag:s25] =	ssyncset.done $0x0  }
0x69: {  	s22 =	simm.s32 $0x4280;
	[sflag:s25] =	ssyncadd.s32 $0xFFFFD800  }
0x6a: {  	[spmem:s3] =	stream.indirect.scatter.add.f32 [tilespmem:s20], [sflag:$0x6], $0x80, s22, s15, $0xb8;
	[tilespmem:$0x19800] =	vst v63  }
0x6b: {  	_ =	swait.ge [sflag:s28], $0x2800  }
0x6c: {  	[sflag:s28] =	ssyncset.done $0x0  }
0x6d: {  	s17 =	simm.s32 $0x600;
	s19 =	simm.s32 $0x380;
	[sflag:s28] =	ssyncadd.s32 $0xFFFFD800  }
.LBB2_4:
0x6e: {  	[tilespmem:s18], [sflag:$0x2] =	stream.indirect.gather [hbm4b:s1+s15], $0x80, s19, s15, $0xb8;
	[tilespmem:$0x19800] =	vst v63  }
0x6f: {  	s19 =	smov.u32 s17  }
0x70: {  	p0 =	sne.s32 s17, $0xEA00;
	s17 =	sadd.s32 $0x600, s17;
	_ =	swait.ge [sflag:s8], $0x2800  }
0x71: {  	s19 =	sshra.s32 s19, $0x2;
	[sflag:s8] =	ssyncset.done $0x0  }
0x72: {  	s22 =	sadd.s32 $0x4180, s19;
	[sflag:s8] =	ssyncadd.s32 $0xFFFFD800  }
0x73: {  	[spmem:s3] =	stream.indirect.scatter.add.f32 [tilespmem:s16], [sflag:$0x4], $0x80, s22, s15, $0xb8;
	[tilespmem:$0x19800] =	vst v63  }
0x74: {  	_ =	swait.ge [sflag:s30], $0x2800  }
0x75: {  	[sflag:s30] =	ssyncset.done $0x0  }
0x76: {  	s22 =	sadd.s32 $0x280, s19;
	[sflag:s30] =	ssyncadd.s32 $0xFFFFD800  }
0x77: {  	[tilespmem:s20], [sflag:$0x3] =	stream.indirect.gather [hbm4b:s1+s15], $0x80, s22, s15, $0xb8;
	[tilespmem:$0x19800] =	vst v63  }
0x78: {  	_ =	swait.ge [sflag:s21], $0x2800  }
0x79: {  	[sflag:s21] =	ssyncset.done $0x0  }
0x7a: {  	s22 =	sadd.s32 $0x4200, s19;
	[sflag:s21] =	ssyncadd.s32 $0xFFFFD800  }
0x7b: {  	[spmem:s3] =	stream.indirect.scatter.add.f32 [tilespmem:s18], [sflag:$0x5], $0x80, s22, s15, $0xb8;
	[tilespmem:$0x19800] =	vst v63  }
0x7c: {  	_ =	swait.ge [sflag:s23], $0x2800  }
0x7d: {  	[sflag:s23] =	ssyncset.done $0x0  }
0x7e: {  	s22 =	sadd.s32 $0x300, s19;
	[sflag:s23] =	ssyncadd.s32 $0xFFFFD800  }
0x7f: {  	[tilespmem:s16], [sflag:$0x1] =	stream.indirect.gather [hbm4b:s1+s15], $0x80, s22, s15, $0xb8;
	[tilespmem:$0x19800] =	vst v63  }
0x80: {  	_ =	swait.ge [sflag:s25], $0x2800  }
0x81: {  	[sflag:s25] =	ssyncset.done $0x0  }
.Ltmp1:
0x82: {  	s22 =	sadd.s32 $0x4280, s19;
	[sflag:s25] =	ssyncadd.s32 $0xFFFFD800;
	(pc) =	sbr.rel @p0 .LBB2_4-.Ltmp1, $4  }
0x83: {  	[spmem:s3] =	stream.indirect.scatter.add.f32 [tilespmem:s20], [sflag:$0x6], $0x80, s22, s15, $0xb8;
	[tilespmem:$0x19800] =	vst v63  }
0x84: {  	_ =	swait.ge [sflag:s28], $0x2800  }
0x85: {  	[sflag:s28] =	ssyncset.done $0x0  }
0x86: {  	s19 =	sadd.s32 $0x380, s19;
	[sflag:s28] =	ssyncadd.s32 $0xFFFFD800  }
0x87: {  	[tilespmem:s18], [sflag:$0x2] =	stream.indirect.gather [hbm4b:s1+s15], $0x80, s19, s15, $0xb8;
	[tilespmem:$0x19800] =	vst v63  }
0x88: {  	_ =	swait.ge [sflag:s8], $0x2800  }
0x89: {  	[sflag:s8] =	ssyncset.done $0x0  }
0x8a: {  	[sflag:s8] =	ssyncadd.s32 $0xFFFFD800  }
0x8b: {  	[spmem:s3] =	stream.indirect.scatter.add.f32 [tilespmem:s16], [sflag:$0x4], $0x80, s31, s15, $0xb8;
	[tilespmem:$0x19800] =	vst v63  }
0x8c: {  	_ =	swait.ge [sflag:s21], $0x2800  }
0x8d: {  	[sflag:s21] =	ssyncset.done $0x0  }
0x8e: {  	[sflag:s21] =	ssyncadd.s32 $0xFFFFD800  }
0x8f: {  	[spmem:s3] =	stream.indirect.scatter.add.f32 [tilespmem:s18], [sflag:$0x5], $0x80, s0, s15, $0xb8;
	[tilespmem:$0x19800] =	vst v63  }
0x90: {  	_ =	swait.ge [sflag:s23], $0x2800  }
0x91: {  	[sflag:s23] =	ssyncset.done $0x0  }
0x92: {  	[sflag:s23] =	ssyncadd.s32 $0xFFFFD800  }
0x93: {  	_ =	swait.ge [sflag:s28], $0x2800  }
0x94: {  	[sflag:s28] =	ssyncset.done $0x0  }
0x95: {  	[sflag:s28] =	ssyncadd.s32 $0xFFFFD800  }
0x96: {  	_ =	swait.ge [sflag:s30], $0x2800  }
0x97: {  	s2 =	sadd.s32 $0x1, s2;
	[sflag:s30] =	ssyncset.done $0x0  }
0x98: {  	p0 =	sne.s32 s2, s10;
	[sflag:s30] =	ssyncadd.s32 $0xFFFFD800  }
.Ltmp2:
0x99: {  	[bflag:$0x0] =	sbarrier.arrive $0xFFFF;
	(pc) =	sbr.rel @p0 .LBB2_1-.Ltmp2, $4  }
0x9a: {  	[hbm:s9], [sflag:s13] =	dma.local [spmem:s14], $0x1400  }
0x9b: {  	_ =	swait.ge [sflag:s11], $0x1400  }
0x9c: {  	[sflag:s11] =	ssyncset.done $0x0  }
0x9d: {  	[sflag:s11] =	ssyncadd.s32 $0xFFFFEC00  }
0x9e: {  	_ =	sfence.sel $0x180000  }
0x9f: {  	[bflag:$0x0] =	sbarrier.arrive $0xFFFF  }
0xa0: {  	_ =	strace $0x90000047  }
0xa1: {  	s0 =	stileid.u32;
	[bflag:$0x2] =	sbarrier.arrive $0xFFFF  }
0xa2: {  	p0 =	sne.s32 s0, $0x0;
	s0 =	rddreg [dreg:$0x3]  }
0xa3: {  	s0 =	sadd.s32 @!p0 $0x100000, s0  }
0xa4: {  	[sflag:s0] =	ssyncadd.tile.s32 @!p0 $0x1;
	_ =	shalt  }
.Lfunc_end2:
_tile_overlayer_lowered:
.L_overlay_start_2:
0xa5: {  	(tag) =	ssettag $0x2  }
0xa6: {  	s0 =	rddreg [dreg:$0x0];
	s2 =	stileid.u32  }
0xa7: {  	s1 =	rddreg [dreg:$0x1];
	p0 =	sne.s32 s2, $0x0  }
0xa8: {  	s3 =	rddreg [dreg:$0x2];
	[bflag:$0x3] =	sbarrier.arrive $0xFFFF;
	s2 =	simm.s32 @!p0 $0x1C07  }
0xa9: {  	[timem:s3], [sflag:s2] =	dma.local @!p0 [hbm:s0], s1  }
0xaa: {  	s0 =	simm.s32 @!p0 $0x7  }
0xab: {  	_ =	swait.ge @!p0 [sflag:s0], s1  }
0xac: {  	s1 =	ssub.s32 @!p0 $0x0, s1;
	[sflag:s0] =	ssyncset.done @!p0 $0x0  }
0xad: {  	[sflag:s0] =	ssyncadd.s32 @!p0 s1  }
0xae: {  	[bflag:$0x3] =	sbarrier.arrive $0xFFFF  }
0xaf: {  	_ =	shalt  }

// kernel: kernel.15.cloned.1.call-start
scs
__scs_entry_jumppad:
0x0: {  	(pc) =	sbr.rel $0x88, $3  }
0x1: {  	(tag) =	ssettag $0x0;
	lr =	simm.s32 $0x1  }
0x2: {  	[smem:$0x3F97] =	sst lr;
	_ =	strace $0xD0000000  }
0x3: {  	_ = 	snop  }
0x4: {  	_ = 	snop  }
0x5: {  	_ = 	snop  }
0x6: {  	_ = 	snop  }
0x7: {  	_ = 	snop  }
__scs_overlays_trampoline_lowered:
0x8: {  	[smem:$0x3FA6] =	sst s0  }
0x9: {  	[smem:$0x3FA7] =	sst s1  }
0xa: {  	[smem:$0x3FA8] =	sst s2  }
0xb: {  	[smem:$0x3FA9] =	sst s3  }
0xc: {  	[smem:$0x3FAA] =	sst s4  }
0xd: {  	[smem:$0x3FAB] =	sst s5  }
0xe: {  	[smem:$0x3FAC] =	sst s6  }
0xf: {  	[smem:$0x3FAD] =	sst s7  }
0x10: {  	[smem:$0x3FAE] =	sst s8  }
0x11: {  	[smem:$0x3FAF] =	sst s9;
	s0 =	simm.s32 @!p0 $0x0  }
0x12: {  	s1 =	sld [smem:$0x3F95];
	s0 =	simm.s32 @p0 $0x1  }
0x13: {  	[smem:$0x3FB0] =	sst s0;
	s0 =	simm.s32 @!p1 $0x0  }
0x14: {  	s2 =	sld [smem:$0x3F94];
	s0 =	simm.s32 @p1 $0x1  }
0x15: {  	[smem:$0x3FB1] =	sst s0;
	s0 =	simm.s32 @!p2 $0x0  }
0x16: {  	s3 =	sld [smem:$0x3FDB];
	s0 =	simm.s32 @p2 $0x1  }
0x17: {  	s4 =	simm.s32 $0x1BF5;
	[smem:$0x3FB3] =	sst s0  }
0x18: {  	s0 =	sld [smem:$0x3F96];
	_ =	swait.ge [sflag:s4], $0x0  }
0x19: {  	s7 =	sld [smem:$0x3F97]  }
0x1a: {  	s8 =	sadd.s32 $0xFFFFE003, lr  }
0x1b: {  	s9 =	sadd.s32 $0xFFFFFEF7, lr;
	s5 =	simm.s32 $0xFFFFFFFF;
	p2 =	slt.u32 s8, $0xFFFFF086  }
0x1c: {  	p1 =	slt.u32 s9, $0xF7A;
	s5 =	simm.s32 @!p2 $0x0  }
0x1d: {  	s5 =	simm.s32 @p1 $0x1;
	p0 =	seq.s32 s7, s2  }
0x1e: {  	s7 =	smul.u32 @!p0 $0xF7A, s2;
	p2 =	seq.s32 @!p0 s5, $0x0  }
0x1f: {  	s9 =	smul.u32 $0xF7A, s1;
	s8 =	simm.s32 @!p0 $0x1BF5;
	p2 =	por !p2, p0  }
0x20: {  	[sflag:s8] =	ssyncset.s32 @!p0 $0xFFFFF086;
	s6 =	sadd.s32 @!p0 s3, s7;
	s7 =	simm.s32 @!p0 $0x108  }
0x21: {  	s3 =	sadd.s32 s3, s9;
	s6 =	sadd.s32 @!p0 $0x88, s6;
	s7 =	simm.s32 @p2 $0x1082  }
0x22: {  	[simem:s7], [sflag:s8] =	dma.local @!p0 [hbm:s6], $0xF7A  }
0x23: {  	s9 =	sor.u32 $0xD0000000, s2;
	s6 =	simm.s32 $0x108;
	_ =	swait.ge @!p0 [sflag:s8], $0x0  }
0x24: {  	s3 =	sadd.s32 $0x88, s3;
	s6 =	simm.s32 @!p1 $0x1082;
	[sflag:s4] =	ssyncset.s32 $0xFFFFF086  }
0x25: {  	[simem:s6], [sflag:s4] =	dma.local [hbm:s3], $0xF7A  }
0x26: {  	[smem:$0x3F97] =	sst s1;
	(tag) =	ssettag s2;
	_ =	strace s9  }
0x27: {  	s1 =	sld [smem:$0x3FA7]  }
0x28: {  	s2 =	sld [smem:$0x3FA8]  }
0x29: {  	s4 =	sld [smem:$0x3FAA]  }
0x2a: {  	p0 =	seq.s32 s5, $0x0;
	s5 =	sld [smem:$0x3FAB]  }
0x2b: {  	s6 =	sld [smem:$0x3FAC]  }
0x2c: {  	s7 =	sld [smem:$0x3FAD]  }
0x2d: {  	s3 =	simm.s32 $0x108;
	s8 =	sld [smem:$0x3FAE]  }
0x2e: {  	s3 =	simm.s32 @!p0 $0x1082;
	s9 =	sld [smem:$0x3FAF]  }
0x2f: {  	lr =	sadd.s32 s0, s3;
	s0 =	sld [smem:$0x3FA6]  }
0x30: {  	s3 =	sld [smem:$0x3FA9]  }
0x31: {  	[smem:$0x3FB2] =	sst s10  }
0x32: {  	s10 =	sld [smem:$0x3FB0];
	_ =	sdelay $0x3  }
0x33: {  	p0 =	seq.s32 s10, $0x1;
	s10 =	sld [smem:$0x3FB2];
	_ =	sdelay $0x3  }
0x34: {  	[smem:$0x3FB2] =	sst s10  }
0x35: {  	s10 =	sld [smem:$0x3FB1];
	_ =	sdelay $0x3  }
0x36: {  	p1 =	seq.s32 s10, $0x1;
	s10 =	sld [smem:$0x3FB2];
	_ =	sdelay $0x3  }
0x37: {  	[smem:$0x3FB2] =	sst s10  }
0x38: {  	s10 =	sld [smem:$0x3FB3]  }
0x39: {  	_ = 	snop;
	(pc) =	sbr.ind lr, $3  }
0x3a: {  	_ = 	snop  }
0x3b: {  	_ = 	snop  }
0x3c: {  	p2 =	seq.s32 s10, $0x1;
	s10 =	sld [smem:$0x3FB2]  }
0x3d: {  	_ =	shalt  }
0x3e: {  	_ =	shalt  }
0x3f: {  	_ =	shalt  }
0x40: {  	_ =	shalt  }
0x41: {  	_ =	shalt  }
0x42: {  	_ =	shalt  }
0x43: {  	_ =	shalt  }
0x44: {  	_ =	shalt  }
0x45: {  	_ =	shalt  }
0x46: {  	_ =	shalt  }
0x47: {  	_ =	shalt  }
0x48: {  	_ =	shalt  }
0x49: {  	_ =	shalt  }
0x4a: {  	_ =	shalt  }
0x4b: {  	_ =	shalt  }
0x4c: {  	_ =	shalt  }
0x4d: {  	_ =	shalt  }
0x4e: {  	_ =	shalt  }
0x4f: {  	_ =	shalt  }
0x50: {  	_ =	shalt  }
0x51: {  	_ =	shalt  }
0x52: {  	_ =	shalt  }
0x53: {  	_ =	shalt  }
0x54: {  	_ =	shalt  }
0x55: {  	_ =	shalt  }
0x56: {  	_ =	shalt  }
0x57: {  	_ =	shalt  }
0x58: {  	_ =	shalt  }
0x59: {  	_ =	shalt  }
0x5a: {  	_ =	shalt  }
0x5b: {  	_ =	shalt  }
0x5c: {  	_ =	shalt  }
0x5d: {  	_ =	shalt  }
0x5e: {  	_ =	shalt  }
0x5f: {  	_ =	shalt  }
0x60: {  	_ =	shalt  }
0x61: {  	_ =	shalt  }
0x62: {  	_ =	shalt  }
0x63: {  	_ =	shalt  }
0x64: {  	_ =	shalt  }
0x65: {  	_ =	shalt  }
0x66: {  	_ =	shalt  }
0x67: {  	_ =	shalt  }
0x68: {  	_ =	shalt  }
0x69: {  	_ =	shalt  }
0x6a: {  	_ =	shalt  }
0x6b: {  	_ =	shalt  }
0x6c: {  	_ =	shalt  }
0x6d: {  	_ =	shalt  }
0x6e: {  	_ =	shalt  }
0x6f: {  	_ =	shalt  }
0x70: {  	_ =	shalt  }
0x71: {  	_ =	shalt  }
0x72: {  	_ =	shalt  }
0x73: {  	_ =	shalt  }
0x74: {  	_ =	shalt  }
0x75: {  	_ =	shalt  }
0x76: {  	_ =	shalt  }
0x77: {  	_ =	shalt  }
0x78: {  	_ =	shalt  }
0x79: {  	_ =	shalt  }
0x7a: {  	_ =	shalt  }
0x7b: {  	_ =	shalt  }
0x7c: {  	_ =	shalt  }
0x7d: {  	_ =	shalt  }
0x7e: {  	_ =	shalt  }
0x7f: {  	_ =	shalt  }
0x80: {  	_ =	shalt  }
0x81: {  	_ =	shalt  }
0x82: {  	_ =	shalt  }
0x83: {  	_ =	shalt  }
0x84: {  	_ =	shalt  }
0x85: {  	_ =	shalt  }
0x86: {  	_ =	shalt  }
0x87: {  	_ =	shalt  }
.Lfunc_end0:
.L_simem_size_0:
called_computation.2_lowered:
.L_overlay_start_0:
0x88: {  	s2 =	sld [smem:$0x3FD9]  }
0x89: {  	s3 =	sld [smem:$0x3FFE];
	_ =	sdelay $0x1  }
0x8a: {  	s1 =	srdreg.scid  }
0x8b: {  	s0 =	sand.u32 $0x1, s1  }
0x8c: {  	s16 =	sshll.u32 s0, $0xA;
	s2 =	sadd.s32 s3, s2  }
0x8d: {  	s2 =	sadd.s32 s2, s16  }
0x8e: {  	[smem:$0x3FBE] =	sst s2  }
0x8f: {  	_ = 	snop  }
0x90: {  	(tm) =	ssettm $0x1  }
0x91: {  	s17 =	sld [smem:$0x3FFB];
	_ =	sdelay $0x3  }
0x92: {  	_ =	strace s17  }
0x93: {  	s2 =	sld [smem:$0x3FFC];
	_ =	sdelay $0x3  }
0x94: {  	_ =	strace s2  }
0x95: {  	s2 =	sld [smem:$0x3FFD];
	_ =	sdelay $0x3  }
0x96: {  	_ =	strace s2  }
0x97: {  	_ =	strace $0x8FFFFFFF  }
0x98: {  	s18 =	sld [smem:$0x3FDB];
	_ =	sdelay $0x1  }
0x99: {  	s19 =	simm.s32 $_scs_section_size  }
0x9a: {  	s4 =	simm.s32 $_size__tile_overlayer_lowered;
	s5 =	simm.s32 $_tile_overlayer_lowered  }
0x9b: {  	s22 =	simm.s32 $0x1BFF;
	s21 =	sshll.u32 s5, $0x1;
	s2 =	sadd.s32 s19, s18  }
0x9c: {  	s6 =	simm.s32 $0x0;
	s20 =	sshll.u32 s4, $0x1;
	s4 =	sadd.s32 s21, s2  }
0x9d: {  	[timem:s6], [sflag:s22] =	dma.local [hbm:s4], s20  }
0x9e: {  	_ =	swait.ge [sflag:s22], s20  }
0x9f: {  	s3 =	ssub.s32 $0x0, s20;
	[sflag:s22] =	ssyncset.done $0x0  }
0xa0: {  	[sflag:s22] =	ssyncadd.s32 s3;
	_ =	sdelay $0x1  }
0xa1: {  	s23 =	simm.s32 $0x1B8B  }
0xa2: {  	_ =	swait.ge [sflag:s23], $0x1  }
0xa3: {  	[sflag:s23] =	ssyncset.done $0x0  }
0xa4: {  	s25 =	simm.s32 $0x1B8E;
	s24 =	sld [smem:$0x3FFE];
	[sflag:s23] =	ssyncadd.s32 $0xFFFFFFFF  }
0xa5: {  	s26 =	simm.s32 $execute0_lowered;
	[smem:$0x3FD2] =	sst s25  }
0xa6: {  	s4 =	sshll.u32 s26, $0x1;
	_ =	strace $0x8000004C;
	[dreg:$0x1] =	wrdreg $0xFFFFFFFF  }
0xa7: {  	s28 =	simm.s32 $_size_execute0_lowered;
	s2 =	sadd.s32 s2, s4;
	[dreg:$0x0] =	wrdreg $0x0  }
0xa8: {  	s4 =	sshll.u32 s28, $0x1;
	[dreg:$0x2] =	wrdreg s2  }
0xa9: {  	[dreg:$0x3] =	wrdreg s4  }
0xaa: {  	[dreg:$0x4] =	wrdreg $0xC0  }
0xab: {  	_ =	task [dreg:s6], $0x5FFFF  }
0xac: {  	[dreg:$0x1] =	wrdreg $0xFFFFFFFF  }
0xad: {  	[dreg:$0x0] =	wrdreg $0x60  }
0xae: {  	[dreg:$0x2] =	wrdreg s24  }
0xaf: {  	[dreg:$0x3] =	wrdreg $0xF8000  }
0xb0: {  	[dreg:$0x4] =	wrdreg $0x9  }
0xb1: {  	_ =	task.clear_ibuf [dreg:s6], $0x5FFFF;
	_ =	strace $0x9000004C  }
0xb2: {  	s29 =	simm.s32 $0x9;
	_ =	strace $0x8000004E  }
0xb3: {  	_ =	swait.ge [sflag:s29], $0x1  }
0xb4: {  	[sflag:s29] =	ssyncadd.s32 $0xFFFFFFFF  }
0xb5: {  	_ =	strace $0x9000004E  }
0xb6: {  	_ =	sfence  }
0xb7: {  	s30 =	sld [smem:$0x0];
	_ =	sdelay $0x2  }
0xb8: {  	s31 =	sshll.u32 s1, $0xD;
	s1 =	sshrl.u32 s1, $0x2  }
0xb9: {  	s3 =	sand.u32 $0x4000, s31;
	s1 =	sadd.s32 s1, s30  }
0xba: {  	s0 =	sor.u32 s3, s0;
	s1 =	sshll.u32 s1, $0x11  }
0xbb: {  	s0 =	sor.u32 s1, s0  }
0xbc: {  	s0 =	sadd.s32 $0x8F2B, s0  }
0xbd: {  	[sflag:s0] =	ssyncadd.remote.s32 $0x1  }
0xbe: {  	_ =	sfence.sel $0xFFFF  }
0xbf: {  	[dreg:$0x0] =	wrdreg $0xFFFFFFFF;
	(pc) =	sbr.abs _section_cstart, $3  }
0xc0: {  	[dreg:$0x1] =	wrdreg $0xFFFFFFFF  }
0xc1: {  	_ =	task.clear_ibuf [dreg:s6], $0x2FFFF;
	_ =	strace $0x9FFFFFFF  }
0xc2: {  	(tm) =	ssettm $0x7FFFFFFF  }
0xc3: {  	_ =	shalt  }
tec
execute0_lowered:
.L_overlay_start_1:
0x0: {  	(tag) =	ssettag $0x1  }
0x1: {  	s0 =	srdreg.scid  }
0x2: {  	s13 =	stileid.u32;
	s6 =	rddreg [dreg:$0x0]  }
0x3: {  	s4 =	simm.s32 $0x1;
	s3 =	simm.s32 $0x0;
	s17 =	simm.s32 $0x9C4  }
0x4: {  	s15 =	simm.s32 $0x50;
	s16 =	simm.s32 $0x8000;
	s18 =	simm.s32 $0xA800  }
0x5: {  	s28 =	simm.s32 $0x5;
	s29 =	simm.s32 $0x200;
	s0 =	sand.u32 $0x1, s0  }
0x6: {  	s30 =	simm.s32 $0x6;
	s31 =	simm.s32 $0x7D80;
	s1 =	sshll.u32 s0, $0x4  }
0x7: {  	s2 =	sand.u32 $0x7, s13;
	[smem:$0x7FF] =	sst s3;
	s1 =	sor.u32 s13, s1  }
0x8: {  	s8 =	smul.u32 $0x1400, s13;
	p1 =	sne.s32 s2, $0x0;
	p0 =	seq.s32 s1, $0x0  }
0x9: {  	s25 =	smul.u32 $0x28000, s13;
	s26 =	sshll.u32 s13, $0x6;
	p0 =	por !p1, !p0  }
0xa: {  	s2 =	rddreg [dreg:$0x1];
	s10 =	smul.u32 $0x14000, s0;
	p0 =	por !p0, !p0  }
0xb: {  	s0 =	ssub.s32 $0x2, s0;
	s5 =	sshrl.u32 s1, $0x3;
	s4 =	simm.s32 @!p0 $0x0  }
0xc: {  	_ =	strace $0x8000004D;
	s12 =	sshrl.u32 s0, $0x1;
	s7 =	ssub.s32 s5, s4  }
0xd: {  	s13 =	sor.u32 $0x1C07, s26;
	s26 =	simm.s32 $0x4100;
	s4 =	sand.u32 $0x80, s7  }
0xe: {  	s1 =	sshll.u32 s1, $0xB;
	s8 =	sadd.s32 s8, s10;
	s20 =	sshrl.u32 s4, $0x7  }
0xf: {  	s0 =	ssub.s32 s0, s12;
	s12 =	simm.s32 $0x4000;
	s9 =	sadd.s32 s20, s7  }
0x10: {  	s1 =	sadd.s32 s1, s6;
	s22 =	sadd.s32 s8, s6;
	s11 =	sand.u32 $0xFFFFFFFE, s9  }
0x11: {  	s8 =	simm.s32 $0x1;
	s10 =	smax.u32 s0, $0x1;
	s11 =	ssub.s32 s7, s11  }
0x12: {  	s0 =	simm.s32 $0x0;
	s5 =	sadd.s32 $0x24200, s6;
	s21 =	sand.u32 $0xFF, s11  }
0x13: {  	p5 =	slt.s32 s7, $0x1;
	s4 =	sadd.s32 $0x25600, s6;
	p6 =	sne.s32 s21, $0x0  }
0x14: {  	s6 =	sadd.s32 $0x14200, s1;
	s20 =	simm.s32 $0xD000;
	p0 =	por !p5, !p6  }
0x15: {  	s23 =	sshrl.u32 s9, $0x1;
	s9 =	sshrl.u32 s25, $0x2;
	p0 =	por !p0, !p0  }
0x16: {  	s25 =	simm.s32 $0x3;
	s7 =	sadd.s32 $0x4200, s1;
	s8 =	simm.s32 @!p0 $0x0  }
0x17: {  	s14 =	sadd.s32 s9, s2;
	s24 =	sand.u32 $0x1, s11;
	s1 =	ssub.s32 s23, s8  }
0x18: {  	s9 =	sadd.s32 $0x75600, s22;
	p0 =	seq.s32 s24, $0x1;
	s1 =	smul.u32 $0x1400, s1  }
0x19: {  	s11 =	simm.s32 $0x7;
	s14 =	sshrl.u32 s14, $0x3;
	s17 =	simm.s32 @!p0 $0x0  }
0x1a: {  	s21 =	simm.s32 $0x2;
	s24 =	simm.s32 $0x180;
	s1 =	sadd.s32 s17, s1  }
0x1b: {  	s8 =	simm.s32 $0x1;
	s23 =	simm.s32 $0x4;
	v1 =	vmov s17;
	v0 =	vmov s1;
	s1 =	simm.s32 $0x7E00  }
.LBB2_1:
0x1c: {  	[tilespmem:s3], [sflag:$0x7] =	stream.linear.gather [hbm4b:s6+s3], $0x3E80, $0x38;
	[tilespmem:$0x19800] =	vst v63  }
0x1d: {  	_ =	swait.ge [sflag:s11], $0x3E80  }
0x1e: {  	[sflag:s11] =	ssyncset.done $0x0  }
0x1f: {  	[sflag:s11] =	ssyncadd.s32 $0xFFFFC180  }
0x20: {  	[tilespmem:s12], [sflag:$0x7] =	stream.linear.gather [hbm4b:s7+s3], $0x3E80, $0x38;
	[tilespmem:$0x19800] =	vst v63  }
0x21: {  	_ =	swait.ge [sflag:s11], $0x3E80  }
0x22: {  	[sflag:s11] =	ssyncset.done $0x0  }
0x23: {  	s17 =	simm.s32 $0x0;
	[sflag:s11] =	ssyncadd.s32 $0xFFFFC180  }
0x24: {  	v2 =	vld [tilespmem:s17+$0x0]  }
0x25: {  	v4 =	vld [tilespmem:s17+$0x4000]  }
0x26: {  	v5 =	vld [tilespmem:s17+$0x10]  }
0x27: {  	v6 =	vld [tilespmem:s17+$0x4010]  }
0x28: {  	v3 =	vld [tilespmem:s17+$0x20]  }
0x29: {  	v7 =	vadd.s32 v0, v2;
	v2 =	vld [tilespmem:s17+$0x4020]  }
0x2a: {  	[tilespmem:s17+$0x0] =	vst v7;
	v7 =	vadd.s32 v1, v4;
	v4 =	vld [tilespmem:s17+$0x30]  }
0x2b: {  	[tilespmem:s17+$0x4000] =	vst v7;
	v7 =	vadd.s32 v0, v5;
	v5 =	vld [tilespmem:s17+$0x4030]  }
0x2c: {  	s19 =	simm.s32 $0x200;
	[tilespmem:s17+$0x10] =	vst v7;
	v7 =	vadd.s32 v1, v6;
	v6 =	vld [tilespmem:s17+$0x40]  }
.LBB2_2:
0x2d: {  	s22 =	sshra.s32 s19, $0x2;
	p0 =	sne.s32 s19, $0xF800;
	[tilespmem:s17+$0x4010] =	vst v7;
	v3 =	vadd.s32 v0, v3;
	v7 =	vld [tilespmem:s17+$0x4040]  }
0x2e: {  	v8 =	vld [tilespmem:s22+$0x0];
	[tilespmem:s17+$0x20] =	vst v3;
	v2 =	vadd.s32 v1, v2  }
0x2f: {  	v9 =	vld [tilespmem:s22+$0x4000];
	[tilespmem:s17+$0x4020] =	vst v2;
	v2 =	vadd.s32 v0, v4  }
0x30: {  	v10 =	vld [tilespmem:s22+$0x10];
	[tilespmem:s17+$0x30] =	vst v2;
	v2 =	vadd.s32 v1, v5  }
0x31: {  	v11 =	vld [tilespmem:s22+$0x4010];
	[tilespmem:s17+$0x4030] =	vst v2;
	v2 =	vadd.s32 v0, v6  }
.Ltmp0:
0x32: {  	v3 =	vld [tilespmem:s22+$0x20];
	[tilespmem:s17+$0x40] =	vst v2;
	v4 =	vadd.s32 v1, v7;
	(pc) =	sbr.rel @p0 .LBB2_2-.Ltmp0, $4  }
0x33: {  	v5 =	vadd.s32 v0, v8;
	v2 =	vld [tilespmem:s22+$0x4020];
	[tilespmem:s17+$0x4040] =	vst v4;
	s17 =	smov.u32 s22  }
0x34: {  	[tilespmem:s17+$0x0] =	vst v5;
	v5 =	vadd.s32 v1, v9;
	v4 =	vld [tilespmem:s17+$0x30]  }
0x35: {  	[tilespmem:s17+$0x4000] =	vst v5;
	v6 =	vadd.s32 v0, v10;
	v5 =	vld [tilespmem:s17+$0x4030]  }
0x36: {  	s19 =	sadd.s32 $0x200, s19;
	[tilespmem:s17+$0x10] =	vst v6;
	v7 =	vadd.s32 v1, v11;
	v6 =	vld [tilespmem:s17+$0x40]  }
0x37: {  	[tilespmem:s17+$0x4010] =	vst v7;
	v3 =	vadd.s32 v0, v3;
	v63 =	vld [tilespmem:s17+$0x4040]  }
0x38: {  	[tilespmem:s17+$0x20] =	vst v3;
	v2 =	vadd.s32 v1, v2  }
0x39: {  	[tilespmem:s17+$0x4020] =	vst v2;
	v2 =	vadd.s32 v0, v4  }
0x3a: {  	[tilespmem:s17+$0x30] =	vst v2;
	v2 =	vadd.s32 v1, v5  }
0x3b: {  	[tilespmem:s17+$0x4030] =	vst v2;
	v2 =	vadd.s32 v0, v6  }
0x3c: {  	[tilespmem:s17+$0x40] =	vst v2;
	v2 =	vadd.s32 v1, v63  }
0x3d: {  	[tilespmem:s17+$0x4040] =	vst v2  }
0x3e: {  	[spmem:s14], [sflag:s13] =	dma.local [hbm:s5], $0x1400  }
0x3f: {  	_ =	swait.ge [sflag:s11], $0x1400  }
0x40: {  	[sflag:s11] =	ssyncset.done $0x0  }
0x41: {  	[sflag:s11] =	ssyncadd.s32 $0xFFFFEC00  }
0x42: {  	s22 =	simm.s32 $0x0;
	[bflag:$0x0] =	sbarrier.arrive $0xFFFF  }
0x43: {  	[tilespmem:s16], [sflag:$0x1] =	stream.indirect.gather [hbm4b:s4+s15], $0x80, s22, s15, $0xb8;
	[tilespmem:$0x19800] =	vst v63  }
0x44: {  	s19 =	simm.s32 $0x80  }
0x45: {  	[tilespmem:s18], [sflag:$0x2] =	stream.indirect.gather [hbm4b:s4+s15], $0x80, s19, s15, $0xb8;
	[tilespmem:$0x19800] =	vst v63  }
0x46: {  	_ =	swait.ge [sflag:s8], $0x2800  }
0x47: {  	[sflag:s8] =	ssyncset.done $0x0  }
0x48: {  	[sflag:s8] =	ssyncadd.s32 $0xFFFFD800  }
0x49: {  	[spmem:s2] =	stream.indirect.scatter.add.f32 [tilespmem:s16], [sflag:$0x4], $0x80, s12, s15, $0xb8;
	[tilespmem:$0x19800] =	vst v63  }
0x4a: {  	s22 =	simm.s32 $0x100  }
0x4b: {  	[tilespmem:s20], [sflag:$0x3] =	stream.indirect.gather [hbm4b:s4+s15], $0x80, s22, s15, $0xb8;
	[tilespmem:$0x19800] =	vst v63  }
0x4c: {  	_ =	swait.ge [sflag:s21], $0x2800  }
0x4d: {  	[sflag:s21] =	ssyncset.done $0x0  }
0x4e: {  	s19 =	simm.s32 $0x4080;
	[sflag:s21] =	ssyncadd.s32 $0xFFFFD800  }
0x4f: {  	[spmem:s2] =	stream.indirect.scatter.add.f32 [tilespmem:s18], [sflag:$0x5], $0x80, s19, s15, $0xb8;
	[tilespmem:$0x19800] =	vst v63  }
0x50: {  	_ =	swait.ge [sflag:s23], $0x2800  }
0x51: {  	[sflag:s23] =	ssyncset.done $0x0  }
0x52: {  	[sflag:s23] =	ssyncadd.s32 $0xFFFFD800  }
0x53: {  	[tilespmem:s16], [sflag:$0x1] =	stream.indirect.gather [hbm4b:s4+s15], $0x80, s24, s15, $0xb8;
	[tilespmem:$0x19800] =	vst v63  }
0x54: {  	_ =	swait.ge [sflag:s25], $0x2800  }
0x55: {  	[sflag:s25] =	ssyncset.done $0x0  }
0x56: {  	[sflag:s25] =	ssyncadd.s32 $0xFFFFD800  }
0x57: {  	[spmem:s2] =	stream.indirect.scatter.add.f32 [tilespmem:s20], [sflag:$0x6], $0x80, s26, s15, $0xb8;
	[tilespmem:$0x19800] =	vst v63  }
0x58: {  	_ =	swait.ge [sflag:s28], $0x2800  }
0x59: {  	[sflag:s28] =	ssyncset.done $0x0  }
0x5a: {  	[sflag:s28] =	ssyncadd.s32 $0xFFFFD800  }
0x5b: {  	[tilespmem:s18], [sflag:$0x2] =	stream.indirect.gather [hbm4b:s4+s15], $0x80, s29, s15, $0xb8;
	[tilespmem:$0x19800] =	vst v63  }
0x5c: {  	_ =	swait.ge [sflag:s8], $0x2800  }
0x5d: {  	[sflag:s8] =	ssyncset.done $0x0  }
0x5e: {  	s22 =	simm.s32 $0x4180;
	[sflag:s8] =	ssyncadd.s32 $0xFFFFD800  }
0x5f: {  	[spmem:s2] =	stream.indirect.scatter.add.f32 [tilespmem:s16], [sflag:$0x4], $0x80, s22, s15, $0xb8;
	[tilespmem:$0x19800] =	vst v63  }
0x60: {  	_ =	swait.ge [sflag:s30], $0x2800  }
0x61: {  	[sflag:s30] =	ssyncset.done $0x0  }
0x62: {  	s19 =	simm.s32 $0x280;
	[sflag:s30] =	ssyncadd.s32 $0xFFFFD800  }
0x63: {  	[tilespmem:s20], [sflag:$0x3] =	stream.indirect.gather [hbm4b:s4+s15], $0x80, s19, s15, $0xb8;
	[tilespmem:$0x19800] =	vst v63  }
0x64: {  	_ =	swait.ge [sflag:s21], $0x2800  }
0x65: {  	[sflag:s21] =	ssyncset.done $0x0  }
0x66: {  	s22 =	simm.s32 $0x4200;
	[sflag:s21] =	ssyncadd.s32 $0xFFFFD800  }
0x67: {  	[spmem:s2] =	stream.indirect.scatter.add.f32 [tilespmem:s18], [sflag:$0x5], $0x80, s22, s15, $0xb8;
	[tilespmem:$0x19800] =	vst v63  }
0x68: {  	_ =	swait.ge [sflag:s23], $0x2800  }
0x69: {  	[sflag:s23] =	ssyncset.done $0x0  }
0x6a: {  	s19 =	simm.s32 $0x300;
	[sflag:s23] =	ssyncadd.s32 $0xFFFFD800  }
0x6b: {  	[tilespmem:s16], [sflag:$0x1] =	stream.indirect.gather [hbm4b:s4+s15], $0x80, s19, s15, $0xb8;
	[tilespmem:$0x19800] =	vst v63  }
0x6c: {  	_ =	swait.ge [sflag:s25], $0x2800  }
0x6d: {  	[sflag:s25] =	ssyncset.done $0x0  }
0x6e: {  	s22 =	simm.s32 $0x4280;
	[sflag:s25] =	ssyncadd.s32 $0xFFFFD800  }
0x6f: {  	[spmem:s2] =	stream.indirect.scatter.add.f32 [tilespmem:s20], [sflag:$0x6], $0x80, s22, s15, $0xb8;
	[tilespmem:$0x19800] =	vst v63  }
0x70: {  	_ =	swait.ge [sflag:s28], $0x2800  }
0x71: {  	[sflag:s28] =	ssyncset.done $0x0  }
0x72: {  	s17 =	simm.s32 $0x600;
	s19 =	simm.s32 $0x380;
	[sflag:s28] =	ssyncadd.s32 $0xFFFFD800  }
.LBB2_4:
0x73: {  	[tilespmem:s18], [sflag:$0x2] =	stream.indirect.gather [hbm4b:s4+s15], $0x80, s19, s15, $0xb8;
	[tilespmem:$0x19800] =	vst v63  }
0x74: {  	s19 =	smov.u32 s17  }
0x75: {  	p0 =	sne.s32 s17, $0xEA00;
	s17 =	sadd.s32 $0x600, s17;
	_ =	swait.ge [sflag:s8], $0x2800  }
0x76: {  	s19 =	sshra.s32 s19, $0x2;
	[sflag:s8] =	ssyncset.done $0x0  }
0x77: {  	s22 =	sadd.s32 $0x4180, s19;
	[sflag:s8] =	ssyncadd.s32 $0xFFFFD800  }
0x78: {  	[spmem:s2] =	stream.indirect.scatter.add.f32 [tilespmem:s16], [sflag:$0x4], $0x80, s22, s15, $0xb8;
	[tilespmem:$0x19800] =	vst v63  }
0x79: {  	_ =	swait.ge [sflag:s30], $0x2800  }
0x7a: {  	[sflag:s30] =	ssyncset.done $0x0  }
0x7b: {  	s22 =	sadd.s32 $0x280, s19;
	[sflag:s30] =	ssyncadd.s32 $0xFFFFD800  }
0x7c: {  	[tilespmem:s20], [sflag:$0x3] =	stream.indirect.gather [hbm4b:s4+s15], $0x80, s22, s15, $0xb8;
	[tilespmem:$0x19800] =	vst v63  }
0x7d: {  	_ =	swait.ge [sflag:s21], $0x2800  }
0x7e: {  	[sflag:s21] =	ssyncset.done $0x0  }
0x7f: {  	s22 =	sadd.s32 $0x4200, s19;
	[sflag:s21] =	ssyncadd.s32 $0xFFFFD800  }
0x80: {  	[spmem:s2] =	stream.indirect.scatter.add.f32 [tilespmem:s18], [sflag:$0x5], $0x80, s22, s15, $0xb8;
	[tilespmem:$0x19800] =	vst v63  }
0x81: {  	_ =	swait.ge [sflag:s23], $0x2800  }
0x82: {  	[sflag:s23] =	ssyncset.done $0x0  }
0x83: {  	s22 =	sadd.s32 $0x300, s19;
	[sflag:s23] =	ssyncadd.s32 $0xFFFFD800  }
0x84: {  	[tilespmem:s16], [sflag:$0x1] =	stream.indirect.gather [hbm4b:s4+s15], $0x80, s22, s15, $0xb8;
	[tilespmem:$0x19800] =	vst v63  }
0x85: {  	_ =	swait.ge [sflag:s25], $0x2800  }
0x86: {  	[sflag:s25] =	ssyncset.done $0x0  }
.Ltmp1:
0x87: {  	s22 =	sadd.s32 $0x4280, s19;
	[sflag:s25] =	ssyncadd.s32 $0xFFFFD800;
	(pc) =	sbr.rel @p0 .LBB2_4-.Ltmp1, $4  }
0x88: {  	[spmem:s2] =	stream.indirect.scatter.add.f32 [tilespmem:s20], [sflag:$0x6], $0x80, s22, s15, $0xb8;
	[tilespmem:$0x19800] =	vst v63  }
0x89: {  	_ =	swait.ge [sflag:s28], $0x2800  }
0x8a: {  	[sflag:s28] =	ssyncset.done $0x0  }
0x8b: {  	s19 =	sadd.s32 $0x380, s19;
	[sflag:s28] =	ssyncadd.s32 $0xFFFFD800  }
0x8c: {  	[tilespmem:s18], [sflag:$0x2] =	stream.indirect.gather [hbm4b:s4+s15], $0x80, s19, s15, $0xb8;
	[tilespmem:$0x19800] =	vst v63  }
0x8d: {  	_ =	swait.ge [sflag:s8], $0x2800  }
0x8e: {  	[sflag:s8] =	ssyncset.done $0x0  }
0x8f: {  	[sflag:s8] =	ssyncadd.s32 $0xFFFFD800  }
0x90: {  	[spmem:s2] =	stream.indirect.scatter.add.f32 [tilespmem:s16], [sflag:$0x4], $0x80, s31, s15, $0xb8;
	[tilespmem:$0x19800] =	vst v63  }
0x91: {  	_ =	swait.ge [sflag:s21], $0x2800  }
0x92: {  	[sflag:s21] =	ssyncset.done $0x0  }
0x93: {  	[sflag:s21] =	ssyncadd.s32 $0xFFFFD800  }
0x94: {  	[spmem:s2] =	stream.indirect.scatter.add.f32 [tilespmem:s18], [sflag:$0x5], $0x80, s1, s15, $0xb8;
	[tilespmem:$0x19800] =	vst v63  }
0x95: {  	_ =	swait.ge [sflag:s23], $0x2800  }
0x96: {  	[sflag:s23] =	ssyncset.done $0x0  }
0x97: {  	[sflag:s23] =	ssyncadd.s32 $0xFFFFD800  }
0x98: {  	_ =	swait.ge [sflag:s28], $0x2800  }
0x99: {  	[sflag:s28] =	ssyncset.done $0x0  }
0x9a: {  	[sflag:s28] =	ssyncadd.s32 $0xFFFFD800  }
0x9b: {  	_ =	swait.ge [sflag:s30], $0x2800  }
0x9c: {  	s0 =	sadd.s32 $0x1, s0;
	[sflag:s30] =	ssyncset.done $0x0  }
0x9d: {  	p0 =	sne.s32 s0, s10;
	[sflag:s30] =	ssyncadd.s32 $0xFFFFD800  }
.Ltmp2:
0x9e: {  	[bflag:$0x0] =	sbarrier.arrive $0xFFFF;
	(pc) =	sbr.rel @p0 .LBB2_1-.Ltmp2, $4  }
0x9f: {  	[hbm:s9], [sflag:s13] =	dma.local [spmem:s14], $0x1400  }
0xa0: {  	_ =	swait.ge [sflag:s11], $0x1400  }
0xa1: {  	[sflag:s11] =	ssyncset.done $0x0  }
0xa2: {  	[sflag:s11] =	ssyncadd.s32 $0xFFFFEC00  }
0xa3: {  	_ =	sfence.sel $0x180000  }
0xa4: {  	[bflag:$0x0] =	sbarrier.arrive $0xFFFF  }
0xa5: {  	_ =	strace $0x9000004D  }
0xa6: {  	s0 =	stileid.u32;
	[bflag:$0x2] =	sbarrier.arrive $0xFFFF  }
0xa7: {  	p0 =	sne.s32 s0, $0x0;
	s0 =	rddreg [dreg:$0x2]  }
0xa8: {  	s0 =	sadd.s32 @!p0 $0x100000, s0  }
0xa9: {  	[sflag:s0] =	ssyncadd.tile.s32 @!p0 $0x1;
	_ =	shalt  }
.Lfunc_end2:
_tile_overlayer_lowered:
.L_overlay_start_2:
0xaa: {  	(tag) =	ssettag $0x2  }
0xab: {  	s0 =	rddreg [dreg:$0x0];
	s2 =	stileid.u32  }
0xac: {  	s1 =	rddreg [dreg:$0x1];
	p0 =	sne.s32 s2, $0x0  }
0xad: {  	s3 =	rddreg [dreg:$0x2];
	[bflag:$0x3] =	sbarrier.arrive $0xFFFF;
	s2 =	simm.s32 @!p0 $0x1C07  }
0xae: {  	[timem:s3], [sflag:s2] =	dma.local @!p0 [hbm:s0], s1  }
0xaf: {  	s0 =	simm.s32 @!p0 $0x7  }
0xb0: {  	_ =	swait.ge @!p0 [sflag:s0], s1  }
0xb1: {  	s1 =	ssub.s32 @!p0 $0x0, s1;
	[sflag:s0] =	ssyncset.done @!p0 $0x0  }
0xb2: {  	[sflag:s0] =	ssyncadd.s32 @!p0 s1  }
0xb3: {  	[bflag:$0x3] =	sbarrier.arrive $0xFFFF  }
0xb4: {  	_ =	shalt  }

// kernel: kernel.18.cloned.1.call-start
scs
__scs_entry_jumppad:
0x0: {  	(pc) =	sbr.rel $0x88, $3  }
0x1: {  	(tag) =	ssettag $0x0;
	lr =	simm.s32 $0x1  }
0x2: {  	[smem:$0x3F97] =	sst lr;
	_ =	strace $0xD0000000  }
0x3: {  	_ = 	snop  }
0x4: {  	_ = 	snop  }
0x5: {  	_ = 	snop  }
0x6: {  	_ = 	snop  }
0x7: {  	_ = 	snop  }
__scs_overlays_trampoline_lowered:
0x8: {  	[smem:$0x3FA6] =	sst s0  }
0x9: {  	[smem:$0x3FA7] =	sst s1  }
0xa: {  	[smem:$0x3FA8] =	sst s2  }
0xb: {  	[smem:$0x3FA9] =	sst s3  }
0xc: {  	[smem:$0x3FAA] =	sst s4  }
0xd: {  	[smem:$0x3FAB] =	sst s5  }
0xe: {  	[smem:$0x3FAC] =	sst s6  }
0xf: {  	[smem:$0x3FAD] =	sst s7  }
0x10: {  	[smem:$0x3FAE] =	sst s8  }
0x11: {  	[smem:$0x3FAF] =	sst s9;
	s0 =	simm.s32 @!p0 $0x0  }
0x12: {  	s1 =	sld [smem:$0x3F95];
	s0 =	simm.s32 @p0 $0x1  }
0x13: {  	[smem:$0x3FB0] =	sst s0;
	s0 =	simm.s32 @!p1 $0x0  }
0x14: {  	s2 =	sld [smem:$0x3F94];
	s0 =	simm.s32 @p1 $0x1  }
0x15: {  	[smem:$0x3FB1] =	sst s0;
	s0 =	simm.s32 @!p2 $0x0  }
0x16: {  	s3 =	sld [smem:$0x3FDB];
	s0 =	simm.s32 @p2 $0x1  }
0x17: {  	s4 =	simm.s32 $0x1BF5;
	[smem:$0x3FB3] =	sst s0  }
0x18: {  	s0 =	sld [smem:$0x3F96];
	_ =	swait.ge [sflag:s4], $0x0  }
0x19: {  	s7 =	sld [smem:$0x3F97]  }
0x1a: {  	s8 =	sadd.s32 $0xFFFFE003, lr  }
0x1b: {  	s9 =	sadd.s32 $0xFFFFFEF7, lr;
	s5 =	simm.s32 $0xFFFFFFFF;
	p2 =	slt.u32 s8, $0xFFFFF086  }
0x1c: {  	p1 =	slt.u32 s9, $0xF7A;
	s5 =	simm.s32 @!p2 $0x0  }
0x1d: {  	s5 =	simm.s32 @p1 $0x1;
	p0 =	seq.s32 s7, s2  }
0x1e: {  	s7 =	smul.u32 @!p0 $0xF7A, s2;
	p2 =	seq.s32 @!p0 s5, $0x0  }
0x1f: {  	s9 =	smul.u32 $0xF7A, s1;
	s8 =	simm.s32 @!p0 $0x1BF5;
	p2 =	por !p2, p0  }
0x20: {  	[sflag:s8] =	ssyncset.s32 @!p0 $0xFFFFF086;
	s6 =	sadd.s32 @!p0 s3, s7;
	s7 =	simm.s32 @!p0 $0x108  }
0x21: {  	s3 =	sadd.s32 s3, s9;
	s6 =	sadd.s32 @!p0 $0x88, s6;
	s7 =	simm.s32 @p2 $0x1082  }
0x22: {  	[simem:s7], [sflag:s8] =	dma.local @!p0 [hbm:s6], $0xF7A  }
0x23: {  	s9 =	sor.u32 $0xD0000000, s2;
	s6 =	simm.s32 $0x108;
	_ =	swait.ge @!p0 [sflag:s8], $0x0  }
0x24: {  	s3 =	sadd.s32 $0x88, s3;
	s6 =	simm.s32 @!p1 $0x1082;
	[sflag:s4] =	ssyncset.s32 $0xFFFFF086  }
0x25: {  	[simem:s6], [sflag:s4] =	dma.local [hbm:s3], $0xF7A  }
0x26: {  	[smem:$0x3F97] =	sst s1;
	(tag) =	ssettag s2;
	_ =	strace s9  }
0x27: {  	s1 =	sld [smem:$0x3FA7]  }
0x28: {  	s2 =	sld [smem:$0x3FA8]  }
0x29: {  	s4 =	sld [smem:$0x3FAA]  }
0x2a: {  	p0 =	seq.s32 s5, $0x0;
	s5 =	sld [smem:$0x3FAB]  }
0x2b: {  	s6 =	sld [smem:$0x3FAC]  }
0x2c: {  	s7 =	sld [smem:$0x3FAD]  }
0x2d: {  	s3 =	simm.s32 $0x108;
	s8 =	sld [smem:$0x3FAE]  }
0x2e: {  	s3 =	simm.s32 @!p0 $0x1082;
	s9 =	sld [smem:$0x3FAF]  }
0x2f: {  	lr =	sadd.s32 s0, s3;
	s0 =	sld [smem:$0x3FA6]  }
0x30: {  	s3 =	sld [smem:$0x3FA9]  }
0x31: {  	[smem:$0x3FB2] =	sst s10  }
0x32: {  	s10 =	sld [smem:$0x3FB0];
	_ =	sdelay $0x3  }
0x33: {  	p0 =	seq.s32 s10, $0x1;
	s10 =	sld [smem:$0x3FB2];
	_ =	sdelay $0x3  }
0x34: {  	[smem:$0x3FB2] =	sst s10  }
0x35: {  	s10 =	sld [smem:$0x3FB1];
	_ =	sdelay $0x3  }
0x36: {  	p1 =	seq.s32 s10, $0x1;
	s10 =	sld [smem:$0x3FB2];
	_ =	sdelay $0x3  }
0x37: {  	[smem:$0x3FB2] =	sst s10  }
0x38: {  	s10 =	sld [smem:$0x3FB3]  }
0x39: {  	_ = 	snop;
	(pc) =	sbr.ind lr, $3  }
0x3a: {  	_ = 	snop  }
0x3b: {  	_ = 	snop  }
0x3c: {  	p2 =	seq.s32 s10, $0x1;
	s10 =	sld [smem:$0x3FB2]  }
0x3d: {  	_ =	shalt  }
0x3e: {  	_ =	shalt  }
0x3f: {  	_ =	shalt  }
0x40: {  	_ =	shalt  }
0x41: {  	_ =	shalt  }
0x42: {  	_ =	shalt  }
0x43: {  	_ =	shalt  }
0x44: {  	_ =	shalt  }
0x45: {  	_ =	shalt  }
0x46: {  	_ =	shalt  }
0x47: {  	_ =	shalt  }
0x48: {  	_ =	shalt  }
0x49: {  	_ =	shalt  }
0x4a: {  	_ =	shalt  }
0x4b: {  	_ =	shalt  }
0x4c: {  	_ =	shalt  }
0x4d: {  	_ =	shalt  }
0x4e: {  	_ =	shalt  }
0x4f: {  	_ =	shalt  }
0x50: {  	_ =	shalt  }
0x51: {  	_ =	shalt  }
0x52: {  	_ =	shalt  }
0x53: {  	_ =	shalt  }
0x54: {  	_ =	shalt  }
0x55: {  	_ =	shalt  }
0x56: {  	_ =	shalt  }
0x57: {  	_ =	shalt  }
0x58: {  	_ =	shalt  }
0x59: {  	_ =	shalt  }
0x5a: {  	_ =	shalt  }
0x5b: {  	_ =	shalt  }
0x5c: {  	_ =	shalt  }
0x5d: {  	_ =	shalt  }
0x5e: {  	_ =	shalt  }
0x5f: {  	_ =	shalt  }
0x60: {  	_ =	shalt  }
0x61: {  	_ =	shalt  }
0x62: {  	_ =	shalt  }
0x63: {  	_ =	shalt  }
0x64: {  	_ =	shalt  }
0x65: {  	_ =	shalt  }
0x66: {  	_ =	shalt  }
0x67: {  	_ =	shalt  }
0x68: {  	_ =	shalt  }
0x69: {  	_ =	shalt  }
0x6a: {  	_ =	shalt  }
0x6b: {  	_ =	shalt  }
0x6c: {  	_ =	shalt  }
0x6d: {  	_ =	shalt  }
0x6e: {  	_ =	shalt  }
0x6f: {  	_ =	shalt  }
0x70: {  	_ =	shalt  }
0x71: {  	_ =	shalt  }
0x72: {  	_ =	shalt  }
0x73: {  	_ =	shalt  }
0x74: {  	_ =	shalt  }
0x75: {  	_ =	shalt  }
0x76: {  	_ =	shalt  }
0x77: {  	_ =	shalt  }
0x78: {  	_ =	shalt  }
0x79: {  	_ =	shalt  }
0x7a: {  	_ =	shalt  }
0x7b: {  	_ =	shalt  }
0x7c: {  	_ =	shalt  }
0x7d: {  	_ =	shalt  }
0x7e: {  	_ =	shalt  }
0x7f: {  	_ =	shalt  }
0x80: {  	_ =	shalt  }
0x81: {  	_ =	shalt  }
0x82: {  	_ =	shalt  }
0x83: {  	_ =	shalt  }
0x84: {  	_ =	shalt  }
0x85: {  	_ =	shalt  }
0x86: {  	_ =	shalt  }
0x87: {  	_ =	shalt  }
.Lfunc_end0:
.L_simem_size_0:
called_computation.3_lowered:
.L_overlay_start_0:
0x88: {  	s2 =	sld [smem:$0x3FD9]  }
0x89: {  	s3 =	sld [smem:$0x3FFE];
	_ =	sdelay $0x1  }
0x8a: {  	s1 =	srdreg.scid  }
0x8b: {  	s0 =	sand.u32 $0x1, s1  }
0x8c: {  	s16 =	sshll.u32 s0, $0xA;
	s2 =	sadd.s32 s3, s2  }
0x8d: {  	s2 =	sadd.s32 s2, s16  }
0x8e: {  	[smem:$0x3FBE] =	sst s2  }
0x8f: {  	_ = 	snop  }
0x90: {  	(tm) =	ssettm $0x1  }
0x91: {  	s17 =	sld [smem:$0x3FFB];
	_ =	sdelay $0x3  }
0x92: {  	_ =	strace s17  }
0x93: {  	s2 =	sld [smem:$0x3FFC];
	_ =	sdelay $0x3  }
0x94: {  	_ =	strace s2  }
0x95: {  	s2 =	sld [smem:$0x3FFD];
	_ =	sdelay $0x3  }
0x96: {  	_ =	strace s2  }
0x97: {  	_ =	strace $0x8FFFFFFF  }
0x98: {  	s18 =	sld [smem:$0x3FDB];
	_ =	sdelay $0x1  }
0x99: {  	s19 =	simm.s32 $_scs_section_size  }
0x9a: {  	s4 =	simm.s32 $_size__tile_overlayer_lowered;
	s5 =	simm.s32 $_tile_overlayer_lowered  }
0x9b: {  	s22 =	simm.s32 $0x1BFF;
	s21 =	sshll.u32 s5, $0x1;
	s2 =	sadd.s32 s19, s18  }
0x9c: {  	s6 =	simm.s32 $0x0;
	s20 =	sshll.u32 s4, $0x1;
	s4 =	sadd.s32 s21, s2  }
0x9d: {  	[timem:s6], [sflag:s22] =	dma.local [hbm:s4], s20  }
0x9e: {  	_ =	swait.ge [sflag:s22], s20  }
0x9f: {  	s3 =	ssub.s32 $0x0, s20;
	[sflag:s22] =	ssyncset.done $0x0  }
0xa0: {  	[sflag:s22] =	ssyncadd.s32 s3;
	_ =	sdelay $0x1  }
0xa1: {  	s23 =	simm.s32 $0x1B8B  }
0xa2: {  	_ =	swait.ge [sflag:s23], $0x1  }
0xa3: {  	[sflag:s23] =	ssyncset.done $0x0  }
0xa4: {  	s25 =	simm.s32 $0x1B8E;
	s24 =	sld [smem:$0x3FFE];
	[sflag:s23] =	ssyncadd.s32 $0xFFFFFFFF  }
0xa5: {  	s26 =	simm.s32 $execute0_lowered;
	[smem:$0x3FD2] =	sst s25  }
0xa6: {  	s4 =	sshll.u32 s26, $0x1;
	_ =	strace $0x8000004F;
	[dreg:$0x1] =	wrdreg $0xFFFFFFFF  }
0xa7: {  	s28 =	simm.s32 $_size_execute0_lowered;
	s2 =	sadd.s32 s2, s4;
	[dreg:$0x0] =	wrdreg $0x0  }
0xa8: {  	s4 =	sshll.u32 s28, $0x1;
	[dreg:$0x2] =	wrdreg s2  }
0xa9: {  	[dreg:$0x3] =	wrdreg s4  }
0xaa: {  	[dreg:$0x4] =	wrdreg $0xC0  }
0xab: {  	_ =	task [dreg:s6], $0x5FFFF  }
0xac: {  	[dreg:$0x1] =	wrdreg $0xFFFFFFFF  }
0xad: {  	[dreg:$0x0] =	wrdreg $0x60  }
0xae: {  	[dreg:$0x2] =	wrdreg s24  }
0xaf: {  	[dreg:$0x3] =	wrdreg $0xF8000  }
0xb0: {  	[dreg:$0x4] =	wrdreg $0x9  }
0xb1: {  	_ =	task.clear_ibuf [dreg:s6], $0x5FFFF;
	_ =	strace $0x9000004F  }
0xb2: {  	s29 =	simm.s32 $0x9;
	_ =	strace $0x80000051  }
0xb3: {  	_ =	swait.ge [sflag:s29], $0x1  }
0xb4: {  	[sflag:s29] =	ssyncadd.s32 $0xFFFFFFFF  }
0xb5: {  	_ =	strace $0x90000051  }
0xb6: {  	_ =	sfence  }
0xb7: {  	s30 =	sld [smem:$0x0];
	_ =	sdelay $0x2  }
0xb8: {  	s31 =	sshll.u32 s1, $0xD;
	s1 =	sshrl.u32 s1, $0x2  }
0xb9: {  	s3 =	sand.u32 $0x4000, s31;
	s1 =	sadd.s32 s1, s30  }
0xba: {  	s0 =	sor.u32 s3, s0;
	s1 =	sshll.u32 s1, $0x11  }
0xbb: {  	s0 =	sor.u32 s1, s0  }
0xbc: {  	s0 =	sadd.s32 $0x8F2B, s0  }
0xbd: {  	[sflag:s0] =	ssyncadd.remote.s32 $0x1  }
0xbe: {  	_ =	sfence.sel $0xFFFF  }
0xbf: {  	[dreg:$0x0] =	wrdreg $0xFFFFFFFF;
	(pc) =	sbr.abs _section_cstart, $3  }
0xc0: {  	[dreg:$0x1] =	wrdreg $0xFFFFFFFF  }
0xc1: {  	_ =	task.clear_ibuf [dreg:s6], $0x2FFFF;
	_ =	strace $0x9FFFFFFF  }
0xc2: {  	(tm) =	ssettm $0x7FFFFFFF  }
0xc3: {  	_ =	shalt  }
tec
execute0_lowered:
.L_overlay_start_1:
0x0: {  	(tag) =	ssettag $0x1  }
0x1: {  	s0 =	srdreg.scid  }
0x2: {  	s14 =	stileid.u32;
	s7 =	rddreg [dreg:$0x0];
	s5 =	simm.s32 $0x0  }
0x3: {  	s13 =	simm.s32 $0x7;
	s17 =	simm.s32 $0x50;
	s28 =	simm.s32 $0x3  }
0x4: {  	s29 =	simm.s32 $0x4100;
	s30 =	simm.s32 $0x5;
	s31 =	simm.s32 $0x200  }
0x5: {  	s0 =	sand.u32 $0x1, s0;
	s2 =	sand.u32 $0x7, s14;
	s9 =	smul.u32 $0x140, s14  }
0x6: {  	[smem:$0x7FF] =	sst s5;
	s5 =	sadd.s32 $0x75600, s7;
	s22 =	smul.u32 $0x28000, s14  }
0x7: {  	s26 =	sshll.u32 s14, $0x6;
	s1 =	sshll.u32 s0, $0x4;
	p1 =	sne.s32 s2, $0x0  }
0x8: {  	s2 =	simm.s32 $0x1;
	s11 =	smul.u32 $0x1400, s0;
	s0 =	ssub.s32 $0x2, s0  }
0x9: {  	s15 =	sor.u32 $0x1C07, s26;
	s26 =	simm.s32 $0x180;
	s1 =	sor.u32 s14, s1  }
0xa: {  	s19 =	sshrl.u32 s0, $0x1;
	s24 =	sshrl.u32 s22, $0x2;
	s14 =	simm.s32 $0x4000  }
0xb: {  	s22 =	simm.s32 $0xD000;
	p0 =	seq.s32 s1, $0x0;
	s3 =	sshrl.u32 s1, $0x3  }
0xc: {  	s1 =	sshll.u32 s1, $0xB;
	s18 =	sadd.s32 s9, s11;
	p0 =	por !p1, !p0  }
0xd: {  	s9 =	simm.s32 $0x1;
	s0 =	ssub.s32 s0, s19;
	p0 =	por !p0, !p0  }
0xe: {  	s19 =	simm.s32 $0x80;
	s1 =	sadd.s32 s1, s7;
	s2 =	simm.s32 @!p0 $0x0  }
0xf: {  	s12 =	smax.u32 s0, $0x1;
	s23 =	sadd.s32 $0x14200, s1;
	s3 =	ssub.s32 s3, s2  }
0x10: {  	s1 =	sadd.s32 $0x4200, s1;
	s2 =	rddreg [dreg:$0x1];
	s4 =	sand.u32 $0x80, s3  }
0x11: {  	_ =	strace $0x80000050;
	[dreg:$0x3] =	wrdreg s23;
	s4 =	sshrl.u32 s4, $0x7  }
0x12: {  	s0 =	simm.s32 $0x7D80;
	[dreg:$0x4] =	wrdreg s1;
	s8 =	sadd.s32 s4, s3  }
0x13: {  	s23 =	simm.s32 $0x2;
	p5 =	slt.s32 s3, $0x1;
	s6 =	sand.u32 $0xFFFFFFFE, s8  }
0x14: {  	s1 =	sadd.s32 s24, s2;
	s24 =	simm.s32 $0x4080;
	s10 =	ssub.s32 s3, s6  }
0x15: {  	s16 =	sshrl.u32 s1, $0x3;
	s1 =	simm.s32 $0x6;
	s6 =	sand.u32 $0xFF, s10  }
0x16: {  	s4 =	sadd.s32 $0x25600, s7;
	s8 =	sshrl.u32 s8, $0x1;
	p6 =	sne.s32 s6, $0x0  }
0x17: {  	s3 =	sshll.u32 s18, $0x4;
	s18 =	simm.s32 $0x8000;
	p0 =	por !p5, !p6  }
0x18: {  	s3 =	sadd.s32 s3, s7;
	s21 =	sand.u32 $0x1, s10;
	p0 =	por !p0, !p0  }
0x19: {  	s6 =	sadd.s32 $0x24200, s7;
	s25 =	sadd.s32 $0x9D600, s3;
	s9 =	simm.s32 @!p0 $0x0  }
0x1a: {  	s3 =	sadd.s32 $0xC5600, s3;
	[dreg:$0x5] =	wrdreg s25;
	s8 =	ssub.s32 s8, s9  }
0x1b: {  	p0 =	seq.s32 s21, $0x1;
	s20 =	smul.u32 $0x1400, s8;
	s8 =	simm.s32 $0x9C4  }
0x1c: {  	[dreg:$0x6] =	wrdreg s3;
	s25 =	simm.s32 $0x4;
	s8 =	simm.s32 @!p0 $0x0  }
0x1d: {  	s3 =	simm.s32 $0x7E00;
	s21 =	simm.s32 $0x100;
	s7 =	sadd.s32 s8, s20  }
0x1e: {  	s9 =	simm.s32 $0x1;
	s20 =	simm.s32 $0xA800;
	v1 =	vmov s8;
	v0 =	vmov s7;
	s7 =	simm.s32 $0x0  }
.LBB2_1:
0x1f: {  	s8 =	simm.s32 $0x0;
	s10 =	rddreg [dreg:$0x3]  }
0x20: {  	[tilespmem:s8], [sflag:$0x7] =	stream.linear.gather [hbm4b:s10+s8], $0x3E80, $0x38;
	[tilespmem:$0x19800] =	vst v63  }
0x21: {  	_ =	swait.ge [sflag:s13], $0x3E80  }
0x22: {  	[sflag:s13] =	ssyncset.done $0x0  }
0x23: {  	s11 =	rddreg [dreg:$0x4];
	[sflag:s13] =	ssyncadd.s32 $0xFFFFC180  }
0x24: {  	[tilespmem:s14], [sflag:$0x7] =	stream.linear.gather [hbm4b:s11+s8], $0x3E80, $0x38;
	[tilespmem:$0x19800] =	vst v63  }
0x25: {  	_ =	swait.ge [sflag:s13], $0x3E80  }
0x26: {  	[sflag:s13] =	ssyncset.done $0x0  }
0x27: {  	s8 =	simm.s32 $0x0;
	[sflag:s13] =	ssyncadd.s32 $0xFFFFC180  }
0x28: {  	v2 =	vld [tilespmem:s8+$0x0]  }
0x29: {  	v4 =	vld [tilespmem:s8+$0x4000]  }
0x2a: {  	v5 =	vld [tilespmem:s8+$0x10]  }
0x2b: {  	v6 =	vld [tilespmem:s8+$0x4010]  }
0x2c: {  	v3 =	vld [tilespmem:s8+$0x20]  }
0x2d: {  	v7 =	vadd.s32 v0, v2;
	v2 =	vld [tilespmem:s8+$0x4020]  }
0x2e: {  	[tilespmem:s8+$0x0] =	vst v7;
	v7 =	vadd.s32 v1, v4;
	v4 =	vld [tilespmem:s8+$0x30]  }
0x2f: {  	[tilespmem:s8+$0x4000] =	vst v7;
	v7 =	vadd.s32 v0, v5;
	v5 =	vld [tilespmem:s8+$0x4030]  }
0x30: {  	s10 =	simm.s32 $0x200;
	[tilespmem:s8+$0x10] =	vst v7;
	v7 =	vadd.s32 v1, v6;
	v6 =	vld [tilespmem:s8+$0x40]  }
.LBB2_2:
0x31: {  	s11 =	sshra.s32 s10, $0x2;
	p0 =	sne.s32 s10, $0xF800;
	[tilespmem:s8+$0x4010] =	vst v7;
	v3 =	vadd.s32 v0, v3;
	v7 =	vld [tilespmem:s8+$0x4040]  }
0x32: {  	v8 =	vld [tilespmem:s11+$0x0];
	[tilespmem:s8+$0x20] =	vst v3;
	v2 =	vadd.s32 v1, v2  }
0x33: {  	v9 =	vld [tilespmem:s11+$0x4000];
	[tilespmem:s8+$0x4020] =	vst v2;
	v2 =	vadd.s32 v0, v4  }
0x34: {  	v10 =	vld [tilespmem:s11+$0x10];
	[tilespmem:s8+$0x30] =	vst v2;
	v2 =	vadd.s32 v1, v5  }
0x35: {  	v11 =	vld [tilespmem:s11+$0x4010];
	[tilespmem:s8+$0x4030] =	vst v2;
	v2 =	vadd.s32 v0, v6  }
.Ltmp0:
0x36: {  	v3 =	vld [tilespmem:s11+$0x20];
	[tilespmem:s8+$0x40] =	vst v2;
	v4 =	vadd.s32 v1, v7;
	(pc) =	sbr.rel @p0 .LBB2_2-.Ltmp0, $4  }
0x37: {  	v5 =	vadd.s32 v0, v8;
	v2 =	vld [tilespmem:s11+$0x4020];
	[tilespmem:s8+$0x4040] =	vst v4;
	s8 =	smov.u32 s11  }
0x38: {  	[tilespmem:s8+$0x0] =	vst v5;
	v5 =	vadd.s32 v1, v9;
	v4 =	vld [tilespmem:s8+$0x30]  }
0x39: {  	[tilespmem:s8+$0x4000] =	vst v5;
	v6 =	vadd.s32 v0, v10;
	v5 =	vld [tilespmem:s8+$0x4030]  }
0x3a: {  	s10 =	sadd.s32 $0x200, s10;
	[tilespmem:s8+$0x10] =	vst v6;
	v7 =	vadd.s32 v1, v11;
	v6 =	vld [tilespmem:s8+$0x40]  }
0x3b: {  	[tilespmem:s8+$0x4010] =	vst v7;
	v3 =	vadd.s32 v0, v3;
	v63 =	vld [tilespmem:s8+$0x4040]  }
0x3c: {  	[tilespmem:s8+$0x20] =	vst v3;
	v2 =	vadd.s32 v1, v2  }
0x3d: {  	[tilespmem:s8+$0x4020] =	vst v2;
	v2 =	vadd.s32 v0, v4  }
0x3e: {  	[tilespmem:s8+$0x30] =	vst v2;
	v2 =	vadd.s32 v1, v5  }
0x3f: {  	[tilespmem:s8+$0x4030] =	vst v2;
	v2 =	vadd.s32 v0, v6  }
0x40: {  	[tilespmem:s8+$0x40] =	vst v2;
	v2 =	vadd.s32 v1, v63  }
0x41: {  	[tilespmem:s8+$0x4040] =	vst v2  }
0x42: {  	[spmem:s16], [sflag:s15] =	dma.local [hbm:s6], $0x1400  }
0x43: {  	_ =	swait.ge [sflag:s13], $0x1400  }
0x44: {  	[sflag:s13] =	ssyncset.done $0x0  }
0x45: {  	[sflag:s13] =	ssyncadd.s32 $0xFFFFEC00  }
0x46: {  	s10 =	simm.s32 $0x0;
	[bflag:$0x0] =	sbarrier.arrive $0xFFFF  }
0x47: {  	[tilespmem:s18], [sflag:$0x1] =	stream.indirect.gather [hbm4b:s4+s17], $0x80, s10, s17, $0xb8;
	[tilespmem:$0x19800] =	vst v63  }
0x48: {  	_ = 	snop  }
0x49: {  	[tilespmem:s20], [sflag:$0x2] =	stream.indirect.gather [hbm4b:s4+s17], $0x80, s19, s17, $0xb8;
	[tilespmem:$0x19800] =	vst v63  }
0x4a: {  	_ =	swait.ge [sflag:s9], $0x2800  }
0x4b: {  	[sflag:s9] =	ssyncset.done $0x0  }
0x4c: {  	[sflag:s9] =	ssyncadd.s32 $0xFFFFD800  }
0x4d: {  	[spmem:s2] =	stream.indirect.scatter.add.f32 [tilespmem:s18], [sflag:$0x4], $0x80, s14, s17, $0xb8;
	[tilespmem:$0x19800] =	vst v63  }
0x4e: {  	_ = 	snop  }
0x4f: {  	[tilespmem:s22], [sflag:$0x3] =	stream.indirect.gather [hbm4b:s4+s17], $0x80, s21, s17, $0xb8;
	[tilespmem:$0x19800] =	vst v63  }
0x50: {  	_ =	swait.ge [sflag:s23], $0x2800  }
0x51: {  	[sflag:s23] =	ssyncset.done $0x0  }
0x52: {  	[sflag:s23] =	ssyncadd.s32 $0xFFFFD800  }
0x53: {  	[spmem:s2] =	stream.indirect.scatter.add.f32 [tilespmem:s20], [sflag:$0x5], $0x80, s24, s17, $0xb8;
	[tilespmem:$0x19800] =	vst v63  }
0x54: {  	_ =	swait.ge [sflag:s25], $0x2800  }
0x55: {  	[sflag:s25] =	ssyncset.done $0x0  }
0x56: {  	[sflag:s25] =	ssyncadd.s32 $0xFFFFD800  }
0x57: {  	[tilespmem:s18], [sflag:$0x1] =	stream.indirect.gather [hbm4b:s4+s17], $0x80, s26, s17, $0xb8;
	[tilespmem:$0x19800] =	vst v63  }
0x58: {  	_ =	swait.ge [sflag:s28], $0x2800  }
0x59: {  	[sflag:s28] =	ssyncset.done $0x0  }
0x5a: {  	[sflag:s28] =	ssyncadd.s32 $0xFFFFD800  }
0x5b: {  	[spmem:s2] =	stream.indirect.scatter.add.f32 [tilespmem:s22], [sflag:$0x6], $0x80, s29, s17, $0xb8;
	[tilespmem:$0x19800] =	vst v63  }
0x5c: {  	_ =	swait.ge [sflag:s30], $0x2800  }
0x5d: {  	[sflag:s30] =	ssyncset.done $0x0  }
0x5e: {  	[sflag:s30] =	ssyncadd.s32 $0xFFFFD800  }
0x5f: {  	[tilespmem:s20], [sflag:$0x2] =	stream.indirect.gather [hbm4b:s4+s17], $0x80, s31, s17, $0xb8;
	[tilespmem:$0x19800] =	vst v63  }
0x60: {  	_ =	swait.ge [sflag:s9], $0x2800  }
0x61: {  	[sflag:s9] =	ssyncset.done $0x0  }
0x62: {  	s11 =	simm.s32 $0x4180;
	[sflag:s9] =	ssyncadd.s32 $0xFFFFD800  }
0x63: {  	[spmem:s2] =	stream.indirect.scatter.add.f32 [tilespmem:s18], [sflag:$0x4], $0x80, s11, s17, $0xb8;
	[tilespmem:$0x19800] =	vst v63  }
0x64: {  	_ =	swait.ge [sflag:s1], $0x2800  }
0x65: {  	[sflag:s1] =	ssyncset.done $0x0  }
0x66: {  	s10 =	simm.s32 $0x280;
	[sflag:s1] =	ssyncadd.s32 $0xFFFFD800  }
0x67: {  	[tilespmem:s22], [sflag:$0x3] =	stream.indirect.gather [hbm4b:s4+s17], $0x80, s10, s17, $0xb8;
	[tilespmem:$0x19800] =	vst v63  }
0x68: {  	_ =	swait.ge [sflag:s23], $0x2800  }
0x69: {  	[sflag:s23] =	ssyncset.done $0x0  }
0x6a: {  	s11 =	simm.s32 $0x4200;
	[sflag:s23] =	ssyncadd.s32 $0xFFFFD800  }
0x6b: {  	[spmem:s2] =	stream.indirect.scatter.add.f32 [tilespmem:s20], [sflag:$0x5], $0x80, s11, s17, $0xb8;
	[tilespmem:$0x19800] =	vst v63  }
0x6c: {  	_ =	swait.ge [sflag:s25], $0x2800  }
0x6d: {  	[sflag:s25] =	ssyncset.done $0x0  }
0x6e: {  	s10 =	simm.s32 $0x300;
	[sflag:s25] =	ssyncadd.s32 $0xFFFFD800  }
0x6f: {  	[tilespmem:s18], [sflag:$0x1] =	stream.indirect.gather [hbm4b:s4+s17], $0x80, s10, s17, $0xb8;
	[tilespmem:$0x19800] =	vst v63  }
0x70: {  	_ =	swait.ge [sflag:s28], $0x2800  }
0x71: {  	[sflag:s28] =	ssyncset.done $0x0  }
0x72: {  	s11 =	simm.s32 $0x4280;
	[sflag:s28] =	ssyncadd.s32 $0xFFFFD800  }
0x73: {  	[spmem:s2] =	stream.indirect.scatter.add.f32 [tilespmem:s22], [sflag:$0x6], $0x80, s11, s17, $0xb8;
	[tilespmem:$0x19800] =	vst v63  }
0x74: {  	_ =	swait.ge [sflag:s30], $0x2800  }
0x75: {  	[sflag:s30] =	ssyncset.done $0x0  }
0x76: {  	s8 =	simm.s32 $0x600;
	s10 =	simm.s32 $0x380;
	[sflag:s30] =	ssyncadd.s32 $0xFFFFD800  }
.LBB2_4:
0x77: {  	[tilespmem:s20], [sflag:$0x2] =	stream.indirect.gather [hbm4b:s4+s17], $0x80, s10, s17, $0xb8;
	[tilespmem:$0x19800] =	vst v63  }
0x78: {  	s10 =	smov.u32 s8  }
0x79: {  	p0 =	sne.s32 s8, $0xEA00;
	s8 =	sadd.s32 $0x600, s8;
	_ =	swait.ge [sflag:s9], $0x2800  }
0x7a: {  	s10 =	sshra.s32 s10, $0x2;
	[sflag:s9] =	ssyncset.done $0x0  }
0x7b: {  	s11 =	sadd.s32 $0x4180, s10;
	[sflag:s9] =	ssyncadd.s32 $0xFFFFD800  }
0x7c: {  	[spmem:s2] =	stream.indirect.scatter.add.f32 [tilespmem:s18], [sflag:$0x4], $0x80, s11, s17, $0xb8;
	[tilespmem:$0x19800] =	vst v63  }
0x7d: {  	_ =	swait.ge [sflag:s1], $0x2800  }
0x7e: {  	[sflag:s1] =	ssyncset.done $0x0  }
0x7f: {  	s11 =	sadd.s32 $0x280, s10;
	[sflag:s1] =	ssyncadd.s32 $0xFFFFD800  }
0x80: {  	[tilespmem:s22], [sflag:$0x3] =	stream.indirect.gather [hbm4b:s4+s17], $0x80, s11, s17, $0xb8;
	[tilespmem:$0x19800] =	vst v63  }
0x81: {  	_ =	swait.ge [sflag:s23], $0x2800  }
0x82: {  	[sflag:s23] =	ssyncset.done $0x0  }
0x83: {  	s11 =	sadd.s32 $0x4200, s10;
	[sflag:s23] =	ssyncadd.s32 $0xFFFFD800  }
0x84: {  	[spmem:s2] =	stream.indirect.scatter.add.f32 [tilespmem:s20], [sflag:$0x5], $0x80, s11, s17, $0xb8;
	[tilespmem:$0x19800] =	vst v63  }
0x85: {  	_ =	swait.ge [sflag:s25], $0x2800  }
0x86: {  	[sflag:s25] =	ssyncset.done $0x0  }
0x87: {  	s11 =	sadd.s32 $0x300, s10;
	[sflag:s25] =	ssyncadd.s32 $0xFFFFD800  }
0x88: {  	[tilespmem:s18], [sflag:$0x1] =	stream.indirect.gather [hbm4b:s4+s17], $0x80, s11, s17, $0xb8;
	[tilespmem:$0x19800] =	vst v63  }
0x89: {  	_ =	swait.ge [sflag:s28], $0x2800  }
0x8a: {  	[sflag:s28] =	ssyncset.done $0x0  }
.Ltmp1:
0x8b: {  	s11 =	sadd.s32 $0x4280, s10;
	[sflag:s28] =	ssyncadd.s32 $0xFFFFD800;
	(pc) =	sbr.rel @p0 .LBB2_4-.Ltmp1, $4  }
0x8c: {  	[spmem:s2] =	stream.indirect.scatter.add.f32 [tilespmem:s22], [sflag:$0x6], $0x80, s11, s17, $0xb8;
	[tilespmem:$0x19800] =	vst v63  }
0x8d: {  	_ =	swait.ge [sflag:s30], $0x2800  }
0x8e: {  	[sflag:s30] =	ssyncset.done $0x0  }
0x8f: {  	s10 =	sadd.s32 $0x380, s10;
	[sflag:s30] =	ssyncadd.s32 $0xFFFFD800  }
0x90: {  	[tilespmem:s20], [sflag:$0x2] =	stream.indirect.gather [hbm4b:s4+s17], $0x80, s10, s17, $0xb8;
	[tilespmem:$0x19800] =	vst v63  }
0x91: {  	_ =	swait.ge [sflag:s9], $0x2800  }
0x92: {  	[sflag:s9] =	ssyncset.done $0x0  }
0x93: {  	[sflag:s9] =	ssyncadd.s32 $0xFFFFD800  }
0x94: {  	[spmem:s2] =	stream.indirect.scatter.add.f32 [tilespmem:s18], [sflag:$0x4], $0x80, s0, s17, $0xb8;
	[tilespmem:$0x19800] =	vst v63  }
0x95: {  	_ =	swait.ge [sflag:s23], $0x2800  }
0x96: {  	[sflag:s23] =	ssyncset.done $0x0  }
0x97: {  	[sflag:s23] =	ssyncadd.s32 $0xFFFFD800  }
0x98: {  	[spmem:s2] =	stream.indirect.scatter.add.f32 [tilespmem:s20], [sflag:$0x5], $0x80, s3, s17, $0xb8;
	[tilespmem:$0x19800] =	vst v63  }
0x99: {  	_ =	swait.ge [sflag:s25], $0x2800  }
0x9a: {  	[sflag:s25] =	ssyncset.done $0x0  }
0x9b: {  	[sflag:s25] =	ssyncadd.s32 $0xFFFFD800  }
0x9c: {  	_ =	swait.ge [sflag:s30], $0x2800  }
0x9d: {  	[sflag:s30] =	ssyncset.done $0x0  }
0x9e: {  	[sflag:s30] =	ssyncadd.s32 $0xFFFFD800  }
0x9f: {  	_ =	swait.ge [sflag:s1], $0x2800  }
0xa0: {  	[sflag:s1] =	ssyncset.done $0x0  }
0xa1: {  	[sflag:s1] =	ssyncadd.s32 $0xFFFFD800  }
0xa2: {  	[bflag:$0x0] =	sbarrier.arrive $0xFFFF  }
0xa3: {  	s8 =	rddreg [dreg:$0x5]  }
0xa4: {  	[hbm:s8], [sflag:s15] =	dma.local [spmem:s16], $0x1400  }
0xa5: {  	_ =	swait.ge [sflag:s13], $0x1400  }
0xa6: {  	[sflag:s13] =	ssyncset.done $0x0  }
0xa7: {  	[sflag:s13] =	ssyncadd.s32 $0xFFFFEC00  }
0xa8: {  	[spmem:s16], [sflag:s15] =	dma.local [hbm:s6], $0x1400  }
0xa9: {  	_ =	swait.ge [sflag:s13], $0x1400  }
0xaa: {  	[sflag:s13] =	ssyncset.done $0x0  }
0xab: {  	[sflag:s13] =	ssyncadd.s32 $0xFFFFEC00  }
0xac: {  	s10 =	simm.s32 $0x0;
	[bflag:$0x0] =	sbarrier.arrive $0xFFFF  }
0xad: {  	[tilespmem:s18], [sflag:$0x1] =	stream.indirect.gather [hbm4b:s5+s17], $0x80, s10, s17, $0xb8;
	[tilespmem:$0x19800] =	vst v63  }
0xae: {  	_ = 	snop  }
0xaf: {  	[tilespmem:s20], [sflag:$0x2] =	stream.indirect.gather [hbm4b:s5+s17], $0x80, s19, s17, $0xb8;
	[tilespmem:$0x19800] =	vst v63  }
0xb0: {  	_ =	swait.ge [sflag:s9], $0x2800  }
0xb1: {  	[sflag:s9] =	ssyncset.done $0x0  }
0xb2: {  	[sflag:s9] =	ssyncadd.s32 $0xFFFFD800  }
0xb3: {  	[spmem:s2] =	stream.indirect.scatter.add.f32 [tilespmem:s18], [sflag:$0x4], $0x80, s14, s17, $0xb8;
	[tilespmem:$0x19800] =	vst v63  }
0xb4: {  	_ = 	snop  }
0xb5: {  	[tilespmem:s22], [sflag:$0x3] =	stream.indirect.gather [hbm4b:s5+s17], $0x80, s21, s17, $0xb8;
	[tilespmem:$0x19800] =	vst v63  }
0xb6: {  	_ =	swait.ge [sflag:s23], $0x2800  }
0xb7: {  	[sflag:s23] =	ssyncset.done $0x0  }
0xb8: {  	[sflag:s23] =	ssyncadd.s32 $0xFFFFD800  }
0xb9: {  	[spmem:s2] =	stream.indirect.scatter.add.f32 [tilespmem:s20], [sflag:$0x5], $0x80, s24, s17, $0xb8;
	[tilespmem:$0x19800] =	vst v63  }
0xba: {  	_ =	swait.ge [sflag:s25], $0x2800  }
0xbb: {  	[sflag:s25] =	ssyncset.done $0x0  }
0xbc: {  	[sflag:s25] =	ssyncadd.s32 $0xFFFFD800  }
0xbd: {  	[tilespmem:s18], [sflag:$0x1] =	stream.indirect.gather [hbm4b:s5+s17], $0x80, s26, s17, $0xb8;
	[tilespmem:$0x19800] =	vst v63  }
0xbe: {  	_ =	swait.ge [sflag:s28], $0x2800  }
0xbf: {  	[sflag:s28] =	ssyncset.done $0x0  }
0xc0: {  	[sflag:s28] =	ssyncadd.s32 $0xFFFFD800  }
0xc1: {  	[spmem:s2] =	stream.indirect.scatter.add.f32 [tilespmem:s22], [sflag:$0x6], $0x80, s29, s17, $0xb8;
	[tilespmem:$0x19800] =	vst v63  }
0xc2: {  	_ =	swait.ge [sflag:s30], $0x2800  }
0xc3: {  	[sflag:s30] =	ssyncset.done $0x0  }
0xc4: {  	[sflag:s30] =	ssyncadd.s32 $0xFFFFD800  }
0xc5: {  	[tilespmem:s20], [sflag:$0x2] =	stream.indirect.gather [hbm4b:s5+s17], $0x80, s31, s17, $0xb8;
	[tilespmem:$0x19800] =	vst v63  }
0xc6: {  	_ =	swait.ge [sflag:s9], $0x2800  }
0xc7: {  	[sflag:s9] =	ssyncset.done $0x0  }
0xc8: {  	s11 =	simm.s32 $0x4180;
	[sflag:s9] =	ssyncadd.s32 $0xFFFFD800  }
0xc9: {  	[spmem:s2] =	stream.indirect.scatter.add.f32 [tilespmem:s18], [sflag:$0x4], $0x80, s11, s17, $0xb8;
	[tilespmem:$0x19800] =	vst v63  }
0xca: {  	_ =	swait.ge [sflag:s1], $0x2800  }
0xcb: {  	[sflag:s1] =	ssyncset.done $0x0  }
0xcc: {  	s10 =	simm.s32 $0x280;
	[sflag:s1] =	ssyncadd.s32 $0xFFFFD800  }
0xcd: {  	[tilespmem:s22], [sflag:$0x3] =	stream.indirect.gather [hbm4b:s5+s17], $0x80, s10, s17, $0xb8;
	[tilespmem:$0x19800] =	vst v63  }
0xce: {  	_ =	swait.ge [sflag:s23], $0x2800  }
0xcf: {  	[sflag:s23] =	ssyncset.done $0x0  }
0xd0: {  	s11 =	simm.s32 $0x4200;
	[sflag:s23] =	ssyncadd.s32 $0xFFFFD800  }
0xd1: {  	[spmem:s2] =	stream.indirect.scatter.add.f32 [tilespmem:s20], [sflag:$0x5], $0x80, s11, s17, $0xb8;
	[tilespmem:$0x19800] =	vst v63  }
0xd2: {  	_ =	swait.ge [sflag:s25], $0x2800  }
0xd3: {  	[sflag:s25] =	ssyncset.done $0x0  }
0xd4: {  	s10 =	simm.s32 $0x300;
	[sflag:s25] =	ssyncadd.s32 $0xFFFFD800  }
0xd5: {  	[tilespmem:s18], [sflag:$0x1] =	stream.indirect.gather [hbm4b:s5+s17], $0x80, s10, s17, $0xb8;
	[tilespmem:$0x19800] =	vst v63  }
0xd6: {  	_ =	swait.ge [sflag:s28], $0x2800  }
0xd7: {  	[sflag:s28] =	ssyncset.done $0x0  }
0xd8: {  	s11 =	simm.s32 $0x4280;
	[sflag:s28] =	ssyncadd.s32 $0xFFFFD800  }
0xd9: {  	[spmem:s2] =	stream.indirect.scatter.add.f32 [tilespmem:s22], [sflag:$0x6], $0x80, s11, s17, $0xb8;
	[tilespmem:$0x19800] =	vst v63  }
0xda: {  	_ =	swait.ge [sflag:s30], $0x2800  }
0xdb: {  	[sflag:s30] =	ssyncset.done $0x0  }
0xdc: {  	s8 =	simm.s32 $0x600;
	s10 =	simm.s32 $0x380;
	[sflag:s30] =	ssyncadd.s32 $0xFFFFD800  }
.LBB2_6:
0xdd: {  	[tilespmem:s20], [sflag:$0x2] =	stream.indirect.gather [hbm4b:s5+s17], $0x80, s10, s17, $0xb8;
	[tilespmem:$0x19800] =	vst v63  }
0xde: {  	s10 =	smov.u32 s8  }
0xdf: {  	p0 =	sne.s32 s8, $0xEA00;
	s8 =	sadd.s32 $0x600, s8;
	_ =	swait.ge [sflag:s9], $0x2800  }
0xe0: {  	s10 =	sshra.s32 s10, $0x2;
	[sflag:s9] =	ssyncset.done $0x0  }
0xe1: {  	s11 =	sadd.s32 $0x4180, s10;
	[sflag:s9] =	ssyncadd.s32 $0xFFFFD800  }
0xe2: {  	[spmem:s2] =	stream.indirect.scatter.add.f32 [tilespmem:s18], [sflag:$0x4], $0x80, s11, s17, $0xb8;
	[tilespmem:$0x19800] =	vst v63  }
0xe3: {  	_ =	swait.ge [sflag:s1], $0x2800  }
0xe4: {  	[sflag:s1] =	ssyncset.done $0x0  }
0xe5: {  	s11 =	sadd.s32 $0x280, s10;
	[sflag:s1] =	ssyncadd.s32 $0xFFFFD800  }
0xe6: {  	[tilespmem:s22], [sflag:$0x3] =	stream.indirect.gather [hbm4b:s5+s17], $0x80, s11, s17, $0xb8;
	[tilespmem:$0x19800] =	vst v63  }
0xe7: {  	_ =	swait.ge [sflag:s23], $0x2800  }
0xe8: {  	[sflag:s23] =	ssyncset.done $0x0  }
0xe9: {  	s11 =	sadd.s32 $0x4200, s10;
	[sflag:s23] =	ssyncadd.s32 $0xFFFFD800  }
0xea: {  	[spmem:s2] =	stream.indirect.scatter.add.f32 [tilespmem:s20], [sflag:$0x5], $0x80, s11, s17, $0xb8;
	[tilespmem:$0x19800] =	vst v63  }
0xeb: {  	_ =	swait.ge [sflag:s25], $0x2800  }
0xec: {  	[sflag:s25] =	ssyncset.done $0x0  }
0xed: {  	s11 =	sadd.s32 $0x300, s10;
	[sflag:s25] =	ssyncadd.s32 $0xFFFFD800  }
0xee: {  	[tilespmem:s18], [sflag:$0x1] =	stream.indirect.gather [hbm4b:s5+s17], $0x80, s11, s17, $0xb8;
	[tilespmem:$0x19800] =	vst v63  }
0xef: {  	_ =	swait.ge [sflag:s28], $0x2800  }
0xf0: {  	[sflag:s28] =	ssyncset.done $0x0  }
.Ltmp2:
0xf1: {  	s11 =	sadd.s32 $0x4280, s10;
	[sflag:s28] =	ssyncadd.s32 $0xFFFFD800;
	(pc) =	sbr.rel @p0 .LBB2_6-.Ltmp2, $4  }
0xf2: {  	[spmem:s2] =	stream.indirect.scatter.add.f32 [tilespmem:s22], [sflag:$0x6], $0x80, s11, s17, $0xb8;
	[tilespmem:$0x19800] =	vst v63  }
0xf3: {  	_ =	swait.ge [sflag:s30], $0x2800  }
0xf4: {  	[sflag:s30] =	ssyncset.done $0x0  }
0xf5: {  	s10 =	sadd.s32 $0x380, s10;
	[sflag:s30] =	ssyncadd.s32 $0xFFFFD800  }
0xf6: {  	[tilespmem:s20], [sflag:$0x2] =	stream.indirect.gather [hbm4b:s5+s17], $0x80, s10, s17, $0xb8;
	[tilespmem:$0x19800] =	vst v63  }
0xf7: {  	_ =	swait.ge [sflag:s9], $0x2800  }
0xf8: {  	[sflag:s9] =	ssyncset.done $0x0  }
0xf9: {  	[sflag:s9] =	ssyncadd.s32 $0xFFFFD800  }
0xfa: {  	[spmem:s2] =	stream.indirect.scatter.add.f32 [tilespmem:s18], [sflag:$0x4], $0x80, s0, s17, $0xb8;
	[tilespmem:$0x19800] =	vst v63  }
0xfb: {  	_ =	swait.ge [sflag:s23], $0x2800  }
0xfc: {  	[sflag:s23] =	ssyncset.done $0x0  }
0xfd: {  	[sflag:s23] =	ssyncadd.s32 $0xFFFFD800  }
0xfe: {  	[spmem:s2] =	stream.indirect.scatter.add.f32 [tilespmem:s20], [sflag:$0x5], $0x80, s3, s17, $0xb8;
	[tilespmem:$0x19800] =	vst v63  }
0xff: {  	_ =	swait.ge [sflag:s25], $0x2800  }
0x100: {  	[sflag:s25] =	ssyncset.done $0x0  }
0x101: {  	[sflag:s25] =	ssyncadd.s32 $0xFFFFD800  }
0x102: {  	_ =	swait.ge [sflag:s30], $0x2800  }
0x103: {  	[sflag:s30] =	ssyncset.done $0x0  }
0x104: {  	[sflag:s30] =	ssyncadd.s32 $0xFFFFD800  }
0x105: {  	_ =	swait.ge [sflag:s1], $0x2800  }
0x106: {  	[sflag:s1] =	ssyncset.done $0x0  }
0x107: {  	s7 =	sadd.s32 $0x1, s7;
	[sflag:s1] =	ssyncadd.s32 $0xFFFFD800  }
0x108: {  	p0 =	sne.s32 s7, s12;
	[bflag:$0x0] =	sbarrier.arrive $0xFFFF  }
.Ltmp3:
0x109: {  	s8 =	rddreg [dreg:$0x6];
	(pc) =	sbr.rel @p0 .LBB2_1-.Ltmp3, $4  }
0x10a: {  	[hbm:s8], [sflag:s15] =	dma.local [spmem:s16], $0x1400  }
0x10b: {  	_ =	swait.ge [sflag:s13], $0x1400  }
0x10c: {  	[sflag:s13] =	ssyncset.done $0x0  }
0x10d: {  	[sflag:s13] =	ssyncadd.s32 $0xFFFFEC00  }
0x10e: {  	_ =	sfence.sel $0x180000  }
0x10f: {  	[bflag:$0x0] =	sbarrier.arrive $0xFFFF  }
0x110: {  	_ =	strace $0x90000050  }
0x111: {  	s0 =	stileid.u32;
	[bflag:$0x2] =	sbarrier.arrive $0xFFFF  }
0x112: {  	p0 =	sne.s32 s0, $0x0;
	s0 =	rddreg [dreg:$0x2]  }
0x113: {  	s0 =	sadd.s32 @!p0 $0x100000, s0  }
0x114: {  	[sflag:s0] =	ssyncadd.tile.s32 @!p0 $0x1;
	_ =	shalt  }
.Lfunc_end2:
_tile_overlayer_lowered:
.L_overlay_start_2:
0x115: {  	(tag) =	ssettag $0x2  }
0x116: {  	s0 =	rddreg [dreg:$0x0];
	s2 =	stileid.u32  }
0x117: {  	s1 =	rddreg [dreg:$0x1];
	p0 =	sne.s32 s2, $0x0  }
0x118: {  	s3 =	rddreg [dreg:$0x2];
	[bflag:$0x3] =	sbarrier.arrive $0xFFFF;
	s2 =	simm.s32 @!p0 $0x1C07  }
0x119: {  	[timem:s3], [sflag:s2] =	dma.local @!p0 [hbm:s0], s1  }
0x11a: {  	s0 =	simm.s32 @!p0 $0x7  }
0x11b: {  	_ =	swait.ge @!p0 [sflag:s0], s1  }
0x11c: {  	s1 =	ssub.s32 @!p0 $0x0, s1;
	[sflag:s0] =	ssyncset.done @!p0 $0x0  }
0x11d: {  	[sflag:s0] =	ssyncadd.s32 @!p0 s1  }
0x11e: {  	[bflag:$0x3] =	sbarrier.arrive $0xFFFF  }
0x11f: {  	_ =	shalt  }

// kernel: kernel.9.cloned.1.call-start
scs
__scs_entry_jumppad:
0x0: {  	(pc) =	sbr.rel $0x88, $3  }
0x1: {  	(tag) =	ssettag $0x0;
	lr =	simm.s32 $0x1  }
0x2: {  	[smem:$0x3F97] =	sst lr;
	_ =	strace $0xD0000000  }
0x3: {  	_ = 	snop  }
0x4: {  	_ = 	snop  }
0x5: {  	_ = 	snop  }
0x6: {  	_ = 	snop  }
0x7: {  	_ = 	snop  }
__scs_overlays_trampoline_lowered:
0x8: {  	[smem:$0x3FA6] =	sst s0  }
0x9: {  	[smem:$0x3FA7] =	sst s1  }
0xa: {  	[smem:$0x3FA8] =	sst s2  }
0xb: {  	[smem:$0x3FA9] =	sst s3  }
0xc: {  	[smem:$0x3FAA] =	sst s4  }
0xd: {  	[smem:$0x3FAB] =	sst s5  }
0xe: {  	[smem:$0x3FAC] =	sst s6  }
0xf: {  	[smem:$0x3FAD] =	sst s7  }
0x10: {  	[smem:$0x3FAE] =	sst s8  }
0x11: {  	[smem:$0x3FAF] =	sst s9;
	s0 =	simm.s32 @!p0 $0x0  }
0x12: {  	s1 =	sld [smem:$0x3F95];
	s0 =	simm.s32 @p0 $0x1  }
0x13: {  	[smem:$0x3FB0] =	sst s0;
	s0 =	simm.s32 @!p1 $0x0  }
0x14: {  	s2 =	sld [smem:$0x3F94];
	s0 =	simm.s32 @p1 $0x1  }
0x15: {  	[smem:$0x3FB1] =	sst s0;
	s0 =	simm.s32 @!p2 $0x0  }
0x16: {  	s3 =	sld [smem:$0x3FDB];
	s0 =	simm.s32 @p2 $0x1  }
0x17: {  	s4 =	simm.s32 $0x1BF5;
	[smem:$0x3FB3] =	sst s0  }
0x18: {  	s0 =	sld [smem:$0x3F96];
	_ =	swait.ge [sflag:s4], $0x0  }
0x19: {  	s7 =	sld [smem:$0x3F97]  }
0x1a: {  	s8 =	sadd.s32 $0xFFFFE003, lr  }
0x1b: {  	s9 =	sadd.s32 $0xFFFFFEF7, lr;
	s5 =	simm.s32 $0xFFFFFFFF;
	p2 =	slt.u32 s8, $0xFFFFF086  }
0x1c: {  	p1 =	slt.u32 s9, $0xF7A;
	s5 =	simm.s32 @!p2 $0x0  }
0x1d: {  	s5 =	simm.s32 @p1 $0x1;
	p0 =	seq.s32 s7, s2  }
0x1e: {  	s7 =	smul.u32 @!p0 $0xF7A, s2;
	p2 =	seq.s32 @!p0 s5, $0x0  }
0x1f: {  	s9 =	smul.u32 $0xF7A, s1;
	s8 =	simm.s32 @!p0 $0x1BF5;
	p2 =	por !p2, p0  }
0x20: {  	[sflag:s8] =	ssyncset.s32 @!p0 $0xFFFFF086;
	s6 =	sadd.s32 @!p0 s3, s7;
	s7 =	simm.s32 @!p0 $0x108  }
0x21: {  	s3 =	sadd.s32 s3, s9;
	s6 =	sadd.s32 @!p0 $0x88, s6;
	s7 =	simm.s32 @p2 $0x1082  }
0x22: {  	[simem:s7], [sflag:s8] =	dma.local @!p0 [hbm:s6], $0xF7A  }
0x23: {  	s9 =	sor.u32 $0xD0000000, s2;
	s6 =	simm.s32 $0x108;
	_ =	swait.ge @!p0 [sflag:s8], $0x0  }
0x24: {  	s3 =	sadd.s32 $0x88, s3;
	s6 =	simm.s32 @!p1 $0x1082;
	[sflag:s4] =	ssyncset.s32 $0xFFFFF086  }
0x25: {  	[simem:s6], [sflag:s4] =	dma.local [hbm:s3], $0xF7A  }
0x26: {  	[smem:$0x3F97] =	sst s1;
	(tag) =	ssettag s2;
	_ =	strace s9  }
0x27: {  	s1 =	sld [smem:$0x3FA7]  }
0x28: {  	s2 =	sld [smem:$0x3FA8]  }
0x29: {  	s4 =	sld [smem:$0x3FAA]  }
0x2a: {  	p0 =	seq.s32 s5, $0x0;
	s5 =	sld [smem:$0x3FAB]  }
0x2b: {  	s6 =	sld [smem:$0x3FAC]  }
0x2c: {  	s7 =	sld [smem:$0x3FAD]  }
0x2d: {  	s3 =	simm.s32 $0x108;
	s8 =	sld [smem:$0x3FAE]  }
0x2e: {  	s3 =	simm.s32 @!p0 $0x1082;
	s9 =	sld [smem:$0x3FAF]  }
0x2f: {  	lr =	sadd.s32 s0, s3;
	s0 =	sld [smem:$0x3FA6]  }
0x30: {  	s3 =	sld [smem:$0x3FA9]  }
0x31: {  	[smem:$0x3FB2] =	sst s10  }
0x32: {  	s10 =	sld [smem:$0x3FB0];
	_ =	sdelay $0x3  }
0x33: {  	p0 =	seq.s32 s10, $0x1;
	s10 =	sld [smem:$0x3FB2];
	_ =	sdelay $0x3  }
0x34: {  	[smem:$0x3FB2] =	sst s10  }
0x35: {  	s10 =	sld [smem:$0x3FB1];
	_ =	sdelay $0x3  }
0x36: {  	p1 =	seq.s32 s10, $0x1;
	s10 =	sld [smem:$0x3FB2];
	_ =	sdelay $0x3  }
0x37: {  	[smem:$0x3FB2] =	sst s10  }
0x38: {  	s10 =	sld [smem:$0x3FB3]  }
0x39: {  	_ = 	snop;
	(pc) =	sbr.ind lr, $3  }
0x3a: {  	_ = 	snop  }
0x3b: {  	_ = 	snop  }
0x3c: {  	p2 =	seq.s32 s10, $0x1;
	s10 =	sld [smem:$0x3FB2]  }
0x3d: {  	_ =	shalt  }
0x3e: {  	_ =	shalt  }
0x3f: {  	_ =	shalt  }
0x40: {  	_ =	shalt  }
0x41: {  	_ =	shalt  }
0x42: {  	_ =	shalt  }
0x43: {  	_ =	shalt  }
0x44: {  	_ =	shalt  }
0x45: {  	_ =	shalt  }
0x46: {  	_ =	shalt  }
0x47: {  	_ =	shalt  }
0x48: {  	_ =	shalt  }
0x49: {  	_ =	shalt  }
0x4a: {  	_ =	shalt  }
0x4b: {  	_ =	shalt  }
0x4c: {  	_ =	shalt  }
0x4d: {  	_ =	shalt  }
0x4e: {  	_ =	shalt  }
0x4f: {  	_ =	shalt  }
0x50: {  	_ =	shalt  }
0x51: {  	_ =	shalt  }
0x52: {  	_ =	shalt  }
0x53: {  	_ =	shalt  }
0x54: {  	_ =	shalt  }
0x55: {  	_ =	shalt  }
0x56: {  	_ =	shalt  }
0x57: {  	_ =	shalt  }
0x58: {  	_ =	shalt  }
0x59: {  	_ =	shalt  }
0x5a: {  	_ =	shalt  }
0x5b: {  	_ =	shalt  }
0x5c: {  	_ =	shalt  }
0x5d: {  	_ =	shalt  }
0x5e: {  	_ =	shalt  }
0x5f: {  	_ =	shalt  }
0x60: {  	_ =	shalt  }
0x61: {  	_ =	shalt  }
0x62: {  	_ =	shalt  }
0x63: {  	_ =	shalt  }
0x64: {  	_ =	shalt  }
0x65: {  	_ =	shalt  }
0x66: {  	_ =	shalt  }
0x67: {  	_ =	shalt  }
0x68: {  	_ =	shalt  }
0x69: {  	_ =	shalt  }
0x6a: {  	_ =	shalt  }
0x6b: {  	_ =	shalt  }
0x6c: {  	_ =	shalt  }
0x6d: {  	_ =	shalt  }
0x6e: {  	_ =	shalt  }
0x6f: {  	_ =	shalt  }
0x70: {  	_ =	shalt  }
0x71: {  	_ =	shalt  }
0x72: {  	_ =	shalt  }
0x73: {  	_ =	shalt  }
0x74: {  	_ =	shalt  }
0x75: {  	_ =	shalt  }
0x76: {  	_ =	shalt  }
0x77: {  	_ =	shalt  }
0x78: {  	_ =	shalt  }
0x79: {  	_ =	shalt  }
0x7a: {  	_ =	shalt  }
0x7b: {  	_ =	shalt  }
0x7c: {  	_ =	shalt  }
0x7d: {  	_ =	shalt  }
0x7e: {  	_ =	shalt  }
0x7f: {  	_ =	shalt  }
0x80: {  	_ =	shalt  }
0x81: {  	_ =	shalt  }
0x82: {  	_ =	shalt  }
0x83: {  	_ =	shalt  }
0x84: {  	_ =	shalt  }
0x85: {  	_ =	shalt  }
0x86: {  	_ =	shalt  }
0x87: {  	_ =	shalt  }
.Lfunc_end0:
.L_simem_size_0:
called_computation_lowered:
.L_overlay_start_0:
0x88: {  	s2 =	sld [smem:$0x3FD9]  }
0x89: {  	s3 =	sld [smem:$0x3FFE];
	_ =	sdelay $0x1  }
0x8a: {  	s1 =	srdreg.scid  }
0x8b: {  	s0 =	sand.u32 $0x1, s1  }
0x8c: {  	s15 =	sshll.u32 s0, $0xA;
	s2 =	sadd.s32 s3, s2  }
0x8d: {  	s2 =	sadd.s32 s2, s15  }
0x8e: {  	[smem:$0x3FBE] =	sst s2  }
0x8f: {  	_ = 	snop  }
0x90: {  	s2 =	sld [smem:$0x3FD0];
	_ =	sdelay $0x2  }
0x91: {  	s16 =	simm.s32 $0xB;
	s4 =	simm.s32 $0x10  }
0x92: {  	[smem:s4], [sflag:s16] =	dma.local [hbm:s2], $0x1  }
0x93: {  	_ =	swait.eq [sflag:s16], $0x1  }
0x94: {  	[sflag:s16] =	ssyncset.done $0x0  }
0x95: {  	[sflag:s16] =	ssyncadd.s32 $0xFFFFFFFF  }
0x96: {  	s17 =	sld [smem:$0x10];
	(tm) =	ssettm $0x1  }
0x97: {  	s18 =	sld [smem:$0x3FFB];
	_ =	sdelay $0x3  }
0x98: {  	_ =	strace s18  }
0x99: {  	s2 =	sld [smem:$0x3FFC];
	_ =	sdelay $0x3  }
0x9a: {  	_ =	strace s2  }
0x9b: {  	s2 =	sld [smem:$0x3FFD];
	_ =	sdelay $0x3  }
0x9c: {  	_ =	strace s2  }
0x9d: {  	_ =	strace $0x8FFFFFFF  }
0x9e: {  	s19 =	sld [smem:$0x3FDB];
	_ =	sdelay $0x1  }
0x9f: {  	s20 =	simm.s32 $_scs_section_size  }
0xa0: {  	s5 =	simm.s32 $_size__tile_overlayer_lowered;
	s6 =	simm.s32 $_tile_overlayer_lowered  }
0xa1: {  	s7 =	simm.s32 $0x1BFF;
	s21 =	sshll.u32 s6, $0x1;
	s4 =	sadd.s32 s20, s19  }
0xa2: {  	s22 =	simm.s32 $0x0;
	s5 =	sshll.u32 s5, $0x1;
	s6 =	sadd.s32 s21, s4  }
0xa3: {  	[timem:s22], [sflag:s7] =	dma.local [hbm:s6], s5  }
0xa4: {  	_ =	swait.ge [sflag:s7], s5  }
0xa5: {  	s5 =	ssub.s32 $0x0, s5;
	[sflag:s7] =	ssyncset.done $0x0  }
0xa6: {  	[sflag:s7] =	ssyncadd.s32 s5;
	_ =	sdelay $0x1  }
0xa7: {  	s23 =	simm.s32 $0x1B8B  }
0xa8: {  	_ =	swait.ge [sflag:s23], $0x1  }
0xa9: {  	[sflag:s23] =	ssyncset.done $0x0  }
0xaa: {  	[sflag:s23] =	ssyncadd.s32 $0xFFFFFFFF  }
0xab: {  	s5 =	sld [smem:$0x0]  }
0xac: {  	s6 =	sand.u32 $0xFFFFFFFE, s1  }
0xad: {  	p0 =	sne.s32 s1, s6  }
0xae: {  	s6 =	sshll.u32 @p0 s6, $0xE  }
0xaf: {  	s6 =	sadd.s32 @p0 $0x11B8D, s6;
	s7 =	sshll.u32 @p0 s5, $0x11  }
0xb0: {  	s6 =	sor.u32 @p0 s7, s6  }
0xb1: {  	[sflag:s6] =	ssyncadd.remote.s32 @p0 $0x1;
	_ =	sdelay $0x1  }
0xb2: {  	s6 =	simm.s32 @p0 $0x1B8D  }
0xb3: {  	_ =	swait.eq @p0 [sflag:s6], $0x1  }
0xb4: {  	[sflag:s6] =	ssyncadd.s32 @p0 $0xFFFFFFFF  }
0xb5: {  	s7 =	sshll.u32 @!p0 s1, $0xE  }
0xb6: {  	s7 =	sor.u32 @!p0 $0x4000, s7;
	s6 =	simm.s32 @!p0 $0x1B8D  }
0xb7: {  	s5 =	sshll.u32 @!p0 s5, $0x11;
	s7 =	sadd.s32 @!p0 $0x11B8D, s7;
	_ =	swait.eq @!p0 [sflag:s6], $0x1  }
0xb8: {  	s5 =	sor.u32 @!p0 s5, s7;
	[sflag:s6] =	ssyncadd.s32 @!p0 $0xFFFFFFFF  }
0xb9: {  	s25 =	simm.s32 $0x1B8E;
	s24 =	sld [smem:$0x3FFE];
	[sflag:s5] =	ssyncadd.remote.s32 @!p0 $0x1  }
0xba: {  	s26 =	simm.s32 $execute0_lowered;
	[smem:$0x3FD2] =	sst s25  }
0xbb: {  	s6 =	sshll.u32 s26, $0x1;
	_ =	strace $0x80000049;
	[dreg:$0x1] =	wrdreg $0xFFFFFFFF  }
0xbc: {  	s28 =	simm.s32 $_size_execute0_lowered;
	s4 =	sadd.s32 s4, s6;
	[dreg:$0x0] =	wrdreg $0x0  }
0xbd: {  	s6 =	sshll.u32 s28, $0x1;
	[dreg:$0x2] =	wrdreg s4  }
0xbe: {  	[dreg:$0x3] =	wrdreg s6  }
0xbf: {  	[dreg:$0x4] =	wrdreg $0xC0  }
0xc0: {  	_ =	task [dreg:s22], $0x5FFFF  }
0xc1: {  	[dreg:$0x1] =	wrdreg $0xFFFFFFFF  }
0xc2: {  	[dreg:$0x0] =	wrdreg $0x60  }
0xc3: {  	[dreg:$0x2] =	wrdreg s24  }
0xc4: {  	[dreg:$0x3] =	wrdreg s17  }
0xc5: {  	[dreg:$0x4] =	wrdreg $0x54800  }
0xc6: {  	[dreg:$0x5] =	wrdreg $0x9  }
0xc7: {  	_ =	task.clear_ibuf [dreg:s22], $0x6FFFF;
	_ =	strace $0x90000049  }
0xc8: {  	s29 =	simm.s32 $0x9;
	_ =	strace $0x8000004B  }
0xc9: {  	_ =	swait.ge [sflag:s29], $0x1  }
0xca: {  	[sflag:s29] =	ssyncadd.s32 $0xFFFFFFFF  }
0xcb: {  	_ =	strace $0x9000004B  }
0xcc: {  	_ =	sfence  }
0xcd: {  	s30 =	sld [smem:$0x0];
	_ =	sdelay $0x2  }
0xce: {  	s31 =	sshll.u32 s1, $0xD;
	s1 =	sshrl.u32 s1, $0x2  }
0xcf: {  	s4 =	sand.u32 $0x4000, s31;
	s1 =	sadd.s32 s1, s30  }
0xd0: {  	s0 =	sor.u32 s4, s0;
	s1 =	sshll.u32 s1, $0x11  }
0xd1: {  	s0 =	sor.u32 s1, s0  }
0xd2: {  	s0 =	sadd.s32 $0x8F2B, s0  }
0xd3: {  	[sflag:s0] =	ssyncadd.remote.s32 $0x1  }
0xd4: {  	_ =	sfence.sel $0xFFFF  }
0xd5: {  	[dreg:$0x0] =	wrdreg $0xFFFFFFFF;
	(pc) =	sbr.abs _section_cstart, $3  }
0xd6: {  	[dreg:$0x1] =	wrdreg $0xFFFFFFFF  }
0xd7: {  	_ =	task.clear_ibuf [dreg:s22], $0x2FFFF;
	_ =	strace $0x9FFFFFFF  }
0xd8: {  	(tm) =	ssettm $0x7FFFFFFF  }
0xd9: {  	_ =	shalt  }
tec
execute0_lowered:
.L_overlay_start_1:
0x0: {  	(tag) =	ssettag $0x1  }
0x1: {  	s4 =	rddreg [dreg:$0x0]  }
0x2: {  	s6 =	rddreg [dreg:$0x1]  }
0x3: {  	s1 =	rddreg [dreg:$0x2];
	s3 =	srdreg.scid  }
0x4: {  	s0 =	rddreg [dreg:$0x3];
	s2 =	simm.s32 $0x0;
	s8 =	stileid.u32  }
0x5: {  	s11 =	simm.s32 $0x9C4;
	s13 =	simm.s32 $0x0;
	s5 =	sand.u32 $0x1, s3  }
0x6: {  	[smem:$0x7FF] =	sst s2;
	s7 =	sand.u32 $0x7, s8;
	s3 =	sshll.u32 s5, $0x4  }
0x7: {  	_ =	strace $0x8000004A;
	p1 =	sne.s32 s7, $0x0;
	s31 =	ssub.s32 $0x2, s5  }
0x8: {  	s12 =	smul.u32 $0x280, s5;
	s3 =	sor.u32 s8, s3;
	s10 =	sshrl.u32 s31, $0x1  }
0x9: {  	s9 =	sshll.u32 s3, $0xB;
	p0 =	seq.s32 s3, $0x0;
	s3 =	sadd.s32 $0x4D600, s4  }
0xa: {  	s6 =	sadd.s32 s6, s12;
	s12 =	simm.s32 $0x28;
	p0 =	por !p1, !p0  }
0xb: {  	s30 =	sadd.s32 s9, s4;
	s4 =	sadd.s32 $0x4D800, s4;
	p0 =	por !p0, !p0  }
0xc: {  	p1 =	sgt.u32 s8, $0x7;
	s9 =	ssub.s32 s31, s10;
	p2 =	por !p0, !p0  }
0xd: {  	s5 =	sadd.s32 $0x4200, s30;
	s7 =	smax.u32 s9, $0x1;
	p2 =	por @!p1 p0, p0  }
0xe: {  	s9 =	simm.s32 $0x4000;
	p0 =	sne.s32 s8, $0x0;
	s11 =	simm.s32 @!p2 $0x0  }
0xf: {  	v1 =	vimm.f32 $0.0e+00;
	v2 =	vimm.f32 $1.000000000e+00;
	s8 =	simm.s32 $0x1;
	s10 =	sshrl.u32 @!p0 s1, $0x3;
	v0 =	vmov s11;
	s11 =	simm.s32 $0x4080  }
.LBB2_1:
0x10: {  	[tilespmem:s2], [sflag:$0x1] =	stream.linear.gather [hbm4b:s5+s2], $0x3E80, $0x38;
	[tilespmem:$0x55C0] =	vst v63  }
0x11: {  	_ =	swait.ge [sflag:s8], $0x3E80  }
0x12: {  	[sflag:s8] =	ssyncset.done $0x0  }
0x13: {  	[sflag:s8] =	ssyncadd.s32 $0xFFFFC180  }
0x14: {  	[tilespmem:s9], [sflag:$0x1] =	stream.linear.gather [hbm4b:s3+s2], $0x80, $0x38;
	[tilespmem:$0x55C0] =	vst v63  }
0x15: {  	_ =	swait.ge [sflag:s8], $0x80  }
0x16: {  	[sflag:s8] =	ssyncset.done $0x0  }
0x17: {  	s14 =	simm.s32 @!p0 $0x1C01;
	[sflag:s8] =	ssyncadd.s32 $0xFFFFFF80  }
0x18: {  	[spmem:s10], [sflag:s14] =	dma.local @!p0 [hbm:s4], $0x280  }
0x19: {  	s14 =	simm.s32 @!p0 $0x1  }
0x1a: {  	_ =	swait.ge @!p0 [sflag:s14], $0x280  }
0x1b: {  	[sflag:s14] =	ssyncset.done @!p0 $0x0  }
0x1c: {  	s15 =	simm.s32 $0x200;
	[sflag:s14] =	ssyncadd.s32 @!p0 $0xFFFFFD80;
	s14 =	simm.s32 $0x0  }
.LBB2_2:
0x1d: {  	p1 =	sne.s32 s15, $0x4E00;
	[tilespmem:s14+$0x40F0] =	vst v1  }
0x1e: {  	[tilespmem:s14+$0x4080] =	vst v1  }
0x1f: {  	[tilespmem:s14+$0x4090] =	vst v1  }
.Ltmp0:
0x20: {  	[tilespmem:s14+$0x40A0] =	vst v1;
	(pc) =	sbr.rel @p1 .LBB2_2-.Ltmp0, $4  }
0x21: {  	[tilespmem:s14+$0x40B0] =	vst v1  }
0x22: {  	[tilespmem:s14+$0x40C0] =	vst v1  }
0x23: {  	[tilespmem:s14+$0x40D0] =	vst v1  }
0x24: {  	[tilespmem:s14+$0x40E0] =	vst v1;
	s14 =	sshra.s32 s15, $0x2;
	s15 =	sadd.s32 $0x200, s15  }
0x25: {  	[tilespmem:s14+$0x40F0] =	vst v1  }
0x26: {  	[tilespmem:s14+$0x4080] =	vst v1  }
0x27: {  	[tilespmem:s14+$0x4090] =	vst v1  }
0x28: {  	[tilespmem:s14+$0x40A0] =	vst v1  }
0x29: {  	[tilespmem:s14+$0x40B0] =	vst v1  }
0x2a: {  	[tilespmem:s14+$0x40C0] =	vst v1  }
0x2b: {  	[tilespmem:s14+$0x40D0] =	vst v1  }
0x2c: {  	[tilespmem:s14+$0x40E0] =	vst v1;
	s14 =	simm.s32 $0x0  }
.LBB2_4:
0x2d: {  	s15 =	sshra.s32 s14, $0x2  }
0x2e: {  	v3 =	vld [tilespmem:s15+$0x0];
	_ =	sdelay $0x4  }
0x2f: {  	v3 =	vadd.s32 v0, v3;
	_ =	sdelay $0x4  }
0x30: {  	[tilespmem:v3+s11+$0x0] =	vst.idx.add.f32.msk $0xffff, v2  }
0x31: {  	v3 =	vld [tilespmem:s15+$0x10];
	_ =	sdelay $0x4  }
0x32: {  	v3 =	vadd.s32 v0, v3;
	_ =	sdelay $0x4  }
0x33: {  	[tilespmem:v3+s11+$0x0] =	vst.idx.add.f32.msk $0xffff, v2  }
0x34: {  	v3 =	vld [tilespmem:s15+$0x20];
	_ =	sdelay $0x4  }
0x35: {  	v3 =	vadd.s32 v0, v3;
	_ =	sdelay $0x4  }
0x36: {  	[tilespmem:v3+s11+$0x0] =	vst.idx.add.f32.msk $0xffff, v2  }
0x37: {  	v3 =	vld [tilespmem:s15+$0x30];
	_ =	sdelay $0x4  }
0x38: {  	v3 =	vadd.s32 v0, v3;
	_ =	sdelay $0x4  }
0x39: {  	[tilespmem:v3+s11+$0x0] =	vst.idx.add.f32.msk $0xffff, v2  }
0x3a: {  	v3 =	vld [tilespmem:s15+$0x40];
	_ =	sdelay $0x4  }
0x3b: {  	p1 =	sne.s32 s14, $0xF800;
	v3 =	vadd.s32 v0, v3  }
.Ltmp1:
0x3c: {  	_ = 	snop;
	(pc) =	sbr.rel @p1 .LBB2_4-.Ltmp1, $2  }
0x3d: {  	_ =	sdelay $0x2  }
0x3e: {  	s14 =	sadd.s32 $0x200, s14;
	[tilespmem:v3+s11+$0x0] =	vst.idx.add.f32.msk $0xffff, v2  }
0x3f: {  	[bflag:$0x0] =	sbarrier.arrive $0xFFFF  }
0x40: {  	[spmem:s1] =	stream.indirect.scatter.add.f32 [tilespmem:s11], [sflag:$0x1], $0x80, s9, s12, $0xb8;
	[tilespmem:$0x55C0] =	vst v63  }
0x41: {  	_ =	swait.ge [sflag:s8], $0x1400  }
0x42: {  	[sflag:s8] =	ssyncset.done $0x0  }
0x43: {  	s13 =	sadd.s32 $0x1, s13;
	[sflag:s8] =	ssyncadd.s32 $0xFFFFEC00  }
0x44: {  	s14 =	simm.s32 @!p0 $0x1C01;
	p1 =	sne.s32 s13, s7;
	[bflag:$0x0] =	sbarrier.arrive $0xFFFF  }
0x45: {  	[hbm:s6], [sflag:s14] =	dma.local @!p0 [spmem:s10], $0x280  }
.Ltmp2:
0x46: {  	_ = 	snop;
	(pc) =	sbr.rel @p1 .LBB2_1-.Ltmp2, $4  }
0x47: {  	s14 =	simm.s32 @!p0 $0x1  }
0x48: {  	_ =	swait.ge @!p0 [sflag:s14], $0x280  }
0x49: {  	[sflag:s14] =	ssyncset.done @!p0 $0x0  }
0x4a: {  	[sflag:s14] =	ssyncadd.s32 @!p0 $0xFFFFFD80  }
0x4b: {  	_ =	sfence.sel $0x180000  }
0x4c: {  	[bflag:$0x0] =	sbarrier.arrive $0xFFFF  }
0x4d: {  	_ =	strace $0x9000004A  }
0x4e: {  	s0 =	sadd.s32 @!p0 $0x100000, s0;
	[bflag:$0x2] =	sbarrier.arrive $0xFFFF  }
0x4f: {  	[sflag:s0] =	ssyncadd.tile.s32 @!p0 $0x1;
	_ =	shalt  }
.Lfunc_end2:
_tile_overlayer_lowered:
.L_overlay_start_2:
0x50: {  	(tag) =	ssettag $0x2  }
0x51: {  	s0 =	rddreg [dreg:$0x0];
	s2 =	stileid.u32  }
0x52: {  	s1 =	rddreg [dreg:$0x1];
	p0 =	sne.s32 s2, $0x0  }
0x53: {  	s3 =	rddreg [dreg:$0x2];
	[bflag:$0x3] =	sbarrier.arrive $0xFFFF;
	s2 =	simm.s32 @!p0 $0x1C01  }
0x54: {  	[timem:s3], [sflag:s2] =	dma.local @!p0 [hbm:s0], s1  }
0x55: {  	s0 =	simm.s32 @!p0 $0x1  }
0x56: {  	_ =	swait.ge @!p0 [sflag:s0], s1  }
0x57: {  	s1 =	ssub.s32 @!p0 $0x0, s1;
	[sflag:s0] =	ssyncset.done @!p0 $0x0  }
0x58: {  	[sflag:s0] =	ssyncadd.s32 @!p0 s1  }
0x59: {  	[bflag:$0x3] =	sbarrier.arrive $0xFFFF  }
0x5a: {  	_ =	shalt  }

</sc_bundles>
